<compile_context>
chip_gen: v7x
topology: tpu7x:2x2x1
jax: 0.10.2.dev20260603
libtpu: 0.0.44.dev20260713+nightly
codegen_flags: <defaults>
</compile_context>

<pallas_src>
import functools

import jax
import jax.numpy as jnp
from jax import lax
from jax.experimental import pallas as pl
from jax.experimental.pallas import tpu as pltpu
from jax.experimental.pallas import tpu_sc as plsc



def _topk_body(x1_ref, x2_ref, f1_ref, f2_ref, wa_ref, wb_ref,
               idx_ref, w_ref, ybt_ref, g2t_ref, *, tq, n2):
    b = pl.program_id(0)
    n = pl.program_id(1)
    x1 = x1_ref[0]
    x2 = x2_ref[0]
    a0, a1, a2 = x1[:, 0:1], x1[:, 1:2], x1[:, 2:3]
    b0, b1, b2 = x2[0:1, :], x2[1:2, :], x2[2:3, :]
    s1 = a0 * a0 + a1 * a1 + a2 * a2
    s2 = b0 * b0 + b1 * b1 + b2 * b2
    xy = lax.dot_general(x1.astype(jnp.bfloat16), x2.astype(jnp.bfloat16),
                         (((1,), (0,)), ((), ())),
                         preferred_element_type=jnp.float32)
    d2 = s1 + s2 - 2.0 * xy

    iota = lax.broadcasted_iota(jnp.int32, (tq, n2), 1)
    dcur = d2
    ws = []
    idxs = []
    for k in range(3):
        m = jnp.min(dcur, axis=1, keepdims=True)
        ik = jnp.argmin(dcur, axis=1).reshape(tq, 1).astype(jnp.int32)
        dist = jnp.sqrt(jnp.maximum(m, 1e-12))
        ws.append(1.0 / (dist + 1e-8))
        idxs.append(ik)
        if k < 2:
            dcur = jnp.where(iota == ik, jnp.inf, dcur)
    wsum = ws[0] + ws[1] + ws[2]

    gi = [idxs[k] + b * n2 for k in range(3)]
    idx_ref[0] = jnp.concatenate([gi[0], gi[1], gi[2], gi[2]], axis=1)
    w_ref[0] = jnp.concatenate(
        [ws[0] / wsum, ws[1] / wsum, ws[2] / wsum,
         jnp.zeros_like(wsum)], axis=1)

    ybt_ref[0] = lax.dot_general(f1_ref[0], wb_ref[...],
                                 (((0,), (1,)), ((), ())))

    @pl.when(n == 0)
    def _table():
        g2t_ref[0] = lax.dot_general(f2_ref[0], wa_ref[...],
                                     (((0,), (1,)), ((), ())))



def _sc_interp_body(g2t_hbm, idx_hbm, w_hbm, ya_hbm,
                    idx_v, w_v, idxj_v,
                    rowsa, rowsb, outa, outb, sema, semb,
                    *, nq_tile, out_ch, num_cores):
    wid = lax.axis_index("s") * num_cores + lax.axis_index("c")
    qbase = wid * nq_tile
    pltpu.sync_copy(idx_hbm.at[pl.ds(qbase * 4, nq_tile * 4)], idx_v)
    pltpu.sync_copy(w_hbm.at[pl.ds(qbase * 4, nq_tile * 4)], w_v)

    lanes = lax.broadcasted_iota(jnp.int32, (16,), 0)
    rowbufs = [(rowsa, sema), (rowsb, semb)]
    outbufs = [outa, outb]
    QC = 32
    nchunks = nq_tile // QC

    def interleave(q16, carry):
        for k in range(3):
            v = plsc.load_gather(idx_v, [lanes * 4 + q16 * 64 + k])
            plsc.store_scatter(idxj_v, [lanes * 3 + q16 * 48 + k], v)
        return carry

    lax.fori_loop(0, nq_tile // 16, interleave, None)

    def issue(g, parity):
        rows, sem = rowbufs[parity]
        pltpu.async_copy(g2t_hbm.at[idxj_v.at[pl.ds(g * (QC * 3), QC * 3)]],
                         rows, sem)

    def drain(parity):
        rows, sem = rowbufs[parity]
        pltpu.make_async_copy(g2t_hbm.at[pl.ds(0, QC * 3)], rows, sem).wait()

    def compute(g, parity):
        rows, _ = rowbufs[parity]
        out_v = outbufs[parity]
        unroll = 8
        for h in range(QC // 16):
            qi4 = lanes * 4 + g * (QC * 4) + h * 64
            w0 = plsc.load_gather(w_v, [qi4])
            w1 = plsc.load_gather(w_v, [qi4 + 1])
            w2 = plsc.load_gather(w_v, [qi4 + 2])
            r3 = lanes * 3 + h * 48
            qrow = lanes + h * 16

            def col(c8, carry):
                csplat = jnp.full((16,), 0, jnp.int32) + c8 * unroll
                for j in range(unroll):
                    cc = csplat + j
                    v0 = plsc.load_gather(rows, [r3, cc])
                    v1 = plsc.load_gather(rows, [r3 + 1, cc])
                    v2 = plsc.load_gather(rows, [r3 + 2, cc])
                    acc = w0 * v0 + w1 * v1 + w2 * v2
                    plsc.store_scatter(out_v, [qrow, cc], acc)
                return carry

            lax.fori_loop(0, out_ch // unroll, col, None)
        pltpu.sync_copy(out_v, ya_hbm.at[pl.ds(qbase + g * QC, QC)])

    issue(0, 0)

    def pair(p, carry):
        g0 = p * 2
        issue(g0 + 1, 1)
        drain(0)
        compute(g0, 0)

        @pl.when(g0 + 2 < nchunks)
        def _():
            issue(g0 + 2, 0)

        drain(1)
        compute(g0 + 1, 1)
        return carry

    lax.fori_loop(0, nchunks // 2, pair, None)



def _stats_body(ya_ref, ybt_ref, y_ref, ss_ref):
    i = pl.program_id(0)
    y = ya_ref[...] + ybt_ref[...]
    y_ref[...] = y

    @pl.when(i == 0)
    def _init():
        ss_ref[...] = jnp.zeros_like(ss_ref)

    ss_ref[...] += jnp.concatenate(
        [jnp.sum(y, axis=0, keepdims=True),
         jnp.sum(y * y, axis=0, keepdims=True)], axis=0)



def _bn_body(y_ref, ss0_ref, ss1_ref, g_ref, bta_ref, o_ref, *, count):
    s = ss0_ref[...] + ss1_ref[...]
    mean = s[0:1, :] / count
    var = s[1:2, :] / count - mean * mean
    scale = g_ref[...] / jnp.sqrt(var + 1e-5)
    shift = bta_ref[...] - mean * scale
    o_ref[...] = jnp.maximum(y_ref[...] * scale + shift, 0.0)


def kernel(xyz1, xyz2, feats1, feats2, W, gamma, beta):
    B, N1, _ = xyz1.shape
    N2 = xyz2.shape[1]
    C1 = feats1.shape[1]
    C2 = feats2.shape[1]
    OUT = W.shape[0]
    TQ = 512 if N1 % 512 == 0 else N1

    x1p = jnp.pad(xyz1, ((0, 0), (0, 0), (0, 5)))
    x2p = jnp.pad(jnp.transpose(xyz2, (0, 2, 1)), ((0, 0), (0, 5), (0, 0)))
    Wa = W[:, :C2]
    Wb = W[:, C2:]

    info = plsc.get_sparse_core_info()
    NC, NS = info.num_cores, info.num_subcores
    NW = NC * NS
    mesh = plsc.VectorSubcoreMesh(core_axis_name="c", subcore_axis_name="s")

    BH = B // 2
    NQ_TILE = (BH * N1) // NW
    TN = 512
    ys, sss = [], []
    for h in range(2):
        sl = slice(2 * h, 2 * h + BH)
        idx4, w4, ybt, g2t = pl.pallas_call(
            functools.partial(_topk_body, tq=TQ, n2=N2),
            grid=(BH, N1 // TQ),
            in_specs=[
                pl.BlockSpec((1, TQ, 8), lambda b, n: (b, n, 0)),
                pl.BlockSpec((1, 8, N2), lambda b, n: (b, 0, 0)),
                pl.BlockSpec((1, C1, TQ), lambda b, n: (b, 0, n)),
                pl.BlockSpec((1, C2, N2), lambda b, n: (b, 0, 0)),
                pl.BlockSpec((OUT, C2), lambda b, n: (0, 0)),
                pl.BlockSpec((OUT, C1), lambda b, n: (0, 0)),
            ],
            out_specs=[
                pl.BlockSpec((1, TQ, 4), lambda b, n: (b, n, 0)),
                pl.BlockSpec((1, TQ, 4), lambda b, n: (b, n, 0)),
                pl.BlockSpec((1, TQ, OUT), lambda b, n: (b, n, 0)),
                pl.BlockSpec((1, N2, OUT), lambda b, n: (b, 0, 0)),
            ],
            out_shape=[
                jax.ShapeDtypeStruct((BH, N1, 4), jnp.int32),
                jax.ShapeDtypeStruct((BH, N1, 4), jnp.float32),
                jax.ShapeDtypeStruct((BH, N1, OUT), jnp.float32),
                jax.ShapeDtypeStruct((BH, N2, OUT), jnp.float32),
            ],
        )(x1p[sl], x2p[sl], feats1[sl], feats2[sl], Wa, Wb)

        ya = pl.kernel(
            functools.partial(_sc_interp_body, nq_tile=NQ_TILE, out_ch=OUT,
                              num_cores=NC),
            mesh=mesh,
            compiler_params=pltpu.CompilerParams(needs_layout_passes=False),
            out_type=jax.ShapeDtypeStruct((BH * N1, OUT), jnp.float32),
            scratch_types=(
                [pltpu.VMEM((NQ_TILE * 4,), jnp.int32),
                 pltpu.VMEM((NQ_TILE * 4,), jnp.float32),
                 pltpu.VMEM((NQ_TILE * 3,), jnp.int32)]
                + [pltpu.VMEM((96, OUT), jnp.float32) for _ in range(2)]
                + [pltpu.VMEM((32, OUT), jnp.float32) for _ in range(2)]
                + [pltpu.SemaphoreType.DMA, pltpu.SemaphoreType.DMA]
            ),
        )(g2t.reshape(BH * N2, OUT), idx4.reshape(BH * N1 * 4),
          w4.reshape(BH * N1 * 4))

        y, ss = pl.pallas_call(
            _stats_body,
            grid=((BH * N1) // TN,),
            in_specs=[
                pl.BlockSpec((TN, OUT), lambda i: (i, 0)),
                pl.BlockSpec((TN, OUT), lambda i: (i, 0)),
            ],
            out_specs=[
                pl.BlockSpec((TN, OUT), lambda i: (i, 0)),
                pl.BlockSpec((2, OUT), lambda i: (0, 0)),
            ],
            out_shape=[
                jax.ShapeDtypeStruct((BH * N1, OUT), jnp.float32),
                jax.ShapeDtypeStruct((2, OUT), jnp.float32),
            ],
        )(ya, ybt.reshape(BH * N1, OUT))
        ys.append(y)
        sss.append(ss)

    outs = []
    for h in range(2):
        out_t = pl.pallas_call(
            functools.partial(_bn_body, count=float(B * N1)),
            grid=((BH * N1) // TN,),
            in_specs=[
                pl.BlockSpec((TN, OUT), lambda i: (i, 0)),
                pl.BlockSpec((2, OUT), lambda i: (0, 0)),
                pl.BlockSpec((2, OUT), lambda i: (0, 0)),
                pl.BlockSpec((1, OUT), lambda i: (0, 0)),
                pl.BlockSpec((1, OUT), lambda i: (0, 0)),
            ],
            out_specs=pl.BlockSpec((TN, OUT), lambda i: (i, 0)),
            out_shape=jax.ShapeDtypeStruct((BH * N1, OUT), jnp.float32),
        )(ys[h], sss[0], sss[1], gamma.reshape(1, OUT), beta.reshape(1, OUT))
        outs.append(out_t.reshape(BH, N1, OUT))

    return jnp.transpose(jnp.concatenate(outs, axis=0), (0, 2, 1))

# --- scband reference (transcript-rebuilt; emitter-appended) ---
"""Pipeline reference for scband-point-net-pp-dam-16930761080955 (READ-ONLY COPY).

The authoritative reference and input builder live on the scoring server;
editing this copy changes nothing except your own understanding.
"""

import jax, jax.numpy as jnp
import numpy as np

B, N1, N2, C1, C2, OUT = 4, 8192, 2048, 128, 256, 256

def setup_inputs(seed: int = 0) -> dict:
    key = jax.random.key(seed)
    k1, k2, k3, k4, k5 = jax.random.split(key, 5)
    return {
        "xyz1": jax.random.normal(k1, (B, N1, 3), dtype=jnp.float32) * 10.0,
        "xyz2": jax.random.normal(k2, (B, N2, 3), dtype=jnp.float32) * 10.0,
        "feats1": jax.random.normal(k3, (B, C1, N1), dtype=jnp.float32),
        "feats2": jax.random.normal(k4, (B, C2, N2), dtype=jnp.float32),
        "W": jax.random.normal(k5, (OUT, C1 + C2), dtype=jnp.float32) * 0.05,
        "gamma": jnp.ones((OUT,), dtype=jnp.float32),
        "beta": jnp.zeros((OUT,), dtype=jnp.float32),
    }

def reference(xyz1, xyz2, feats1, feats2, W, gamma, beta):
    # pairwise distances (cdist) via the matmul identity
    d2 = (jnp.sum(xyz1 ** 2, axis=-1)[:, :, None]
          + jnp.sum(xyz2 ** 2, axis=-1)[:, None, :]
          - 2.0 * jnp.einsum('bnd,bmd->bnm', xyz1, xyz2))
    dists = jnp.sqrt(jnp.maximum(d2, 1e-12))
    # 3 nearest neighbors (smallest distances)
    k = min(3, xyz2.shape[1])
    neg_vals, idx = jax.lax.top_k(-dists, k)
    d = (-neg_vals) + 1e-08
    w = 1.0 / d
    w = w / jnp.sum(w, axis=-1, keepdims=True)
    # gather neighbor features: feats2 (B,C2,N2) -> (B,N2,C2)
    f2 = jnp.transpose(feats2, (0, 2, 1))
    Bc, N1c, K = idx.shape
    gathered = jnp.take_along_axis(f2, idx.reshape(Bc, N1c * K)[:, :, None], axis=1)
    gathered = gathered.reshape(Bc, N1c, K, f2.shape[-1])
    interpolated = jnp.sum(gathered * w[..., None], axis=2)  # (B,N1,C2)
    interpolated = jnp.transpose(interpolated, (0, 2, 1))    # (B,C2,N1)
    x = jnp.concatenate([interpolated, feats1], axis=1)       # (B,C1+C2,N1)
    # SharedMLP: 1x1 conv (no bias) + BatchNorm (training-mode stats) + ReLU
    y = jnp.einsum('oc,bcn->bon', W, x)
    mean = jnp.mean(y, axis=(0, 2), keepdims=True)
    var = jnp.var(y, axis=(0, 2), keepdims=True)
    yhat = (y - mean) / jnp.sqrt(var + 1e-05)
    y = yhat * gamma[None, :, None] + beta[None, :, None]
    return jax.nn.relu(y)

if __name__ == "__main__":
    import jax
    _d = setup_inputs()
    print(jax.jit(kernel)(*tuple(_d.values())))

</pallas_src>

<mosaic_0001>
#map = affine_map<(d0, d1) -> (0, 0)>
#map1 = affine_map<(d0, d1) -> (0)>
module attributes {stable_mosaic.version = 14 : i64} {
  func.func @_sc_interp_body(%arg0: i32, %arg1: i32, %arg2: memref<4096x256xf32, #tpu.memory_space<hbm>>, %arg3: memref<65536xi32, #tpu.memory_space<hbm>>, %arg4: memref<65536xf32, #tpu.memory_space<hbm>>, %arg5: memref<16384x256xf32, #tpu.memory_space<hbm>>, %arg6: memref<2048xi32, #tpu.memory_space<vmem>>, %arg7: memref<2048xf32, #tpu.memory_space<vmem>>, %arg8: memref<1536xi32, #tpu.memory_space<vmem>>, %arg9: memref<96x256xf32, #tpu.memory_space<vmem>>, %arg10: memref<96x256xf32, #tpu.memory_space<vmem>>, %arg11: memref<32x256xf32, #tpu.memory_space<vmem>>, %arg12: memref<32x256xf32, #tpu.memory_space<vmem>>, %arg13: memref<!tpu.dma_semaphore, #tpu.memory_space<semaphore_mem>>, %arg14: memref<!tpu.dma_semaphore, #tpu.memory_space<semaphore_mem>>) attributes {dimension_semantics = [#tpu.dimension_semantics<core_parallel>, #tpu.dimension_semantics<subcore_parallel>], iteration_bounds = array<i64: 2, 16>, scalar_prefetch = 0 : i64, scratch_operands = 9 : i64, tpu.core_type = #tpu.core_type<sc_vector_subcore>, window_params = [{transform_indices = #map}, {transform_indices = #map1}, {transform_indices = #map1}, {transform_indices = #map}]} {
    %mul3A = arith.constant 2 : i32
    %mul3A_0 = arith.muli %arg1, %mul3A : i32
    %add3A = arith.addi %mul3A_0, %arg0 : i32
    %mul3A_1 = arith.constant 512 : i32
    %mul3A_2 = arith.muli %add3A, %mul3A_1 : i32
    %mul3A_3 = arith.constant 4 : i32
    %mul3A_4 = arith.muli %mul3A_2, %mul3A_3 : i32
    "tpu.region"() ({
      %run_scoped3A = tpu.sem_alloc : memref<!tpu.dma_semaphore, #tpu.memory_space<semaphore_mem>>
      %dma_start3A_20 = tpu.memref_slice %arg3[%mul3A_4] : memref<65536xi32, #tpu.memory_space<hbm>> -> memref<2048xi32, #tpu.memory_space<hbm>>
      %dma_start3A_21 = tpu.memref_slice %arg3[%mul3A_4] : memref<65536xi32, #tpu.memory_space<hbm>> -> memref<2048xi32, #tpu.memory_space<hbm>>
      tpu.enqueue_dma source(%dma_start3A_21 : memref<2048xi32, #tpu.memory_space<hbm>>) target(%arg6 : memref<2048xi32, #tpu.memory_space<vmem>>) target_semaphore(%run_scoped3A : memref<!tpu.dma_semaphore, #tpu.memory_space<semaphore_mem>>)
      %dma_wait3A = tpu.memref_slice %arg3[%mul3A_4] : memref<65536xi32, #tpu.memory_space<hbm>> -> memref<2048xi32, #tpu.memory_space<hbm>>
      %dma_wait3A_22 = tpu.memref_slice %arg3[%mul3A_4] : memref<65536xi32, #tpu.memory_space<hbm>> -> memref<2048xi32, #tpu.memory_space<hbm>>
      tpu.wait_dma2 semaphore(%run_scoped3A : memref<!tpu.dma_semaphore, #tpu.memory_space<semaphore_mem>>) src(%dma_wait3A_22 : memref<2048xi32, #tpu.memory_space<hbm>>) dst(%arg6 : memref<2048xi32, #tpu.memory_space<vmem>>)
      tpu.yield
    }) : () -> ()
    %mul3A_5 = arith.constant 4 : i32
    %mul3A_6 = arith.muli %mul3A_2, %mul3A_5 : i32
    "tpu.region"() ({
      %run_scoped3A = tpu.sem_alloc : memref<!tpu.dma_semaphore, #tpu.memory_space<semaphore_mem>>
      %dma_start3A_20 = tpu.memref_slice %arg4[%mul3A_6] : memref<65536xf32, #tpu.memory_space<hbm>> -> memref<2048xf32, #tpu.memory_space<hbm>>
      %dma_start3A_21 = tpu.memref_slice %arg4[%mul3A_6] : memref<65536xf32, #tpu.memory_space<hbm>> -> memref<2048xf32, #tpu.memory_space<hbm>>
      tpu.enqueue_dma source(%dma_start3A_21 : memref<2048xf32, #tpu.memory_space<hbm>>) target(%arg7 : memref<2048xf32, #tpu.memory_space<vmem>>) target_semaphore(%run_scoped3A : memref<!tpu.dma_semaphore, #tpu.memory_space<semaphore_mem>>)
      %dma_wait3A = tpu.memref_slice %arg4[%mul3A_6] : memref<65536xf32, #tpu.memory_space<hbm>> -> memref<2048xf32, #tpu.memory_space<hbm>>
      %dma_wait3A_22 = tpu.memref_slice %arg4[%mul3A_6] : memref<65536xf32, #tpu.memory_space<hbm>> -> memref<2048xf32, #tpu.memory_space<hbm>>
      tpu.wait_dma2 semaphore(%run_scoped3A : memref<!tpu.dma_semaphore, #tpu.memory_space<semaphore_mem>>) src(%dma_wait3A_22 : memref<2048xf32, #tpu.memory_space<hbm>>) dst(%arg7 : memref<2048xf32, #tpu.memory_space<vmem>>)
      tpu.yield
    }) : () -> ()
    %iota3A = tpu.iota {dimensions = array<i32: 0>} : vector<16xi32>
    %scan3A = arith.constant 0 : i32
    %scan3A_7 = arith.constant 32 : i32
    %scan3A_8 = arith.addi %scan3A, %scan3A_7 : i32
    %scan3A_9 = arith.constant 1 : i32
    scf.for %scan3A_20 = %scan3A to %scan3A_8 step %scan3A_9  : i32 {
      %mul3A_21 = arith.constant 4 : i32
      %mul3A_22 = vector.broadcast %mul3A_21 : i32 to vector<16xi32>
      %mul3A_23 = arith.muli %iota3A, %mul3A_22 : vector<16xi32>
      %mul3A_24 = arith.constant 64 : i32
      %mul3A_25 = arith.muli %scan3A_20, %mul3A_24 : i32
      %add3A_26 = vector.broadcast %mul3A_25 : i32 to vector<16xi32>
      %add3A_27 = arith.addi %mul3A_23, %add3A_26 : vector<16xi32>
      %add3A_28 = arith.constant 0 : i32
      %add3A_29 = vector.broadcast %add3A_28 : i32 to vector<16xi32>
      %add3A_30 = arith.addi %add3A_27, %add3A_29 : vector<16xi32>
      %gather3A = tpu.vector_load_idx %arg6[%add3A_30] : memref<2048xi32, #tpu.memory_space<vmem>>[vector<16xi32>], vector<16xi32>,
      %mul3A_31 = arith.constant 3 : i32
      %mul3A_32 = vector.broadcast %mul3A_31 : i32 to vector<16xi32>
      %mul3A_33 = arith.muli %iota3A, %mul3A_32 : vector<16xi32>
      %mul3A_34 = arith.constant 48 : i32
      %mul3A_35 = arith.muli %scan3A_20, %mul3A_34 : i32
      %add3A_36 = vector.broadcast %mul3A_35 : i32 to vector<16xi32>
      %add3A_37 = arith.addi %mul3A_33, %add3A_36 : vector<16xi32>
      %add3A_38 = arith.constant 0 : i32
      %add3A_39 = vector.broadcast %add3A_38 : i32 to vector<16xi32>
      %add3A_40 = arith.addi %add3A_37, %add3A_39 : vector<16xi32>
      tpu.vector_store_idx %arg8[%add3A_40], %gather3A : memref<1536xi32, #tpu.memory_space<vmem>>[vector<16xi32>], vector<16xi32>,
      %mul3A_41 = arith.constant 4 : i32
      %mul3A_42 = vector.broadcast %mul3A_41 : i32 to vector<16xi32>
      %mul3A_43 = arith.muli %iota3A, %mul3A_42 : vector<16xi32>
      %mul3A_44 = arith.constant 64 : i32
      %mul3A_45 = arith.muli %scan3A_20, %mul3A_44 : i32
      %add3A_46 = vector.broadcast %mul3A_45 : i32 to vector<16xi32>
      %add3A_47 = arith.addi %mul3A_43, %add3A_46 : vector<16xi32>
      %add3A_48 = arith.constant 1 : i32
      %add3A_49 = vector.broadcast %add3A_48 : i32 to vector<16xi32>
      %add3A_50 = arith.addi %add3A_47, %add3A_49 : vector<16xi32>
      %gather3A_51 = tpu.vector_load_idx %arg6[%add3A_50] : memref<2048xi32, #tpu.memory_space<vmem>>[vector<16xi32>], vector<16xi32>,
      %mul3A_52 = arith.constant 3 : i32
      %mul3A_53 = vector.broadcast %mul3A_52 : i32 to vector<16xi32>
      %mul3A_54 = arith.muli %iota3A, %mul3A_53 : vector<16xi32>
      %mul3A_55 = arith.constant 48 : i32
      %mul3A_56 = arith.muli %scan3A_20, %mul3A_55 : i32
      %add3A_57 = vector.broadcast %mul3A_56 : i32 to vector<16xi32>
      %add3A_58 = arith.addi %mul3A_54, %add3A_57 : vector<16xi32>
      %add3A_59 = arith.constant 1 : i32
      %add3A_60 = vector.broadcast %add3A_59 : i32 to vector<16xi32>
      %add3A_61 = arith.addi %add3A_58, %add3A_60 : vector<16xi32>
      tpu.vector_store_idx %arg8[%add3A_61], %gather3A_51 : memref<1536xi32, #tpu.memory_space<vmem>>[vector<16xi32>], vector<16xi32>,
      %mul3A_62 = arith.constant 4 : i32
      %mul3A_63 = vector.broadcast %mul3A_62 : i32 to vector<16xi32>
      %mul3A_64 = arith.muli %iota3A, %mul3A_63 : vector<16xi32>
      %mul3A_65 = arith.constant 64 : i32
      %mul3A_66 = arith.muli %scan3A_20, %mul3A_65 : i32
      %add3A_67 = vector.broadcast %mul3A_66 : i32 to vector<16xi32>
      %add3A_68 = arith.addi %mul3A_64, %add3A_67 : vector<16xi32>
      %add3A_69 = arith.constant 2 : i32
      %add3A_70 = vector.broadcast %add3A_69 : i32 to vector<16xi32>
      %add3A_71 = arith.addi %add3A_68, %add3A_70 : vector<16xi32>
      %gather3A_72 = tpu.vector_load_idx %arg6[%add3A_71] : memref<2048xi32, #tpu.memory_space<vmem>>[vector<16xi32>], vector<16xi32>,
      %mul3A_73 = arith.constant 3 : i32
      %mul3A_74 = vector.broadcast %mul3A_73 : i32 to vector<16xi32>
      %mul3A_75 = arith.muli %iota3A, %mul3A_74 : vector<16xi32>
      %mul3A_76 = arith.constant 48 : i32
      %mul3A_77 = arith.muli %scan3A_20, %mul3A_76 : i32
      %add3A_78 = vector.broadcast %mul3A_77 : i32 to vector<16xi32>
      %add3A_79 = arith.addi %mul3A_75, %add3A_78 : vector<16xi32>
      %add3A_80 = arith.constant 2 : i32
      %add3A_81 = vector.broadcast %add3A_80 : i32 to vector<16xi32>
      %add3A_82 = arith.addi %add3A_79, %add3A_81 : vector<16xi32>
      tpu.vector_store_idx %arg8[%add3A_82], %gather3A_72 : memref<1536xi32, #tpu.memory_space<vmem>>[vector<16xi32>], vector<16xi32>,
    }
    %scan3A_10 = arith.constant 32 : i32
    %dma_start3A = arith.constant 0 : i32
    %dma_start3A_11 = tpu.memref_slice %arg8[%dma_start3A] : memref<1536xi32, #tpu.memory_space<vmem>> -> memref<96xi32, #tpu.memory_space<vmem>>
    %dma_start3A_12 = arith.constant 0 : i32
    %dma_start3A_13 = arith.constant 0 : i32
    %dma_start3A_14 = tpu.memref_slice %arg2[%dma_start3A_12, %dma_start3A_13] : memref<4096x256xf32, #tpu.memory_space<hbm>> -> memref<4096x256xf32, #tpu.memory_space<hbm>>
    tpu.enqueue_indirect_dma source(%dma_start3A_14 : memref<4096x256xf32, #tpu.memory_space<hbm>>) target(%arg9 : memref<96x256xf32, #tpu.memory_space<vmem>>) offsets(%dma_start3A_11 : memref<96xi32, #tpu.memory_space<vmem>>) semaphore(%arg13 : memref<!tpu.dma_semaphore, #tpu.memory_space<semaphore_mem>>)
    %scan3A_15 = arith.constant 0 : i32
    %scan3A_16 = arith.constant 8 : i32
    %scan3A_17 = arith.addi %scan3A_15, %scan3A_16 : i32
    %scan3A_18 = arith.constant 1 : i32
    scf.for %scan3A_20 = %scan3A_15 to %scan3A_17 step %scan3A_18  : i32 {
      %mul3A_21 = arith.constant 2 : i32
      %mul3A_22 = arith.muli %scan3A_20, %mul3A_21 : i32
      %add3A_23 = arith.constant 1 : i32
      %add3A_24 = arith.addi %mul3A_22, %add3A_23 : i32
      %mul3A_25 = arith.constant 96 : i32
      %mul3A_26 = arith.muli %add3A_24, %mul3A_25 : i32
      %dma_start3A_27 = tpu.memref_slice %arg8[%mul3A_26] : memref<1536xi32, #tpu.memory_space<vmem>> -> memref<96xi32, #tpu.memory_space<vmem>>
      %dma_start3A_28 = arith.constant 0 : i32
      %dma_start3A_29 = arith.constant 0 : i32
      %dma_start3A_30 = tpu.memref_slice %arg2[%dma_start3A_28, %dma_start3A_29] : memref<4096x256xf32, #tpu.memory_space<hbm>> -> memref<4096x256xf32, #tpu.memory_space<hbm>>
      tpu.enqueue_indirect_dma source(%dma_start3A_30 : memref<4096x256xf32, #tpu.memory_space<hbm>>) target(%arg10 : memref<96x256xf32, #tpu.memory_space<vmem>>) offsets(%dma_start3A_27 : memref<96xi32, #tpu.memory_space<vmem>>) semaphore(%arg14 : memref<!tpu.dma_semaphore, #tpu.memory_space<semaphore_mem>>)
      %dma_wait3A = arith.constant 0 : i32
      %dma_wait3A_31 = arith.constant 0 : i32
      %dma_wait3A_32 = tpu.memref_slice %arg2[%dma_wait3A, %dma_wait3A_31] : memref<4096x256xf32, #tpu.memory_space<hbm>> -> memref<96x256xf32, #tpu.memory_space<hbm>>
      %dma_wait3A_33 = arith.constant 0 : i32
      %dma_wait3A_34 = arith.constant 0 : i32
      %dma_wait3A_35 = tpu.memref_slice %arg2[%dma_wait3A_33, %dma_wait3A_34] : memref<4096x256xf32, #tpu.memory_space<hbm>> -> memref<96x256xf32, #tpu.memory_space<hbm>>
      tpu.wait_dma2 semaphore(%arg13 : memref<!tpu.dma_semaphore, #tpu.memory_space<semaphore_mem>>) src(%dma_wait3A_35 : memref<96x256xf32, #tpu.memory_space<hbm>>) dst(%arg9 : memref<96x256xf32, #tpu.memory_space<vmem>>)
      %mul3A_36 = arith.constant 4 : i32
      %mul3A_37 = vector.broadcast %mul3A_36 : i32 to vector<16xi32>
      %mul3A_38 = arith.muli %iota3A, %mul3A_37 : vector<16xi32>
      %mul3A_39 = arith.constant 128 : i32
      %mul3A_40 = arith.muli %mul3A_22, %mul3A_39 : i32
      %add3A_41 = vector.broadcast %mul3A_40 : i32 to vector<16xi32>
      %add3A_42 = arith.addi %mul3A_38, %add3A_41 : vector<16xi32>
      %add3A_43 = arith.constant 0 : i32
      %add3A_44 = vector.broadcast %add3A_43 : i32 to vector<16xi32>
      %add3A_45 = arith.addi %add3A_42, %add3A_44 : vector<16xi32>
      %gather3A = tpu.vector_load_idx %arg7[%add3A_45] : memref<2048xf32, #tpu.memory_space<vmem>>[vector<16xi32>], vector<16xf32>,
      %add3A_46 = arith.constant 1 : i32
      %add3A_47 = vector.broadcast %add3A_46 : i32 to vector<16xi32>
      %add3A_48 = arith.addi %add3A_45, %add3A_47 : vector<16xi32>
      %gather3A_49 = tpu.vector_load_idx %arg7[%add3A_48] : memref<2048xf32, #tpu.memory_space<vmem>>[vector<16xi32>], vector<16xf32>,
      %add3A_50 = arith.constant 2 : i32
      %add3A_51 = vector.broadcast %add3A_50 : i32 to vector<16xi32>
      %add3A_52 = arith.addi %add3A_45, %add3A_51 : vector<16xi32>
      %gather3A_53 = tpu.vector_load_idx %arg7[%add3A_52] : memref<2048xf32, #tpu.memory_space<vmem>>[vector<16xi32>], vector<16xf32>,
      %mul3A_54 = arith.constant 3 : i32
      %mul3A_55 = vector.broadcast %mul3A_54 : i32 to vector<16xi32>
      %mul3A_56 = arith.muli %iota3A, %mul3A_55 : vector<16xi32>
      %add3A_57 = arith.constant 0 : i32
      %add3A_58 = vector.broadcast %add3A_57 : i32 to vector<16xi32>
      %add3A_59 = arith.addi %mul3A_56, %add3A_58 : vector<16xi32>
      %add3A_60 = arith.constant 0 : i32
      %add3A_61 = vector.broadcast %add3A_60 : i32 to vector<16xi32>
      %add3A_62 = arith.addi %iota3A, %add3A_61 : vector<16xi32>
      %scan3A_63 = arith.constant 0 : i32
      %scan3A_64 = arith.constant 32 : i32
      %scan3A_65 = arith.addi %scan3A_63, %scan3A_64 : i32
      %scan3A_66 = arith.constant 1 : i32
      scf.for %scan3A_185 = %scan3A_63 to %scan3A_65 step %scan3A_66  : i32 {
        %broadcast_in_dim3A = arith.constant 0 : i32
        %broadcast_in_dim3A_186 = vector.broadcast %broadcast_in_dim3A : i32 to vector<16xi32>
        %mul3A_187 = arith.constant 8 : i32
        %mul3A_188 = arith.muli %scan3A_185, %mul3A_187 : i32
        %add3A_189 = vector.broadcast %mul3A_188 : i32 to vector<16xi32>
        %add3A_190 = arith.addi %broadcast_in_dim3A_186, %add3A_189 : vector<16xi32>
        %add3A_191 = arith.constant 0 : i32
        %add3A_192 = vector.broadcast %add3A_191 : i32 to vector<16xi32>
        %add3A_193 = arith.addi %add3A_190, %add3A_192 : vector<16xi32>
        %gather3A_194 = tpu.vector_load_idx %arg9[%add3A_59, %add3A_193] : memref<96x256xf32, #tpu.memory_space<vmem>>[vector<16xi32>, vector<16xi32>], vector<16xf32>,
        %add3A_195 = arith.constant 1 : i32
        %add3A_196 = vector.broadcast %add3A_195 : i32 to vector<16xi32>
        %add3A_197 = arith.addi %add3A_59, %add3A_196 : vector<16xi32>
        %gather3A_198 = tpu.vector_load_idx %arg9[%add3A_197, %add3A_193] : memref<96x256xf32, #tpu.memory_space<vmem>>[vector<16xi32>, vector<16xi32>], vector<16xf32>,
        %add3A_199 = arith.constant 2 : i32
        %add3A_200 = vector.broadcast %add3A_199 : i32 to vector<16xi32>
        %add3A_201 = arith.addi %add3A_59, %add3A_200 : vector<16xi32>
        %gather3A_202 = tpu.vector_load_idx %arg9[%add3A_201, %add3A_193] : memref<96x256xf32, #tpu.memory_space<vmem>>[vector<16xi32>, vector<16xi32>], vector<16xf32>,
        %mul3A_203 = arith.mulf %gather3A, %gather3A_194 : vector<16xf32>
        %mul3A_204 = arith.mulf %gather3A_49, %gather3A_198 : vector<16xf32>
        %add3A_205 = arith.addf %mul3A_203, %mul3A_204 : vector<16xf32>
        %mul3A_206 = arith.mulf %gather3A_53, %gather3A_202 : vector<16xf32>
        %add3A_207 = arith.addf %add3A_205, %mul3A_206 : vector<16xf32>
        tpu.vector_store_idx %arg11[%add3A_62, %add3A_193], %add3A_207 : memref<32x256xf32, #tpu.memory_space<vmem>>[vector<16xi32>, vector<16xi32>], vector<16xf32>,
        %add3A_208 = arith.constant 1 : i32
        %add3A_209 = vector.broadcast %add3A_208 : i32 to vector<16xi32>
        %add3A_210 = arith.addi %add3A_190, %add3A_209 : vector<16xi32>
        %gather3A_211 = tpu.vector_load_idx %arg9[%add3A_59, %add3A_210] : memref<96x256xf32, #tpu.memory_space<vmem>>[vector<16xi32>, vector<16xi32>], vector<16xf32>,
        %add3A_212 = arith.constant 1 : i32
        %add3A_213 = vector.broadcast %add3A_212 : i32 to vector<16xi32>
        %add3A_214 = arith.addi %add3A_59, %add3A_213 : vector<16xi32>
        %gather3A_215 = tpu.vector_load_idx %arg9[%add3A_214, %add3A_210] : memref<96x256xf32, #tpu.memory_space<vmem>>[vector<16xi32>, vector<16xi32>], vector<16xf32>,
        %add3A_216 = arith.constant 2 : i32
        %add3A_217 = vector.broadcast %add3A_216 : i32 to vector<16xi32>
        %add3A_218 = arith.addi %add3A_59, %add3A_217 : vector<16xi32>
        %gather3A_219 = tpu.vector_load_idx %arg9[%add3A_218, %add3A_210] : memref<96x256xf32, #tpu.memory_space<vmem>>[vector<16xi32>, vector<16xi32>], vector<16xf32>,
        %mul3A_220 = arith.mulf %gather3A, %gather3A_211 : vector<16xf32>
        %mul3A_221 = arith.mulf %gather3A_49, %gather3A_215 : vector<16xf32>
        %add3A_222 = arith.addf %mul3A_220, %mul3A_221 : vector<16xf32>
        %mul3A_223 = arith.mulf %gather3A_53, %gather3A_219 : vector<16xf32>
        %add3A_224 = arith.addf %add3A_222, %mul3A_223 : vector<16xf32>
        tpu.vector_store_idx %arg11[%add3A_62, %add3A_210], %add3A_224 : memref<32x256xf32, #tpu.memory_space<vmem>>[vector<16xi32>, vector<16xi32>], vector<16xf32>,
        %add3A_225 = arith.constant 2 : i32
        %add3A_226 = vector.broadcast %add3A_225 : i32 to vector<16xi32>
        %add3A_227 = arith.addi %add3A_190, %add3A_226 : vector<16xi32>
        %gather3A_228 = tpu.vector_load_idx %arg9[%add3A_59, %add3A_227] : memref<96x256xf32, #tpu.memory_space<vmem>>[vector<16xi32>, vector<16xi32>], vector<16xf32>,
        %add3A_229 = arith.constant 1 : i32
        %add3A_230 = vector.broadcast %add3A_229 : i32 to vector<16xi32>
        %add3A_231 = arith.addi %add3A_59, %add3A_230 : vector<16xi32>
        %gather3A_232 = tpu.vector_load_idx %arg9[%add3A_231, %add3A_227] : memref<96x256xf32, #tpu.memory_space<vmem>>[vector<16xi32>, vector<16xi32>], vector<16xf32>,
        %add3A_233 = arith.constant 2 : i32
        %add3A_234 = vector.broadcast %add3A_233 : i32 to vector<16xi32>
        %add3A_235 = arith.addi %add3A_59, %add3A_234 : vector<16xi32>
        %gather3A_236 = tpu.vector_load_idx %arg9[%add3A_235, %add3A_227] : memref<96x256xf32, #tpu.memory_space<vmem>>[vector<16xi32>, vector<16xi32>], vector<16xf32>,
        %mul3A_237 = arith.mulf %gather3A, %gather3A_228 : vector<16xf32>
        %mul3A_238 = arith.mulf %gather3A_49, %gather3A_232 : vector<16xf32>
        %add3A_239 = arith.addf %mul3A_237, %mul3A_238 : vector<16xf32>
        %mul3A_240 = arith.mulf %gather3A_53, %gather3A_236 : vector<16xf32>
        %add3A_241 = arith.addf %add3A_239, %mul3A_240 : vector<16xf32>
        tpu.vector_store_idx %arg11[%add3A_62, %add3A_227], %add3A_241 : memref<32x256xf32, #tpu.memory_space<vmem>>[vector<16xi32>, vector<16xi32>], vector<16xf32>,
        %add3A_242 = arith.constant 3 : i32
        %add3A_243 = vector.broadcast %add3A_242 : i32 to vector<16xi32>
        %add3A_244 = arith.addi %add3A_190, %add3A_243 : vector<16xi32>
        %gather3A_245 = tpu.vector_load_idx %arg9[%add3A_59, %add3A_244] : memref<96x256xf32, #tpu.memory_space<vmem>>[vector<16xi32>, vector<16xi32>], vector<16xf32>,
        %add3A_246 = arith.constant 1 : i32
        %add3A_247 = vector.broadcast %add3A_246 : i32 to vector<16xi32>
        %add3A_248 = arith.addi %add3A_59, %add3A_247 : vector<16xi32>
        %gather3A_249 = tpu.vector_load_idx %arg9[%add3A_248, %add3A_244] : memref<96x256xf32, #tpu.memory_space<vmem>>[vector<16xi32>, vector<16xi32>], vector<16xf32>,
        %add3A_250 = arith.constant 2 : i32
        %add3A_251 = vector.broadcast %add3A_250 : i32 to vector<16xi32>
        %add3A_252 = arith.addi %add3A_59, %add3A_251 : vector<16xi32>
        %gather3A_253 = tpu.vector_load_idx %arg9[%add3A_252, %add3A_244] : memref<96x256xf32, #tpu.memory_space<vmem>>[vector<16xi32>, vector<16xi32>], vector<16xf32>,
        %mul3A_254 = arith.mulf %gather3A, %gather3A_245 : vector<16xf32>
        %mul3A_255 = arith.mulf %gather3A_49, %gather3A_249 : vector<16xf32>
        %add3A_256 = arith.addf %mul3A_254, %mul3A_255 : vector<16xf32>
        %mul3A_257 = arith.mulf %gather3A_53, %gather3A_253 : vector<16xf32>
        %add3A_258 = arith.addf %add3A_256, %mul3A_257 : vector<16xf32>
        tpu.vector_store_idx %arg11[%add3A_62, %add3A_244], %add3A_258 : memref<32x256xf32, #tpu.memory_space<vmem>>[vector<16xi32>, vector<16xi32>], vector<16xf32>,
        %add3A_259 = arith.constant 4 : i32
        %add3A_260 = vector.broadcast %add3A_259 : i32 to vector<16xi32>
        %add3A_261 = arith.addi %add3A_190, %add3A_260 : vector<16xi32>
        %gather3A_262 = tpu.vector_load_idx %arg9[%add3A_59, %add3A_261] : memref<96x256xf32, #tpu.memory_space<vmem>>[vector<16xi32>, vector<16xi32>], vector<16xf32>,
        %add3A_263 = arith.constant 1 : i32
        %add3A_264 = vector.broadcast %add3A_263 : i32 to vector<16xi32>
        %add3A_265 = arith.addi %add3A_59, %add3A_264 : vector<16xi32>
        %gather3A_266 = tpu.vector_load_idx %arg9[%add3A_265, %add3A_261] : memref<96x256xf32, #tpu.memory_space<vmem>>[vector<16xi32>, vector<16xi32>], vector<16xf32>,
        %add3A_267 = arith.constant 2 : i32
        %add3A_268 = vector.broadcast %add3A_267 : i32 to vector<16xi32>
        %add3A_269 = arith.addi %add3A_59, %add3A_268 : vector<16xi32>
        %gather3A_270 = tpu.vector_load_idx %arg9[%add3A_269, %add3A_261] : memref<96x256xf32, #tpu.memory_space<vmem>>[vector<16xi32>, vector<16xi32>], vector<16xf32>,
        %mul3A_271 = arith.mulf %gather3A, %gather3A_262 : vector<16xf32>
        %mul3A_272 = arith.mulf %gather3A_49, %gather3A_266 : vector<16xf32>
        %add3A_273 = arith.addf %mul3A_271, %mul3A_272 : vector<16xf32>
        %mul3A_274 = arith.mulf %gather3A_53, %gather3A_270 : vector<16xf32>
        %add3A_275 = arith.addf %add3A_273, %mul3A_274 : vector<16xf32>
        tpu.vector_store_idx %arg11[%add3A_62, %add3A_261], %add3A_275 : memref<32x256xf32, #tpu.memory_space<vmem>>[vector<16xi32>, vector<16xi32>], vector<16xf32>,
        %add3A_276 = arith.constant 5 : i32
        %add3A_277 = vector.broadcast %add3A_276 : i32 to vector<16xi32>
        %add3A_278 = arith.addi %add3A_190, %add3A_277 : vector<16xi32>
        %gather3A_279 = tpu.vector_load_idx %arg9[%add3A_59, %add3A_278] : memref<96x256xf32, #tpu.memory_space<vmem>>[vector<16xi32>, vector<16xi32>], vector<16xf32>,
        %add3A_280 = arith.constant 1 : i32
        %add3A_281 = vector.broadcast %add3A_280 : i32 to vector<16xi32>
        %add3A_282 = arith.addi %add3A_59, %add3A_281 : vector<16xi32>
        %gather3A_283 = tpu.vector_load_idx %arg9[%add3A_282, %add3A_278] : memref<96x256xf32, #tpu.memory_space<vmem>>[vector<16xi32>, vector<16xi32>], vector<16xf32>,
        %add3A_284 = arith.constant 2 : i32
        %add3A_285 = vector.broadcast %add3A_284 : i32 to vector<16xi32>
        %add3A_286 = arith.addi %add3A_59, %add3A_285 : vector<16xi32>
        %gather3A_287 = tpu.vector_load_idx %arg9[%add3A_286, %add3A_278] : memref<96x256xf32, #tpu.memory_space<vmem>>[vector<16xi32>, vector<16xi32>], vector<16xf32>,
        %mul3A_288 = arith.mulf %gather3A, %gather3A_279 : vector<16xf32>
        %mul3A_289 = arith.mulf %gather3A_49, %gather3A_283 : vector<16xf32>
        %add3A_290 = arith.addf %mul3A_288, %mul3A_289 : vector<16xf32>
        %mul3A_291 = arith.mulf %gather3A_53, %gather3A_287 : vector<16xf32>
        %add3A_292 = arith.addf %add3A_290, %mul3A_291 : vector<16xf32>
        tpu.vector_store_idx %arg11[%add3A_62, %add3A_278], %add3A_292 : memref<32x256xf32, #tpu.memory_space<vmem>>[vector<16xi32>, vector<16xi32>], vector<16xf32>,
        %add3A_293 = arith.constant 6 : i32
        %add3A_294 = vector.broadcast %add3A_293 : i32 to vector<16xi32>
        %add3A_295 = arith.addi %add3A_190, %add3A_294 : vector<16xi32>
        %gather3A_296 = tpu.vector_load_idx %arg9[%add3A_59, %add3A_295] : memref<96x256xf32, #tpu.memory_space<vmem>>[vector<16xi32>, vector<16xi32>], vector<16xf32>,
        %add3A_297 = arith.constant 1 : i32
        %add3A_298 = vector.broadcast %add3A_297 : i32 to vector<16xi32>
        %add3A_299 = arith.addi %add3A_59, %add3A_298 : vector<16xi32>
        %gather3A_300 = tpu.vector_load_idx %arg9[%add3A_299, %add3A_295] : memref<96x256xf32, #tpu.memory_space<vmem>>[vector<16xi32>, vector<16xi32>], vector<16xf32>,
        %add3A_301 = arith.constant 2 : i32
        %add3A_302 = vector.broadcast %add3A_301 : i32 to vector<16xi32>
        %add3A_303 = arith.addi %add3A_59, %add3A_302 : vector<16xi32>
        %gather3A_304 = tpu.vector_load_idx %arg9[%add3A_303, %add3A_295] : memref<96x256xf32, #tpu.memory_space<vmem>>[vector<16xi32>, vector<16xi32>], vector<16xf32>,
        %mul3A_305 = arith.mulf %gather3A, %gather3A_296 : vector<16xf32>
        %mul3A_306 = arith.mulf %gather3A_49, %gather3A_300 : vector<16xf32>
        %add3A_307 = arith.addf %mul3A_305, %mul3A_306 : vector<16xf32>
        %mul3A_308 = arith.mulf %gather3A_53, %gather3A_304 : vector<16xf32>
        %add3A_309 = arith.addf %add3A_307, %mul3A_308 : vector<16xf32>
        tpu.vector_store_idx %arg11[%add3A_62, %add3A_295], %add3A_309 : memref<32x256xf32, #tpu.memory_space<vmem>>[vector<16xi32>, vector<16xi32>], vector<16xf32>,
        %add3A_310 = arith.constant 7 : i32
        %add3A_311 = vector.broadcast %add3A_310 : i32 to vector<16xi32>
        %add3A_312 = arith.addi %add3A_190, %add3A_311 : vector<16xi32>
        %gather3A_313 = tpu.vector_load_idx %arg9[%add3A_59, %add3A_312] : memref<96x256xf32, #tpu.memory_space<vmem>>[vector<16xi32>, vector<16xi32>], vector<16xf32>,
        %add3A_314 = arith.constant 1 : i32
        %add3A_315 = vector.broadcast %add3A_314 : i32 to vector<16xi32>
        %add3A_316 = arith.addi %add3A_59, %add3A_315 : vector<16xi32>
        %gather3A_317 = tpu.vector_load_idx %arg9[%add3A_316, %add3A_312] : memref<96x256xf32, #tpu.memory_space<vmem>>[vector<16xi32>, vector<16xi32>], vector<16xf32>,
        %add3A_318 = arith.constant 2 : i32
        %add3A_319 = vector.broadcast %add3A_318 : i32 to vector<16xi32>
        %add3A_320 = arith.addi %add3A_59, %add3A_319 : vector<16xi32>
        %gather3A_321 = tpu.vector_load_idx %arg9[%add3A_320, %add3A_312] : memref<96x256xf32, #tpu.memory_space<vmem>>[vector<16xi32>, vector<16xi32>], vector<16xf32>,
        %mul3A_322 = arith.mulf %gather3A, %gather3A_313 : vector<16xf32>
        %mul3A_323 = arith.mulf %gather3A_49, %gather3A_317 : vector<16xf32>
        %add3A_324 = arith.addf %mul3A_322, %mul3A_323 : vector<16xf32>
        %mul3A_325 = arith.mulf %gather3A_53, %gather3A_321 : vector<16xf32>
        %add3A_326 = arith.addf %add3A_324, %mul3A_325 : vector<16xf32>
        tpu.vector_store_idx %arg11[%add3A_62, %add3A_312], %add3A_326 : memref<32x256xf32, #tpu.memory_space<vmem>>[vector<16xi32>, vector<16xi32>], vector<16xf32>,
      }
      %scan3A_67 = arith.constant 32 : i32
      %mul3A_68 = arith.constant 4 : i32
      %mul3A_69 = vector.broadcast %mul3A_68 : i32 to vector<16xi32>
      %mul3A_70 = arith.muli %iota3A, %mul3A_69 : vector<16xi32>
      %mul3A_71 = arith.constant 128 : i32
      %mul3A_72 = arith.muli %mul3A_22, %mul3A_71 : i32
      %add3A_73 = vector.broadcast %mul3A_72 : i32 to vector<16xi32>
      %add3A_74 = arith.addi %mul3A_70, %add3A_73 : vector<16xi32>
      %add3A_75 = arith.constant 64 : i32
      %add3A_76 = vector.broadcast %add3A_75 : i32 to vector<16xi32>
      %add3A_77 = arith.addi %add3A_74, %add3A_76 : vector<16xi32>
      %gather3A_78 = tpu.vector_load_idx %arg7[%add3A_77] : memref<2048xf32, #tpu.memory_space<vmem>>[vector<16xi32>], vector<16xf32>,
      %add3A_79 = arith.constant 1 : i32
      %add3A_80 = vector.broadcast %add3A_79 : i32 to vector<16xi32>
      %add3A_81 = arith.addi %add3A_77, %add3A_80 : vector<16xi32>
      %gather3A_82 = tpu.vector_load_idx %arg7[%add3A_81] : memref<2048xf32, #tpu.memory_space<vmem>>[vector<16xi32>], vector<16xf32>,
      %add3A_83 = arith.constant 2 : i32
      %add3A_84 = vector.broadcast %add3A_83 : i32 to vector<16xi32>
      %add3A_85 = arith.addi %add3A_77, %add3A_84 : vector<16xi32>
      %gather3A_86 = tpu.vector_load_idx %arg7[%add3A_85] : memref<2048xf32, #tpu.memory_space<vmem>>[vector<16xi32>], vector<16xf32>,
      %mul3A_87 = arith.constant 3 : i32
      %mul3A_88 = vector.broadcast %mul3A_87 : i32 to vector<16xi32>
      %mul3A_89 = arith.muli %iota3A, %mul3A_88 : vector<16xi32>
      %add3A_90 = arith.constant 48 : i32
      %add3A_91 = vector.broadcast %add3A_90 : i32 to vector<16xi32>
      %add3A_92 = arith.addi %mul3A_89, %add3A_91 : vector<16xi32>
      %add3A_93 = arith.constant 16 : i32
      %add3A_94 = vector.broadcast %add3A_93 : i32 to vector<16xi32>
      %add3A_95 = arith.addi %iota3A, %add3A_94 : vector<16xi32>
      %scan3A_96 = arith.constant 0 : i32
      %scan3A_97 = arith.constant 32 : i32
      %scan3A_98 = arith.addi %scan3A_96, %scan3A_97 : i32
      %scan3A_99 = arith.constant 1 : i32
      scf.for %scan3A_185 = %scan3A_96 to %scan3A_98 step %scan3A_99  : i32 {
        %broadcast_in_dim3A = arith.constant 0 : i32
        %broadcast_in_dim3A_186 = vector.broadcast %broadcast_in_dim3A : i32 to vector<16xi32>
        %mul3A_187 = arith.constant 8 : i32
        %mul3A_188 = arith.muli %scan3A_185, %mul3A_187 : i32
        %add3A_189 = vector.broadcast %mul3A_188 : i32 to vector<16xi32>
        %add3A_190 = arith.addi %broadcast_in_dim3A_186, %add3A_189 : vector<16xi32>
        %add3A_191 = arith.constant 0 : i32
        %add3A_192 = vector.broadcast %add3A_191 : i32 to vector<16xi32>
        %add3A_193 = arith.addi %add3A_190, %add3A_192 : vector<16xi32>
        %gather3A_194 = tpu.vector_load_idx %arg9[%add3A_92, %add3A_193] : memref<96x256xf32, #tpu.memory_space<vmem>>[vector<16xi32>, vector<16xi32>], vector<16xf32>,
        %add3A_195 = arith.constant 1 : i32
        %add3A_196 = vector.broadcast %add3A_195 : i32 to vector<16xi32>
        %add3A_197 = arith.addi %add3A_92, %add3A_196 : vector<16xi32>
        %gather3A_198 = tpu.vector_load_idx %arg9[%add3A_197, %add3A_193] : memref<96x256xf32, #tpu.memory_space<vmem>>[vector<16xi32>, vector<16xi32>], vector<16xf32>,
        %add3A_199 = arith.constant 2 : i32
        %add3A_200 = vector.broadcast %add3A_199 : i32 to vector<16xi32>
        %add3A_201 = arith.addi %add3A_92, %add3A_200 : vector<16xi32>
        %gather3A_202 = tpu.vector_load_idx %arg9[%add3A_201, %add3A_193] : memref<96x256xf32, #tpu.memory_space<vmem>>[vector<16xi32>, vector<16xi32>], vector<16xf32>,
        %mul3A_203 = arith.mulf %gather3A_78, %gather3A_194 : vector<16xf32>
        %mul3A_204 = arith.mulf %gather3A_82, %gather3A_198 : vector<16xf32>
        %add3A_205 = arith.addf %mul3A_203, %mul3A_204 : vector<16xf32>
        %mul3A_206 = arith.mulf %gather3A_86, %gather3A_202 : vector<16xf32>
        %add3A_207 = arith.addf %add3A_205, %mul3A_206 : vector<16xf32>
        tpu.vector_store_idx %arg11[%add3A_95, %add3A_193], %add3A_207 : memref<32x256xf32, #tpu.memory_space<vmem>>[vector<16xi32>, vector<16xi32>], vector<16xf32>,
        %add3A_208 = arith.constant 1 : i32
        %add3A_209 = vector.broadcast %add3A_208 : i32 to vector<16xi32>
        %add3A_210 = arith.addi %add3A_190, %add3A_209 : vector<16xi32>
        %gather3A_211 = tpu.vector_load_idx %arg9[%add3A_92, %add3A_210] : memref<96x256xf32, #tpu.memory_space<vmem>>[vector<16xi32>, vector<16xi32>], vector<16xf32>,
        %add3A_212 = arith.constant 1 : i32
        %add3A_213 = vector.broadcast %add3A_212 : i32 to vector<16xi32>
        %add3A_214 = arith.addi %add3A_92, %add3A_213 : vector<16xi32>
        %gather3A_215 = tpu.vector_load_idx %arg9[%add3A_214, %add3A_210] : memref<96x256xf32, #tpu.memory_space<vmem>>[vector<16xi32>, vector<16xi32>], vector<16xf32>,
        %add3A_216 = arith.constant 2 : i32
        %add3A_217 = vector.broadcast %add3A_216 : i32 to vector<16xi32>
        %add3A_218 = arith.addi %add3A_92, %add3A_217 : vector<16xi32>
        %gather3A_219 = tpu.vector_load_idx %arg9[%add3A_218, %add3A_210] : memref<96x256xf32, #tpu.memory_space<vmem>>[vector<16xi32>, vector<16xi32>], vector<16xf32>,
        %mul3A_220 = arith.mulf %gather3A_78, %gather3A_211 : vector<16xf32>
        %mul3A_221 = arith.mulf %gather3A_82, %gather3A_215 : vector<16xf32>
        %add3A_222 = arith.addf %mul3A_220, %mul3A_221 : vector<16xf32>
        %mul3A_223 = arith.mulf %gather3A_86, %gather3A_219 : vector<16xf32>
        %add3A_224 = arith.addf %add3A_222, %mul3A_223 : vector<16xf32>
        tpu.vector_store_idx %arg11[%add3A_95, %add3A_210], %add3A_224 : memref<32x256xf32, #tpu.memory_space<vmem>>[vector<16xi32>, vector<16xi32>], vector<16xf32>,
        %add3A_225 = arith.constant 2 : i32
        %add3A_226 = vector.broadcast %add3A_225 : i32 to vector<16xi32>
        %add3A_227 = arith.addi %add3A_190, %add3A_226 : vector<16xi32>
        %gather3A_228 = tpu.vector_load_idx %arg9[%add3A_92, %add3A_227] : memref<96x256xf32, #tpu.memory_space<vmem>>[vector<16xi32>, vector<16xi32>], vector<16xf32>,
        %add3A_229 = arith.constant 1 : i32
        %add3A_230 = vector.broadcast %add3A_229 : i32 to vector<16xi32>
        %add3A_231 = arith.addi %add3A_92, %add3A_230 : vector<16xi32>
        %gather3A_232 = tpu.vector_load_idx %arg9[%add3A_231, %add3A_227] : memref<96x256xf32, #tpu.memory_space<vmem>>[vector<16xi32>, vector<16xi32>], vector<16xf32>,
        %add3A_233 = arith.constant 2 : i32
        %add3A_234 = vector.broadcast %add3A_233 : i32 to vector<16xi32>
        %add3A_235 = arith.addi %add3A_92, %add3A_234 : vector<16xi32>
        %gather3A_236 = tpu.vector_load_idx %arg9[%add3A_235, %add3A_227] : memref<96x256xf32, #tpu.memory_space<vmem>>[vector<16xi32>, vector<16xi32>], vector<16xf32>,
        %mul3A_237 = arith.mulf %gather3A_78, %gather3A_228 : vector<16xf32>
        %mul3A_238 = arith.mulf %gather3A_82, %gather3A_232 : vector<16xf32>
        %add3A_239 = arith.addf %mul3A_237, %mul3A_238 : vector<16xf32>
        %mul3A_240 = arith.mulf %gather3A_86, %gather3A_236 : vector<16xf32>
        %add3A_241 = arith.addf %add3A_239, %mul3A_240 : vector<16xf32>
        tpu.vector_store_idx %arg11[%add3A_95, %add3A_227], %add3A_241 : memref<32x256xf32, #tpu.memory_space<vmem>>[vector<16xi32>, vector<16xi32>], vector<16xf32>,
        %add3A_242 = arith.constant 3 : i32
        %add3A_243 = vector.broadcast %add3A_242 : i32 to vector<16xi32>
        %add3A_244 = arith.addi %add3A_190, %add3A_243 : vector<16xi32>
        %gather3A_245 = tpu.vector_load_idx %arg9[%add3A_92, %add3A_244] : memref<96x256xf32, #tpu.memory_space<vmem>>[vector<16xi32>, vector<16xi32>], vector<16xf32>,
        %add3A_246 = arith.constant 1 : i32
        %add3A_247 = vector.broadcast %add3A_246 : i32 to vector<16xi32>
        %add3A_248 = arith.addi %add3A_92, %add3A_247 : vector<16xi32>
        %gather3A_249 = tpu.vector_load_idx %arg9[%add3A_248, %add3A_244] : memref<96x256xf32, #tpu.memory_space<vmem>>[vector<16xi32>, vector<16xi32>], vector<16xf32>,
        %add3A_250 = arith.constant 2 : i32
        %add3A_251 = vector.broadcast %add3A_250 : i32 to vector<16xi32>
        %add3A_252 = arith.addi %add3A_92, %add3A_251 : vector<16xi32>
        %gather3A_253 = tpu.vector_load_idx %arg9[%add3A_252, %add3A_244] : memref<96x256xf32, #tpu.memory_space<vmem>>[vector<16xi32>, vector<16xi32>], vector<16xf32>,
        %mul3A_254 = arith.mulf %gather3A_78, %gather3A_245 : vector<16xf32>
        %mul3A_255 = arith.mulf %gather3A_82, %gather3A_249 : vector<16xf32>
        %add3A_256 = arith.addf %mul3A_254, %mul3A_255 : vector<16xf32>
        %mul3A_257 = arith.mulf %gather3A_86, %gather3A_253 : vector<16xf32>
        %add3A_258 = arith.addf %add3A_256, %mul3A_257 : vector<16xf32>
        tpu.vector_store_idx %arg11[%add3A_95, %add3A_244], %add3A_258 : memref<32x256xf32, #tpu.memory_space<vmem>>[vector<16xi32>, vector<16xi32>], vector<16xf32>,
        %add3A_259 = arith.constant 4 : i32
        %add3A_260 = vector.broadcast %add3A_259 : i32 to vector<16xi32>
        %add3A_261 = arith.addi %add3A_190, %add3A_260 : vector<16xi32>
        %gather3A_262 = tpu.vector_load_idx %arg9[%add3A_92, %add3A_261] : memref<96x256xf32, #tpu.memory_space<vmem>>[vector<16xi32>, vector<16xi32>], vector<16xf32>,
        %add3A_263 = arith.constant 1 : i32
        %add3A_264 = vector.broadcast %add3A_263 : i32 to vector<16xi32>
        %add3A_265 = arith.addi %add3A_92, %add3A_264 : vector<16xi32>
        %gather3A_266 = tpu.vector_load_idx %arg9[%add3A_265, %add3A_261] : memref<96x256xf32, #tpu.memory_space<vmem>>[vector<16xi32>, vector<16xi32>], vector<16xf32>,
        %add3A_267 = arith.constant 2 : i32
        %add3A_268 = vector.broadcast %add3A_267 : i32 to vector<16xi32>
        %add3A_269 = arith.addi %add3A_92, %add3A_268 : vector<16xi32>
        %gather3A_270 = tpu.vector_load_idx %arg9[%add3A_269, %add3A_261] : memref<96x256xf32, #tpu.memory_space<vmem>>[vector<16xi32>, vector<16xi32>], vector<16xf32>,
        %mul3A_271 = arith.mulf %gather3A_78, %gather3A_262 : vector<16xf32>
        %mul3A_272 = arith.mulf %gather3A_82, %gather3A_266 : vector<16xf32>
        %add3A_273 = arith.addf %mul3A_271, %mul3A_272 : vector<16xf32>
        %mul3A_274 = arith.mulf %gather3A_86, %gather3A_270 : vector<16xf32>
        %add3A_275 = arith.addf %add3A_273, %mul3A_274 : vector<16xf32>
        tpu.vector_store_idx %arg11[%add3A_95, %add3A_261], %add3A_275 : memref<32x256xf32, #tpu.memory_space<vmem>>[vector<16xi32>, vector<16xi32>], vector<16xf32>,
        %add3A_276 = arith.constant 5 : i32
        %add3A_277 = vector.broadcast %add3A_276 : i32 to vector<16xi32>
        %add3A_278 = arith.addi %add3A_190, %add3A_277 : vector<16xi32>
        %gather3A_279 = tpu.vector_load_idx %arg9[%add3A_92, %add3A_278] : memref<96x256xf32, #tpu.memory_space<vmem>>[vector<16xi32>, vector<16xi32>], vector<16xf32>,
        %add3A_280 = arith.constant 1 : i32
        %add3A_281 = vector.broadcast %add3A_280 : i32 to vector<16xi32>
        %add3A_282 = arith.addi %add3A_92, %add3A_281 : vector<16xi32>
        %gather3A_283 = tpu.vector_load_idx %arg9[%add3A_282, %add3A_278] : memref<96x256xf32, #tpu.memory_space<vmem>>[vector<16xi32>, vector<16xi32>], vector<16xf32>,
        %add3A_284 = arith.constant 2 : i32
        %add3A_285 = vector.broadcast %add3A_284 : i32 to vector<16xi32>
        %add3A_286 = arith.addi %add3A_92, %add3A_285 : vector<16xi32>
        %gather3A_287 = tpu.vector_load_idx %arg9[%add3A_286, %add3A_278] : memref<96x256xf32, #tpu.memory_space<vmem>>[vector<16xi32>, vector<16xi32>], vector<16xf32>,
        %mul3A_288 = arith.mulf %gather3A_78, %gather3A_279 : vector<16xf32>
        %mul3A_289 = arith.mulf %gather3A_82, %gather3A_283 : vector<16xf32>
        %add3A_290 = arith.addf %mul3A_288, %mul3A_289 : vector<16xf32>
        %mul3A_291 = arith.mulf %gather3A_86, %gather3A_287 : vector<16xf32>
        %add3A_292 = arith.addf %add3A_290, %mul3A_291 : vector<16xf32>
        tpu.vector_store_idx %arg11[%add3A_95, %add3A_278], %add3A_292 : memref<32x256xf32, #tpu.memory_space<vmem>>[vector<16xi32>, vector<16xi32>], vector<16xf32>,
        %add3A_293 = arith.constant 6 : i32
        %add3A_294 = vector.broadcast %add3A_293 : i32 to vector<16xi32>
        %add3A_295 = arith.addi %add3A_190, %add3A_294 : vector<16xi32>
        %gather3A_296 = tpu.vector_load_idx %arg9[%add3A_92, %add3A_295] : memref<96x256xf32, #tpu.memory_space<vmem>>[vector<16xi32>, vector<16xi32>], vector<16xf32>,
        %add3A_297 = arith.constant 1 : i32
        %add3A_298 = vector.broadcast %add3A_297 : i32 to vector<16xi32>
        %add3A_299 = arith.addi %add3A_92, %add3A_298 : vector<16xi32>
        %gather3A_300 = tpu.vector_load_idx %arg9[%add3A_299, %add3A_295] : memref<96x256xf32, #tpu.memory_space<vmem>>[vector<16xi32>, vector<16xi32>], vector<16xf32>,
        %add3A_301 = arith.constant 2 : i32
        %add3A_302 = vector.broadcast %add3A_301 : i32 to vector<16xi32>
        %add3A_303 = arith.addi %add3A_92, %add3A_302 : vector<16xi32>
        %gather3A_304 = tpu.vector_load_idx %arg9[%add3A_303, %add3A_295] : memref<96x256xf32, #tpu.memory_space<vmem>>[vector<16xi32>, vector<16xi32>], vector<16xf32>,
        %mul3A_305 = arith.mulf %gather3A_78, %gather3A_296 : vector<16xf32>
        %mul3A_306 = arith.mulf %gather3A_82, %gather3A_300 : vector<16xf32>
        %add3A_307 = arith.addf %mul3A_305, %mul3A_306 : vector<16xf32>
        %mul3A_308 = arith.mulf %gather3A_86, %gather3A_304 : vector<16xf32>
        %add3A_309 = arith.addf %add3A_307, %mul3A_308 : vector<16xf32>
        tpu.vector_store_idx %arg11[%add3A_95, %add3A_295], %add3A_309 : memref<32x256xf32, #tpu.memory_space<vmem>>[vector<16xi32>, vector<16xi32>], vector<16xf32>,
        %add3A_310 = arith.constant 7 : i32
        %add3A_311 = vector.broadcast %add3A_310 : i32 to vector<16xi32>
        %add3A_312 = arith.addi %add3A_190, %add3A_311 : vector<16xi32>
        %gather3A_313 = tpu.vector_load_idx %arg9[%add3A_92, %add3A_312] : memref<96x256xf32, #tpu.memory_space<vmem>>[vector<16xi32>, vector<16xi32>], vector<16xf32>,
        %add3A_314 = arith.constant 1 : i32
        %add3A_315 = vector.broadcast %add3A_314 : i32 to vector<16xi32>
        %add3A_316 = arith.addi %add3A_92, %add3A_315 : vector<16xi32>
        %gather3A_317 = tpu.vector_load_idx %arg9[%add3A_316, %add3A_312] : memref<96x256xf32, #tpu.memory_space<vmem>>[vector<16xi32>, vector<16xi32>], vector<16xf32>,
        %add3A_318 = arith.constant 2 : i32
        %add3A_319 = vector.broadcast %add3A_318 : i32 to vector<16xi32>
        %add3A_320 = arith.addi %add3A_92, %add3A_319 : vector<16xi32>
        %gather3A_321 = tpu.vector_load_idx %arg9[%add3A_320, %add3A_312] : memref<96x256xf32, #tpu.memory_space<vmem>>[vector<16xi32>, vector<16xi32>], vector<16xf32>,
        %mul3A_322 = arith.mulf %gather3A_78, %gather3A_313 : vector<16xf32>
        %mul3A_323 = arith.mulf %gather3A_82, %gather3A_317 : vector<16xf32>
        %add3A_324 = arith.addf %mul3A_322, %mul3A_323 : vector<16xf32>
        %mul3A_325 = arith.mulf %gather3A_86, %gather3A_321 : vector<16xf32>
        %add3A_326 = arith.addf %add3A_324, %mul3A_325 : vector<16xf32>
        tpu.vector_store_idx %arg11[%add3A_95, %add3A_312], %add3A_326 : memref<32x256xf32, #tpu.memory_space<vmem>>[vector<16xi32>, vector<16xi32>], vector<16xf32>,
      }
      %scan3A_100 = arith.constant 32 : i32
      %mul3A_101 = arith.constant 32 : i32
      %mul3A_102 = arith.muli %mul3A_22, %mul3A_101 : i32
      %add3A_103 = arith.addi %mul3A_2, %mul3A_102 : i32
      "tpu.region"() ({
        %run_scoped3A = tpu.sem_alloc : memref<!tpu.dma_semaphore, #tpu.memory_space<semaphore_mem>>
        %dma_start3A_185 = arith.constant 0 : i32
        %dma_start3A_186 = tpu.memref_slice %arg5[%add3A_103, %dma_start3A_185] : memref<16384x256xf32, #tpu.memory_space<hbm>> -> memref<32x256xf32, #tpu.memory_space<hbm>>
        %dma_start3A_187 = arith.constant 0 : i32
        %dma_start3A_188 = tpu.memref_slice %arg5[%add3A_103, %dma_start3A_187] : memref<16384x256xf32, #tpu.memory_space<hbm>> -> memref<32x256xf32, #tpu.memory_space<hbm>>
        tpu.enqueue_dma source(%arg11 : memref<32x256xf32, #tpu.memory_space<vmem>>) target(%dma_start3A_188 : memref<32x256xf32, #tpu.memory_space<hbm>>) target_semaphore(%run_scoped3A : memref<!tpu.dma_semaphore, #tpu.memory_space<semaphore_mem>>)
        %dma_wait3A_189 = arith.constant 0 : i32
        %dma_wait3A_190 = tpu.memref_slice %arg5[%add3A_103, %dma_wait3A_189] : memref<16384x256xf32, #tpu.memory_space<hbm>> -> memref<32x256xf32, #tpu.memory_space<hbm>>
        %dma_wait3A_191 = arith.constant 0 : i32
        %dma_wait3A_192 = tpu.memref_slice %arg5[%add3A_103, %dma_wait3A_191] : memref<16384x256xf32, #tpu.memory_space<hbm>> -> memref<32x256xf32, #tpu.memory_space<hbm>>
        tpu.wait_dma2 semaphore(%run_scoped3A : memref<!tpu.dma_semaphore, #tpu.memory_space<semaphore_mem>>) src(%arg11 : memref<32x256xf32, #tpu.memory_space<vmem>>) dst(%dma_wait3A_192 : memref<32x256xf32, #tpu.memory_space<hbm>>)
        tpu.yield
      }) : () -> ()
      %add3A_104 = arith.constant 2 : i32
      %add3A_105 = arith.addi %mul3A_22, %add3A_104 : i32
      %lt3A = arith.constant 16 : i32
      %lt3A_106 = arith.cmpi slt, %add3A_105, %lt3A : i32
      %convert_element_type3A = arith.extui %lt3A_106 : i1 to i32
      %cond3A = arith.constant 0 : i32
      %cond3A_107 = arith.cmpi ne, %convert_element_type3A, %cond3A : i32
      scf.if %cond3A_107 {
        %add3A_185 = arith.constant 2 : i32
        %add3A_186 = arith.addi %mul3A_22, %add3A_185 : i32
        %mul3A_187 = arith.constant 96 : i32
        %mul3A_188 = arith.muli %add3A_186, %mul3A_187 : i32
        %dma_start3A_189 = tpu.memref_slice %arg8[%mul3A_188] : memref<1536xi32, #tpu.memory_space<vmem>> -> memref<96xi32, #tpu.memory_space<vmem>>
        %dma_start3A_190 = arith.constant 0 : i32
        %dma_start3A_191 = arith.constant 0 : i32
        %dma_start3A_192 = tpu.memref_slice %arg2[%dma_start3A_190, %dma_start3A_191] : memref<4096x256xf32, #tpu.memory_space<hbm>> -> memref<4096x256xf32, #tpu.memory_space<hbm>>
        tpu.enqueue_indirect_dma source(%dma_start3A_192 : memref<4096x256xf32, #tpu.memory_space<hbm>>) target(%arg9 : memref<96x256xf32, #tpu.memory_space<vmem>>) offsets(%dma_start3A_189 : memref<96xi32, #tpu.memory_space<vmem>>) semaphore(%arg13 : memref<!tpu.dma_semaphore, #tpu.memory_space<semaphore_mem>>)
      } else {
      }
      %dma_wait3A_108 = arith.constant 0 : i32
      %dma_wait3A_109 = arith.constant 0 : i32
      %dma_wait3A_110 = tpu.memref_slice %arg2[%dma_wait3A_108, %dma_wait3A_109] : memref<4096x256xf32, #tpu.memory_space<hbm>> -> memref<96x256xf32, #tpu.memory_space<hbm>>
      %dma_wait3A_111 = arith.constant 0 : i32
      %dma_wait3A_112 = arith.constant 0 : i32
      %dma_wait3A_113 = tpu.memref_slice %arg2[%dma_wait3A_111, %dma_wait3A_112] : memref<4096x256xf32, #tpu.memory_space<hbm>> -> memref<96x256xf32, #tpu.memory_space<hbm>>
      tpu.wait_dma2 semaphore(%arg14 : memref<!tpu.dma_semaphore, #tpu.memory_space<semaphore_mem>>) src(%dma_wait3A_113 : memref<96x256xf32, #tpu.memory_space<hbm>>) dst(%arg10 : memref<96x256xf32, #tpu.memory_space<vmem>>)
      %add3A_114 = arith.constant 1 : i32
      %add3A_115 = arith.addi %mul3A_22, %add3A_114 : i32
      %mul3A_116 = arith.constant 4 : i32
      %mul3A_117 = vector.broadcast %mul3A_116 : i32 to vector<16xi32>
      %mul3A_118 = arith.muli %iota3A, %mul3A_117 : vector<16xi32>
      %mul3A_119 = arith.constant 128 : i32
      %mul3A_120 = arith.muli %add3A_115, %mul3A_119 : i32
      %add3A_121 = vector.broadcast %mul3A_120 : i32 to vector<16xi32>
      %add3A_122 = arith.addi %mul3A_118, %add3A_121 : vector<16xi32>
      %add3A_123 = arith.constant 0 : i32
      %add3A_124 = vector.broadcast %add3A_123 : i32 to vector<16xi32>
      %add3A_125 = arith.addi %add3A_122, %add3A_124 : vector<16xi32>
      %gather3A_126 = tpu.vector_load_idx %arg7[%add3A_125] : memref<2048xf32, #tpu.memory_space<vmem>>[vector<16xi32>], vector<16xf32>,
      %add3A_127 = arith.constant 1 : i32
      %add3A_128 = vector.broadcast %add3A_127 : i32 to vector<16xi32>
      %add3A_129 = arith.addi %add3A_125, %add3A_128 : vector<16xi32>
      %gather3A_130 = tpu.vector_load_idx %arg7[%add3A_129] : memref<2048xf32, #tpu.memory_space<vmem>>[vector<16xi32>], vector<16xf32>,
      %add3A_131 = arith.constant 2 : i32
      %add3A_132 = vector.broadcast %add3A_131 : i32 to vector<16xi32>
      %add3A_133 = arith.addi %add3A_125, %add3A_132 : vector<16xi32>
      %gather3A_134 = tpu.vector_load_idx %arg7[%add3A_133] : memref<2048xf32, #tpu.memory_space<vmem>>[vector<16xi32>], vector<16xf32>,
      %mul3A_135 = arith.constant 3 : i32
      %mul3A_136 = vector.broadcast %mul3A_135 : i32 to vector<16xi32>
      %mul3A_137 = arith.muli %iota3A, %mul3A_136 : vector<16xi32>
      %add3A_138 = arith.constant 0 : i32
      %add3A_139 = vector.broadcast %add3A_138 : i32 to vector<16xi32>
      %add3A_140 = arith.addi %mul3A_137, %add3A_139 : vector<16xi32>
      %add3A_141 = arith.constant 0 : i32
      %add3A_142 = vector.broadcast %add3A_141 : i32 to vector<16xi32>
      %add3A_143 = arith.addi %iota3A, %add3A_142 : vector<16xi32>
      %scan3A_144 = arith.constant 0 : i32
      %scan3A_145 = arith.constant 32 : i32
      %scan3A_146 = arith.addi %scan3A_144, %scan3A_145 : i32
      %scan3A_147 = arith.constant 1 : i32
      scf.for %scan3A_185 = %scan3A_144 to %scan3A_146 step %scan3A_147  : i32 {
        %broadcast_in_dim3A = arith.constant 0 : i32
        %broadcast_in_dim3A_186 = vector.broadcast %broadcast_in_dim3A : i32 to vector<16xi32>
        %mul3A_187 = arith.constant 8 : i32
        %mul3A_188 = arith.muli %scan3A_185, %mul3A_187 : i32
        %add3A_189 = vector.broadcast %mul3A_188 : i32 to vector<16xi32>
        %add3A_190 = arith.addi %broadcast_in_dim3A_186, %add3A_189 : vector<16xi32>
        %add3A_191 = arith.constant 0 : i32
        %add3A_192 = vector.broadcast %add3A_191 : i32 to vector<16xi32>
        %add3A_193 = arith.addi %add3A_190, %add3A_192 : vector<16xi32>
        %gather3A_194 = tpu.vector_load_idx %arg10[%add3A_140, %add3A_193] : memref<96x256xf32, #tpu.memory_space<vmem>>[vector<16xi32>, vector<16xi32>], vector<16xf32>,
        %add3A_195 = arith.constant 1 : i32
        %add3A_196 = vector.broadcast %add3A_195 : i32 to vector<16xi32>
        %add3A_197 = arith.addi %add3A_140, %add3A_196 : vector<16xi32>
        %gather3A_198 = tpu.vector_load_idx %arg10[%add3A_197, %add3A_193] : memref<96x256xf32, #tpu.memory_space<vmem>>[vector<16xi32>, vector<16xi32>], vector<16xf32>,
        %add3A_199 = arith.constant 2 : i32
        %add3A_200 = vector.broadcast %add3A_199 : i32 to vector<16xi32>
        %add3A_201 = arith.addi %add3A_140, %add3A_200 : vector<16xi32>
        %gather3A_202 = tpu.vector_load_idx %arg10[%add3A_201, %add3A_193] : memref<96x256xf32, #tpu.memory_space<vmem>>[vector<16xi32>, vector<16xi32>], vector<16xf32>,
        %mul3A_203 = arith.mulf %gather3A_126, %gather3A_194 : vector<16xf32>
        %mul3A_204 = arith.mulf %gather3A_130, %gather3A_198 : vector<16xf32>
        %add3A_205 = arith.addf %mul3A_203, %mul3A_204 : vector<16xf32>
        %mul3A_206 = arith.mulf %gather3A_134, %gather3A_202 : vector<16xf32>
        %add3A_207 = arith.addf %add3A_205, %mul3A_206 : vector<16xf32>
        tpu.vector_store_idx %arg12[%add3A_143, %add3A_193], %add3A_207 : memref<32x256xf32, #tpu.memory_space<vmem>>[vector<16xi32>, vector<16xi32>], vector<16xf32>,
        %add3A_208 = arith.constant 1 : i32
        %add3A_209 = vector.broadcast %add3A_208 : i32 to vector<16xi32>
        %add3A_210 = arith.addi %add3A_190, %add3A_209 : vector<16xi32>
        %gather3A_211 = tpu.vector_load_idx %arg10[%add3A_140, %add3A_210] : memref<96x256xf32, #tpu.memory_space<vmem>>[vector<16xi32>, vector<16xi32>], vector<16xf32>,
        %add3A_212 = arith.constant 1 : i32
        %add3A_213 = vector.broadcast %add3A_212 : i32 to vector<16xi32>
        %add3A_214 = arith.addi %add3A_140, %add3A_213 : vector<16xi32>
        %gather3A_215 = tpu.vector_load_idx %arg10[%add3A_214, %add3A_210] : memref<96x256xf32, #tpu.memory_space<vmem>>[vector<16xi32>, vector<16xi32>], vector<16xf32>,
        %add3A_216 = arith.constant 2 : i32
        %add3A_217 = vector.broadcast %add3A_216 : i32 to vector<16xi32>
        %add3A_218 = arith.addi %add3A_140, %add3A_217 : vector<16xi32>
        %gather3A_219 = tpu.vector_load_idx %arg10[%add3A_218, %add3A_210] : memref<96x256xf32, #tpu.memory_space<vmem>>[vector<16xi32>, vector<16xi32>], vector<16xf32>,
        %mul3A_220 = arith.mulf %gather3A_126, %gather3A_211 : vector<16xf32>
        %mul3A_221 = arith.mulf %gather3A_130, %gather3A_215 : vector<16xf32>
        %add3A_222 = arith.addf %mul3A_220, %mul3A_221 : vector<16xf32>
        %mul3A_223 = arith.mulf %gather3A_134, %gather3A_219 : vector<16xf32>
        %add3A_224 = arith.addf %add3A_222, %mul3A_223 : vector<16xf32>
        tpu.vector_store_idx %arg12[%add3A_143, %add3A_210], %add3A_224 : memref<32x256xf32, #tpu.memory_space<vmem>>[vector<16xi32>, vector<16xi32>], vector<16xf32>,
        %add3A_225 = arith.constant 2 : i32
        %add3A_226 = vector.broadcast %add3A_225 : i32 to vector<16xi32>
        %add3A_227 = arith.addi %add3A_190, %add3A_226 : vector<16xi32>
        %gather3A_228 = tpu.vector_load_idx %arg10[%add3A_140, %add3A_227] : memref<96x256xf32, #tpu.memory_space<vmem>>[vector<16xi32>, vector<16xi32>], vector<16xf32>,
        %add3A_229 = arith.constant 1 : i32
        %add3A_230 = vector.broadcast %add3A_229 : i32 to vector<16xi32>
        %add3A_231 = arith.addi %add3A_140, %add3A_230 : vector<16xi32>
        %gather3A_232 = tpu.vector_load_idx %arg10[%add3A_231, %add3A_227] : memref<96x256xf32, #tpu.memory_space<vmem>>[vector<16xi32>, vector<16xi32>], vector<16xf32>,
        %add3A_233 = arith.constant 2 : i32
        %add3A_234 = vector.broadcast %add3A_233 : i32 to vector<16xi32>
        %add3A_235 = arith.addi %add3A_140, %add3A_234 : vector<16xi32>
        %gather3A_236 = tpu.vector_load_idx %arg10[%add3A_235, %add3A_227] : memref<96x256xf32, #tpu.memory_space<vmem>>[vector<16xi32>, vector<16xi32>], vector<16xf32>,
        %mul3A_237 = arith.mulf %gather3A_126, %gather3A_228 : vector<16xf32>
        %mul3A_238 = arith.mulf %gather3A_130, %gather3A_232 : vector<16xf32>
        %add3A_239 = arith.addf %mul3A_237, %mul3A_238 : vector<16xf32>
        %mul3A_240 = arith.mulf %gather3A_134, %gather3A_236 : vector<16xf32>
        %add3A_241 = arith.addf %add3A_239, %mul3A_240 : vector<16xf32>
        tpu.vector_store_idx %arg12[%add3A_143, %add3A_227], %add3A_241 : memref<32x256xf32, #tpu.memory_space<vmem>>[vector<16xi32>, vector<16xi32>], vector<16xf32>,
        %add3A_242 = arith.constant 3 : i32
        %add3A_243 = vector.broadcast %add3A_242 : i32 to vector<16xi32>
        %add3A_244 = arith.addi %add3A_190, %add3A_243 : vector<16xi32>
        %gather3A_245 = tpu.vector_load_idx %arg10[%add3A_140, %add3A_244] : memref<96x256xf32, #tpu.memory_space<vmem>>[vector<16xi32>, vector<16xi32>], vector<16xf32>,
        %add3A_246 = arith.constant 1 : i32
        %add3A_247 = vector.broadcast %add3A_246 : i32 to vector<16xi32>
        %add3A_248 = arith.addi %add3A_140, %add3A_247 : vector<16xi32>
        %gather3A_249 = tpu.vector_load_idx %arg10[%add3A_248, %add3A_244] : memref<96x256xf32, #tpu.memory_space<vmem>>[vector<16xi32>, vector<16xi32>], vector<16xf32>,
        %add3A_250 = arith.constant 2 : i32
        %add3A_251 = vector.broadcast %add3A_250 : i32 to vector<16xi32>
        %add3A_252 = arith.addi %add3A_140, %add3A_251 : vector<16xi32>
        %gather3A_253 = tpu.vector_load_idx %arg10[%add3A_252, %add3A_244] : memref<96x256xf32, #tpu.memory_space<vmem>>[vector<16xi32>, vector<16xi32>], vector<16xf32>,
        %mul3A_254 = arith.mulf %gather3A_126, %gather3A_245 : vector<16xf32>
        %mul3A_255 = arith.mulf %gather3A_130, %gather3A_249 : vector<16xf32>
        %add3A_256 = arith.addf %mul3A_254, %mul3A_255 : vector<16xf32>
        %mul3A_257 = arith.mulf %gather3A_134, %gather3A_253 : vector<16xf32>
        %add3A_258 = arith.addf %add3A_256, %mul3A_257 : vector<16xf32>
        tpu.vector_store_idx %arg12[%add3A_143, %add3A_244], %add3A_258 : memref<32x256xf32, #tpu.memory_space<vmem>>[vector<16xi32>, vector<16xi32>], vector<16xf32>,
        %add3A_259 = arith.constant 4 : i32
        %add3A_260 = vector.broadcast %add3A_259 : i32 to vector<16xi32>
        %add3A_261 = arith.addi %add3A_190, %add3A_260 : vector<16xi32>
        %gather3A_262 = tpu.vector_load_idx %arg10[%add3A_140, %add3A_261] : memref<96x256xf32, #tpu.memory_space<vmem>>[vector<16xi32>, vector<16xi32>], vector<16xf32>,
        %add3A_263 = arith.constant 1 : i32
        %add3A_264 = vector.broadcast %add3A_263 : i32 to vector<16xi32>
        %add3A_265 = arith.addi %add3A_140, %add3A_264 : vector<16xi32>
        %gather3A_266 = tpu.vector_load_idx %arg10[%add3A_265, %add3A_261] : memref<96x256xf32, #tpu.memory_space<vmem>>[vector<16xi32>, vector<16xi32>], vector<16xf32>,
        %add3A_267 = arith.constant 2 : i32
        %add3A_268 = vector.broadcast %add3A_267 : i32 to vector<16xi32>
        %add3A_269 = arith.addi %add3A_140, %add3A_268 : vector<16xi32>
        %gather3A_270 = tpu.vector_load_idx %arg10[%add3A_269, %add3A_261] : memref<96x256xf32, #tpu.memory_space<vmem>>[vector<16xi32>, vector<16xi32>], vector<16xf32>,
        %mul3A_271 = arith.mulf %gather3A_126, %gather3A_262 : vector<16xf32>
        %mul3A_272 = arith.mulf %gather3A_130, %gather3A_266 : vector<16xf32>
        %add3A_273 = arith.addf %mul3A_271, %mul3A_272 : vector<16xf32>
        %mul3A_274 = arith.mulf %gather3A_134, %gather3A_270 : vector<16xf32>
        %add3A_275 = arith.addf %add3A_273, %mul3A_274 : vector<16xf32>
        tpu.vector_store_idx %arg12[%add3A_143, %add3A_261], %add3A_275 : memref<32x256xf32, #tpu.memory_space<vmem>>[vector<16xi32>, vector<16xi32>], vector<16xf32>,
        %add3A_276 = arith.constant 5 : i32
        %add3A_277 = vector.broadcast %add3A_276 : i32 to vector<16xi32>
        %add3A_278 = arith.addi %add3A_190, %add3A_277 : vector<16xi32>
        %gather3A_279 = tpu.vector_load_idx %arg10[%add3A_140, %add3A_278] : memref<96x256xf32, #tpu.memory_space<vmem>>[vector<16xi32>, vector<16xi32>], vector<16xf32>,
        %add3A_280 = arith.constant 1 : i32
        %add3A_281 = vector.broadcast %add3A_280 : i32 to vector<16xi32>
        %add3A_282 = arith.addi %add3A_140, %add3A_281 : vector<16xi32>
        %gather3A_283 = tpu.vector_load_idx %arg10[%add3A_282, %add3A_278] : memref<96x256xf32, #tpu.memory_space<vmem>>[vector<16xi32>, vector<16xi32>], vector<16xf32>,
        %add3A_284 = arith.constant 2 : i32
        %add3A_285 = vector.broadcast %add3A_284 : i32 to vector<16xi32>
        %add3A_286 = arith.addi %add3A_140, %add3A_285 : vector<16xi32>
        %gather3A_287 = tpu.vector_load_idx %arg10[%add3A_286, %add3A_278] : memref<96x256xf32, #tpu.memory_space<vmem>>[vector<16xi32>, vector<16xi32>], vector<16xf32>,
        %mul3A_288 = arith.mulf %gather3A_126, %gather3A_279 : vector<16xf32>
        %mul3A_289 = arith.mulf %gather3A_130, %gather3A_283 : vector<16xf32>
        %add3A_290 = arith.addf %mul3A_288, %mul3A_289 : vector<16xf32>
        %mul3A_291 = arith.mulf %gather3A_134, %gather3A_287 : vector<16xf32>
        %add3A_292 = arith.addf %add3A_290, %mul3A_291 : vector<16xf32>
        tpu.vector_store_idx %arg12[%add3A_143, %add3A_278], %add3A_292 : memref<32x256xf32, #tpu.memory_space<vmem>>[vector<16xi32>, vector<16xi32>], vector<16xf32>,
        %add3A_293 = arith.constant 6 : i32
        %add3A_294 = vector.broadcast %add3A_293 : i32 to vector<16xi32>
        %add3A_295 = arith.addi %add3A_190, %add3A_294 : vector<16xi32>
        %gather3A_296 = tpu.vector_load_idx %arg10[%add3A_140, %add3A_295] : memref<96x256xf32, #tpu.memory_space<vmem>>[vector<16xi32>, vector<16xi32>], vector<16xf32>,
        %add3A_297 = arith.constant 1 : i32
        %add3A_298 = vector.broadcast %add3A_297 : i32 to vector<16xi32>
        %add3A_299 = arith.addi %add3A_140, %add3A_298 : vector<16xi32>
        %gather3A_300 = tpu.vector_load_idx %arg10[%add3A_299, %add3A_295] : memref<96x256xf32, #tpu.memory_space<vmem>>[vector<16xi32>, vector<16xi32>], vector<16xf32>,
        %add3A_301 = arith.constant 2 : i32
        %add3A_302 = vector.broadcast %add3A_301 : i32 to vector<16xi32>
        %add3A_303 = arith.addi %add3A_140, %add3A_302 : vector<16xi32>
        %gather3A_304 = tpu.vector_load_idx %arg10[%add3A_303, %add3A_295] : memref<96x256xf32, #tpu.memory_space<vmem>>[vector<16xi32>, vector<16xi32>], vector<16xf32>,
        %mul3A_305 = arith.mulf %gather3A_126, %gather3A_296 : vector<16xf32>
        %mul3A_306 = arith.mulf %gather3A_130, %gather3A_300 : vector<16xf32>
        %add3A_307 = arith.addf %mul3A_305, %mul3A_306 : vector<16xf32>
        %mul3A_308 = arith.mulf %gather3A_134, %gather3A_304 : vector<16xf32>
        %add3A_309 = arith.addf %add3A_307, %mul3A_308 : vector<16xf32>
        tpu.vector_store_idx %arg12[%add3A_143, %add3A_295], %add3A_309 : memref<32x256xf32, #tpu.memory_space<vmem>>[vector<16xi32>, vector<16xi32>], vector<16xf32>,
        %add3A_310 = arith.constant 7 : i32
        %add3A_311 = vector.broadcast %add3A_310 : i32 to vector<16xi32>
        %add3A_312 = arith.addi %add3A_190, %add3A_311 : vector<16xi32>
        %gather3A_313 = tpu.vector_load_idx %arg10[%add3A_140, %add3A_312] : memref<96x256xf32, #tpu.memory_space<vmem>>[vector<16xi32>, vector<16xi32>], vector<16xf32>,
        %add3A_314 = arith.constant 1 : i32
        %add3A_315 = vector.broadcast %add3A_314 : i32 to vector<16xi32>
        %add3A_316 = arith.addi %add3A_140, %add3A_315 : vector<16xi32>
        %gather3A_317 = tpu.vector_load_idx %arg10[%add3A_316, %add3A_312] : memref<96x256xf32, #tpu.memory_space<vmem>>[vector<16xi32>, vector<16xi32>], vector<16xf32>,
        %add3A_318 = arith.constant 2 : i32
        %add3A_319 = vector.broadcast %add3A_318 : i32 to vector<16xi32>
        %add3A_320 = arith.addi %add3A_140, %add3A_319 : vector<16xi32>
        %gather3A_321 = tpu.vector_load_idx %arg10[%add3A_320, %add3A_312] : memref<96x256xf32, #tpu.memory_space<vmem>>[vector<16xi32>, vector<16xi32>], vector<16xf32>,
        %mul3A_322 = arith.mulf %gather3A_126, %gather3A_313 : vector<16xf32>
        %mul3A_323 = arith.mulf %gather3A_130, %gather3A_317 : vector<16xf32>
        %add3A_324 = arith.addf %mul3A_322, %mul3A_323 : vector<16xf32>
        %mul3A_325 = arith.mulf %gather3A_134, %gather3A_321 : vector<16xf32>
        %add3A_326 = arith.addf %add3A_324, %mul3A_325 : vector<16xf32>
        tpu.vector_store_idx %arg12[%add3A_143, %add3A_312], %add3A_326 : memref<32x256xf32, #tpu.memory_space<vmem>>[vector<16xi32>, vector<16xi32>], vector<16xf32>,
      }
      %scan3A_148 = arith.constant 32 : i32
      %mul3A_149 = arith.constant 4 : i32
      %mul3A_150 = vector.broadcast %mul3A_149 : i32 to vector<16xi32>
      %mul3A_151 = arith.muli %iota3A, %mul3A_150 : vector<16xi32>
      %mul3A_152 = arith.constant 128 : i32
      %mul3A_153 = arith.muli %add3A_115, %mul3A_152 : i32
      %add3A_154 = vector.broadcast %mul3A_153 : i32 to vector<16xi32>
      %add3A_155 = arith.addi %mul3A_151, %add3A_154 : vector<16xi32>
      %add3A_156 = arith.constant 64 : i32
      %add3A_157 = vector.broadcast %add3A_156 : i32 to vector<16xi32>
      %add3A_158 = arith.addi %add3A_155, %add3A_157 : vector<16xi32>
      %gather3A_159 = tpu.vector_load_idx %arg7[%add3A_158] : memref<2048xf32, #tpu.memory_space<vmem>>[vector<16xi32>], vector<16xf32>,
      %add3A_160 = arith.constant 1 : i32
      %add3A_161 = vector.broadcast %add3A_160 : i32 to vector<16xi32>
      %add3A_162 = arith.addi %add3A_158, %add3A_161 : vector<16xi32>
      %gather3A_163 = tpu.vector_load_idx %arg7[%add3A_162] : memref<2048xf32, #tpu.memory_space<vmem>>[vector<16xi32>], vector<16xf32>,
      %add3A_164 = arith.constant 2 : i32
      %add3A_165 = vector.broadcast %add3A_164 : i32 to vector<16xi32>
      %add3A_166 = arith.addi %add3A_158, %add3A_165 : vector<16xi32>
      %gather3A_167 = tpu.vector_load_idx %arg7[%add3A_166] : memref<2048xf32, #tpu.memory_space<vmem>>[vector<16xi32>], vector<16xf32>,
      %mul3A_168 = arith.constant 3 : i32
      %mul3A_169 = vector.broadcast %mul3A_168 : i32 to vector<16xi32>
      %mul3A_170 = arith.muli %iota3A, %mul3A_169 : vector<16xi32>
      %add3A_171 = arith.constant 48 : i32
      %add3A_172 = vector.broadcast %add3A_171 : i32 to vector<16xi32>
      %add3A_173 = arith.addi %mul3A_170, %add3A_172 : vector<16xi32>
      %add3A_174 = arith.constant 16 : i32
      %add3A_175 = vector.broadcast %add3A_174 : i32 to vector<16xi32>
      %add3A_176 = arith.addi %iota3A, %add3A_175 : vector<16xi32>
      %scan3A_177 = arith.constant 0 : i32
      %scan3A_178 = arith.constant 32 : i32
      %scan3A_179 = arith.addi %scan3A_177, %scan3A_178 : i32
      %scan3A_180 = arith.constant 1 : i32
      scf.for %scan3A_185 = %scan3A_177 to %scan3A_179 step %scan3A_180  : i32 {
        %broadcast_in_dim3A = arith.constant 0 : i32
        %broadcast_in_dim3A_186 = vector.broadcast %broadcast_in_dim3A : i32 to vector<16xi32>
        %mul3A_187 = arith.constant 8 : i32
        %mul3A_188 = arith.muli %scan3A_185, %mul3A_187 : i32
        %add3A_189 = vector.broadcast %mul3A_188 : i32 to vector<16xi32>
        %add3A_190 = arith.addi %broadcast_in_dim3A_186, %add3A_189 : vector<16xi32>
        %add3A_191 = arith.constant 0 : i32
        %add3A_192 = vector.broadcast %add3A_191 : i32 to vector<16xi32>
        %add3A_193 = arith.addi %add3A_190, %add3A_192 : vector<16xi32>
        %gather3A_194 = tpu.vector_load_idx %arg10[%add3A_173, %add3A_193] : memref<96x256xf32, #tpu.memory_space<vmem>>[vector<16xi32>, vector<16xi32>], vector<16xf32>,
        %add3A_195 = arith.constant 1 : i32
        %add3A_196 = vector.broadcast %add3A_195 : i32 to vector<16xi32>
        %add3A_197 = arith.addi %add3A_173, %add3A_196 : vector<16xi32>
        %gather3A_198 = tpu.vector_load_idx %arg10[%add3A_197, %add3A_193] : memref<96x256xf32, #tpu.memory_space<vmem>>[vector<16xi32>, vector<16xi32>], vector<16xf32>,
        %add3A_199 = arith.constant 2 : i32
        %add3A_200 = vector.broadcast %add3A_199 : i32 to vector<16xi32>
        %add3A_201 = arith.addi %add3A_173, %add3A_200 : vector<16xi32>
        %gather3A_202 = tpu.vector_load_idx %arg10[%add3A_201, %add3A_193] : memref<96x256xf32, #tpu.memory_space<vmem>>[vector<16xi32>, vector<16xi32>], vector<16xf32>,
        %mul3A_203 = arith.mulf %gather3A_159, %gather3A_194 : vector<16xf32>
        %mul3A_204 = arith.mulf %gather3A_163, %gather3A_198 : vector<16xf32>
        %add3A_205 = arith.addf %mul3A_203, %mul3A_204 : vector<16xf32>
        %mul3A_206 = arith.mulf %gather3A_167, %gather3A_202 : vector<16xf32>
        %add3A_207 = arith.addf %add3A_205, %mul3A_206 : vector<16xf32>
        tpu.vector_store_idx %arg12[%add3A_176, %add3A_193], %add3A_207 : memref<32x256xf32, #tpu.memory_space<vmem>>[vector<16xi32>, vector<16xi32>], vector<16xf32>,
        %add3A_208 = arith.constant 1 : i32
        %add3A_209 = vector.broadcast %add3A_208 : i32 to vector<16xi32>
        %add3A_210 = arith.addi %add3A_190, %add3A_209 : vector<16xi32>
        %gather3A_211 = tpu.vector_load_idx %arg10[%add3A_173, %add3A_210] : memref<96x256xf32, #tpu.memory_space<vmem>>[vector<16xi32>, vector<16xi32>], vector<16xf32>,
        %add3A_212 = arith.constant 1 : i32
        %add3A_213 = vector.broadcast %add3A_212 : i32 to vector<16xi32>
        %add3A_214 = arith.addi %add3A_173, %add3A_213 : vector<16xi32>
        %gather3A_215 = tpu.vector_load_idx %arg10[%add3A_214, %add3A_210] : memref<96x256xf32, #tpu.memory_space<vmem>>[vector<16xi32>, vector<16xi32>], vector<16xf32>,
        %add3A_216 = arith.constant 2 : i32
        %add3A_217 = vector.broadcast %add3A_216 : i32 to vector<16xi32>
        %add3A_218 = arith.addi %add3A_173, %add3A_217 : vector<16xi32>
        %gather3A_219 = tpu.vector_load_idx %arg10[%add3A_218, %add3A_210] : memref<96x256xf32, #tpu.memory_space<vmem>>[vector<16xi32>, vector<16xi32>], vector<16xf32>,
        %mul3A_220 = arith.mulf %gather3A_159, %gather3A_211 : vector<16xf32>
        %mul3A_221 = arith.mulf %gather3A_163, %gather3A_215 : vector<16xf32>
        %add3A_222 = arith.addf %mul3A_220, %mul3A_221 : vector<16xf32>
        %mul3A_223 = arith.mulf %gather3A_167, %gather3A_219 : vector<16xf32>
        %add3A_224 = arith.addf %add3A_222, %mul3A_223 : vector<16xf32>
        tpu.vector_store_idx %arg12[%add3A_176, %add3A_210], %add3A_224 : memref<32x256xf32, #tpu.memory_space<vmem>>[vector<16xi32>, vector<16xi32>], vector<16xf32>,
        %add3A_225 = arith.constant 2 : i32
        %add3A_226 = vector.broadcast %add3A_225 : i32 to vector<16xi32>
        %add3A_227 = arith.addi %add3A_190, %add3A_226 : vector<16xi32>
        %gather3A_228 = tpu.vector_load_idx %arg10[%add3A_173, %add3A_227] : memref<96x256xf32, #tpu.memory_space<vmem>>[vector<16xi32>, vector<16xi32>], vector<16xf32>,
        %add3A_229 = arith.constant 1 : i32
        %add3A_230 = vector.broadcast %add3A_229 : i32 to vector<16xi32>
        %add3A_231 = arith.addi %add3A_173, %add3A_230 : vector<16xi32>
        %gather3A_232 = tpu.vector_load_idx %arg10[%add3A_231, %add3A_227] : memref<96x256xf32, #tpu.memory_space<vmem>>[vector<16xi32>, vector<16xi32>], vector<16xf32>,
        %add3A_233 = arith.constant 2 : i32
        %add3A_234 = vector.broadcast %add3A_233 : i32 to vector<16xi32>
        %add3A_235 = arith.addi %add3A_173, %add3A_234 : vector<16xi32>
        %gather3A_236 = tpu.vector_load_idx %arg10[%add3A_235, %add3A_227] : memref<96x256xf32, #tpu.memory_space<vmem>>[vector<16xi32>, vector<16xi32>], vector<16xf32>,
        %mul3A_237 = arith.mulf %gather3A_159, %gather3A_228 : vector<16xf32>
        %mul3A_238 = arith.mulf %gather3A_163, %gather3A_232 : vector<16xf32>
        %add3A_239 = arith.addf %mul3A_237, %mul3A_238 : vector<16xf32>
        %mul3A_240 = arith.mulf %gather3A_167, %gather3A_236 : vector<16xf32>
        %add3A_241 = arith.addf %add3A_239, %mul3A_240 : vector<16xf32>
        tpu.vector_store_idx %arg12[%add3A_176, %add3A_227], %add3A_241 : memref<32x256xf32, #tpu.memory_space<vmem>>[vector<16xi32>, vector<16xi32>], vector<16xf32>,
        %add3A_242 = arith.constant 3 : i32
        %add3A_243 = vector.broadcast %add3A_242 : i32 to vector<16xi32>
        %add3A_244 = arith.addi %add3A_190, %add3A_243 : vector<16xi32>
        %gather3A_245 = tpu.vector_load_idx %arg10[%add3A_173, %add3A_244] : memref<96x256xf32, #tpu.memory_space<vmem>>[vector<16xi32>, vector<16xi32>], vector<16xf32>,
        %add3A_246 = arith.constant 1 : i32
        %add3A_247 = vector.broadcast %add3A_246 : i32 to vector<16xi32>
        %add3A_248 = arith.addi %add3A_173, %add3A_247 : vector<16xi32>
        %gather3A_249 = tpu.vector_load_idx %arg10[%add3A_248, %add3A_244] : memref<96x256xf32, #tpu.memory_space<vmem>>[vector<16xi32>, vector<16xi32>], vector<16xf32>,
        %add3A_250 = arith.constant 2 : i32
        %add3A_251 = vector.broadcast %add3A_250 : i32 to vector<16xi32>
        %add3A_252 = arith.addi %add3A_173, %add3A_251 : vector<16xi32>
        %gather3A_253 = tpu.vector_load_idx %arg10[%add3A_252, %add3A_244] : memref<96x256xf32, #tpu.memory_space<vmem>>[vector<16xi32>, vector<16xi32>], vector<16xf32>,
        %mul3A_254 = arith.mulf %gather3A_159, %gather3A_245 : vector<16xf32>
        %mul3A_255 = arith.mulf %gather3A_163, %gather3A_249 : vector<16xf32>
        %add3A_256 = arith.addf %mul3A_254, %mul3A_255 : vector<16xf32>
        %mul3A_257 = arith.mulf %gather3A_167, %gather3A_253 : vector<16xf32>
        %add3A_258 = arith.addf %add3A_256, %mul3A_257 : vector<16xf32>
        tpu.vector_store_idx %arg12[%add3A_176, %add3A_244], %add3A_258 : memref<32x256xf32, #tpu.memory_space<vmem>>[vector<16xi32>, vector<16xi32>], vector<16xf32>,
        %add3A_259 = arith.constant 4 : i32
        %add3A_260 = vector.broadcast %add3A_259 : i32 to vector<16xi32>
        %add3A_261 = arith.addi %add3A_190, %add3A_260 : vector<16xi32>
        %gather3A_262 = tpu.vector_load_idx %arg10[%add3A_173, %add3A_261] : memref<96x256xf32, #tpu.memory_space<vmem>>[vector<16xi32>, vector<16xi32>], vector<16xf32>,
        %add3A_263 = arith.constant 1 : i32
        %add3A_264 = vector.broadcast %add3A_263 : i32 to vector<16xi32>
        %add3A_265 = arith.addi %add3A_173, %add3A_264 : vector<16xi32>
        %gather3A_266 = tpu.vector_load_idx %arg10[%add3A_265, %add3A_261] : memref<96x256xf32, #tpu.memory_space<vmem>>[vector<16xi32>, vector<16xi32>], vector<16xf32>,
        %add3A_267 = arith.constant 2 : i32
        %add3A_268 = vector.broadcast %add3A_267 : i32 to vector<16xi32>
        %add3A_269 = arith.addi %add3A_173, %add3A_268 : vector<16xi32>
        %gather3A_270 = tpu.vector_load_idx %arg10[%add3A_269, %add3A_261] : memref<96x256xf32, #tpu.memory_space<vmem>>[vector<16xi32>, vector<16xi32>], vector<16xf32>,
        %mul3A_271 = arith.mulf %gather3A_159, %gather3A_262 : vector<16xf32>
        %mul3A_272 = arith.mulf %gather3A_163, %gather3A_266 : vector<16xf32>
        %add3A_273 = arith.addf %mul3A_271, %mul3A_272 : vector<16xf32>
        %mul3A_274 = arith.mulf %gather3A_167, %gather3A_270 : vector<16xf32>
        %add3A_275 = arith.addf %add3A_273, %mul3A_274 : vector<16xf32>
        tpu.vector_store_idx %arg12[%add3A_176, %add3A_261], %add3A_275 : memref<32x256xf32, #tpu.memory_space<vmem>>[vector<16xi32>, vector<16xi32>], vector<16xf32>,
        %add3A_276 = arith.constant 5 : i32
        %add3A_277 = vector.broadcast %add3A_276 : i32 to vector<16xi32>
        %add3A_278 = arith.addi %add3A_190, %add3A_277 : vector<16xi32>
        %gather3A_279 = tpu.vector_load_idx %arg10[%add3A_173, %add3A_278] : memref<96x256xf32, #tpu.memory_space<vmem>>[vector<16xi32>, vector<16xi32>], vector<16xf32>,
        %add3A_280 = arith.constant 1 : i32
        %add3A_281 = vector.broadcast %add3A_280 : i32 to vector<16xi32>
        %add3A_282 = arith.addi %add3A_173, %add3A_281 : vector<16xi32>
        %gather3A_283 = tpu.vector_load_idx %arg10[%add3A_282, %add3A_278] : memref<96x256xf32, #tpu.memory_space<vmem>>[vector<16xi32>, vector<16xi32>], vector<16xf32>,
        %add3A_284 = arith.constant 2 : i32
        %add3A_285 = vector.broadcast %add3A_284 : i32 to vector<16xi32>
        %add3A_286 = arith.addi %add3A_173, %add3A_285 : vector<16xi32>
        %gather3A_287 = tpu.vector_load_idx %arg10[%add3A_286, %add3A_278] : memref<96x256xf32, #tpu.memory_space<vmem>>[vector<16xi32>, vector<16xi32>], vector<16xf32>,
        %mul3A_288 = arith.mulf %gather3A_159, %gather3A_279 : vector<16xf32>
        %mul3A_289 = arith.mulf %gather3A_163, %gather3A_283 : vector<16xf32>
        %add3A_290 = arith.addf %mul3A_288, %mul3A_289 : vector<16xf32>
        %mul3A_291 = arith.mulf %gather3A_167, %gather3A_287 : vector<16xf32>
        %add3A_292 = arith.addf %add3A_290, %mul3A_291 : vector<16xf32>
        tpu.vector_store_idx %arg12[%add3A_176, %add3A_278], %add3A_292 : memref<32x256xf32, #tpu.memory_space<vmem>>[vector<16xi32>, vector<16xi32>], vector<16xf32>,
        %add3A_293 = arith.constant 6 : i32
        %add3A_294 = vector.broadcast %add3A_293 : i32 to vector<16xi32>
        %add3A_295 = arith.addi %add3A_190, %add3A_294 : vector<16xi32>
        %gather3A_296 = tpu.vector_load_idx %arg10[%add3A_173, %add3A_295] : memref<96x256xf32, #tpu.memory_space<vmem>>[vector<16xi32>, vector<16xi32>], vector<16xf32>,
        %add3A_297 = arith.constant 1 : i32
        %add3A_298 = vector.broadcast %add3A_297 : i32 to vector<16xi32>
        %add3A_299 = arith.addi %add3A_173, %add3A_298 : vector<16xi32>
        %gather3A_300 = tpu.vector_load_idx %arg10[%add3A_299, %add3A_295] : memref<96x256xf32, #tpu.memory_space<vmem>>[vector<16xi32>, vector<16xi32>], vector<16xf32>,
        %add3A_301 = arith.constant 2 : i32
        %add3A_302 = vector.broadcast %add3A_301 : i32 to vector<16xi32>
        %add3A_303 = arith.addi %add3A_173, %add3A_302 : vector<16xi32>
        %gather3A_304 = tpu.vector_load_idx %arg10[%add3A_303, %add3A_295] : memref<96x256xf32, #tpu.memory_space<vmem>>[vector<16xi32>, vector<16xi32>], vector<16xf32>,
        %mul3A_305 = arith.mulf %gather3A_159, %gather3A_296 : vector<16xf32>
        %mul3A_306 = arith.mulf %gather3A_163, %gather3A_300 : vector<16xf32>
        %add3A_307 = arith.addf %mul3A_305, %mul3A_306 : vector<16xf32>
        %mul3A_308 = arith.mulf %gather3A_167, %gather3A_304 : vector<16xf32>
        %add3A_309 = arith.addf %add3A_307, %mul3A_308 : vector<16xf32>
        tpu.vector_store_idx %arg12[%add3A_176, %add3A_295], %add3A_309 : memref<32x256xf32, #tpu.memory_space<vmem>>[vector<16xi32>, vector<16xi32>], vector<16xf32>,
        %add3A_310 = arith.constant 7 : i32
        %add3A_311 = vector.broadcast %add3A_310 : i32 to vector<16xi32>
        %add3A_312 = arith.addi %add3A_190, %add3A_311 : vector<16xi32>
        %gather3A_313 = tpu.vector_load_idx %arg10[%add3A_173, %add3A_312] : memref<96x256xf32, #tpu.memory_space<vmem>>[vector<16xi32>, vector<16xi32>], vector<16xf32>,
        %add3A_314 = arith.constant 1 : i32
        %add3A_315 = vector.broadcast %add3A_314 : i32 to vector<16xi32>
        %add3A_316 = arith.addi %add3A_173, %add3A_315 : vector<16xi32>
        %gather3A_317 = tpu.vector_load_idx %arg10[%add3A_316, %add3A_312] : memref<96x256xf32, #tpu.memory_space<vmem>>[vector<16xi32>, vector<16xi32>], vector<16xf32>,
        %add3A_318 = arith.constant 2 : i32
        %add3A_319 = vector.broadcast %add3A_318 : i32 to vector<16xi32>
        %add3A_320 = arith.addi %add3A_173, %add3A_319 : vector<16xi32>
        %gather3A_321 = tpu.vector_load_idx %arg10[%add3A_320, %add3A_312] : memref<96x256xf32, #tpu.memory_space<vmem>>[vector<16xi32>, vector<16xi32>], vector<16xf32>,
        %mul3A_322 = arith.mulf %gather3A_159, %gather3A_313 : vector<16xf32>
        %mul3A_323 = arith.mulf %gather3A_163, %gather3A_317 : vector<16xf32>
        %add3A_324 = arith.addf %mul3A_322, %mul3A_323 : vector<16xf32>
        %mul3A_325 = arith.mulf %gather3A_167, %gather3A_321 : vector<16xf32>
        %add3A_326 = arith.addf %add3A_324, %mul3A_325 : vector<16xf32>
        tpu.vector_store_idx %arg12[%add3A_176, %add3A_312], %add3A_326 : memref<32x256xf32, #tpu.memory_space<vmem>>[vector<16xi32>, vector<16xi32>], vector<16xf32>,
      }
      %scan3A_181 = arith.constant 32 : i32
      %mul3A_182 = arith.constant 32 : i32
      %mul3A_183 = arith.muli %add3A_115, %mul3A_182 : i32
      %add3A_184 = arith.addi %mul3A_2, %mul3A_183 : i32
      "tpu.region"() ({
        %run_scoped3A = tpu.sem_alloc : memref<!tpu.dma_semaphore, #tpu.memory_space<semaphore_mem>>
        %dma_start3A_185 = arith.constant 0 : i32
        %dma_start3A_186 = tpu.memref_slice %arg5[%add3A_184, %dma_start3A_185] : memref<16384x256xf32, #tpu.memory_space<hbm>> -> memref<32x256xf32, #tpu.memory_space<hbm>>
        %dma_start3A_187 = arith.constant 0 : i32
        %dma_start3A_188 = tpu.memref_slice %arg5[%add3A_184, %dma_start3A_187] : memref<16384x256xf32, #tpu.memory_space<hbm>> -> memref<32x256xf32, #tpu.memory_space<hbm>>
        tpu.enqueue_dma source(%arg12 : memref<32x256xf32, #tpu.memory_space<vmem>>) target(%dma_start3A_188 : memref<32x256xf32, #tpu.memory_space<hbm>>) target_semaphore(%run_scoped3A : memref<!tpu.dma_semaphore, #tpu.memory_space<semaphore_mem>>)
        %dma_wait3A_189 = arith.constant 0 : i32
        %dma_wait3A_190 = tpu.memref_slice %arg5[%add3A_184, %dma_wait3A_189] : memref<16384x256xf32, #tpu.memory_space<hbm>> -> memref<32x256xf32, #tpu.memory_space<hbm>>
        %dma_wait3A_191 = arith.constant 0 : i32
        %dma_wait3A_192 = tpu.memref_slice %arg5[%add3A_184, %dma_wait3A_191] : memref<16384x256xf32, #tpu.memory_space<hbm>> -> memref<32x256xf32, #tpu.memory_space<hbm>>
        tpu.wait_dma2 semaphore(%run_scoped3A : memref<!tpu.dma_semaphore, #tpu.memory_space<semaphore_mem>>) src(%arg12 : memref<32x256xf32, #tpu.memory_space<vmem>>) dst(%dma_wait3A_192 : memref<32x256xf32, #tpu.memory_space<hbm>>)
        tpu.yield
      }) : () -> ()
    }
    %scan3A_19 = arith.constant 8 : i32
    return
  }
}

#map = affine_map<(d0, d1) -> (0, 0)>
#map1 = affine_map<(d0, d1) -> (0)>
module attributes {stable_mosaic.version = 14 : i64} {
  func.func @_sc_interp_body(%arg0: i32, %arg1: i32, %arg2: memref<4096x256xf32, #tpu.memory_space<hbm>>, %arg3: memref<65536xi32, #tpu.memory_space<hbm>>, %arg4: memref<65536xf32, #tpu.memory_space<hbm>>, %arg5: memref<16384x256xf32, #tpu.memory_space<hbm>>, %arg6: memref<2048xi32, #tpu.memory_space<vmem>>, %arg7: memref<2048xf32, #tpu.memory_space<vmem>>, %arg8: memref<1536xi32, #tpu.memory_space<vmem>>, %arg9: memref<96x256xf32, #tpu.memory_space<vmem>>, %arg10: memref<96x256xf32, #tpu.memory_space<vmem>>, %arg11: memref<32x256xf32, #tpu.memory_space<vmem>>, %arg12: memref<32x256xf32, #tpu.memory_space<vmem>>, %arg13: memref<!tpu.dma_semaphore, #tpu.memory_space<semaphore_mem>>, %arg14: memref<!tpu.dma_semaphore, #tpu.memory_space<semaphore_mem>>) attributes {dimension_semantics = [#tpu.dimension_semantics<core_parallel>, #tpu.dimension_semantics<subcore_parallel>], iteration_bounds = array<i64: 2, 16>, scalar_prefetch = 0 : i64, scratch_operands = 9 : i64, tpu.core_type = #tpu.core_type<sc_vector_subcore>, window_params = [{transform_indices = #map}, {transform_indices = #map1}, {transform_indices = #map1}, {transform_indices = #map}]} {
    %mul3A = arith.constant 2 : i32
    %mul3A_0 = arith.muli %arg1, %mul3A : i32
    %add3A = arith.addi %mul3A_0, %arg0 : i32
    %mul3A_1 = arith.constant 512 : i32
    %mul3A_2 = arith.muli %add3A, %mul3A_1 : i32
    %mul3A_3 = arith.constant 4 : i32
    %mul3A_4 = arith.muli %mul3A_2, %mul3A_3 : i32
    "tpu.region"() ({
      %run_scoped3A = tpu.sem_alloc : memref<!tpu.dma_semaphore, #tpu.memory_space<semaphore_mem>>
      %dma_start3A_20 = tpu.memref_slice %arg3[%mul3A_4] : memref<65536xi32, #tpu.memory_space<hbm>> -> memref<2048xi32, #tpu.memory_space<hbm>>
      %dma_start3A_21 = tpu.memref_slice %arg3[%mul3A_4] : memref<65536xi32, #tpu.memory_space<hbm>> -> memref<2048xi32, #tpu.memory_space<hbm>>
      tpu.enqueue_dma source(%dma_start3A_21 : memref<2048xi32, #tpu.memory_space<hbm>>) target(%arg6 : memref<2048xi32, #tpu.memory_space<vmem>>) target_semaphore(%run_scoped3A : memref<!tpu.dma_semaphore, #tpu.memory_space<semaphore_mem>>)
      %dma_wait3A = tpu.memref_slice %arg3[%mul3A_4] : memref<65536xi32, #tpu.memory_space<hbm>> -> memref<2048xi32, #tpu.memory_space<hbm>>
      %dma_wait3A_22 = tpu.memref_slice %arg3[%mul3A_4] : memref<65536xi32, #tpu.memory_space<hbm>> -> memref<2048xi32, #tpu.memory_space<hbm>>
      tpu.wait_dma2 semaphore(%run_scoped3A : memref<!tpu.dma_semaphore, #tpu.memory_space<semaphore_mem>>) src(%dma_wait3A_22 : memref<2048xi32, #tpu.memory_space<hbm>>) dst(%arg6 : memref<2048xi32, #tpu.memory_space<vmem>>)
      tpu.yield
    }) : () -> ()
    %mul3A_5 = arith.constant 4 : i32
    %mul3A_6 = arith.muli %mul3A_2, %mul3A_5 : i32
    "tpu.region"() ({
      %run_scoped3A = tpu.sem_alloc : memref<!tpu.dma_semaphore, #tpu.memory_space<semaphore_mem>>
      %dma_start3A_20 = tpu.memref_slice %arg4[%mul3A_6] : memref<65536xf32, #tpu.memory_space<hbm>> -> memref<2048xf32, #tpu.memory_space<hbm>>
      %dma_start3A_21 = tpu.memref_slice %arg4[%mul3A_6] : memref<65536xf32, #tpu.memory_space<hbm>> -> memref<2048xf32, #tpu.memory_space<hbm>>
      tpu.enqueue_dma source(%dma_start3A_21 : memref<2048xf32, #tpu.memory_space<hbm>>) target(%arg7 : memref<2048xf32, #tpu.memory_space<vmem>>) target_semaphore(%run_scoped3A : memref<!tpu.dma_semaphore, #tpu.memory_space<semaphore_mem>>)
      %dma_wait3A = tpu.memref_slice %arg4[%mul3A_6] : memref<65536xf32, #tpu.memory_space<hbm>> -> memref<2048xf32, #tpu.memory_space<hbm>>
      %dma_wait3A_22 = tpu.memref_slice %arg4[%mul3A_6] : memref<65536xf32, #tpu.memory_space<hbm>> -> memref<2048xf32, #tpu.memory_space<hbm>>
      tpu.wait_dma2 semaphore(%run_scoped3A : memref<!tpu.dma_semaphore, #tpu.memory_space<semaphore_mem>>) src(%dma_wait3A_22 : memref<2048xf32, #tpu.memory_space<hbm>>) dst(%arg7 : memref<2048xf32, #tpu.memory_space<vmem>>)
      tpu.yield
    }) : () -> ()
    %iota3A = tpu.iota {dimensions = array<i32: 0>} : vector<16xi32>
    %scan3A = arith.constant 0 : i32
    %scan3A_7 = arith.constant 32 : i32
    %scan3A_8 = arith.addi %scan3A, %scan3A_7 : i32
    %scan3A_9 = arith.constant 1 : i32
    scf.for %scan3A_20 = %scan3A to %scan3A_8 step %scan3A_9  : i32 {
      %mul3A_21 = arith.constant 4 : i32
      %mul3A_22 = vector.broadcast %mul3A_21 : i32 to vector<16xi32>
      %mul3A_23 = arith.muli %iota3A, %mul3A_22 : vector<16xi32>
      %mul3A_24 = arith.constant 64 : i32
      %mul3A_25 = arith.muli %scan3A_20, %mul3A_24 : i32
      %add3A_26 = vector.broadcast %mul3A_25 : i32 to vector<16xi32>
      %add3A_27 = arith.addi %mul3A_23, %add3A_26 : vector<16xi32>
      %add3A_28 = arith.constant 0 : i32
      %add3A_29 = vector.broadcast %add3A_28 : i32 to vector<16xi32>
      %add3A_30 = arith.addi %add3A_27, %add3A_29 : vector<16xi32>
      %gather3A = tpu.vector_load_idx %arg6[%add3A_30] : memref<2048xi32, #tpu.memory_space<vmem>>[vector<16xi32>], vector<16xi32>,
      %mul3A_31 = arith.constant 3 : i32
      %mul3A_32 = vector.broadcast %mul3A_31 : i32 to vector<16xi32>
      %mul3A_33 = arith.muli %iota3A, %mul3A_32 : vector<16xi32>
      %mul3A_34 = arith.constant 48 : i32
      %mul3A_35 = arith.muli %scan3A_20, %mul3A_34 : i32
      %add3A_36 = vector.broadcast %mul3A_35 : i32 to vector<16xi32>
      %add3A_37 = arith.addi %mul3A_33, %add3A_36 : vector<16xi32>
      %add3A_38 = arith.constant 0 : i32
      %add3A_39 = vector.broadcast %add3A_38 : i32 to vector<16xi32>
      %add3A_40 = arith.addi %add3A_37, %add3A_39 : vector<16xi32>
      tpu.vector_store_idx %arg8[%add3A_40], %gather3A : memref<1536xi32, #tpu.memory_space<vmem>>[vector<16xi32>], vector<16xi32>,
      %mul3A_41 = arith.constant 4 : i32
      %mul3A_42 = vector.broadcast %mul3A_41 : i32 to vector<16xi32>
      %mul3A_43 = arith.muli %iota3A, %mul3A_42 : vector<16xi32>
      %mul3A_44 = arith.constant 64 : i32
      %mul3A_45 = arith.muli %scan3A_20, %mul3A_44 : i32
      %add3A_46 = vector.broadcast %mul3A_45 : i32 to vector<16xi32>
      %add3A_47 = arith.addi %mul3A_43, %add3A_46 : vector<16xi32>
      %add3A_48 = arith.constant 1 : i32
      %add3A_49 = vector.broadcast %add3A_48 : i32 to vector<16xi32>
      %add3A_50 = arith.addi %add3A_47, %add3A_49 : vector<16xi32>
      %gather3A_51 = tpu.vector_load_idx %arg6[%add3A_50] : memref<2048xi32, #tpu.memory_space<vmem>>[vector<16xi32>], vector<16xi32>,
      %mul3A_52 = arith.constant 3 : i32
      %mul3A_53 = vector.broadcast %mul3A_52 : i32 to vector<16xi32>
      %mul3A_54 = arith.muli %iota3A, %mul3A_53 : vector<16xi32>
      %mul3A_55 = arith.constant 48 : i32
      %mul3A_56 = arith.muli %scan3A_20, %mul3A_55 : i32
      %add3A_57 = vector.broadcast %mul3A_56 : i32 to vector<16xi32>
      %add3A_58 = arith.addi %mul3A_54, %add3A_57 : vector<16xi32>
      %add3A_59 = arith.constant 1 : i32
      %add3A_60 = vector.broadcast %add3A_59 : i32 to vector<16xi32>
      %add3A_61 = arith.addi %add3A_58, %add3A_60 : vector<16xi32>
      tpu.vector_store_idx %arg8[%add3A_61], %gather3A_51 : memref<1536xi32, #tpu.memory_space<vmem>>[vector<16xi32>], vector<16xi32>,
      %mul3A_62 = arith.constant 4 : i32
      %mul3A_63 = vector.broadcast %mul3A_62 : i32 to vector<16xi32>
      %mul3A_64 = arith.muli %iota3A, %mul3A_63 : vector<16xi32>
      %mul3A_65 = arith.constant 64 : i32
      %mul3A_66 = arith.muli %scan3A_20, %mul3A_65 : i32
      %add3A_67 = vector.broadcast %mul3A_66 : i32 to vector<16xi32>
      %add3A_68 = arith.addi %mul3A_64, %add3A_67 : vector<16xi32>
      %add3A_69 = arith.constant 2 : i32
      %add3A_70 = vector.broadcast %add3A_69 : i32 to vector<16xi32>
      %add3A_71 = arith.addi %add3A_68, %add3A_70 : vector<16xi32>
      %gather3A_72 = tpu.vector_load_idx %arg6[%add3A_71] : memref<2048xi32, #tpu.memory_space<vmem>>[vector<16xi32>], vector<16xi32>,
      %mul3A_73 = arith.constant 3 : i32
      %mul3A_74 = vector.broadcast %mul3A_73 : i32 to vector<16xi32>
      %mul3A_75 = arith.muli %iota3A, %mul3A_74 : vector<16xi32>
      %mul3A_76 = arith.constant 48 : i32
      %mul3A_77 = arith.muli %scan3A_20, %mul3A_76 : i32
      %add3A_78 = vector.broadcast %mul3A_77 : i32 to vector<16xi32>
      %add3A_79 = arith.addi %mul3A_75, %add3A_78 : vector<16xi32>
      %add3A_80 = arith.constant 2 : i32
      %add3A_81 = vector.broadcast %add3A_80 : i32 to vector<16xi32>
      %add3A_82 = arith.addi %add3A_79, %add3A_81 : vector<16xi32>
      tpu.vector_store_idx %arg8[%add3A_82], %gather3A_72 : memref<1536xi32, #tpu.memory_space<vmem>>[vector<16xi32>], vector<16xi32>,
    }
    %scan3A_10 = arith.constant 32 : i32
    %dma_start3A = arith.constant 0 : i32
    %dma_start3A_11 = tpu.memref_slice %arg8[%dma_start3A] : memref<1536xi32, #tpu.memory_space<vmem>> -> memref<96xi32, #tpu.memory_space<vmem>>
    %dma_start3A_12 = arith.constant 0 : i32
    %dma_start3A_13 = arith.constant 0 : i32
    %dma_start3A_14 = tpu.memref_slice %arg2[%dma_start3A_12, %dma_start3A_13] : memref<4096x256xf32, #tpu.memory_space<hbm>> -> memref<4096x256xf32, #tpu.memory_space<hbm>>
    tpu.enqueue_indirect_dma source(%dma_start3A_14 : memref<4096x256xf32, #tpu.memory_space<hbm>>) target(%arg9 : memref<96x256xf32, #tpu.memory_space<vmem>>) offsets(%dma_start3A_11 : memref<96xi32, #tpu.memory_space<vmem>>) semaphore(%arg13 : memref<!tpu.dma_semaphore, #tpu.memory_space<semaphore_mem>>)
    %scan3A_15 = arith.constant 0 : i32
    %scan3A_16 = arith.constant 8 : i32
    %scan3A_17 = arith.addi %scan3A_15, %scan3A_16 : i32
    %scan3A_18 = arith.constant 1 : i32
    scf.for %scan3A_20 = %scan3A_15 to %scan3A_17 step %scan3A_18  : i32 {
      %mul3A_21 = arith.constant 2 : i32
      %mul3A_22 = arith.muli %scan3A_20, %mul3A_21 : i32
      %add3A_23 = arith.constant 1 : i32
      %add3A_24 = arith.addi %mul3A_22, %add3A_23 : i32
      %mul3A_25 = arith.constant 96 : i32
      %mul3A_26 = arith.muli %add3A_24, %mul3A_25 : i32
      %dma_start3A_27 = tpu.memref_slice %arg8[%mul3A_26] : memref<1536xi32, #tpu.memory_space<vmem>> -> memref<96xi32, #tpu.memory_space<vmem>>
      %dma_start3A_28 = arith.constant 0 : i32
      %dma_start3A_29 = arith.constant 0 : i32
      %dma_start3A_30 = tpu.memref_slice %arg2[%dma_start3A_28, %dma_start3A_29] : memref<4096x256xf32, #tpu.memory_space<hbm>> -> memref<4096x256xf32, #tpu.memory_space<hbm>>
      tpu.enqueue_indirect_dma source(%dma_start3A_30 : memref<4096x256xf32, #tpu.memory_space<hbm>>) target(%arg10 : memref<96x256xf32, #tpu.memory_space<vmem>>) offsets(%dma_start3A_27 : memref<96xi32, #tpu.memory_space<vmem>>) semaphore(%arg14 : memref<!tpu.dma_semaphore, #tpu.memory_space<semaphore_mem>>)
      %dma_wait3A = arith.constant 0 : i32
      %dma_wait3A_31 = arith.constant 0 : i32
      %dma_wait3A_32 = tpu.memref_slice %arg2[%dma_wait3A, %dma_wait3A_31] : memref<4096x256xf32, #tpu.memory_space<hbm>> -> memref<96x256xf32, #tpu.memory_space<hbm>>
      %dma_wait3A_33 = arith.constant 0 : i32
      %dma_wait3A_34 = arith.constant 0 : i32
      %dma_wait3A_35 = tpu.memref_slice %arg2[%dma_wait3A_33, %dma_wait3A_34] : memref<4096x256xf32, #tpu.memory_space<hbm>> -> memref<96x256xf32, #tpu.memory_space<hbm>>
      tpu.wait_dma2 semaphore(%arg13 : memref<!tpu.dma_semaphore, #tpu.memory_space<semaphore_mem>>) src(%dma_wait3A_35 : memref<96x256xf32, #tpu.memory_space<hbm>>) dst(%arg9 : memref<96x256xf32, #tpu.memory_space<vmem>>)
      %mul3A_36 = arith.constant 4 : i32
      %mul3A_37 = vector.broadcast %mul3A_36 : i32 to vector<16xi32>
      %mul3A_38 = arith.muli %iota3A, %mul3A_37 : vector<16xi32>
      %mul3A_39 = arith.constant 128 : i32
      %mul3A_40 = arith.muli %mul3A_22, %mul3A_39 : i32
      %add3A_41 = vector.broadcast %mul3A_40 : i32 to vector<16xi32>
      %add3A_42 = arith.addi %mul3A_38, %add3A_41 : vector<16xi32>
      %add3A_43 = arith.constant 0 : i32
      %add3A_44 = vector.broadcast %add3A_43 : i32 to vector<16xi32>
      %add3A_45 = arith.addi %add3A_42, %add3A_44 : vector<16xi32>
      %gather3A = tpu.vector_load_idx %arg7[%add3A_45] : memref<2048xf32, #tpu.memory_space<vmem>>[vector<16xi32>], vector<16xf32>,
      %add3A_46 = arith.constant 1 : i32
      %add3A_47 = vector.broadcast %add3A_46 : i32 to vector<16xi32>
      %add3A_48 = arith.addi %add3A_45, %add3A_47 : vector<16xi32>
      %gather3A_49 = tpu.vector_load_idx %arg7[%add3A_48] : memref<2048xf32, #tpu.memory_space<vmem>>[vector<16xi32>], vector<16xf32>,
      %add3A_50 = arith.constant 2 : i32
      %add3A_51 = vector.broadcast %add3A_50 : i32 to vector<16xi32>
      %add3A_52 = arith.addi %add3A_45, %add3A_51 : vector<16xi32>
      %gather3A_53 = tpu.vector_load_idx %arg7[%add3A_52] : memref<2048xf32, #tpu.memory_space<vmem>>[vector<16xi32>], vector<16xf32>,
      %mul3A_54 = arith.constant 3 : i32
      %mul3A_55 = vector.broadcast %mul3A_54 : i32 to vector<16xi32>
      %mul3A_56 = arith.muli %iota3A, %mul3A_55 : vector<16xi32>
      %add3A_57 = arith.constant 0 : i32
      %add3A_58 = vector.broadcast %add3A_57 : i32 to vector<16xi32>
      %add3A_59 = arith.addi %mul3A_56, %add3A_58 : vector<16xi32>
      %add3A_60 = arith.constant 0 : i32
      %add3A_61 = vector.broadcast %add3A_60 : i32 to vector<16xi32>
      %add3A_62 = arith.addi %iota3A, %add3A_61 : vector<16xi32>
      %scan3A_63 = arith.constant 0 : i32
      %scan3A_64 = arith.constant 32 : i32
      %scan3A_65 = arith.addi %scan3A_63, %scan3A_64 : i32
      %scan3A_66 = arith.constant 1 : i32
      scf.for %scan3A_185 = %scan3A_63 to %scan3A_65 step %scan3A_66  : i32 {
        %broadcast_in_dim3A = arith.constant 0 : i32
        %broadcast_in_dim3A_186 = vector.broadcast %broadcast_in_dim3A : i32 to vector<16xi32>
        %mul3A_187 = arith.constant 8 : i32
        %mul3A_188 = arith.muli %scan3A_185, %mul3A_187 : i32
        %add3A_189 = vector.broadcast %mul3A_188 : i32 to vector<16xi32>
        %add3A_190 = arith.addi %broadcast_in_dim3A_186, %add3A_189 : vector<16xi32>
        %add3A_191 = arith.constant 0 : i32
        %add3A_192 = vector.broadcast %add3A_191 : i32 to vector<16xi32>
        %add3A_193 = arith.addi %add3A_190, %add3A_192 : vector<16xi32>
        %gather3A_194 = tpu.vector_load_idx %arg9[%add3A_59, %add3A_193] : memref<96x256xf32, #tpu.memory_space<vmem>>[vector<16xi32>, vector<16xi32>], vector<16xf32>,
        %add3A_195 = arith.constant 1 : i32
        %add3A_196 = vector.broadcast %add3A_195 : i32 to vector<16xi32>
        %add3A_197 = arith.addi %add3A_59, %add3A_196 : vector<16xi32>
        %gather3A_198 = tpu.vector_load_idx %arg9[%add3A_197, %add3A_193] : memref<96x256xf32, #tpu.memory_space<vmem>>[vector<16xi32>, vector<16xi32>], vector<16xf32>,
        %add3A_199 = arith.constant 2 : i32
        %add3A_200 = vector.broadcast %add3A_199 : i32 to vector<16xi32>
        %add3A_201 = arith.addi %add3A_59, %add3A_200 : vector<16xi32>
        %gather3A_202 = tpu.vector_load_idx %arg9[%add3A_201, %add3A_193] : memref<96x256xf32, #tpu.memory_space<vmem>>[vector<16xi32>, vector<16xi32>], vector<16xf32>,
        %mul3A_203 = arith.mulf %gather3A, %gather3A_194 : vector<16xf32>
        %mul3A_204 = arith.mulf %gather3A_49, %gather3A_198 : vector<16xf32>
        %add3A_205 = arith.addf %mul3A_203, %mul3A_204 : vector<16xf32>
        %mul3A_206 = arith.mulf %gather3A_53, %gather3A_202 : vector<16xf32>
        %add3A_207 = arith.addf %add3A_205, %mul3A_206 : vector<16xf32>
        tpu.vector_store_idx %arg11[%add3A_62, %add3A_193], %add3A_207 : memref<32x256xf32, #tpu.memory_space<vmem>>[vector<16xi32>, vector<16xi32>], vector<16xf32>,
        %add3A_208 = arith.constant 1 : i32
        %add3A_209 = vector.broadcast %add3A_208 : i32 to vector<16xi32>
        %add3A_210 = arith.addi %add3A_190, %add3A_209 : vector<16xi32>
        %gather3A_211 = tpu.vector_load_idx %arg9[%add3A_59, %add3A_210] : memref<96x256xf32, #tpu.memory_space<vmem>>[vector<16xi32>, vector<16xi32>], vector<16xf32>,
        %add3A_212 = arith.constant 1 : i32
        %add3A_213 = vector.broadcast %add3A_212 : i32 to vector<16xi32>
        %add3A_214 = arith.addi %add3A_59, %add3A_213 : vector<16xi32>
        %gather3A_215 = tpu.vector_load_idx %arg9[%add3A_214, %add3A_210] : memref<96x256xf32, #tpu.memory_space<vmem>>[vector<16xi32>, vector<16xi32>], vector<16xf32>,
        %add3A_216 = arith.constant 2 : i32
        %add3A_217 = vector.broadcast %add3A_216 : i32 to vector<16xi32>
        %add3A_218 = arith.addi %add3A_59, %add3A_217 : vector<16xi32>
        %gather3A_219 = tpu.vector_load_idx %arg9[%add3A_218, %add3A_210] : memref<96x256xf32, #tpu.memory_space<vmem>>[vector<16xi32>, vector<16xi32>], vector<16xf32>,
        %mul3A_220 = arith.mulf %gather3A, %gather3A_211 : vector<16xf32>
        %mul3A_221 = arith.mulf %gather3A_49, %gather3A_215 : vector<16xf32>
        %add3A_222 = arith.addf %mul3A_220, %mul3A_221 : vector<16xf32>
        %mul3A_223 = arith.mulf %gather3A_53, %gather3A_219 : vector<16xf32>
        %add3A_224 = arith.addf %add3A_222, %mul3A_223 : vector<16xf32>
        tpu.vector_store_idx %arg11[%add3A_62, %add3A_210], %add3A_224 : memref<32x256xf32, #tpu.memory_space<vmem>>[vector<16xi32>, vector<16xi32>], vector<16xf32>,
        %add3A_225 = arith.constant 2 : i32
        %add3A_226 = vector.broadcast %add3A_225 : i32 to vector<16xi32>
        %add3A_227 = arith.addi %add3A_190, %add3A_226 : vector<16xi32>
        %gather3A_228 = tpu.vector_load_idx %arg9[%add3A_59, %add3A_227] : memref<96x256xf32, #tpu.memory_space<vmem>>[vector<16xi32>, vector<16xi32>], vector<16xf32>,
        %add3A_229 = arith.constant 1 : i32
        %add3A_230 = vector.broadcast %add3A_229 : i32 to vector<16xi32>
        %add3A_231 = arith.addi %add3A_59, %add3A_230 : vector<16xi32>
        %gather3A_232 = tpu.vector_load_idx %arg9[%add3A_231, %add3A_227] : memref<96x256xf32, #tpu.memory_space<vmem>>[vector<16xi32>, vector<16xi32>], vector<16xf32>,
        %add3A_233 = arith.constant 2 : i32
        %add3A_234 = vector.broadcast %add3A_233 : i32 to vector<16xi32>
        %add3A_235 = arith.addi %add3A_59, %add3A_234 : vector<16xi32>
        %gather3A_236 = tpu.vector_load_idx %arg9[%add3A_235, %add3A_227] : memref<96x256xf32, #tpu.memory_space<vmem>>[vector<16xi32>, vector<16xi32>], vector<16xf32>,
        %mul3A_237 = arith.mulf %gather3A, %gather3A_228 : vector<16xf32>
        %mul3A_238 = arith.mulf %gather3A_49, %gather3A_232 : vector<16xf32>
        %add3A_239 = arith.addf %mul3A_237, %mul3A_238 : vector<16xf32>
        %mul3A_240 = arith.mulf %gather3A_53, %gather3A_236 : vector<16xf32>
        %add3A_241 = arith.addf %add3A_239, %mul3A_240 : vector<16xf32>
        tpu.vector_store_idx %arg11[%add3A_62, %add3A_227], %add3A_241 : memref<32x256xf32, #tpu.memory_space<vmem>>[vector<16xi32>, vector<16xi32>], vector<16xf32>,
        %add3A_242 = arith.constant 3 : i32
        %add3A_243 = vector.broadcast %add3A_242 : i32 to vector<16xi32>
        %add3A_244 = arith.addi %add3A_190, %add3A_243 : vector<16xi32>
        %gather3A_245 = tpu.vector_load_idx %arg9[%add3A_59, %add3A_244] : memref<96x256xf32, #tpu.memory_space<vmem>>[vector<16xi32>, vector<16xi32>], vector<16xf32>,
        %add3A_246 = arith.constant 1 : i32
        %add3A_247 = vector.broadcast %add3A_246 : i32 to vector<16xi32>
        %add3A_248 = arith.addi %add3A_59, %add3A_247 : vector<16xi32>
        %gather3A_249 = tpu.vector_load_idx %arg9[%add3A_248, %add3A_244] : memref<96x256xf32, #tpu.memory_space<vmem>>[vector<16xi32>, vector<16xi32>], vector<16xf32>,
        %add3A_250 = arith.constant 2 : i32
        %add3A_251 = vector.broadcast %add3A_250 : i32 to vector<16xi32>
        %add3A_252 = arith.addi %add3A_59, %add3A_251 : vector<16xi32>
        %gather3A_253 = tpu.vector_load_idx %arg9[%add3A_252, %add3A_244] : memref<96x256xf32, #tpu.memory_space<vmem>>[vector<16xi32>, vector<16xi32>], vector<16xf32>,
        %mul3A_254 = arith.mulf %gather3A, %gather3A_245 : vector<16xf32>
        %mul3A_255 = arith.mulf %gather3A_49, %gather3A_249 : vector<16xf32>
        %add3A_256 = arith.addf %mul3A_254, %mul3A_255 : vector<16xf32>
        %mul3A_257 = arith.mulf %gather3A_53, %gather3A_253 : vector<16xf32>
        %add3A_258 = arith.addf %add3A_256, %mul3A_257 : vector<16xf32>
        tpu.vector_store_idx %arg11[%add3A_62, %add3A_244], %add3A_258 : memref<32x256xf32, #tpu.memory_space<vmem>>[vector<16xi32>, vector<16xi32>], vector<16xf32>,
        %add3A_259 = arith.constant 4 : i32
        %add3A_260 = vector.broadcast %add3A_259 : i32 to vector<16xi32>
        %add3A_261 = arith.addi %add3A_190, %add3A_260 : vector<16xi32>
        %gather3A_262 = tpu.vector_load_idx %arg9[%add3A_59, %add3A_261] : memref<96x256xf32, #tpu.memory_space<vmem>>[vector<16xi32>, vector<16xi32>], vector<16xf32>,
        %add3A_263 = arith.constant 1 : i32
        %add3A_264 = vector.broadcast %add3A_263 : i32 to vector<16xi32>
        %add3A_265 = arith.addi %add3A_59, %add3A_264 : vector<16xi32>
        %gather3A_266 = tpu.vector_load_idx %arg9[%add3A_265, %add3A_261] : memref<96x256xf32, #tpu.memory_space<vmem>>[vector<16xi32>, vector<16xi32>], vector<16xf32>,
        %add3A_267 = arith.constant 2 : i32
        %add3A_268 = vector.broadcast %add3A_267 : i32 to vector<16xi32>
        %add3A_269 = arith.addi %add3A_59, %add3A_268 : vector<16xi32>
        %gather3A_270 = tpu.vector_load_idx %arg9[%add3A_269, %add3A_261] : memref<96x256xf32, #tpu.memory_space<vmem>>[vector<16xi32>, vector<16xi32>], vector<16xf32>,
        %mul3A_271 = arith.mulf %gather3A, %gather3A_262 : vector<16xf32>
        %mul3A_272 = arith.mulf %gather3A_49, %gather3A_266 : vector<16xf32>
        %add3A_273 = arith.addf %mul3A_271, %mul3A_272 : vector<16xf32>
        %mul3A_274 = arith.mulf %gather3A_53, %gather3A_270 : vector<16xf32>
        %add3A_275 = arith.addf %add3A_273, %mul3A_274 : vector<16xf32>
        tpu.vector_store_idx %arg11[%add3A_62, %add3A_261], %add3A_275 : memref<32x256xf32, #tpu.memory_space<vmem>>[vector<16xi32>, vector<16xi32>], vector<16xf32>,
        %add3A_276 = arith.constant 5 : i32
        %add3A_277 = vector.broadcast %add3A_276 : i32 to vector<16xi32>
        %add3A_278 = arith.addi %add3A_190, %add3A_277 : vector<16xi32>
        %gather3A_279 = tpu.vector_load_idx %arg9[%add3A_59, %add3A_278] : memref<96x256xf32, #tpu.memory_space<vmem>>[vector<16xi32>, vector<16xi32>], vector<16xf32>,
        %add3A_280 = arith.constant 1 : i32
        %add3A_281 = vector.broadcast %add3A_280 : i32 to vector<16xi32>
        %add3A_282 = arith.addi %add3A_59, %add3A_281 : vector<16xi32>
        %gather3A_283 = tpu.vector_load_idx %arg9[%add3A_282, %add3A_278] : memref<96x256xf32, #tpu.memory_space<vmem>>[vector<16xi32>, vector<16xi32>], vector<16xf32>,
        %add3A_284 = arith.constant 2 : i32
        %add3A_285 = vector.broadcast %add3A_284 : i32 to vector<16xi32>
        %add3A_286 = arith.addi %add3A_59, %add3A_285 : vector<16xi32>
        %gather3A_287 = tpu.vector_load_idx %arg9[%add3A_286, %add3A_278] : memref<96x256xf32, #tpu.memory_space<vmem>>[vector<16xi32>, vector<16xi32>], vector<16xf32>,
        %mul3A_288 = arith.mulf %gather3A, %gather3A_279 : vector<16xf32>
        %mul3A_289 = arith.mulf %gather3A_49, %gather3A_283 : vector<16xf32>
        %add3A_290 = arith.addf %mul3A_288, %mul3A_289 : vector<16xf32>
        %mul3A_291 = arith.mulf %gather3A_53, %gather3A_287 : vector<16xf32>
        %add3A_292 = arith.addf %add3A_290, %mul3A_291 : vector<16xf32>
        tpu.vector_store_idx %arg11[%add3A_62, %add3A_278], %add3A_292 : memref<32x256xf32, #tpu.memory_space<vmem>>[vector<16xi32>, vector<16xi32>], vector<16xf32>,
        %add3A_293 = arith.constant 6 : i32
        %add3A_294 = vector.broadcast %add3A_293 : i32 to vector<16xi32>
        %add3A_295 = arith.addi %add3A_190, %add3A_294 : vector<16xi32>
        %gather3A_296 = tpu.vector_load_idx %arg9[%add3A_59, %add3A_295] : memref<96x256xf32, #tpu.memory_space<vmem>>[vector<16xi32>, vector<16xi32>], vector<16xf32>,
        %add3A_297 = arith.constant 1 : i32
        %add3A_298 = vector.broadcast %add3A_297 : i32 to vector<16xi32>
        %add3A_299 = arith.addi %add3A_59, %add3A_298 : vector<16xi32>
        %gather3A_300 = tpu.vector_load_idx %arg9[%add3A_299, %add3A_295] : memref<96x256xf32, #tpu.memory_space<vmem>>[vector<16xi32>, vector<16xi32>], vector<16xf32>,
        %add3A_301 = arith.constant 2 : i32
        %add3A_302 = vector.broadcast %add3A_301 : i32 to vector<16xi32>
        %add3A_303 = arith.addi %add3A_59, %add3A_302 : vector<16xi32>
        %gather3A_304 = tpu.vector_load_idx %arg9[%add3A_303, %add3A_295] : memref<96x256xf32, #tpu.memory_space<vmem>>[vector<16xi32>, vector<16xi32>], vector<16xf32>,
        %mul3A_305 = arith.mulf %gather3A, %gather3A_296 : vector<16xf32>
        %mul3A_306 = arith.mulf %gather3A_49, %gather3A_300 : vector<16xf32>
        %add3A_307 = arith.addf %mul3A_305, %mul3A_306 : vector<16xf32>
        %mul3A_308 = arith.mulf %gather3A_53, %gather3A_304 : vector<16xf32>
        %add3A_309 = arith.addf %add3A_307, %mul3A_308 : vector<16xf32>
        tpu.vector_store_idx %arg11[%add3A_62, %add3A_295], %add3A_309 : memref<32x256xf32, #tpu.memory_space<vmem>>[vector<16xi32>, vector<16xi32>], vector<16xf32>,
        %add3A_310 = arith.constant 7 : i32
        %add3A_311 = vector.broadcast %add3A_310 : i32 to vector<16xi32>
        %add3A_312 = arith.addi %add3A_190, %add3A_311 : vector<16xi32>
        %gather3A_313 = tpu.vector_load_idx %arg9[%add3A_59, %add3A_312] : memref<96x256xf32, #tpu.memory_space<vmem>>[vector<16xi32>, vector<16xi32>], vector<16xf32>,
        %add3A_314 = arith.constant 1 : i32
        %add3A_315 = vector.broadcast %add3A_314 : i32 to vector<16xi32>
        %add3A_316 = arith.addi %add3A_59, %add3A_315 : vector<16xi32>
        %gather3A_317 = tpu.vector_load_idx %arg9[%add3A_316, %add3A_312] : memref<96x256xf32, #tpu.memory_space<vmem>>[vector<16xi32>, vector<16xi32>], vector<16xf32>,
        %add3A_318 = arith.constant 2 : i32
        %add3A_319 = vector.broadcast %add3A_318 : i32 to vector<16xi32>
        %add3A_320 = arith.addi %add3A_59, %add3A_319 : vector<16xi32>
        %gather3A_321 = tpu.vector_load_idx %arg9[%add3A_320, %add3A_312] : memref<96x256xf32, #tpu.memory_space<vmem>>[vector<16xi32>, vector<16xi32>], vector<16xf32>,
        %mul3A_322 = arith.mulf %gather3A, %gather3A_313 : vector<16xf32>
        %mul3A_323 = arith.mulf %gather3A_49, %gather3A_317 : vector<16xf32>
        %add3A_324 = arith.addf %mul3A_322, %mul3A_323 : vector<16xf32>
        %mul3A_325 = arith.mulf %gather3A_53, %gather3A_321 : vector<16xf32>
        %add3A_326 = arith.addf %add3A_324, %mul3A_325 : vector<16xf32>
        tpu.vector_store_idx %arg11[%add3A_62, %add3A_312], %add3A_326 : memref<32x256xf32, #tpu.memory_space<vmem>>[vector<16xi32>, vector<16xi32>], vector<16xf32>,
      }
      %scan3A_67 = arith.constant 32 : i32
      %mul3A_68 = arith.constant 4 : i32
      %mul3A_69 = vector.broadcast %mul3A_68 : i32 to vector<16xi32>
      %mul3A_70 = arith.muli %iota3A, %mul3A_69 : vector<16xi32>
      %mul3A_71 = arith.constant 128 : i32
      %mul3A_72 = arith.muli %mul3A_22, %mul3A_71 : i32
      %add3A_73 = vector.broadcast %mul3A_72 : i32 to vector<16xi32>
      %add3A_74 = arith.addi %mul3A_70, %add3A_73 : vector<16xi32>
      %add3A_75 = arith.constant 64 : i32
      %add3A_76 = vector.broadcast %add3A_75 : i32 to vector<16xi32>
      %add3A_77 = arith.addi %add3A_74, %add3A_76 : vector<16xi32>
      %gather3A_78 = tpu.vector_load_idx %arg7[%add3A_77] : memref<2048xf32, #tpu.memory_space<vmem>>[vector<16xi32>], vector<16xf32>,
      %add3A_79 = arith.constant 1 : i32
      %add3A_80 = vector.broadcast %add3A_79 : i32 to vector<16xi32>
      %add3A_81 = arith.addi %add3A_77, %add3A_80 : vector<16xi32>
      %gather3A_82 = tpu.vector_load_idx %arg7[%add3A_81] : memref<2048xf32, #tpu.memory_space<vmem>>[vector<16xi32>], vector<16xf32>,
      %add3A_83 = arith.constant 2 : i32
      %add3A_84 = vector.broadcast %add3A_83 : i32 to vector<16xi32>
      %add3A_85 = arith.addi %add3A_77, %add3A_84 : vector<16xi32>
      %gather3A_86 = tpu.vector_load_idx %arg7[%add3A_85] : memref<2048xf32, #tpu.memory_space<vmem>>[vector<16xi32>], vector<16xf32>,
      %mul3A_87 = arith.constant 3 : i32
      %mul3A_88 = vector.broadcast %mul3A_87 : i32 to vector<16xi32>
      %mul3A_89 = arith.muli %iota3A, %mul3A_88 : vector<16xi32>
      %add3A_90 = arith.constant 48 : i32
      %add3A_91 = vector.broadcast %add3A_90 : i32 to vector<16xi32>
      %add3A_92 = arith.addi %mul3A_89, %add3A_91 : vector<16xi32>
      %add3A_93 = arith.constant 16 : i32
      %add3A_94 = vector.broadcast %add3A_93 : i32 to vector<16xi32>
      %add3A_95 = arith.addi %iota3A, %add3A_94 : vector<16xi32>
      %scan3A_96 = arith.constant 0 : i32
      %scan3A_97 = arith.constant 32 : i32
      %scan3A_98 = arith.addi %scan3A_96, %scan3A_97 : i32
      %scan3A_99 = arith.constant 1 : i32
      scf.for %scan3A_185 = %scan3A_96 to %scan3A_98 step %scan3A_99  : i32 {
        %broadcast_in_dim3A = arith.constant 0 : i32
        %broadcast_in_dim3A_186 = vector.broadcast %broadcast_in_dim3A : i32 to vector<16xi32>
        %mul3A_187 = arith.constant 8 : i32
        %mul3A_188 = arith.muli %scan3A_185, %mul3A_187 : i32
        %add3A_189 = vector.broadcast %mul3A_188 : i32 to vector<16xi32>
        %add3A_190 = arith.addi %broadcast_in_dim3A_186, %add3A_189 : vector<16xi32>
        %add3A_191 = arith.constant 0 : i32
        %add3A_192 = vector.broadcast %add3A_191 : i32 to vector<16xi32>
        %add3A_193 = arith.addi %add3A_190, %add3A_192 : vector<16xi32>
        %gather3A_194 = tpu.vector_load_idx %arg9[%add3A_92, %add3A_193] : memref<96x256xf32, #tpu.memory_space<vmem>>[vector<16xi32>, vector<16xi32>], vector<16xf32>,
        %add3A_195 = arith.constant 1 : i32
        %add3A_196 = vector.broadcast %add3A_195 : i32 to vector<16xi32>
        %add3A_197 = arith.addi %add3A_92, %add3A_196 : vector<16xi32>
        %gather3A_198 = tpu.vector_load_idx %arg9[%add3A_197, %add3A_193] : memref<96x256xf32, #tpu.memory_space<vmem>>[vector<16xi32>, vector<16xi32>], vector<16xf32>,
        %add3A_199 = arith.constant 2 : i32
        %add3A_200 = vector.broadcast %add3A_199 : i32 to vector<16xi32>
        %add3A_201 = arith.addi %add3A_92, %add3A_200 : vector<16xi32>
        %gather3A_202 = tpu.vector_load_idx %arg9[%add3A_201, %add3A_193] : memref<96x256xf32, #tpu.memory_space<vmem>>[vector<16xi32>, vector<16xi32>], vector<16xf32>,
        %mul3A_203 = arith.mulf %gather3A_78, %gather3A_194 : vector<16xf32>
        %mul3A_204 = arith.mulf %gather3A_82, %gather3A_198 : vector<16xf32>
        %add3A_205 = arith.addf %mul3A_203, %mul3A_204 : vector<16xf32>
        %mul3A_206 = arith.mulf %gather3A_86, %gather3A_202 : vector<16xf32>
        %add3A_207 = arith.addf %add3A_205, %mul3A_206 : vector<16xf32>
        tpu.vector_store_idx %arg11[%add3A_95, %add3A_193], %add3A_207 : memref<32x256xf32, #tpu.memory_space<vmem>>[vector<16xi32>, vector<16xi32>], vector<16xf32>,
        %add3A_208 = arith.constant 1 : i32
        %add3A_209 = vector.broadcast %add3A_208 : i32 to vector<16xi32>
        %add3A_210 = arith.addi %add3A_190, %add3A_209 : vector<16xi32>
        %gather3A_211 = tpu.vector_load_idx %arg9[%add3A_92, %add3A_210] : memref<96x256xf32, #tpu.memory_space<vmem>>[vector<16xi32>, vector<16xi32>], vector<16xf32>,
        %add3A_212 = arith.constant 1 : i32
        %add3A_213 = vector.broadcast %add3A_212 : i32 to vector<16xi32>
        %add3A_214 = arith.addi %add3A_92, %add3A_213 : vector<16xi32>
        %gather3A_215 = tpu.vector_load_idx %arg9[%add3A_214, %add3A_210] : memref<96x256xf32, #tpu.memory_space<vmem>>[vector<16xi32>, vector<16xi32>], vector<16xf32>,
        %add3A_216 = arith.constant 2 : i32
        %add3A_217 = vector.broadcast %add3A_216 : i32 to vector<16xi32>
        %add3A_218 = arith.addi %add3A_92, %add3A_217 : vector<16xi32>
        %gather3A_219 = tpu.vector_load_idx %arg9[%add3A_218, %add3A_210] : memref<96x256xf32, #tpu.memory_space<vmem>>[vector<16xi32>, vector<16xi32>], vector<16xf32>,
        %mul3A_220 = arith.mulf %gather3A_78, %gather3A_211 : vector<16xf32>
        %mul3A_221 = arith.mulf %gather3A_82, %gather3A_215 : vector<16xf32>
        %add3A_222 = arith.addf %mul3A_220, %mul3A_221 : vector<16xf32>
        %mul3A_223 = arith.mulf %gather3A_86, %gather3A_219 : vector<16xf32>
        %add3A_224 = arith.addf %add3A_222, %mul3A_223 : vector<16xf32>
        tpu.vector_store_idx %arg11[%add3A_95, %add3A_210], %add3A_224 : memref<32x256xf32, #tpu.memory_space<vmem>>[vector<16xi32>, vector<16xi32>], vector<16xf32>,
        %add3A_225 = arith.constant 2 : i32
        %add3A_226 = vector.broadcast %add3A_225 : i32 to vector<16xi32>
        %add3A_227 = arith.addi %add3A_190, %add3A_226 : vector<16xi32>
        %gather3A_228 = tpu.vector_load_idx %arg9[%add3A_92, %add3A_227] : memref<96x256xf32, #tpu.memory_space<vmem>>[vector<16xi32>, vector<16xi32>], vector<16xf32>,
        %add3A_229 = arith.constant 1 : i32
        %add3A_230 = vector.broadcast %add3A_229 : i32 to vector<16xi32>
        %add3A_231 = arith.addi %add3A_92, %add3A_230 : vector<16xi32>
        %gather3A_232 = tpu.vector_load_idx %arg9[%add3A_231, %add3A_227] : memref<96x256xf32, #tpu.memory_space<vmem>>[vector<16xi32>, vector<16xi32>], vector<16xf32>,
        %add3A_233 = arith.constant 2 : i32
        %add3A_234 = vector.broadcast %add3A_233 : i32 to vector<16xi32>
        %add3A_235 = arith.addi %add3A_92, %add3A_234 : vector<16xi32>
        %gather3A_236 = tpu.vector_load_idx %arg9[%add3A_235, %add3A_227] : memref<96x256xf32, #tpu.memory_space<vmem>>[vector<16xi32>, vector<16xi32>], vector<16xf32>,
        %mul3A_237 = arith.mulf %gather3A_78, %gather3A_228 : vector<16xf32>
        %mul3A_238 = arith.mulf %gather3A_82, %gather3A_232 : vector<16xf32>
        %add3A_239 = arith.addf %mul3A_237, %mul3A_238 : vector<16xf32>
        %mul3A_240 = arith.mulf %gather3A_86, %gather3A_236 : vector<16xf32>
        %add3A_241 = arith.addf %add3A_239, %mul3A_240 : vector<16xf32>
        tpu.vector_store_idx %arg11[%add3A_95, %add3A_227], %add3A_241 : memref<32x256xf32, #tpu.memory_space<vmem>>[vector<16xi32>, vector<16xi32>], vector<16xf32>,
        %add3A_242 = arith.constant 3 : i32
        %add3A_243 = vector.broadcast %add3A_242 : i32 to vector<16xi32>
        %add3A_244 = arith.addi %add3A_190, %add3A_243 : vector<16xi32>
        %gather3A_245 = tpu.vector_load_idx %arg9[%add3A_92, %add3A_244] : memref<96x256xf32, #tpu.memory_space<vmem>>[vector<16xi32>, vector<16xi32>], vector<16xf32>,
        %add3A_246 = arith.constant 1 : i32
        %add3A_247 = vector.broadcast %add3A_246 : i32 to vector<16xi32>
        %add3A_248 = arith.addi %add3A_92, %add3A_247 : vector<16xi32>
        %gather3A_249 = tpu.vector_load_idx %arg9[%add3A_248, %add3A_244] : memref<96x256xf32, #tpu.memory_space<vmem>>[vector<16xi32>, vector<16xi32>], vector<16xf32>,
        %add3A_250 = arith.constant 2 : i32
        %add3A_251 = vector.broadcast %add3A_250 : i32 to vector<16xi32>
        %add3A_252 = arith.addi %add3A_92, %add3A_251 : vector<16xi32>
        %gather3A_253 = tpu.vector_load_idx %arg9[%add3A_252, %add3A_244] : memref<96x256xf32, #tpu.memory_space<vmem>>[vector<16xi32>, vector<16xi32>], vector<16xf32>,
        %mul3A_254 = arith.mulf %gather3A_78, %gather3A_245 : vector<16xf32>
        %mul3A_255 = arith.mulf %gather3A_82, %gather3A_249 : vector<16xf32>
        %add3A_256 = arith.addf %mul3A_254, %mul3A_255 : vector<16xf32>
        %mul3A_257 = arith.mulf %gather3A_86, %gather3A_253 : vector<16xf32>
        %add3A_258 = arith.addf %add3A_256, %mul3A_257 : vector<16xf32>
        tpu.vector_store_idx %arg11[%add3A_95, %add3A_244], %add3A_258 : memref<32x256xf32, #tpu.memory_space<vmem>>[vector<16xi32>, vector<16xi32>], vector<16xf32>,
        %add3A_259 = arith.constant 4 : i32
        %add3A_260 = vector.broadcast %add3A_259 : i32 to vector<16xi32>
        %add3A_261 = arith.addi %add3A_190, %add3A_260 : vector<16xi32>
        %gather3A_262 = tpu.vector_load_idx %arg9[%add3A_92, %add3A_261] : memref<96x256xf32, #tpu.memory_space<vmem>>[vector<16xi32>, vector<16xi32>], vector<16xf32>,
        %add3A_263 = arith.constant 1 : i32
        %add3A_264 = vector.broadcast %add3A_263 : i32 to vector<16xi32>
        %add3A_265 = arith.addi %add3A_92, %add3A_264 : vector<16xi32>
        %gather3A_266 = tpu.vector_load_idx %arg9[%add3A_265, %add3A_261] : memref<96x256xf32, #tpu.memory_space<vmem>>[vector<16xi32>, vector<16xi32>], vector<16xf32>,
        %add3A_267 = arith.constant 2 : i32
        %add3A_268 = vector.broadcast %add3A_267 : i32 to vector<16xi32>
        %add3A_269 = arith.addi %add3A_92, %add3A_268 : vector<16xi32>
        %gather3A_270 = tpu.vector_load_idx %arg9[%add3A_269, %add3A_261] : memref<96x256xf32, #tpu.memory_space<vmem>>[vector<16xi32>, vector<16xi32>], vector<16xf32>,
        %mul3A_271 = arith.mulf %gather3A_78, %gather3A_262 : vector<16xf32>
        %mul3A_272 = arith.mulf %gather3A_82, %gather3A_266 : vector<16xf32>
        %add3A_273 = arith.addf %mul3A_271, %mul3A_272 : vector<16xf32>
        %mul3A_274 = arith.mulf %gather3A_86, %gather3A_270 : vector<16xf32>
        %add3A_275 = arith.addf %add3A_273, %mul3A_274 : vector<16xf32>
        tpu.vector_store_idx %arg11[%add3A_95, %add3A_261], %add3A_275 : memref<32x256xf32, #tpu.memory_space<vmem>>[vector<16xi32>, vector<16xi32>], vector<16xf32>,
        %add3A_276 = arith.constant 5 : i32
        %add3A_277 = vector.broadcast %add3A_276 : i32 to vector<16xi32>
        %add3A_278 = arith.addi %add3A_190, %add3A_277 : vector<16xi32>
        %gather3A_279 = tpu.vector_load_idx %arg9[%add3A_92, %add3A_278] : memref<96x256xf32, #tpu.memory_space<vmem>>[vector<16xi32>, vector<16xi32>], vector<16xf32>,
        %add3A_280 = arith.constant 1 : i32
        %add3A_281 = vector.broadcast %add3A_280 : i32 to vector<16xi32>
        %add3A_282 = arith.addi %add3A_92, %add3A_281 : vector<16xi32>
        %gather3A_283 = tpu.vector_load_idx %arg9[%add3A_282, %add3A_278] : memref<96x256xf32, #tpu.memory_space<vmem>>[vector<16xi32>, vector<16xi32>], vector<16xf32>,
        %add3A_284 = arith.constant 2 : i32
        %add3A_285 = vector.broadcast %add3A_284 : i32 to vector<16xi32>
        %add3A_286 = arith.addi %add3A_92, %add3A_285 : vector<16xi32>
        %gather3A_287 = tpu.vector_load_idx %arg9[%add3A_286, %add3A_278] : memref<96x256xf32, #tpu.memory_space<vmem>>[vector<16xi32>, vector<16xi32>], vector<16xf32>,
        %mul3A_288 = arith.mulf %gather3A_78, %gather3A_279 : vector<16xf32>
        %mul3A_289 = arith.mulf %gather3A_82, %gather3A_283 : vector<16xf32>
        %add3A_290 = arith.addf %mul3A_288, %mul3A_289 : vector<16xf32>
        %mul3A_291 = arith.mulf %gather3A_86, %gather3A_287 : vector<16xf32>
        %add3A_292 = arith.addf %add3A_290, %mul3A_291 : vector<16xf32>
        tpu.vector_store_idx %arg11[%add3A_95, %add3A_278], %add3A_292 : memref<32x256xf32, #tpu.memory_space<vmem>>[vector<16xi32>, vector<16xi32>], vector<16xf32>,
        %add3A_293 = arith.constant 6 : i32
        %add3A_294 = vector.broadcast %add3A_293 : i32 to vector<16xi32>
        %add3A_295 = arith.addi %add3A_190, %add3A_294 : vector<16xi32>
        %gather3A_296 = tpu.vector_load_idx %arg9[%add3A_92, %add3A_295] : memref<96x256xf32, #tpu.memory_space<vmem>>[vector<16xi32>, vector<16xi32>], vector<16xf32>,
        %add3A_297 = arith.constant 1 : i32
        %add3A_298 = vector.broadcast %add3A_297 : i32 to vector<16xi32>
        %add3A_299 = arith.addi %add3A_92, %add3A_298 : vector<16xi32>
        %gather3A_300 = tpu.vector_load_idx %arg9[%add3A_299, %add3A_295] : memref<96x256xf32, #tpu.memory_space<vmem>>[vector<16xi32>, vector<16xi32>], vector<16xf32>,
        %add3A_301 = arith.constant 2 : i32
        %add3A_302 = vector.broadcast %add3A_301 : i32 to vector<16xi32>
        %add3A_303 = arith.addi %add3A_92, %add3A_302 : vector<16xi32>
        %gather3A_304 = tpu.vector_load_idx %arg9[%add3A_303, %add3A_295] : memref<96x256xf32, #tpu.memory_space<vmem>>[vector<16xi32>, vector<16xi32>], vector<16xf32>,
        %mul3A_305 = arith.mulf %gather3A_78, %gather3A_296 : vector<16xf32>
        %mul3A_306 = arith.mulf %gather3A_82, %gather3A_300 : vector<16xf32>
        %add3A_307 = arith.addf %mul3A_305, %mul3A_306 : vector<16xf32>
        %mul3A_308 = arith.mulf %gather3A_86, %gather3A_304 : vector<16xf32>
        %add3A_309 = arith.addf %add3A_307, %mul3A_308 : vector<16xf32>
        tpu.vector_store_idx %arg11[%add3A_95, %add3A_295], %add3A_309 : memref<32x256xf32, #tpu.memory_space<vmem>>[vector<16xi32>, vector<16xi32>], vector<16xf32>,
        %add3A_310 = arith.constant 7 : i32
        %add3A_311 = vector.broadcast %add3A_310 : i32 to vector<16xi32>
        %add3A_312 = arith.addi %add3A_190, %add3A_311 : vector<16xi32>
        %gather3A_313 = tpu.vector_load_idx %arg9[%add3A_92, %add3A_312] : memref<96x256xf32, #tpu.memory_space<vmem>>[vector<16xi32>, vector<16xi32>], vector<16xf32>,
        %add3A_314 = arith.constant 1 : i32
        %add3A_315 = vector.broadcast %add3A_314 : i32 to vector<16xi32>
        %add3A_316 = arith.addi %add3A_92, %add3A_315 : vector<16xi32>
        %gather3A_317 = tpu.vector_load_idx %arg9[%add3A_316, %add3A_312] : memref<96x256xf32, #tpu.memory_space<vmem>>[vector<16xi32>, vector<16xi32>], vector<16xf32>,
        %add3A_318 = arith.constant 2 : i32
        %add3A_319 = vector.broadcast %add3A_318 : i32 to vector<16xi32>
        %add3A_320 = arith.addi %add3A_92, %add3A_319 : vector<16xi32>
        %gather3A_321 = tpu.vector_load_idx %arg9[%add3A_320, %add3A_312] : memref<96x256xf32, #tpu.memory_space<vmem>>[vector<16xi32>, vector<16xi32>], vector<16xf32>,
        %mul3A_322 = arith.mulf %gather3A_78, %gather3A_313 : vector<16xf32>
        %mul3A_323 = arith.mulf %gather3A_82, %gather3A_317 : vector<16xf32>
        %add3A_324 = arith.addf %mul3A_322, %mul3A_323 : vector<16xf32>
        %mul3A_325 = arith.mulf %gather3A_86, %gather3A_321 : vector<16xf32>
        %add3A_326 = arith.addf %add3A_324, %mul3A_325 : vector<16xf32>
        tpu.vector_store_idx %arg11[%add3A_95, %add3A_312], %add3A_326 : memref<32x256xf32, #tpu.memory_space<vmem>>[vector<16xi32>, vector<16xi32>], vector<16xf32>,
      }
      %scan3A_100 = arith.constant 32 : i32
      %mul3A_101 = arith.constant 32 : i32
      %mul3A_102 = arith.muli %mul3A_22, %mul3A_101 : i32
      %add3A_103 = arith.addi %mul3A_2, %mul3A_102 : i32
      "tpu.region"() ({
        %run_scoped3A = tpu.sem_alloc : memref<!tpu.dma_semaphore, #tpu.memory_space<semaphore_mem>>
        %dma_start3A_185 = arith.constant 0 : i32
        %dma_start3A_186 = tpu.memref_slice %arg5[%add3A_103, %dma_start3A_185] : memref<16384x256xf32, #tpu.memory_space<hbm>> -> memref<32x256xf32, #tpu.memory_space<hbm>>
        %dma_start3A_187 = arith.constant 0 : i32
        %dma_start3A_188 = tpu.memref_slice %arg5[%add3A_103, %dma_start3A_187] : memref<16384x256xf32, #tpu.memory_space<hbm>> -> memref<32x256xf32, #tpu.memory_space<hbm>>
        tpu.enqueue_dma source(%arg11 : memref<32x256xf32, #tpu.memory_space<vmem>>) target(%dma_start3A_188 : memref<32x256xf32, #tpu.memory_space<hbm>>) target_semaphore(%run_scoped3A : memref<!tpu.dma_semaphore, #tpu.memory_space<semaphore_mem>>)
        %dma_wait3A_189 = arith.constant 0 : i32
        %dma_wait3A_190 = tpu.memref_slice %arg5[%add3A_103, %dma_wait3A_189] : memref<16384x256xf32, #tpu.memory_space<hbm>> -> memref<32x256xf32, #tpu.memory_space<hbm>>
        %dma_wait3A_191 = arith.constant 0 : i32
        %dma_wait3A_192 = tpu.memref_slice %arg5[%add3A_103, %dma_wait3A_191] : memref<16384x256xf32, #tpu.memory_space<hbm>> -> memref<32x256xf32, #tpu.memory_space<hbm>>
        tpu.wait_dma2 semaphore(%run_scoped3A : memref<!tpu.dma_semaphore, #tpu.memory_space<semaphore_mem>>) src(%arg11 : memref<32x256xf32, #tpu.memory_space<vmem>>) dst(%dma_wait3A_192 : memref<32x256xf32, #tpu.memory_space<hbm>>)
        tpu.yield
      }) : () -> ()
      %add3A_104 = arith.constant 2 : i32
      %add3A_105 = arith.addi %mul3A_22, %add3A_104 : i32
      %lt3A = arith.constant 16 : i32
      %lt3A_106 = arith.cmpi slt, %add3A_105, %lt3A : i32
      %convert_element_type3A = arith.extui %lt3A_106 : i1 to i32
      %cond3A = arith.constant 0 : i32
      %cond3A_107 = arith.cmpi ne, %convert_element_type3A, %cond3A : i32
      scf.if %cond3A_107 {
        %add3A_185 = arith.constant 2 : i32
        %add3A_186 = arith.addi %mul3A_22, %add3A_185 : i32
        %mul3A_187 = arith.constant 96 : i32
        %mul3A_188 = arith.muli %add3A_186, %mul3A_187 : i32
        %dma_start3A_189 = tpu.memref_slice %arg8[%mul3A_188] : memref<1536xi32, #tpu.memory_space<vmem>> -> memref<96xi32, #tpu.memory_space<vmem>>
        %dma_start3A_190 = arith.constant 0 : i32
        %dma_start3A_191 = arith.constant 0 : i32
        %dma_start3A_192 = tpu.memref_slice %arg2[%dma_start3A_190, %dma_start3A_191] : memref<4096x256xf32, #tpu.memory_space<hbm>> -> memref<4096x256xf32, #tpu.memory_space<hbm>>
        tpu.enqueue_indirect_dma source(%dma_start3A_192 : memref<4096x256xf32, #tpu.memory_space<hbm>>) target(%arg9 : memref<96x256xf32, #tpu.memory_space<vmem>>) offsets(%dma_start3A_189 : memref<96xi32, #tpu.memory_space<vmem>>) semaphore(%arg13 : memref<!tpu.dma_semaphore, #tpu.memory_space<semaphore_mem>>)
      } else {
      }
      %dma_wait3A_108 = arith.constant 0 : i32
      %dma_wait3A_109 = arith.constant 0 : i32
      %dma_wait3A_110 = tpu.memref_slice %arg2[%dma_wait3A_108, %dma_wait3A_109] : memref<4096x256xf32, #tpu.memory_space<hbm>> -> memref<96x256xf32, #tpu.memory_space<hbm>>
      %dma_wait3A_111 = arith.constant 0 : i32
      %dma_wait3A_112 = arith.constant 0 : i32
      %dma_wait3A_113 = tpu.memref_slice %arg2[%dma_wait3A_111, %dma_wait3A_112] : memref<4096x256xf32, #tpu.memory_space<hbm>> -> memref<96x256xf32, #tpu.memory_space<hbm>>
      tpu.wait_dma2 semaphore(%arg14 : memref<!tpu.dma_semaphore, #tpu.memory_space<semaphore_mem>>) src(%dma_wait3A_113 : memref<96x256xf32, #tpu.memory_space<hbm>>) dst(%arg10 : memref<96x256xf32, #tpu.memory_space<vmem>>)
      %add3A_114 = arith.constant 1 : i32
      %add3A_115 = arith.addi %mul3A_22, %add3A_114 : i32
      %mul3A_116 = arith.constant 4 : i32
      %mul3A_117 = vector.broadcast %mul3A_116 : i32 to vector<16xi32>
      %mul3A_118 = arith.muli %iota3A, %mul3A_117 : vector<16xi32>
      %mul3A_119 = arith.constant 128 : i32
      %mul3A_120 = arith.muli %add3A_115, %mul3A_119 : i32
      %add3A_121 = vector.broadcast %mul3A_120 : i32 to vector<16xi32>
      %add3A_122 = arith.addi %mul3A_118, %add3A_121 : vector<16xi32>
      %add3A_123 = arith.constant 0 : i32
      %add3A_124 = vector.broadcast %add3A_123 : i32 to vector<16xi32>
      %add3A_125 = arith.addi %add3A_122, %add3A_124 : vector<16xi32>
      %gather3A_126 = tpu.vector_load_idx %arg7[%add3A_125] : memref<2048xf32, #tpu.memory_space<vmem>>[vector<16xi32>], vector<16xf32>,
      %add3A_127 = arith.constant 1 : i32
      %add3A_128 = vector.broadcast %add3A_127 : i32 to vector<16xi32>
      %add3A_129 = arith.addi %add3A_125, %add3A_128 : vector<16xi32>
      %gather3A_130 = tpu.vector_load_idx %arg7[%add3A_129] : memref<2048xf32, #tpu.memory_space<vmem>>[vector<16xi32>], vector<16xf32>,
      %add3A_131 = arith.constant 2 : i32
      %add3A_132 = vector.broadcast %add3A_131 : i32 to vector<16xi32>
      %add3A_133 = arith.addi %add3A_125, %add3A_132 : vector<16xi32>
      %gather3A_134 = tpu.vector_load_idx %arg7[%add3A_133] : memref<2048xf32, #tpu.memory_space<vmem>>[vector<16xi32>], vector<16xf32>,
      %mul3A_135 = arith.constant 3 : i32
      %mul3A_136 = vector.broadcast %mul3A_135 : i32 to vector<16xi32>
      %mul3A_137 = arith.muli %iota3A, %mul3A_136 : vector<16xi32>
      %add3A_138 = arith.constant 0 : i32
      %add3A_139 = vector.broadcast %add3A_138 : i32 to vector<16xi32>
      %add3A_140 = arith.addi %mul3A_137, %add3A_139 : vector<16xi32>
      %add3A_141 = arith.constant 0 : i32
      %add3A_142 = vector.broadcast %add3A_141 : i32 to vector<16xi32>
      %add3A_143 = arith.addi %iota3A, %add3A_142 : vector<16xi32>
      %scan3A_144 = arith.constant 0 : i32
      %scan3A_145 = arith.constant 32 : i32
      %scan3A_146 = arith.addi %scan3A_144, %scan3A_145 : i32
      %scan3A_147 = arith.constant 1 : i32
      scf.for %scan3A_185 = %scan3A_144 to %scan3A_146 step %scan3A_147  : i32 {
        %broadcast_in_dim3A = arith.constant 0 : i32
        %broadcast_in_dim3A_186 = vector.broadcast %broadcast_in_dim3A : i32 to vector<16xi32>
        %mul3A_187 = arith.constant 8 : i32
        %mul3A_188 = arith.muli %scan3A_185, %mul3A_187 : i32
        %add3A_189 = vector.broadcast %mul3A_188 : i32 to vector<16xi32>
        %add3A_190 = arith.addi %broadcast_in_dim3A_186, %add3A_189 : vector<16xi32>
        %add3A_191 = arith.constant 0 : i32
        %add3A_192 = vector.broadcast %add3A_191 : i32 to vector<16xi32>
        %add3A_193 = arith.addi %add3A_190, %add3A_192 : vector<16xi32>
        %gather3A_194 = tpu.vector_load_idx %arg10[%add3A_140, %add3A_193] : memref<96x256xf32, #tpu.memory_space<vmem>>[vector<16xi32>, vector<16xi32>], vector<16xf32>,
        %add3A_195 = arith.constant 1 : i32
        %add3A_196 = vector.broadcast %add3A_195 : i32 to vector<16xi32>
        %add3A_197 = arith.addi %add3A_140, %add3A_196 : vector<16xi32>
        %gather3A_198 = tpu.vector_load_idx %arg10[%add3A_197, %add3A_193] : memref<96x256xf32, #tpu.memory_space<vmem>>[vector<16xi32>, vector<16xi32>], vector<16xf32>,
        %add3A_199 = arith.constant 2 : i32
        %add3A_200 = vector.broadcast %add3A_199 : i32 to vector<16xi32>
        %add3A_201 = arith.addi %add3A_140, %add3A_200 : vector<16xi32>
        %gather3A_202 = tpu.vector_load_idx %arg10[%add3A_201, %add3A_193] : memref<96x256xf32, #tpu.memory_space<vmem>>[vector<16xi32>, vector<16xi32>], vector<16xf32>,
        %mul3A_203 = arith.mulf %gather3A_126, %gather3A_194 : vector<16xf32>
        %mul3A_204 = arith.mulf %gather3A_130, %gather3A_198 : vector<16xf32>
        %add3A_205 = arith.addf %mul3A_203, %mul3A_204 : vector<16xf32>
        %mul3A_206 = arith.mulf %gather3A_134, %gather3A_202 : vector<16xf32>
        %add3A_207 = arith.addf %add3A_205, %mul3A_206 : vector<16xf32>
        tpu.vector_store_idx %arg12[%add3A_143, %add3A_193], %add3A_207 : memref<32x256xf32, #tpu.memory_space<vmem>>[vector<16xi32>, vector<16xi32>], vector<16xf32>,
        %add3A_208 = arith.constant 1 : i32
        %add3A_209 = vector.broadcast %add3A_208 : i32 to vector<16xi32>
        %add3A_210 = arith.addi %add3A_190, %add3A_209 : vector<16xi32>
        %gather3A_211 = tpu.vector_load_idx %arg10[%add3A_140, %add3A_210] : memref<96x256xf32, #tpu.memory_space<vmem>>[vector<16xi32>, vector<16xi32>], vector<16xf32>,
        %add3A_212 = arith.constant 1 : i32
        %add3A_213 = vector.broadcast %add3A_212 : i32 to vector<16xi32>
        %add3A_214 = arith.addi %add3A_140, %add3A_213 : vector<16xi32>
        %gather3A_215 = tpu.vector_load_idx %arg10[%add3A_214, %add3A_210] : memref<96x256xf32, #tpu.memory_space<vmem>>[vector<16xi32>, vector<16xi32>], vector<16xf32>,
        %add3A_216 = arith.constant 2 : i32
        %add3A_217 = vector.broadcast %add3A_216 : i32 to vector<16xi32>
        %add3A_218 = arith.addi %add3A_140, %add3A_217 : vector<16xi32>
        %gather3A_219 = tpu.vector_load_idx %arg10[%add3A_218, %add3A_210] : memref<96x256xf32, #tpu.memory_space<vmem>>[vector<16xi32>, vector<16xi32>], vector<16xf32>,
        %mul3A_220 = arith.mulf %gather3A_126, %gather3A_211 : vector<16xf32>
        %mul3A_221 = arith.mulf %gather3A_130, %gather3A_215 : vector<16xf32>
        %add3A_222 = arith.addf %mul3A_220, %mul3A_221 : vector<16xf32>
        %mul3A_223 = arith.mulf %gather3A_134, %gather3A_219 : vector<16xf32>
        %add3A_224 = arith.addf %add3A_222, %mul3A_223 : vector<16xf32>
        tpu.vector_store_idx %arg12[%add3A_143, %add3A_210], %add3A_224 : memref<32x256xf32, #tpu.memory_space<vmem>>[vector<16xi32>, vector<16xi32>], vector<16xf32>,
        %add3A_225 = arith.constant 2 : i32
        %add3A_226 = vector.broadcast %add3A_225 : i32 to vector<16xi32>
        %add3A_227 = arith.addi %add3A_190, %add3A_226 : vector<16xi32>
        %gather3A_228 = tpu.vector_load_idx %arg10[%add3A_140, %add3A_227] : memref<96x256xf32, #tpu.memory_space<vmem>>[vector<16xi32>, vector<16xi32>], vector<16xf32>,
        %add3A_229 = arith.constant 1 : i32
        %add3A_230 = vector.broadcast %add3A_229 : i32 to vector<16xi32>
        %add3A_231 = arith.addi %add3A_140, %add3A_230 : vector<16xi32>
        %gather3A_232 = tpu.vector_load_idx %arg10[%add3A_231, %add3A_227] : memref<96x256xf32, #tpu.memory_space<vmem>>[vector<16xi32>, vector<16xi32>], vector<16xf32>,
        %add3A_233 = arith.constant 2 : i32
        %add3A_234 = vector.broadcast %add3A_233 : i32 to vector<16xi32>
        %add3A_235 = arith.addi %add3A_140, %add3A_234 : vector<16xi32>
        %gather3A_236 = tpu.vector_load_idx %arg10[%add3A_235, %add3A_227] : memref<96x256xf32, #tpu.memory_space<vmem>>[vector<16xi32>, vector<16xi32>], vector<16xf32>,
        %mul3A_237 = arith.mulf %gather3A_126, %gather3A_228 : vector<16xf32>
        %mul3A_238 = arith.mulf %gather3A_130, %gather3A_232 : vector<16xf32>
        %add3A_239 = arith.addf %mul3A_237, %mul3A_238 : vector<16xf32>
        %mul3A_240 = arith.mulf %gather3A_134, %gather3A_236 : vector<16xf32>
        %add3A_241 = arith.addf %add3A_239, %mul3A_240 : vector<16xf32>
        tpu.vector_store_idx %arg12[%add3A_143, %add3A_227], %add3A_241 : memref<32x256xf32, #tpu.memory_space<vmem>>[vector<16xi32>, vector<16xi32>], vector<16xf32>,
        %add3A_242 = arith.constant 3 : i32
        %add3A_243 = vector.broadcast %add3A_242 : i32 to vector<16xi32>
        %add3A_244 = arith.addi %add3A_190, %add3A_243 : vector<16xi32>
        %gather3A_245 = tpu.vector_load_idx %arg10[%add3A_140, %add3A_244] : memref<96x256xf32, #tpu.memory_space<vmem>>[vector<16xi32>, vector<16xi32>], vector<16xf32>,
        %add3A_246 = arith.constant 1 : i32
        %add3A_247 = vector.broadcast %add3A_246 : i32 to vector<16xi32>
        %add3A_248 = arith.addi %add3A_140, %add3A_247 : vector<16xi32>
        %gather3A_249 = tpu.vector_load_idx %arg10[%add3A_248, %add3A_244] : memref<96x256xf32, #tpu.memory_space<vmem>>[vector<16xi32>, vector<16xi32>], vector<16xf32>,
        %add3A_250 = arith.constant 2 : i32
        %add3A_251 = vector.broadcast %add3A_250 : i32 to vector<16xi32>
        %add3A_252 = arith.addi %add3A_140, %add3A_251 : vector<16xi32>
        %gather3A_253 = tpu.vector_load_idx %arg10[%add3A_252, %add3A_244] : memref<96x256xf32, #tpu.memory_space<vmem>>[vector<16xi32>, vector<16xi32>], vector<16xf32>,
        %mul3A_254 = arith.mulf %gather3A_126, %gather3A_245 : vector<16xf32>
        %mul3A_255 = arith.mulf %gather3A_130, %gather3A_249 : vector<16xf32>
        %add3A_256 = arith.addf %mul3A_254, %mul3A_255 : vector<16xf32>
        %mul3A_257 = arith.mulf %gather3A_134, %gather3A_253 : vector<16xf32>
        %add3A_258 = arith.addf %add3A_256, %mul3A_257 : vector<16xf32>
        tpu.vector_store_idx %arg12[%add3A_143, %add3A_244], %add3A_258 : memref<32x256xf32, #tpu.memory_space<vmem>>[vector<16xi32>, vector<16xi32>], vector<16xf32>,
        %add3A_259 = arith.constant 4 : i32
        %add3A_260 = vector.broadcast %add3A_259 : i32 to vector<16xi32>
        %add3A_261 = arith.addi %add3A_190, %add3A_260 : vector<16xi32>
        %gather3A_262 = tpu.vector_load_idx %arg10[%add3A_140, %add3A_261] : memref<96x256xf32, #tpu.memory_space<vmem>>[vector<16xi32>, vector<16xi32>], vector<16xf32>,
        %add3A_263 = arith.constant 1 : i32
        %add3A_264 = vector.broadcast %add3A_263 : i32 to vector<16xi32>
        %add3A_265 = arith.addi %add3A_140, %add3A_264 : vector<16xi32>
        %gather3A_266 = tpu.vector_load_idx %arg10[%add3A_265, %add3A_261] : memref<96x256xf32, #tpu.memory_space<vmem>>[vector<16xi32>, vector<16xi32>], vector<16xf32>,
        %add3A_267 = arith.constant 2 : i32
        %add3A_268 = vector.broadcast %add3A_267 : i32 to vector<16xi32>
        %add3A_269 = arith.addi %add3A_140, %add3A_268 : vector<16xi32>
        %gather3A_270 = tpu.vector_load_idx %arg10[%add3A_269, %add3A_261] : memref<96x256xf32, #tpu.memory_space<vmem>>[vector<16xi32>, vector<16xi32>], vector<16xf32>,
        %mul3A_271 = arith.mulf %gather3A_126, %gather3A_262 : vector<16xf32>
        %mul3A_272 = arith.mulf %gather3A_130, %gather3A_266 : vector<16xf32>
        %add3A_273 = arith.addf %mul3A_271, %mul3A_272 : vector<16xf32>
        %mul3A_274 = arith.mulf %gather3A_134, %gather3A_270 : vector<16xf32>
        %add3A_275 = arith.addf %add3A_273, %mul3A_274 : vector<16xf32>
        tpu.vector_store_idx %arg12[%add3A_143, %add3A_261], %add3A_275 : memref<32x256xf32, #tpu.memory_space<vmem>>[vector<16xi32>, vector<16xi32>], vector<16xf32>,
        %add3A_276 = arith.constant 5 : i32
        %add3A_277 = vector.broadcast %add3A_276 : i32 to vector<16xi32>
        %add3A_278 = arith.addi %add3A_190, %add3A_277 : vector<16xi32>
        %gather3A_279 = tpu.vector_load_idx %arg10[%add3A_140, %add3A_278] : memref<96x256xf32, #tpu.memory_space<vmem>>[vector<16xi32>, vector<16xi32>], vector<16xf32>,
        %add3A_280 = arith.constant 1 : i32
        %add3A_281 = vector.broadcast %add3A_280 : i32 to vector<16xi32>
        %add3A_282 = arith.addi %add3A_140, %add3A_281 : vector<16xi32>
        %gather3A_283 = tpu.vector_load_idx %arg10[%add3A_282, %add3A_278] : memref<96x256xf32, #tpu.memory_space<vmem>>[vector<16xi32>, vector<16xi32>], vector<16xf32>,
        %add3A_284 = arith.constant 2 : i32
        %add3A_285 = vector.broadcast %add3A_284 : i32 to vector<16xi32>
        %add3A_286 = arith.addi %add3A_140, %add3A_285 : vector<16xi32>
        %gather3A_287 = tpu.vector_load_idx %arg10[%add3A_286, %add3A_278] : memref<96x256xf32, #tpu.memory_space<vmem>>[vector<16xi32>, vector<16xi32>], vector<16xf32>,
        %mul3A_288 = arith.mulf %gather3A_126, %gather3A_279 : vector<16xf32>
        %mul3A_289 = arith.mulf %gather3A_130, %gather3A_283 : vector<16xf32>
        %add3A_290 = arith.addf %mul3A_288, %mul3A_289 : vector<16xf32>
        %mul3A_291 = arith.mulf %gather3A_134, %gather3A_287 : vector<16xf32>
        %add3A_292 = arith.addf %add3A_290, %mul3A_291 : vector<16xf32>
        tpu.vector_store_idx %arg12[%add3A_143, %add3A_278], %add3A_292 : memref<32x256xf32, #tpu.memory_space<vmem>>[vector<16xi32>, vector<16xi32>], vector<16xf32>,
        %add3A_293 = arith.constant 6 : i32
        %add3A_294 = vector.broadcast %add3A_293 : i32 to vector<16xi32>
        %add3A_295 = arith.addi %add3A_190, %add3A_294 : vector<16xi32>
        %gather3A_296 = tpu.vector_load_idx %arg10[%add3A_140, %add3A_295] : memref<96x256xf32, #tpu.memory_space<vmem>>[vector<16xi32>, vector<16xi32>], vector<16xf32>,
        %add3A_297 = arith.constant 1 : i32
        %add3A_298 = vector.broadcast %add3A_297 : i32 to vector<16xi32>
        %add3A_299 = arith.addi %add3A_140, %add3A_298 : vector<16xi32>
        %gather3A_300 = tpu.vector_load_idx %arg10[%add3A_299, %add3A_295] : memref<96x256xf32, #tpu.memory_space<vmem>>[vector<16xi32>, vector<16xi32>], vector<16xf32>,
        %add3A_301 = arith.constant 2 : i32
        %add3A_302 = vector.broadcast %add3A_301 : i32 to vector<16xi32>
        %add3A_303 = arith.addi %add3A_140, %add3A_302 : vector<16xi32>
        %gather3A_304 = tpu.vector_load_idx %arg10[%add3A_303, %add3A_295] : memref<96x256xf32, #tpu.memory_space<vmem>>[vector<16xi32>, vector<16xi32>], vector<16xf32>,
        %mul3A_305 = arith.mulf %gather3A_126, %gather3A_296 : vector<16xf32>
        %mul3A_306 = arith.mulf %gather3A_130, %gather3A_300 : vector<16xf32>
        %add3A_307 = arith.addf %mul3A_305, %mul3A_306 : vector<16xf32>
        %mul3A_308 = arith.mulf %gather3A_134, %gather3A_304 : vector<16xf32>
        %add3A_309 = arith.addf %add3A_307, %mul3A_308 : vector<16xf32>
        tpu.vector_store_idx %arg12[%add3A_143, %add3A_295], %add3A_309 : memref<32x256xf32, #tpu.memory_space<vmem>>[vector<16xi32>, vector<16xi32>], vector<16xf32>,
        %add3A_310 = arith.constant 7 : i32
        %add3A_311 = vector.broadcast %add3A_310 : i32 to vector<16xi32>
        %add3A_312 = arith.addi %add3A_190, %add3A_311 : vector<16xi32>
        %gather3A_313 = tpu.vector_load_idx %arg10[%add3A_140, %add3A_312] : memref<96x256xf32, #tpu.memory_space<vmem>>[vector<16xi32>, vector<16xi32>], vector<16xf32>,
        %add3A_314 = arith.constant 1 : i32
        %add3A_315 = vector.broadcast %add3A_314 : i32 to vector<16xi32>
        %add3A_316 = arith.addi %add3A_140, %add3A_315 : vector<16xi32>
        %gather3A_317 = tpu.vector_load_idx %arg10[%add3A_316, %add3A_312] : memref<96x256xf32, #tpu.memory_space<vmem>>[vector<16xi32>, vector<16xi32>], vector<16xf32>,
        %add3A_318 = arith.constant 2 : i32
        %add3A_319 = vector.broadcast %add3A_318 : i32 to vector<16xi32>
        %add3A_320 = arith.addi %add3A_140, %add3A_319 : vector<16xi32>
        %gather3A_321 = tpu.vector_load_idx %arg10[%add3A_320, %add3A_312] : memref<96x256xf32, #tpu.memory_space<vmem>>[vector<16xi32>, vector<16xi32>], vector<16xf32>,
        %mul3A_322 = arith.mulf %gather3A_126, %gather3A_313 : vector<16xf32>
        %mul3A_323 = arith.mulf %gather3A_130, %gather3A_317 : vector<16xf32>
        %add3A_324 = arith.addf %mul3A_322, %mul3A_323 : vector<16xf32>
        %mul3A_325 = arith.mulf %gather3A_134, %gather3A_321 : vector<16xf32>
        %add3A_326 = arith.addf %add3A_324, %mul3A_325 : vector<16xf32>
        tpu.vector_store_idx %arg12[%add3A_143, %add3A_312], %add3A_326 : memref<32x256xf32, #tpu.memory_space<vmem>>[vector<16xi32>, vector<16xi32>], vector<16xf32>,
      }
      %scan3A_148 = arith.constant 32 : i32
      %mul3A_149 = arith.constant 4 : i32
      %mul3A_150 = vector.broadcast %mul3A_149 : i32 to vector<16xi32>
      %mul3A_151 = arith.muli %iota3A, %mul3A_150 : vector<16xi32>
      %mul3A_152 = arith.constant 128 : i32
      %mul3A_153 = arith.muli %add3A_115, %mul3A_152 : i32
      %add3A_154 = vector.broadcast %mul3A_153 : i32 to vector<16xi32>
      %add3A_155 = arith.addi %mul3A_151, %add3A_154 : vector<16xi32>
      %add3A_156 = arith.constant 64 : i32
      %add3A_157 = vector.broadcast %add3A_156 : i32 to vector<16xi32>
      %add3A_158 = arith.addi %add3A_155, %add3A_157 : vector<16xi32>
      %gather3A_159 = tpu.vector_load_idx %arg7[%add3A_158] : memref<2048xf32, #tpu.memory_space<vmem>>[vector<16xi32>], vector<16xf32>,
      %add3A_160 = arith.constant 1 : i32
      %add3A_161 = vector.broadcast %add3A_160 : i32 to vector<16xi32>
      %add3A_162 = arith.addi %add3A_158, %add3A_161 : vector<16xi32>
      %gather3A_163 = tpu.vector_load_idx %arg7[%add3A_162] : memref<2048xf32, #tpu.memory_space<vmem>>[vector<16xi32>], vector<16xf32>,
      %add3A_164 = arith.constant 2 : i32
      %add3A_165 = vector.broadcast %add3A_164 : i32 to vector<16xi32>
      %add3A_166 = arith.addi %add3A_158, %add3A_165 : vector<16xi32>
      %gather3A_167 = tpu.vector_load_idx %arg7[%add3A_166] : memref<2048xf32, #tpu.memory_space<vmem>>[vector<16xi32>], vector<16xf32>,
      %mul3A_168 = arith.constant 3 : i32
      %mul3A_169 = vector.broadcast %mul3A_168 : i32 to vector<16xi32>
      %mul3A_170 = arith.muli %iota3A, %mul3A_169 : vector<16xi32>
      %add3A_171 = arith.constant 48 : i32
      %add3A_172 = vector.broadcast %add3A_171 : i32 to vector<16xi32>
      %add3A_173 = arith.addi %mul3A_170, %add3A_172 : vector<16xi32>
      %add3A_174 = arith.constant 16 : i32
      %add3A_175 = vector.broadcast %add3A_174 : i32 to vector<16xi32>
      %add3A_176 = arith.addi %iota3A, %add3A_175 : vector<16xi32>
      %scan3A_177 = arith.constant 0 : i32
      %scan3A_178 = arith.constant 32 : i32
      %scan3A_179 = arith.addi %scan3A_177, %scan3A_178 : i32
      %scan3A_180 = arith.constant 1 : i32
      scf.for %scan3A_185 = %scan3A_177 to %scan3A_179 step %scan3A_180  : i32 {
        %broadcast_in_dim3A = arith.constant 0 : i32
        %broadcast_in_dim3A_186 = vector.broadcast %broadcast_in_dim3A : i32 to vector<16xi32>
        %mul3A_187 = arith.constant 8 : i32
        %mul3A_188 = arith.muli %scan3A_185, %mul3A_187 : i32
        %add3A_189 = vector.broadcast %mul3A_188 : i32 to vector<16xi32>
        %add3A_190 = arith.addi %broadcast_in_dim3A_186, %add3A_189 : vector<16xi32>
        %add3A_191 = arith.constant 0 : i32
        %add3A_192 = vector.broadcast %add3A_191 : i32 to vector<16xi32>
        %add3A_193 = arith.addi %add3A_190, %add3A_192 : vector<16xi32>
        %gather3A_194 = tpu.vector_load_idx %arg10[%add3A_173, %add3A_193] : memref<96x256xf32, #tpu.memory_space<vmem>>[vector<16xi32>, vector<16xi32>], vector<16xf32>,
        %add3A_195 = arith.constant 1 : i32
        %add3A_196 = vector.broadcast %add3A_195 : i32 to vector<16xi32>
        %add3A_197 = arith.addi %add3A_173, %add3A_196 : vector<16xi32>
        %gather3A_198 = tpu.vector_load_idx %arg10[%add3A_197, %add3A_193] : memref<96x256xf32, #tpu.memory_space<vmem>>[vector<16xi32>, vector<16xi32>], vector<16xf32>,
        %add3A_199 = arith.constant 2 : i32
        %add3A_200 = vector.broadcast %add3A_199 : i32 to vector<16xi32>
        %add3A_201 = arith.addi %add3A_173, %add3A_200 : vector<16xi32>
        %gather3A_202 = tpu.vector_load_idx %arg10[%add3A_201, %add3A_193] : memref<96x256xf32, #tpu.memory_space<vmem>>[vector<16xi32>, vector<16xi32>], vector<16xf32>,
        %mul3A_203 = arith.mulf %gather3A_159, %gather3A_194 : vector<16xf32>
        %mul3A_204 = arith.mulf %gather3A_163, %gather3A_198 : vector<16xf32>
        %add3A_205 = arith.addf %mul3A_203, %mul3A_204 : vector<16xf32>
        %mul3A_206 = arith.mulf %gather3A_167, %gather3A_202 : vector<16xf32>
        %add3A_207 = arith.addf %add3A_205, %mul3A_206 : vector<16xf32>
        tpu.vector_store_idx %arg12[%add3A_176, %add3A_193], %add3A_207 : memref<32x256xf32, #tpu.memory_space<vmem>>[vector<16xi32>, vector<16xi32>], vector<16xf32>,
        %add3A_208 = arith.constant 1 : i32
        %add3A_209 = vector.broadcast %add3A_208 : i32 to vector<16xi32>
        %add3A_210 = arith.addi %add3A_190, %add3A_209 : vector<16xi32>
        %gather3A_211 = tpu.vector_load_idx %arg10[%add3A_173, %add3A_210] : memref<96x256xf32, #tpu.memory_space<vmem>>[vector<16xi32>, vector<16xi32>], vector<16xf32>,
        %add3A_212 = arith.constant 1 : i32
        %add3A_213 = vector.broadcast %add3A_212 : i32 to vector<16xi32>
        %add3A_214 = arith.addi %add3A_173, %add3A_213 : vector<16xi32>
        %gather3A_215 = tpu.vector_load_idx %arg10[%add3A_214, %add3A_210] : memref<96x256xf32, #tpu.memory_space<vmem>>[vector<16xi32>, vector<16xi32>], vector<16xf32>,
        %add3A_216 = arith.constant 2 : i32
        %add3A_217 = vector.broadcast %add3A_216 : i32 to vector<16xi32>
        %add3A_218 = arith.addi %add3A_173, %add3A_217 : vector<16xi32>
        %gather3A_219 = tpu.vector_load_idx %arg10[%add3A_218, %add3A_210] : memref<96x256xf32, #tpu.memory_space<vmem>>[vector<16xi32>, vector<16xi32>], vector<16xf32>,
        %mul3A_220 = arith.mulf %gather3A_159, %gather3A_211 : vector<16xf32>
        %mul3A_221 = arith.mulf %gather3A_163, %gather3A_215 : vector<16xf32>
        %add3A_222 = arith.addf %mul3A_220, %mul3A_221 : vector<16xf32>
        %mul3A_223 = arith.mulf %gather3A_167, %gather3A_219 : vector<16xf32>
        %add3A_224 = arith.addf %add3A_222, %mul3A_223 : vector<16xf32>
        tpu.vector_store_idx %arg12[%add3A_176, %add3A_210], %add3A_224 : memref<32x256xf32, #tpu.memory_space<vmem>>[vector<16xi32>, vector<16xi32>], vector<16xf32>,
        %add3A_225 = arith.constant 2 : i32
        %add3A_226 = vector.broadcast %add3A_225 : i32 to vector<16xi32>
        %add3A_227 = arith.addi %add3A_190, %add3A_226 : vector<16xi32>
        %gather3A_228 = tpu.vector_load_idx %arg10[%add3A_173, %add3A_227] : memref<96x256xf32, #tpu.memory_space<vmem>>[vector<16xi32>, vector<16xi32>], vector<16xf32>,
        %add3A_229 = arith.constant 1 : i32
        %add3A_230 = vector.broadcast %add3A_229 : i32 to vector<16xi32>
        %add3A_231 = arith.addi %add3A_173, %add3A_230 : vector<16xi32>
        %gather3A_232 = tpu.vector_load_idx %arg10[%add3A_231, %add3A_227] : memref<96x256xf32, #tpu.memory_space<vmem>>[vector<16xi32>, vector<16xi32>], vector<16xf32>,
        %add3A_233 = arith.constant 2 : i32
        %add3A_234 = vector.broadcast %add3A_233 : i32 to vector<16xi32>
        %add3A_235 = arith.addi %add3A_173, %add3A_234 : vector<16xi32>
        %gather3A_236 = tpu.vector_load_idx %arg10[%add3A_235, %add3A_227] : memref<96x256xf32, #tpu.memory_space<vmem>>[vector<16xi32>, vector<16xi32>], vector<16xf32>,
        %mul3A_237 = arith.mulf %gather3A_159, %gather3A_228 : vector<16xf32>
        %mul3A_238 = arith.mulf %gather3A_163, %gather3A_232 : vector<16xf32>
        %add3A_239 = arith.addf %mul3A_237, %mul3A_238 : vector<16xf32>
        %mul3A_240 = arith.mulf %gather3A_167, %gather3A_236 : vector<16xf32>
        %add3A_241 = arith.addf %add3A_239, %mul3A_240 : vector<16xf32>
        tpu.vector_store_idx %arg12[%add3A_176, %add3A_227], %add3A_241 : memref<32x256xf32, #tpu.memory_space<vmem>>[vector<16xi32>, vector<16xi32>], vector<16xf32>,
        %add3A_242 = arith.constant 3 : i32
        %add3A_243 = vector.broadcast %add3A_242 : i32 to vector<16xi32>
        %add3A_244 = arith.addi %add3A_190, %add3A_243 : vector<16xi32>
        %gather3A_245 = tpu.vector_load_idx %arg10[%add3A_173, %add3A_244] : memref<96x256xf32, #tpu.memory_space<vmem>>[vector<16xi32>, vector<16xi32>], vector<16xf32>,
        %add3A_246 = arith.constant 1 : i32
        %add3A_247 = vector.broadcast %add3A_246 : i32 to vector<16xi32>
        %add3A_248 = arith.addi %add3A_173, %add3A_247 : vector<16xi32>
        %gather3A_249 = tpu.vector_load_idx %arg10[%add3A_248, %add3A_244] : memref<96x256xf32, #tpu.memory_space<vmem>>[vector<16xi32>, vector<16xi32>], vector<16xf32>,
        %add3A_250 = arith.constant 2 : i32
        %add3A_251 = vector.broadcast %add3A_250 : i32 to vector<16xi32>
        %add3A_252 = arith.addi %add3A_173, %add3A_251 : vector<16xi32>
        %gather3A_253 = tpu.vector_load_idx %arg10[%add3A_252, %add3A_244] : memref<96x256xf32, #tpu.memory_space<vmem>>[vector<16xi32>, vector<16xi32>], vector<16xf32>,
        %mul3A_254 = arith.mulf %gather3A_159, %gather3A_245 : vector<16xf32>
        %mul3A_255 = arith.mulf %gather3A_163, %gather3A_249 : vector<16xf32>
        %add3A_256 = arith.addf %mul3A_254, %mul3A_255 : vector<16xf32>
        %mul3A_257 = arith.mulf %gather3A_167, %gather3A_253 : vector<16xf32>
        %add3A_258 = arith.addf %add3A_256, %mul3A_257 : vector<16xf32>
        tpu.vector_store_idx %arg12[%add3A_176, %add3A_244], %add3A_258 : memref<32x256xf32, #tpu.memory_space<vmem>>[vector<16xi32>, vector<16xi32>], vector<16xf32>,
        %add3A_259 = arith.constant 4 : i32
        %add3A_260 = vector.broadcast %add3A_259 : i32 to vector<16xi32>
        %add3A_261 = arith.addi %add3A_190, %add3A_260 : vector<16xi32>
        %gather3A_262 = tpu.vector_load_idx %arg10[%add3A_173, %add3A_261] : memref<96x256xf32, #tpu.memory_space<vmem>>[vector<16xi32>, vector<16xi32>], vector<16xf32>,
        %add3A_263 = arith.constant 1 : i32
        %add3A_264 = vector.broadcast %add3A_263 : i32 to vector<16xi32>
        %add3A_265 = arith.addi %add3A_173, %add3A_264 : vector<16xi32>
        %gather3A_266 = tpu.vector_load_idx %arg10[%add3A_265, %add3A_261] : memref<96x256xf32, #tpu.memory_space<vmem>>[vector<16xi32>, vector<16xi32>], vector<16xf32>,
        %add3A_267 = arith.constant 2 : i32
        %add3A_268 = vector.broadcast %add3A_267 : i32 to vector<16xi32>
        %add3A_269 = arith.addi %add3A_173, %add3A_268 : vector<16xi32>
        %gather3A_270 = tpu.vector_load_idx %arg10[%add3A_269, %add3A_261] : memref<96x256xf32, #tpu.memory_space<vmem>>[vector<16xi32>, vector<16xi32>], vector<16xf32>,
        %mul3A_271 = arith.mulf %gather3A_159, %gather3A_262 : vector<16xf32>
        %mul3A_272 = arith.mulf %gather3A_163, %gather3A_266 : vector<16xf32>
        %add3A_273 = arith.addf %mul3A_271, %mul3A_272 : vector<16xf32>
        %mul3A_274 = arith.mulf %gather3A_167, %gather3A_270 : vector<16xf32>
        %add3A_275 = arith.addf %add3A_273, %mul3A_274 : vector<16xf32>
        tpu.vector_store_idx %arg12[%add3A_176, %add3A_261], %add3A_275 : memref<32x256xf32, #tpu.memory_space<vmem>>[vector<16xi32>, vector<16xi32>], vector<16xf32>,
        %add3A_276 = arith.constant 5 : i32
        %add3A_277 = vector.broadcast %add3A_276 : i32 to vector<16xi32>
        %add3A_278 = arith.addi %add3A_190, %add3A_277 : vector<16xi32>
        %gather3A_279 = tpu.vector_load_idx %arg10[%add3A_173, %add3A_278] : memref<96x256xf32, #tpu.memory_space<vmem>>[vector<16xi32>, vector<16xi32>], vector<16xf32>,
        %add3A_280 = arith.constant 1 : i32
        %add3A_281 = vector.broadcast %add3A_280 : i32 to vector<16xi32>
        %add3A_282 = arith.addi %add3A_173, %add3A_281 : vector<16xi32>
        %gather3A_283 = tpu.vector_load_idx %arg10[%add3A_282, %add3A_278] : memref<96x256xf32, #tpu.memory_space<vmem>>[vector<16xi32>, vector<16xi32>], vector<16xf32>,
        %add3A_284 = arith.constant 2 : i32
        %add3A_285 = vector.broadcast %add3A_284 : i32 to vector<16xi32>
        %add3A_286 = arith.addi %add3A_173, %add3A_285 : vector<16xi32>
        %gather3A_287 = tpu.vector_load_idx %arg10[%add3A_286, %add3A_278] : memref<96x256xf32, #tpu.memory_space<vmem>>[vector<16xi32>, vector<16xi32>], vector<16xf32>,
        %mul3A_288 = arith.mulf %gather3A_159, %gather3A_279 : vector<16xf32>
        %mul3A_289 = arith.mulf %gather3A_163, %gather3A_283 : vector<16xf32>
        %add3A_290 = arith.addf %mul3A_288, %mul3A_289 : vector<16xf32>
        %mul3A_291 = arith.mulf %gather3A_167, %gather3A_287 : vector<16xf32>
        %add3A_292 = arith.addf %add3A_290, %mul3A_291 : vector<16xf32>
        tpu.vector_store_idx %arg12[%add3A_176, %add3A_278], %add3A_292 : memref<32x256xf32, #tpu.memory_space<vmem>>[vector<16xi32>, vector<16xi32>], vector<16xf32>,
        %add3A_293 = arith.constant 6 : i32
        %add3A_294 = vector.broadcast %add3A_293 : i32 to vector<16xi32>
        %add3A_295 = arith.addi %add3A_190, %add3A_294 : vector<16xi32>
        %gather3A_296 = tpu.vector_load_idx %arg10[%add3A_173, %add3A_295] : memref<96x256xf32, #tpu.memory_space<vmem>>[vector<16xi32>, vector<16xi32>], vector<16xf32>,
        %add3A_297 = arith.constant 1 : i32
        %add3A_298 = vector.broadcast %add3A_297 : i32 to vector<16xi32>
        %add3A_299 = arith.addi %add3A_173, %add3A_298 : vector<16xi32>
        %gather3A_300 = tpu.vector_load_idx %arg10[%add3A_299, %add3A_295] : memref<96x256xf32, #tpu.memory_space<vmem>>[vector<16xi32>, vector<16xi32>], vector<16xf32>,
        %add3A_301 = arith.constant 2 : i32
        %add3A_302 = vector.broadcast %add3A_301 : i32 to vector<16xi32>
        %add3A_303 = arith.addi %add3A_173, %add3A_302 : vector<16xi32>
        %gather3A_304 = tpu.vector_load_idx %arg10[%add3A_303, %add3A_295] : memref<96x256xf32, #tpu.memory_space<vmem>>[vector<16xi32>, vector<16xi32>], vector<16xf32>,
        %mul3A_305 = arith.mulf %gather3A_159, %gather3A_296 : vector<16xf32>
        %mul3A_306 = arith.mulf %gather3A_163, %gather3A_300 : vector<16xf32>
        %add3A_307 = arith.addf %mul3A_305, %mul3A_306 : vector<16xf32>
        %mul3A_308 = arith.mulf %gather3A_167, %gather3A_304 : vector<16xf32>
        %add3A_309 = arith.addf %add3A_307, %mul3A_308 : vector<16xf32>
        tpu.vector_store_idx %arg12[%add3A_176, %add3A_295], %add3A_309 : memref<32x256xf32, #tpu.memory_space<vmem>>[vector<16xi32>, vector<16xi32>], vector<16xf32>,
        %add3A_310 = arith.constant 7 : i32
        %add3A_311 = vector.broadcast %add3A_310 : i32 to vector<16xi32>
        %add3A_312 = arith.addi %add3A_190, %add3A_311 : vector<16xi32>
        %gather3A_313 = tpu.vector_load_idx %arg10[%add3A_173, %add3A_312] : memref<96x256xf32, #tpu.memory_space<vmem>>[vector<16xi32>, vector<16xi32>], vector<16xf32>,
        %add3A_314 = arith.constant 1 : i32
        %add3A_315 = vector.broadcast %add3A_314 : i32 to vector<16xi32>
        %add3A_316 = arith.addi %add3A_173, %add3A_315 : vector<16xi32>
        %gather3A_317 = tpu.vector_load_idx %arg10[%add3A_316, %add3A_312] : memref<96x256xf32, #tpu.memory_space<vmem>>[vector<16xi32>, vector<16xi32>], vector<16xf32>,
        %add3A_318 = arith.constant 2 : i32
        %add3A_319 = vector.broadcast %add3A_318 : i32 to vector<16xi32>
        %add3A_320 = arith.addi %add3A_173, %add3A_319 : vector<16xi32>
        %gather3A_321 = tpu.vector_load_idx %arg10[%add3A_320, %add3A_312] : memref<96x256xf32, #tpu.memory_space<vmem>>[vector<16xi32>, vector<16xi32>], vector<16xf32>,
        %mul3A_322 = arith.mulf %gather3A_159, %gather3A_313 : vector<16xf32>
        %mul3A_323 = arith.mulf %gather3A_163, %gather3A_317 : vector<16xf32>
        %add3A_324 = arith.addf %mul3A_322, %mul3A_323 : vector<16xf32>
        %mul3A_325 = arith.mulf %gather3A_167, %gather3A_321 : vector<16xf32>
        %add3A_326 = arith.addf %add3A_324, %mul3A_325 : vector<16xf32>
        tpu.vector_store_idx %arg12[%add3A_176, %add3A_312], %add3A_326 : memref<32x256xf32, #tpu.memory_space<vmem>>[vector<16xi32>, vector<16xi32>], vector<16xf32>,
      }
      %scan3A_181 = arith.constant 32 : i32
      %mul3A_182 = arith.constant 32 : i32
      %mul3A_183 = arith.muli %add3A_115, %mul3A_182 : i32
      %add3A_184 = arith.addi %mul3A_2, %mul3A_183 : i32
      "tpu.region"() ({
        %run_scoped3A = tpu.sem_alloc : memref<!tpu.dma_semaphore, #tpu.memory_space<semaphore_mem>>
        %dma_start3A_185 = arith.constant 0 : i32
        %dma_start3A_186 = tpu.memref_slice %arg5[%add3A_184, %dma_start3A_185] : memref<16384x256xf32, #tpu.memory_space<hbm>> -> memref<32x256xf32, #tpu.memory_space<hbm>>
        %dma_start3A_187 = arith.constant 0 : i32
        %dma_start3A_188 = tpu.memref_slice %arg5[%add3A_184, %dma_start3A_187] : memref<16384x256xf32, #tpu.memory_space<hbm>> -> memref<32x256xf32, #tpu.memory_space<hbm>>
        tpu.enqueue_dma source(%arg12 : memref<32x256xf32, #tpu.memory_space<vmem>>) target(%dma_start3A_188 : memref<32x256xf32, #tpu.memory_space<hbm>>) target_semaphore(%run_scoped3A : memref<!tpu.dma_semaphore, #tpu.memory_space<semaphore_mem>>)
        %dma_wait3A_189 = arith.constant 0 : i32
        %dma_wait3A_190 = tpu.memref_slice %arg5[%add3A_184, %dma_wait3A_189] : memref<16384x256xf32, #tpu.memory_space<hbm>> -> memref<32x256xf32, #tpu.memory_space<hbm>>
        %dma_wait3A_191 = arith.constant 0 : i32
        %dma_wait3A_192 = tpu.memref_slice %arg5[%add3A_184, %dma_wait3A_191] : memref<16384x256xf32, #tpu.memory_space<hbm>> -> memref<32x256xf32, #tpu.memory_space<hbm>>
        tpu.wait_dma2 semaphore(%run_scoped3A : memref<!tpu.dma_semaphore, #tpu.memory_space<semaphore_mem>>) src(%arg12 : memref<32x256xf32, #tpu.memory_space<vmem>>) dst(%dma_wait3A_192 : memref<32x256xf32, #tpu.memory_space<hbm>>)
        tpu.yield
      }) : () -> ()
    }
    %scan3A_19 = arith.constant 8 : i32
    return
  }
}

module attributes {stable_mosaic.version = 14 : i64} {
  func.func @_topk_body(%arg0: i32, %arg1: i32, %arg2: memref<1x512x8xf32, #tpu.memory_space<vmem>>, %arg3: memref<1x8x2048xf32, #tpu.memory_space<vmem>>, %arg4: memref<1x128x512xf32, #tpu.memory_space<vmem>>, %arg5: memref<1x256x2048xf32, #tpu.memory_space<vmem>>, %arg6: memref<256x256xf32, #tpu.memory_space<vmem>>, %arg7: memref<256x128xf32, #tpu.memory_space<vmem>>, %arg8: memref<1x512x4xi32, #tpu.memory_space<vmem>>, %arg9: memref<1x512x4xf32, #tpu.memory_space<vmem>>, %arg10: memref<1x512x256xf32, #tpu.memory_space<vmem>>, %arg11: memref<1x2048x256xf32, #tpu.memory_space<vmem>>) attributes {dimension_semantics = [#tpu.dimension_semantics<arbitrary>, #tpu.dimension_semantics<arbitrary>], iteration_bounds = array<i64: 2, 16>, scalar_prefetch = 0 : i64, scratch_operands = 0 : i64, tpu.core_type = #tpu.core_type<tc>, window_params = [{transform_indices = @transform_0, window_bounds = array<i64: 1, 512, 8>}, {transform_indices = @transform_1, window_bounds = array<i64: 1, 8, 2048>}, {transform_indices = @transform_2, window_bounds = array<i64: 1, 128, 512>}, {transform_indices = @transform_3, window_bounds = array<i64: 1, 256, 2048>}, {pipeline_mode = #tpu.pipeline_mode<synchronous>, transform_indices = @transform_4, window_bounds = array<i64: 256, 256>}, {pipeline_mode = #tpu.pipeline_mode<synchronous>, transform_indices = @transform_5, window_bounds = array<i64: 256, 128>}, {transform_indices = @transform_6, window_bounds = array<i64: 1, 512, 4>}, {transform_indices = @transform_7, window_bounds = array<i64: 1, 512, 4>}, {transform_indices = @transform_8, window_bounds = array<i64: 1, 512, 256>}, {transform_indices = @transform_9, window_bounds = array<i64: 1, 2048, 256>}]} {
    %get3A = arith.constant 0 : index
    %get3A_0 = arith.constant 0 : index
    %get3A_1 = arith.constant 0 : index
    %get3A_2 = vector.load %arg2[%get3A, %get3A_0, %get3A_1] : memref<1x512x8xf32, #tpu.memory_space<vmem>>, vector<1x512x8xf32>
    %get3A_3 = vector.shape_cast %get3A_2 : vector<1x512x8xf32> to vector<512x8xf32>
    %get3A_4 = arith.constant 0 : index
    %get3A_5 = arith.constant 0 : index
    %get3A_6 = arith.constant 0 : index
    %get3A_7 = vector.load %arg3[%get3A_4, %get3A_5, %get3A_6] : memref<1x8x2048xf32, #tpu.memory_space<vmem>>, vector<1x8x2048xf32>
    %get3A_8 = vector.shape_cast %get3A_7 : vector<1x8x2048xf32> to vector<8x2048xf32>
    %slice3A = vector.extract_strided_slice %get3A_3 {offsets = [0, 0], sizes = [512, 1], strides = [1, 1]} : vector<512x8xf32> to vector<512x1xf32>
    %slice3A_9 = vector.extract_strided_slice %get3A_3 {offsets = [0, 1], sizes = [512, 1], strides = [1, 1]} : vector<512x8xf32> to vector<512x1xf32>
    %slice3A_10 = vector.extract_strided_slice %get3A_3 {offsets = [0, 2], sizes = [512, 1], strides = [1, 1]} : vector<512x8xf32> to vector<512x1xf32>
    %slice3A_11 = vector.extract_strided_slice %get3A_8 {offsets = [0, 0], sizes = [1, 2048], strides = [1, 1]} : vector<8x2048xf32> to vector<1x2048xf32>
    %slice3A_12 = vector.extract_strided_slice %get3A_8 {offsets = [1, 0], sizes = [1, 2048], strides = [1, 1]} : vector<8x2048xf32> to vector<1x2048xf32>
    %slice3A_13 = vector.extract_strided_slice %get3A_8 {offsets = [2, 0], sizes = [1, 2048], strides = [1, 1]} : vector<8x2048xf32> to vector<1x2048xf32>
    %mul3A = arith.mulf %slice3A, %slice3A : vector<512x1xf32>
    %mul3A_14 = arith.mulf %slice3A_9, %slice3A_9 : vector<512x1xf32>
    %add3A = arith.addf %mul3A, %mul3A_14 : vector<512x1xf32>
    %mul3A_15 = arith.mulf %slice3A_10, %slice3A_10 : vector<512x1xf32>
    %add3A_16 = arith.addf %add3A, %mul3A_15 : vector<512x1xf32>
    %mul3A_17 = arith.mulf %slice3A_11, %slice3A_11 : vector<1x2048xf32>
    %mul3A_18 = arith.mulf %slice3A_12, %slice3A_12 : vector<1x2048xf32>
    %add3A_19 = arith.addf %mul3A_17, %mul3A_18 : vector<1x2048xf32>
    %mul3A_20 = arith.mulf %slice3A_13, %slice3A_13 : vector<1x2048xf32>
    %add3A_21 = arith.addf %add3A_19, %mul3A_20 : vector<1x2048xf32>
    %convert_element_type3A = arith.truncf %get3A_3 : vector<512x8xf32> to vector<512x8xbf16>
    %convert_element_type3A_22 = arith.truncf %get3A_8 : vector<8x2048xf32> to vector<8x2048xbf16>
    %dot_general3A = arith.constant dense<0.000000e+00> : vector<512x2048xf32>
    %dot_general3A_23 = tpu.matmul %convert_element_type3A, %convert_element_type3A_22, %dot_general3A {dimension_numbers = #tpu.dot_dimension_numbers<[1], [0], [0], [1], [0, 0, 1, 1], [], []>, transpose_lhs_hint = false} : vector<512x8xbf16>, vector<8x2048xbf16>, vector<512x2048xf32> -> vector<512x2048xf32>
    %add3A_24 = vector.broadcast %add3A_16 : vector<512x1xf32> to vector<512x2048xf32>
    %add3A_25 = vector.broadcast %add3A_21 : vector<1x2048xf32> to vector<512x2048xf32>
    %add3A_26 = arith.addf %add3A_24, %add3A_25 : vector<512x2048xf32>
    %mul3A_27 = arith.constant 2.000000e+00 : f32
    %mul3A_28 = vector.broadcast %mul3A_27 : f32 to vector<512x2048xf32>
    %mul3A_29 = arith.mulf %mul3A_28, %dot_general3A_23 : vector<512x2048xf32>
    %sub3A = arith.subf %add3A_26, %mul3A_29 : vector<512x2048xf32>
    %iota3A = tpu.iota {dimensions = array<i32: 1>} : vector<512x2048xi32>
    %reduce_min3A = arith.constant dense<0x7F800000> : vector<512xf32>
    %reduce_min3A_30 = vector.multi_reduction <minimumf>, %sub3A, %reduce_min3A [1] : vector<512x2048xf32> to vector<512xf32>
    %broadcast_in_dim3A = vector.shape_cast %reduce_min3A_30 : vector<512xf32> to vector<512x1xf32>
    %argmin3A = tpu.reduce_index %sub3A {axis = 1 : i32, kind = #tpu.reduction_kind<arg_min>} : vector<512x2048xf32> -> vector<512xi32>
    %reshape3A = vector.shape_cast %argmin3A : vector<512xi32> to vector<512x1xi32>
    %max3A = arith.constant 9.99999996E-13 : f32
    %max3A_31 = vector.broadcast %max3A : f32 to vector<512x1xf32>
    %max3A_32 = arith.maximumf %broadcast_in_dim3A, %max3A_31 : vector<512x1xf32>
    %sqrt3A = math.sqrt %max3A_32 : vector<512x1xf32>
    %add3A_33 = arith.constant 9.99999993E-9 : f32
    %add3A_34 = vector.broadcast %add3A_33 : f32 to vector<512x1xf32>
    %add3A_35 = arith.addf %sqrt3A, %add3A_34 : vector<512x1xf32>
    %div3A = arith.constant 1.000000e+00 : f32
    %div3A_36 = vector.broadcast %div3A : f32 to vector<512x1xf32>
    %div3A_37 = arith.divf %div3A_36, %add3A_35 : vector<512x1xf32>
    %eq3A = vector.broadcast %reshape3A : vector<512x1xi32> to vector<512x2048xi32>
    %eq3A_38 = arith.cmpi eq, %iota3A, %eq3A : vector<512x2048xi32>
    %jit3A = arith.constant 0x7F800000 : f32
    %broadcast_in_dim3A_39 = vector.broadcast %jit3A : f32 to vector<512x2048xf32>
    %select_n3A = arith.select %eq3A_38, %broadcast_in_dim3A_39, %sub3A : vector<512x2048xi1>, vector<512x2048xf32>
    %reduce_min3A_40 = arith.constant dense<0x7F800000> : vector<512xf32>
    %reduce_min3A_41 = vector.multi_reduction <minimumf>, %select_n3A, %reduce_min3A_40 [1] : vector<512x2048xf32> to vector<512xf32>
    %broadcast_in_dim3A_42 = vector.shape_cast %reduce_min3A_41 : vector<512xf32> to vector<512x1xf32>
    %argmin3A_43 = tpu.reduce_index %select_n3A {axis = 1 : i32, kind = #tpu.reduction_kind<arg_min>} : vector<512x2048xf32> -> vector<512xi32>
    %reshape3A_44 = vector.shape_cast %argmin3A_43 : vector<512xi32> to vector<512x1xi32>
    %max3A_45 = arith.constant 9.99999996E-13 : f32
    %max3A_46 = vector.broadcast %max3A_45 : f32 to vector<512x1xf32>
    %max3A_47 = arith.maximumf %broadcast_in_dim3A_42, %max3A_46 : vector<512x1xf32>
    %sqrt3A_48 = math.sqrt %max3A_47 : vector<512x1xf32>
    %add3A_49 = arith.constant 9.99999993E-9 : f32
    %add3A_50 = vector.broadcast %add3A_49 : f32 to vector<512x1xf32>
    %add3A_51 = arith.addf %sqrt3A_48, %add3A_50 : vector<512x1xf32>
    %div3A_52 = arith.constant 1.000000e+00 : f32
    %div3A_53 = vector.broadcast %div3A_52 : f32 to vector<512x1xf32>
    %div3A_54 = arith.divf %div3A_53, %add3A_51 : vector<512x1xf32>
    %eq3A_55 = vector.broadcast %reshape3A_44 : vector<512x1xi32> to vector<512x2048xi32>
    %eq3A_56 = arith.cmpi eq, %iota3A, %eq3A_55 : vector<512x2048xi32>
    %jit3A_57 = arith.constant 0x7F800000 : f32
    %broadcast_in_dim3A_58 = vector.broadcast %jit3A_57 : f32 to vector<512x2048xf32>
    %select_n3A_59 = arith.select %eq3A_56, %broadcast_in_dim3A_58, %select_n3A : vector<512x2048xi1>, vector<512x2048xf32>
    %reduce_min3A_60 = arith.constant dense<0x7F800000> : vector<512xf32>
    %reduce_min3A_61 = vector.multi_reduction <minimumf>, %select_n3A_59, %reduce_min3A_60 [1] : vector<512x2048xf32> to vector<512xf32>
    %broadcast_in_dim3A_62 = vector.shape_cast %reduce_min3A_61 : vector<512xf32> to vector<512x1xf32>
    %argmin3A_63 = tpu.reduce_index %select_n3A_59 {axis = 1 : i32, kind = #tpu.reduction_kind<arg_min>} : vector<512x2048xf32> -> vector<512xi32>
    %reshape3A_64 = vector.shape_cast %argmin3A_63 : vector<512xi32> to vector<512x1xi32>
    %max3A_65 = arith.constant 9.99999996E-13 : f32
    %max3A_66 = vector.broadcast %max3A_65 : f32 to vector<512x1xf32>
    %max3A_67 = arith.maximumf %broadcast_in_dim3A_62, %max3A_66 : vector<512x1xf32>
    %sqrt3A_68 = math.sqrt %max3A_67 : vector<512x1xf32>
    %add3A_69 = arith.constant 9.99999993E-9 : f32
    %add3A_70 = vector.broadcast %add3A_69 : f32 to vector<512x1xf32>
    %add3A_71 = arith.addf %sqrt3A_68, %add3A_70 : vector<512x1xf32>
    %div3A_72 = arith.constant 1.000000e+00 : f32
    %div3A_73 = vector.broadcast %div3A_72 : f32 to vector<512x1xf32>
    %div3A_74 = arith.divf %div3A_73, %add3A_71 : vector<512x1xf32>
    %add3A_75 = arith.addf %div3A_37, %div3A_54 : vector<512x1xf32>
    %add3A_76 = arith.addf %add3A_75, %div3A_74 : vector<512x1xf32>
    %mul3A_77 = arith.constant 2048 : i32
    %mul3A_78 = arith.muli %arg0, %mul3A_77 : i32
    %add3A_79 = vector.broadcast %mul3A_78 : i32 to vector<512x1xi32>
    %add3A_80 = arith.addi %reshape3A, %add3A_79 : vector<512x1xi32>
    %mul3A_81 = arith.constant 2048 : i32
    %mul3A_82 = arith.muli %arg0, %mul3A_81 : i32
    %add3A_83 = vector.broadcast %mul3A_82 : i32 to vector<512x1xi32>
    %add3A_84 = arith.addi %reshape3A_44, %add3A_83 : vector<512x1xi32>
    %mul3A_85 = arith.constant 2048 : i32
    %mul3A_86 = arith.muli %arg0, %mul3A_85 : i32
    %add3A_87 = vector.broadcast %mul3A_86 : i32 to vector<512x1xi32>
    %add3A_88 = arith.addi %reshape3A_64, %add3A_87 : vector<512x1xi32>
    %concatenate3A = tpu.concatenate %add3A_80, %add3A_84, %add3A_88, %add3A_88 in 1 : vector<512x1xi32>, vector<512x1xi32>, vector<512x1xi32>, vector<512x1xi32> -> vector<512x4xi32>
    %swap3A = arith.constant 0 : index
    %swap3A_89 = arith.constant 0 : index
    %swap3A_90 = arith.constant 0 : index
    %swap3A_91 = vector.load %arg8[%swap3A, %swap3A_89, %swap3A_90] : memref<1x512x4xi32, #tpu.memory_space<vmem>>, vector<1x512x4xi32>
    %swap3A_92 = vector.shape_cast %swap3A_91 : vector<1x512x4xi32> to vector<512x4xi32>
    %swap3A_93 = vector.shape_cast %concatenate3A : vector<512x4xi32> to vector<1x512x4xi32>
    tpu.vector_store %arg8[%swap3A, %swap3A_89, %swap3A_90], %swap3A_93 {strides = array<i32>} : memref<1x512x4xi32, #tpu.memory_space<vmem>>, vector<1x512x4xi32>,
    %div3A_94 = arith.divf %div3A_37, %add3A_76 : vector<512x1xf32>
    %div3A_95 = arith.divf %div3A_54, %add3A_76 : vector<512x1xf32>
    %div3A_96 = arith.divf %div3A_74, %add3A_76 : vector<512x1xf32>
    %broadcast_in_dim3A_97 = arith.constant 0.000000e+00 : f32
    %broadcast_in_dim3A_98 = vector.broadcast %broadcast_in_dim3A_97 : f32 to vector<512x1xf32>
    %concatenate3A_99 = tpu.concatenate %div3A_94, %div3A_95, %div3A_96, %broadcast_in_dim3A_98 in 1 : vector<512x1xf32>, vector<512x1xf32>, vector<512x1xf32>, vector<512x1xf32> -> vector<512x4xf32>
    %swap3A_100 = arith.constant 0 : index
    %swap3A_101 = arith.constant 0 : index
    %swap3A_102 = arith.constant 0 : index
    %swap3A_103 = vector.load %arg9[%swap3A_100, %swap3A_101, %swap3A_102] : memref<1x512x4xf32, #tpu.memory_space<vmem>>, vector<1x512x4xf32>
    %swap3A_104 = vector.shape_cast %swap3A_103 : vector<1x512x4xf32> to vector<512x4xf32>
    %swap3A_105 = vector.shape_cast %concatenate3A_99 : vector<512x4xf32> to vector<1x512x4xf32>
    tpu.vector_store %arg9[%swap3A_100, %swap3A_101, %swap3A_102], %swap3A_105 {strides = array<i32>} : memref<1x512x4xf32, #tpu.memory_space<vmem>>, vector<1x512x4xf32>,
    %get3A_106 = arith.constant 0 : index
    %get3A_107 = arith.constant 0 : index
    %get3A_108 = arith.constant 0 : index
    %get3A_109 = vector.load %arg4[%get3A_106, %get3A_107, %get3A_108] : memref<1x128x512xf32, #tpu.memory_space<vmem>>, vector<1x128x512xf32>
    %get3A_110 = vector.shape_cast %get3A_109 : vector<1x128x512xf32> to vector<128x512xf32>
    %get3A_111 = arith.constant 0 : index
    %get3A_112 = arith.constant 0 : index
    %get3A_113 = vector.load %arg7[%get3A_111, %get3A_112] : memref<256x128xf32, #tpu.memory_space<vmem>>, vector<256x128xf32>
    %dot_general3A_114 = arith.constant dense<0.000000e+00> : vector<512x256xf32>
    %dot_general3A_115 = tpu.matmul %get3A_110, %get3A_113, %dot_general3A_114 {dimension_numbers = #tpu.dot_dimension_numbers<[0], [1], [1], [0], [0, 1, 1, 0], [], []>, transpose_lhs_hint = false} : vector<128x512xf32>, vector<256x128xf32>, vector<512x256xf32> -> vector<512x256xf32>
    %swap3A_116 = arith.constant 0 : index
    %swap3A_117 = arith.constant 0 : index
    %swap3A_118 = arith.constant 0 : index
    %swap3A_119 = vector.load %arg10[%swap3A_116, %swap3A_117, %swap3A_118] : memref<1x512x256xf32, #tpu.memory_space<vmem>>, vector<1x512x256xf32>
    %swap3A_120 = vector.shape_cast %swap3A_119 : vector<1x512x256xf32> to vector<512x256xf32>
    %swap3A_121 = vector.shape_cast %dot_general3A_115 : vector<512x256xf32> to vector<1x512x256xf32>
    tpu.vector_store %arg10[%swap3A_116, %swap3A_117, %swap3A_118], %swap3A_121 {strides = array<i32>} : memref<1x512x256xf32, #tpu.memory_space<vmem>>, vector<1x512x256xf32>,
    %eq3A_122 = arith.constant 0 : i32
    %eq3A_123 = arith.cmpi eq, %arg1, %eq3A_122 : i32
    %convert_element_type3A_124 = arith.extui %eq3A_123 : i1 to i32
    %cond3A = arith.constant 0 : i32
    %cond3A_125 = arith.cmpi ne, %convert_element_type3A_124, %cond3A : i32
    scf.if %cond3A_125 {
      %get3A_126 = arith.constant 0 : index
      %get3A_127 = arith.constant 0 : index
      %get3A_128 = arith.constant 0 : index
      %get3A_129 = vector.load %arg5[%get3A_126, %get3A_127, %get3A_128] : memref<1x256x2048xf32, #tpu.memory_space<vmem>>, vector<1x256x2048xf32>
      %get3A_130 = vector.shape_cast %get3A_129 : vector<1x256x2048xf32> to vector<256x2048xf32>
      %get3A_131 = arith.constant 0 : index
      %get3A_132 = arith.constant 0 : index
      %get3A_133 = vector.load %arg6[%get3A_131, %get3A_132] : memref<256x256xf32, #tpu.memory_space<vmem>>, vector<256x256xf32>
      %dot_general3A_134 = arith.constant dense<0.000000e+00> : vector<2048x256xf32>
      %dot_general3A_135 = tpu.matmul %get3A_130, %get3A_133, %dot_general3A_134 {dimension_numbers = #tpu.dot_dimension_numbers<[0], [1], [1], [0], [0, 1, 1, 0], [], []>, transpose_lhs_hint = false} : vector<256x2048xf32>, vector<256x256xf32>, vector<2048x256xf32> -> vector<2048x256xf32>
      %swap3A_136 = arith.constant 0 : index
      %swap3A_137 = arith.constant 0 : index
      %swap3A_138 = arith.constant 0 : index
      %swap3A_139 = vector.load %arg11[%swap3A_136, %swap3A_137, %swap3A_138] : memref<1x2048x256xf32, #tpu.memory_space<vmem>>, vector<1x2048x256xf32>
      %swap3A_140 = vector.shape_cast %swap3A_139 : vector<1x2048x256xf32> to vector<2048x256xf32>
      %swap3A_141 = vector.shape_cast %dot_general3A_135 : vector<2048x256xf32> to vector<1x2048x256xf32>
      tpu.vector_store %arg11[%swap3A_136, %swap3A_137, %swap3A_138], %swap3A_141 {strides = array<i32>} : memref<1x2048x256xf32, #tpu.memory_space<vmem>>, vector<1x2048x256xf32>,
    } else {
    }
    return
  }
  func.func @transform_0(%arg0: i32, %arg1: i32) -> (i32, i32, i32) {
    %c0_i32 = arith.constant 0 : i32
    %c0_i32_0 = arith.constant 0 : i32
    return %arg0, %arg1, %c0_i32 : i32, i32, i32
  }
  func.func @transform_1(%arg0: i32, %arg1: i32) -> (i32, i32, i32) {
    %c0_i32 = arith.constant 0 : i32
    %c0_i32_0 = arith.constant 0 : i32
    %c0_i32_1 = arith.constant 0 : i32
    return %arg0, %c0_i32, %c0_i32_0 : i32, i32, i32
  }
  func.func @transform_2(%arg0: i32, %arg1: i32) -> (i32, i32, i32) {
    %c0_i32 = arith.constant 0 : i32
    %c0_i32_0 = arith.constant 0 : i32
    return %arg0, %c0_i32, %arg1 : i32, i32, i32
  }
  func.func @transform_3(%arg0: i32, %arg1: i32) -> (i32, i32, i32) {
    %c0_i32 = arith.constant 0 : i32
    %c0_i32_0 = arith.constant 0 : i32
    %c0_i32_1 = arith.constant 0 : i32
    return %arg0, %c0_i32, %c0_i32_0 : i32, i32, i32
  }
  func.func @transform_4(%arg0: i32, %arg1: i32) -> (i32, i32) {
    %c0_i32 = arith.constant 0 : i32
    %c0_i32_0 = arith.constant 0 : i32
    %c0_i32_1 = arith.constant 0 : i32
    return %c0_i32, %c0_i32_0 : i32, i32
  }
  func.func @transform_5(%arg0: i32, %arg1: i32) -> (i32, i32) {
    %c0_i32 = arith.constant 0 : i32
    %c0_i32_0 = arith.constant 0 : i32
    %c0_i32_1 = arith.constant 0 : i32
    return %c0_i32, %c0_i32_0 : i32, i32
  }
  func.func @transform_6(%arg0: i32, %arg1: i32) -> (i32, i32, i32) {
    %c0_i32 = arith.constant 0 : i32
    %c0_i32_0 = arith.constant 0 : i32
    return %arg0, %arg1, %c0_i32 : i32, i32, i32
  }
  func.func @transform_7(%arg0: i32, %arg1: i32) -> (i32, i32, i32) {
    %c0_i32 = arith.constant 0 : i32
    %c0_i32_0 = arith.constant 0 : i32
    return %arg0, %arg1, %c0_i32 : i32, i32, i32
  }
  func.func @transform_8(%arg0: i32, %arg1: i32) -> (i32, i32, i32) {
    %c0_i32 = arith.constant 0 : i32
    %c0_i32_0 = arith.constant 0 : i32
    return %arg0, %arg1, %c0_i32 : i32, i32, i32
  }
  func.func @transform_9(%arg0: i32, %arg1: i32) -> (i32, i32, i32) {
    %c0_i32 = arith.constant 0 : i32
    %c0_i32_0 = arith.constant 0 : i32
    %c0_i32_1 = arith.constant 0 : i32
    return %arg0, %c0_i32, %c0_i32_0 : i32, i32, i32
  }
}

module attributes {stable_mosaic.version = 14 : i64} {
  func.func @_stats_body(%arg0: i32, %arg1: memref<512x256xf32, #tpu.memory_space<vmem>>, %arg2: memref<512x256xf32, #tpu.memory_space<vmem>>, %arg3: memref<512x256xf32, #tpu.memory_space<vmem>>, %arg4: memref<2x256xf32, #tpu.memory_space<vmem>>) attributes {dimension_semantics = [#tpu.dimension_semantics<arbitrary>], iteration_bounds = array<i64: 32>, scalar_prefetch = 0 : i64, scratch_operands = 0 : i64, tpu.core_type = #tpu.core_type<tc>, window_params = [{transform_indices = @transform_0, window_bounds = array<i64: 512, 256>}, {transform_indices = @transform_1, window_bounds = array<i64: 512, 256>}, {transform_indices = @transform_2, window_bounds = array<i64: 512, 256>}, {pipeline_mode = #tpu.pipeline_mode<synchronous>, transform_indices = @transform_3, window_bounds = array<i64: 2, 256>}]} {
    %get3A = arith.constant 0 : index
    %get3A_0 = arith.constant 0 : index
    %get3A_1 = vector.load %arg1[%get3A, %get3A_0] : memref<512x256xf32, #tpu.memory_space<vmem>>, vector<512x256xf32>
    %get3A_2 = arith.constant 0 : index
    %get3A_3 = arith.constant 0 : index
    %get3A_4 = vector.load %arg2[%get3A_2, %get3A_3] : memref<512x256xf32, #tpu.memory_space<vmem>>, vector<512x256xf32>
    %add3A = arith.addf %get3A_1, %get3A_4 : vector<512x256xf32>
    %swap3A = arith.constant 0 : index
    %swap3A_5 = arith.constant 0 : index
    %swap3A_6 = vector.load %arg3[%swap3A, %swap3A_5] : memref<512x256xf32, #tpu.memory_space<vmem>>, vector<512x256xf32>
    tpu.vector_store %arg3[%swap3A, %swap3A_5], %add3A {strides = array<i32>} : memref<512x256xf32, #tpu.memory_space<vmem>>, vector<512x256xf32>,
    %eq3A = arith.constant 0 : i32
    %eq3A_7 = arith.cmpi eq, %arg0, %eq3A : i32
    %convert_element_type3A = arith.extui %eq3A_7 : i1 to i32
    %cond3A = arith.constant 0 : i32
    %cond3A_8 = arith.cmpi ne, %convert_element_type3A, %cond3A : i32
    scf.if %cond3A_8 {
      %broadcast_in_dim3A_20 = arith.constant 0.000000e+00 : f32
      %broadcast_in_dim3A_21 = vector.broadcast %broadcast_in_dim3A_20 : f32 to vector<2x256xf32>
      %swap3A_22 = arith.constant 0 : index
      %swap3A_23 = arith.constant 0 : index
      %swap3A_24 = vector.load %arg4[%swap3A_22, %swap3A_23] : memref<2x256xf32, #tpu.memory_space<vmem>>, vector<2x256xf32>
      tpu.vector_store %arg4[%swap3A_22, %swap3A_23], %broadcast_in_dim3A_21 {strides = array<i32>} : memref<2x256xf32, #tpu.memory_space<vmem>>, vector<2x256xf32>,
    } else {
    }
    %get3A_9 = arith.constant 0 : index
    %get3A_10 = arith.constant 0 : index
    %get3A_11 = vector.load %arg4[%get3A_9, %get3A_10] : memref<2x256xf32, #tpu.memory_space<vmem>>, vector<2x256xf32>
    %reduce_sum3A = arith.constant dense<0.000000e+00> : vector<256xf32>
    %reduce_sum3A_12 = vector.multi_reduction <add>, %add3A, %reduce_sum3A [0] : vector<512x256xf32> to vector<256xf32>
    %broadcast_in_dim3A = vector.shape_cast %reduce_sum3A_12 : vector<256xf32> to vector<1x256xf32>
    %mul3A = arith.mulf %add3A, %add3A : vector<512x256xf32>
    %reduce_sum3A_13 = arith.constant dense<0.000000e+00> : vector<256xf32>
    %reduce_sum3A_14 = vector.multi_reduction <add>, %mul3A, %reduce_sum3A_13 [0] : vector<512x256xf32> to vector<256xf32>
    %broadcast_in_dim3A_15 = vector.shape_cast %reduce_sum3A_14 : vector<256xf32> to vector<1x256xf32>
    %concatenate3A = tpu.concatenate %broadcast_in_dim3A, %broadcast_in_dim3A_15 in 0 : vector<1x256xf32>, vector<1x256xf32> -> vector<2x256xf32>
    %add3A_16 = arith.addf %get3A_11, %concatenate3A : vector<2x256xf32>
    %swap3A_17 = arith.constant 0 : index
    %swap3A_18 = arith.constant 0 : index
    %swap3A_19 = vector.load %arg4[%swap3A_17, %swap3A_18] : memref<2x256xf32, #tpu.memory_space<vmem>>, vector<2x256xf32>
    tpu.vector_store %arg4[%swap3A_17, %swap3A_18], %add3A_16 {strides = array<i32>} : memref<2x256xf32, #tpu.memory_space<vmem>>, vector<2x256xf32>,
    return
  }
  func.func @transform_0(%arg0: i32) -> (i32, i32) {
    %c0_i32 = arith.constant 0 : i32
    %c0_i32_0 = arith.constant 0 : i32
    return %arg0, %c0_i32 : i32, i32
  }
  func.func @transform_1(%arg0: i32) -> (i32, i32) {
    %c0_i32 = arith.constant 0 : i32
    %c0_i32_0 = arith.constant 0 : i32
    return %arg0, %c0_i32 : i32, i32
  }
  func.func @transform_2(%arg0: i32) -> (i32, i32) {
    %c0_i32 = arith.constant 0 : i32
    %c0_i32_0 = arith.constant 0 : i32
    return %arg0, %c0_i32 : i32, i32
  }
  func.func @transform_3(%arg0: i32) -> (i32, i32) {
    %c0_i32 = arith.constant 0 : i32
    %c0_i32_0 = arith.constant 0 : i32
    %c0_i32_1 = arith.constant 0 : i32
    return %c0_i32, %c0_i32_0 : i32, i32
  }
}

module attributes {stable_mosaic.version = 14 : i64} {
  func.func @_bn_body(%arg0: i32, %arg1: memref<512x256xf32, #tpu.memory_space<vmem>>, %arg2: memref<2x256xf32, #tpu.memory_space<vmem>>, %arg3: memref<2x256xf32, #tpu.memory_space<vmem>>, %arg4: memref<1x256xf32, #tpu.memory_space<vmem>>, %arg5: memref<1x256xf32, #tpu.memory_space<vmem>>, %arg6: memref<512x256xf32, #tpu.memory_space<vmem>>) attributes {dimension_semantics = [#tpu.dimension_semantics<arbitrary>], iteration_bounds = array<i64: 32>, scalar_prefetch = 0 : i64, scratch_operands = 0 : i64, tpu.core_type = #tpu.core_type<tc>, window_params = [{transform_indices = @transform_0, window_bounds = array<i64: 512, 256>}, {pipeline_mode = #tpu.pipeline_mode<synchronous>, transform_indices = @transform_1, window_bounds = array<i64: 2, 256>}, {pipeline_mode = #tpu.pipeline_mode<synchronous>, transform_indices = @transform_2, window_bounds = array<i64: 2, 256>}, {pipeline_mode = #tpu.pipeline_mode<synchronous>, transform_indices = @transform_3, window_bounds = array<i64: 1, 256>}, {pipeline_mode = #tpu.pipeline_mode<synchronous>, transform_indices = @transform_4, window_bounds = array<i64: 1, 256>}, {transform_indices = @transform_5, window_bounds = array<i64: 512, 256>}]} {
    %get3A = arith.constant 0 : index
    %get3A_0 = arith.constant 0 : index
    %get3A_1 = vector.load %arg2[%get3A, %get3A_0] : memref<2x256xf32, #tpu.memory_space<vmem>>, vector<2x256xf32>
    %get3A_2 = arith.constant 0 : index
    %get3A_3 = arith.constant 0 : index
    %get3A_4 = vector.load %arg3[%get3A_2, %get3A_3] : memref<2x256xf32, #tpu.memory_space<vmem>>, vector<2x256xf32>
    %add3A = arith.addf %get3A_1, %get3A_4 : vector<2x256xf32>
    %slice3A = vector.extract_strided_slice %add3A {offsets = [0, 0], sizes = [1, 256], strides = [1, 1]} : vector<2x256xf32> to vector<1x256xf32>
    %div3A = arith.constant 3.276800e+04 : f32
    %div3A_5 = vector.broadcast %div3A : f32 to vector<1x256xf32>
    %div3A_6 = arith.divf %slice3A, %div3A_5 : vector<1x256xf32>
    %slice3A_7 = vector.extract_strided_slice %add3A {offsets = [1, 0], sizes = [1, 256], strides = [1, 1]} : vector<2x256xf32> to vector<1x256xf32>
    %div3A_8 = arith.constant 3.276800e+04 : f32
    %div3A_9 = vector.broadcast %div3A_8 : f32 to vector<1x256xf32>
    %div3A_10 = arith.divf %slice3A_7, %div3A_9 : vector<1x256xf32>
    %mul3A = arith.mulf %div3A_6, %div3A_6 : vector<1x256xf32>
    %sub3A = arith.subf %div3A_10, %mul3A : vector<1x256xf32>
    %get3A_11 = arith.constant 0 : index
    %get3A_12 = arith.constant 0 : index
    %get3A_13 = vector.load %arg4[%get3A_11, %get3A_12] : memref<1x256xf32, #tpu.memory_space<vmem>>, vector<1x256xf32>
    %add3A_14 = arith.constant 9.99999974E-6 : f32
    %add3A_15 = vector.broadcast %add3A_14 : f32 to vector<1x256xf32>
    %add3A_16 = arith.addf %sub3A, %add3A_15 : vector<1x256xf32>
    %sqrt3A = math.sqrt %add3A_16 : vector<1x256xf32>
    %div3A_17 = arith.divf %get3A_13, %sqrt3A : vector<1x256xf32>
    %get3A_18 = arith.constant 0 : index
    %get3A_19 = arith.constant 0 : index
    %get3A_20 = vector.load %arg5[%get3A_18, %get3A_19] : memref<1x256xf32, #tpu.memory_space<vmem>>, vector<1x256xf32>
    %mul3A_21 = arith.mulf %div3A_6, %div3A_17 : vector<1x256xf32>
    %sub3A_22 = arith.subf %get3A_20, %mul3A_21 : vector<1x256xf32>
    %get3A_23 = arith.constant 0 : index
    %get3A_24 = arith.constant 0 : index
    %get3A_25 = vector.load %arg1[%get3A_23, %get3A_24] : memref<512x256xf32, #tpu.memory_space<vmem>>, vector<512x256xf32>
    %mul3A_26 = vector.broadcast %div3A_17 : vector<1x256xf32> to vector<512x256xf32>
    %mul3A_27 = arith.mulf %get3A_25, %mul3A_26 : vector<512x256xf32>
    %add3A_28 = vector.broadcast %sub3A_22 : vector<1x256xf32> to vector<512x256xf32>
    %add3A_29 = arith.addf %mul3A_27, %add3A_28 : vector<512x256xf32>
    %max3A = arith.constant 0.000000e+00 : f32
    %max3A_30 = vector.broadcast %max3A : f32 to vector<512x256xf32>
    %max3A_31 = arith.maximumf %add3A_29, %max3A_30 : vector<512x256xf32>
    %swap3A = arith.constant 0 : index
    %swap3A_32 = arith.constant 0 : index
    %swap3A_33 = vector.load %arg6[%swap3A, %swap3A_32] : memref<512x256xf32, #tpu.memory_space<vmem>>, vector<512x256xf32>
    tpu.vector_store %arg6[%swap3A, %swap3A_32], %max3A_31 {strides = array<i32>} : memref<512x256xf32, #tpu.memory_space<vmem>>, vector<512x256xf32>,
    return
  }
  func.func @transform_0(%arg0: i32) -> (i32, i32) {
    %c0_i32 = arith.constant 0 : i32
    %c0_i32_0 = arith.constant 0 : i32
    return %arg0, %c0_i32 : i32, i32
  }
  func.func @transform_1(%arg0: i32) -> (i32, i32) {
    %c0_i32 = arith.constant 0 : i32
    %c0_i32_0 = arith.constant 0 : i32
    %c0_i32_1 = arith.constant 0 : i32
    return %c0_i32, %c0_i32_0 : i32, i32
  }
  func.func @transform_2(%arg0: i32) -> (i32, i32) {
    %c0_i32 = arith.constant 0 : i32
    %c0_i32_0 = arith.constant 0 : i32
    %c0_i32_1 = arith.constant 0 : i32
    return %c0_i32, %c0_i32_0 : i32, i32
  }
  func.func @transform_3(%arg0: i32) -> (i32, i32) {
    %c0_i32 = arith.constant 0 : i32
    %c0_i32_0 = arith.constant 0 : i32
    %c0_i32_1 = arith.constant 0 : i32
    return %c0_i32, %c0_i32_0 : i32, i32
  }
  func.func @transform_4(%arg0: i32) -> (i32, i32) {
    %c0_i32 = arith.constant 0 : i32
    %c0_i32_0 = arith.constant 0 : i32
    %c0_i32_1 = arith.constant 0 : i32
    return %c0_i32, %c0_i32_0 : i32, i32
  }
  func.func @transform_5(%arg0: i32) -> (i32, i32) {
    %c0_i32 = arith.constant 0 : i32
    %c0_i32_0 = arith.constant 0 : i32
    return %arg0, %c0_i32 : i32, i32
  }
}

</mosaic_0001>

<sc_bundles>
// kernel: kernel.10.cloned.1.call-start
scs
__scs_entry_jumppad:
0x0: {  	(pc) =	sbr.rel $0x88, $3  }
0x1: {  	(tag) =	ssettag $0x0;
	lr =	simm.s32 $0x1  }
0x2: {  	[smem:$0x3F9A] =	sst lr;
	_ =	strace $0xD0000000  }
0x3: {  	_ = 	snop  }
0x4: {  	_ = 	snop  }
0x5: {  	_ = 	snop  }
0x6: {  	_ = 	snop  }
0x7: {  	_ = 	snop  }
__scs_overlays_trampoline_lowered:
0x8: {  	[smem:$0x3FA9] =	sst s0  }
0x9: {  	[smem:$0x3FAA] =	sst s1  }
0xa: {  	[smem:$0x3FAB] =	sst s2  }
0xb: {  	[smem:$0x3FAC] =	sst s3  }
0xc: {  	[smem:$0x3FAD] =	sst s4  }
0xd: {  	[smem:$0x3FAE] =	sst s5  }
0xe: {  	[smem:$0x3FAF] =	sst s6  }
0xf: {  	[smem:$0x3FB0] =	sst s7  }
0x10: {  	[smem:$0x3FB1] =	sst s8  }
0x11: {  	[smem:$0x3FB2] =	sst s9;
	s0 =	simm.s32 @!p0 $0x0  }
0x12: {  	s1 =	sld [smem:$0x3F98];
	s0 =	simm.s32 @p0 $0x1  }
0x13: {  	[smem:$0x3FB3] =	sst s0;
	s0 =	simm.s32 @!p1 $0x0  }
0x14: {  	s2 =	sld [smem:$0x3F97];
	s0 =	simm.s32 @p1 $0x1  }
0x15: {  	[smem:$0x3FB4] =	sst s0;
	s0 =	simm.s32 @!p2 $0x0  }
0x16: {  	s3 =	sld [smem:$0x3FDB];
	s0 =	simm.s32 @p2 $0x1  }
0x17: {  	s4 =	simm.s32 $0x1BF5;
	[smem:$0x3FB6] =	sst s0  }
0x18: {  	s0 =	sld [smem:$0x3F99];
	_ =	swait.ge [sflag:s4], $0x0  }
0x19: {  	s7 =	sld [smem:$0x3F9A]  }
0x1a: {  	s8 =	sadd.s32 $0xFFFFE003, lr  }
0x1b: {  	s9 =	sadd.s32 $0xFFFFFEF7, lr;
	s5 =	simm.s32 $0xFFFFFFFF;
	p2 =	slt.u32 s8, $0xFFFFF086  }
0x1c: {  	p1 =	slt.u32 s9, $0xF7A;
	s5 =	simm.s32 @!p2 $0x0  }
0x1d: {  	s5 =	simm.s32 @p1 $0x1;
	p0 =	seq.s32 s7, s2  }
0x1e: {  	s7 =	smul.u32 @!p0 $0xF7A, s2;
	p2 =	seq.s32 @!p0 s5, $0x0  }
0x1f: {  	s9 =	smul.u32 $0xF7A, s1;
	s8 =	simm.s32 @!p0 $0x1BF5;
	p2 =	por !p2, p0  }
0x20: {  	[sflag:s8] =	ssyncset.s32 @!p0 $0xFFFFF086;
	s6 =	sadd.s32 @!p0 s3, s7;
	s7 =	simm.s32 @!p0 $0x108  }
0x21: {  	s3 =	sadd.s32 s3, s9;
	s6 =	sadd.s32 @!p0 $0x88, s6;
	s7 =	simm.s32 @p2 $0x1082  }
0x22: {  	[simem:s7], [sflag:s8] =	dma.local @!p0 [hbm:s6], $0xF7A  }
0x23: {  	s9 =	sor.u32 $0xD0000000, s2;
	s6 =	simm.s32 $0x108;
	_ =	swait.ge @!p0 [sflag:s8], $0x0  }
0x24: {  	s3 =	sadd.s32 $0x88, s3;
	s6 =	simm.s32 @!p1 $0x1082;
	[sflag:s4] =	ssyncset.s32 $0xFFFFF086  }
0x25: {  	[simem:s6], [sflag:s4] =	dma.local [hbm:s3], $0xF7A  }
0x26: {  	[smem:$0x3F9A] =	sst s1;
	(tag) =	ssettag s2;
	_ =	strace s9  }
0x27: {  	s1 =	sld [smem:$0x3FAA]  }
0x28: {  	s2 =	sld [smem:$0x3FAB]  }
0x29: {  	s4 =	sld [smem:$0x3FAD]  }
0x2a: {  	p0 =	seq.s32 s5, $0x0;
	s5 =	sld [smem:$0x3FAE]  }
0x2b: {  	s6 =	sld [smem:$0x3FAF]  }
0x2c: {  	s7 =	sld [smem:$0x3FB0]  }
0x2d: {  	s3 =	simm.s32 $0x108;
	s8 =	sld [smem:$0x3FB1]  }
0x2e: {  	s3 =	simm.s32 @!p0 $0x1082;
	s9 =	sld [smem:$0x3FB2]  }
0x2f: {  	lr =	sadd.s32 s0, s3;
	s0 =	sld [smem:$0x3FA9]  }
0x30: {  	s3 =	sld [smem:$0x3FAC]  }
0x31: {  	[smem:$0x3FB5] =	sst s10  }
0x32: {  	s10 =	sld [smem:$0x3FB3];
	_ =	sdelay $0x3  }
0x33: {  	p0 =	seq.s32 s10, $0x1;
	s10 =	sld [smem:$0x3FB5];
	_ =	sdelay $0x3  }
0x34: {  	[smem:$0x3FB5] =	sst s10  }
0x35: {  	s10 =	sld [smem:$0x3FB4];
	_ =	sdelay $0x3  }
0x36: {  	p1 =	seq.s32 s10, $0x1;
	s10 =	sld [smem:$0x3FB5];
	_ =	sdelay $0x3  }
0x37: {  	[smem:$0x3FB5] =	sst s10  }
0x38: {  	s10 =	sld [smem:$0x3FB6]  }
0x39: {  	_ = 	snop;
	(pc) =	sbr.ind lr, $3  }
0x3a: {  	_ = 	snop  }
0x3b: {  	_ = 	snop  }
0x3c: {  	p2 =	seq.s32 s10, $0x1;
	s10 =	sld [smem:$0x3FB5]  }
0x3d: {  	_ =	shalt  }
0x3e: {  	_ =	shalt  }
0x3f: {  	_ =	shalt  }
0x40: {  	_ =	shalt  }
0x41: {  	_ =	shalt  }
0x42: {  	_ =	shalt  }
0x43: {  	_ =	shalt  }
0x44: {  	_ =	shalt  }
0x45: {  	_ =	shalt  }
0x46: {  	_ =	shalt  }
0x47: {  	_ =	shalt  }
0x48: {  	_ =	shalt  }
0x49: {  	_ =	shalt  }
0x4a: {  	_ =	shalt  }
0x4b: {  	_ =	shalt  }
0x4c: {  	_ =	shalt  }
0x4d: {  	_ =	shalt  }
0x4e: {  	_ =	shalt  }
0x4f: {  	_ =	shalt  }
0x50: {  	_ =	shalt  }
0x51: {  	_ =	shalt  }
0x52: {  	_ =	shalt  }
0x53: {  	_ =	shalt  }
0x54: {  	_ =	shalt  }
0x55: {  	_ =	shalt  }
0x56: {  	_ =	shalt  }
0x57: {  	_ =	shalt  }
0x58: {  	_ =	shalt  }
0x59: {  	_ =	shalt  }
0x5a: {  	_ =	shalt  }
0x5b: {  	_ =	shalt  }
0x5c: {  	_ =	shalt  }
0x5d: {  	_ =	shalt  }
0x5e: {  	_ =	shalt  }
0x5f: {  	_ =	shalt  }
0x60: {  	_ =	shalt  }
0x61: {  	_ =	shalt  }
0x62: {  	_ =	shalt  }
0x63: {  	_ =	shalt  }
0x64: {  	_ =	shalt  }
0x65: {  	_ =	shalt  }
0x66: {  	_ =	shalt  }
0x67: {  	_ =	shalt  }
0x68: {  	_ =	shalt  }
0x69: {  	_ =	shalt  }
0x6a: {  	_ =	shalt  }
0x6b: {  	_ =	shalt  }
0x6c: {  	_ =	shalt  }
0x6d: {  	_ =	shalt  }
0x6e: {  	_ =	shalt  }
0x6f: {  	_ =	shalt  }
0x70: {  	_ =	shalt  }
0x71: {  	_ =	shalt  }
0x72: {  	_ =	shalt  }
0x73: {  	_ =	shalt  }
0x74: {  	_ =	shalt  }
0x75: {  	_ =	shalt  }
0x76: {  	_ =	shalt  }
0x77: {  	_ =	shalt  }
0x78: {  	_ =	shalt  }
0x79: {  	_ =	shalt  }
0x7a: {  	_ =	shalt  }
0x7b: {  	_ =	shalt  }
0x7c: {  	_ =	shalt  }
0x7d: {  	_ =	shalt  }
0x7e: {  	_ =	shalt  }
0x7f: {  	_ =	shalt  }
0x80: {  	_ =	shalt  }
0x81: {  	_ =	shalt  }
0x82: {  	_ =	shalt  }
0x83: {  	_ =	shalt  }
0x84: {  	_ =	shalt  }
0x85: {  	_ =	shalt  }
0x86: {  	_ =	shalt  }
0x87: {  	_ =	shalt  }
.Lfunc_end0:
.L_simem_size_0:
called_computation_lowered:
.L_overlay_start_0:
0x88: {  	s2 =	sld [smem:$0x3FD9]  }
0x89: {  	s3 =	sld [smem:$0x3FFE];
	_ =	sdelay $0x1  }
0x8a: {  	s1 =	srdreg.scid  }
0x8b: {  	s0 =	sand.u32 $0x1, s1  }
0x8c: {  	s16 =	sshll.u32 s0, $0xA;
	s2 =	sadd.s32 s3, s2  }
0x8d: {  	s2 =	sadd.s32 s2, s16  }
0x8e: {  	[smem:$0x3FC1] =	sst s2  }
0x8f: {  	_ = 	snop  }
0x90: {  	(tm) =	ssettm $0x1  }
0x91: {  	s17 =	sld [smem:$0x3FFB];
	_ =	sdelay $0x3  }
0x92: {  	_ =	strace s17  }
0x93: {  	s2 =	sld [smem:$0x3FFC];
	_ =	sdelay $0x3  }
0x94: {  	_ =	strace s2  }
0x95: {  	s2 =	sld [smem:$0x3FFD];
	_ =	sdelay $0x3  }
0x96: {  	_ =	strace s2  }
0x97: {  	_ =	strace $0x8FFFFFFF  }
0x98: {  	s18 =	sld [smem:$0x3FDB];
	_ =	sdelay $0x1  }
0x99: {  	s19 =	simm.s32 $_scs_section_size  }
0x9a: {  	s4 =	simm.s32 $_size__tile_overlayer_lowered;
	s5 =	simm.s32 $_tile_overlayer_lowered  }
0x9b: {  	s22 =	simm.s32 $0x1BFF;
	s21 =	sshll.u32 s5, $0x1;
	s2 =	sadd.s32 s19, s18  }
0x9c: {  	s6 =	simm.s32 $0x0;
	s20 =	sshll.u32 s4, $0x1;
	s4 =	sadd.s32 s21, s2  }
0x9d: {  	[timem:s6], [sflag:s22] =	dma.local [hbm:s4], s20  }
0x9e: {  	_ =	swait.ge [sflag:s22], s20  }
0x9f: {  	s3 =	ssub.s32 $0x0, s20;
	[sflag:s22] =	ssyncset.done $0x0  }
0xa0: {  	[sflag:s22] =	ssyncadd.s32 s3;
	_ =	sdelay $0x1  }
0xa1: {  	s23 =	simm.s32 $0x1B8B  }
0xa2: {  	_ =	swait.ge [sflag:s23], $0x1  }
0xa3: {  	[sflag:s23] =	ssyncset.done $0x0  }
0xa4: {  	s25 =	simm.s32 $0x1B8E;
	s24 =	sld [smem:$0x3FFE];
	[sflag:s23] =	ssyncadd.s32 $0xFFFFFFFF  }
0xa5: {  	s26 =	simm.s32 $execute0_lowered;
	[smem:$0x3FD2] =	sst s25  }
0xa6: {  	s4 =	sshll.u32 s26, $0x1;
	_ =	strace $0x80000046;
	[dreg:$0x1] =	wrdreg $0xFFFFFFFF  }
0xa7: {  	s28 =	simm.s32 $_size_execute0_lowered;
	s2 =	sadd.s32 s2, s4;
	[dreg:$0x0] =	wrdreg $0x0  }
0xa8: {  	s4 =	sshll.u32 s28, $0x1;
	[dreg:$0x2] =	wrdreg s2  }
0xa9: {  	[dreg:$0x3] =	wrdreg s4  }
0xaa: {  	[dreg:$0x4] =	wrdreg $0xC0  }
0xab: {  	_ =	task [dreg:s6], $0x5FFFF  }
0xac: {  	[dreg:$0x1] =	wrdreg $0xFFFFFFFF  }
0xad: {  	[dreg:$0x0] =	wrdreg $0x60  }
0xae: {  	[dreg:$0x2] =	wrdreg s24  }
0xaf: {  	[dreg:$0x3] =	wrdreg $0x9  }
0xb0: {  	_ =	task.clear_ibuf [dreg:s6], $0x4FFFF;
	_ =	strace $0x90000046  }
0xb1: {  	s29 =	simm.s32 $0x9;
	_ =	strace $0x80000048  }
0xb2: {  	_ =	swait.ge [sflag:s29], $0x1  }
0xb3: {  	[sflag:s29] =	ssyncadd.s32 $0xFFFFFFFF  }
0xb4: {  	_ =	strace $0x90000048  }
0xb5: {  	_ =	sfence  }
0xb6: {  	s30 =	sld [smem:$0x0];
	_ =	sdelay $0x2  }
0xb7: {  	s31 =	sshll.u32 s1, $0xD;
	s1 =	sshrl.u32 s1, $0x2  }
0xb8: {  	s3 =	sand.u32 $0x4000, s31;
	s1 =	sadd.s32 s1, s30  }
0xb9: {  	s0 =	sor.u32 s3, s0;
	s1 =	sshll.u32 s1, $0x11  }
0xba: {  	s0 =	sor.u32 s1, s0  }
0xbb: {  	s0 =	sadd.s32 $0x8F2B, s0  }
0xbc: {  	[sflag:s0] =	ssyncadd.remote.s32 $0x1  }
0xbd: {  	_ =	sfence.sel $0xFFFF  }
0xbe: {  	[dreg:$0x0] =	wrdreg $0xFFFFFFFF;
	(pc) =	sbr.abs _section_cstart, $3  }
0xbf: {  	[dreg:$0x1] =	wrdreg $0xFFFFFFFF  }
0xc0: {  	_ =	task.clear_ibuf [dreg:s6], $0x2FFFF;
	_ =	strace $0x9FFFFFFF  }
0xc1: {  	(tm) =	ssettm $0x7FFFFFFF  }
tec
execute0_lowered:
.L_overlay_start_1:
0x0: {  	(tag) =	ssettag $0x1  }
0x1: {  	v8 =	vlaneseq.u32;
	vm0 =	vmmov $0xffff  }
0x2: {  	v9 =	vimm.s32 $0x2A80;
	vm15 =	vcmask $0x300;
	vm14 =	vcmask $0x704  }
0x3: {  	v10 =	vimm.s32 $0x2B00;
	vm13 =	vcmask $0xB08;
	vm12 =	vcmask $0xF0C  }
0x4: {  	vm11 =	vcmask $0x1310;
	vm10 =	vcmask $0x1714;
	vm9 =	vcmask $0x1B18  }
0x5: {  	vm8 =	vcmask $0x1F1C;
	vm7 =	vcmask $0x2320;
	vm6 =	vcmask $0x2724  }
0x6: {  	vm5 =	vcmask $0x2B28;
	vm4 =	vcmask $0x2F2C;
	vm3 =	vcmask $0x3330  }
0x7: {  	vm2 =	vcmask $0x3734;
	vm1 =	vcmask $0x3B38;
	v11 =	vimm.s32 $0x2B80  }
0x8: {  	v12 =	vimm.s32 $0xB80;
	v13 =	vimm.s32 $0x5A80;
	v17 =	vimm.s32 $0x5B00  }
0x9: {  	v18 =	vimm.s32 $0x5B80;
	v19 =	vimm.s32 $0x1B80;
	v0 =	vmul.u32 $0x4, v8  }
0xa: {  	v1 =	vmul.u32 $0x3, v8;
	v7 =	vshrl.u32 v8, $0x3;
	v6 =	vand.u32 $0x7, v8  }
0xb: {  	v8 =	vor.u32 $0x8, v8;
	v9 =	vsel vm15, $0x0, v9;
	v10 =	vsel vm15, $0x80, v10  }
0xc: {  	v11 =	vsel vm15, $0x100, v11;
	v12 =	vsel vm15, $0x0, v12;
	v13 =	vsel vm15, $0x3000, v13  }
0xd: {  	v17 =	vsel vm15, $0x3080, v17;
	v18 =	vsel vm15, $0x3100, v18;
	v19 =	vsel vm15, $0x1000, v19  }
0xe: {  	v7 =	vmul.u32 $0x8, v7;
	v9 =	vsel vm14, $0x180, v9;
	v10 =	vsel vm14, $0x200, v10  }
0xf: {  	v11 =	vsel vm14, $0x280, v11;
	v12 =	vsel vm14, $0x80, v12;
	v13 =	vsel vm14, $0x3180, v13  }
0x10: {  	v17 =	vsel vm14, $0x3200, v17;
	v18 =	vsel vm14, $0x3280, v18;
	v19 =	vsel vm14, $0x1080, v19  }
0x11: {  	v2 =	vor.u32 $0x1, v0;
	v3 =	vadd.s32 $0x1, v1;
	v4 =	vor.u32 $0x2, v0  }
0x12: {  	v5 =	vadd.s32 $0x2, v1;
	v9 =	vsel vm13, $0x300, v9;
	v10 =	vsel vm13, $0x380, v10  }
0x13: {  	v11 =	vsel vm13, $0x800, v11;
	v12 =	vsel vm13, $0x100, v12;
	v13 =	vsel vm13, $0x3300, v13  }
0x14: {  	v15 =	vor.u32 $0x42, v0;
	v17 =	vsel vm13, $0x3380, v17;
	v18 =	vsel vm13, $0x3800, v18  }
0x15: {  	v19 =	vsel vm13, $0x1100, v19;
	v9 =	vsel vm12, $0x880, v9;
	v10 =	vsel vm12, $0x900, v10  }
0x16: {  	v11 =	vsel vm12, $0x980, v11;
	v12 =	vsel vm12, $0x180, v12;
	v13 =	vsel vm12, $0x3880, v13  }
0x17: {  	v17 =	vsel vm12, $0x3900, v17;
	v18 =	vsel vm12, $0x3980, v18;
	v19 =	vsel vm12, $0x1180, v19  }
0x18: {  	v9 =	vsel vm11, $0xA00, v9;
	v10 =	vsel vm11, $0xA80, v10;
	v11 =	vsel vm11, $0xB00, v11  }
0x19: {  	v12 =	vsel vm11, $0x200, v12;
	v13 =	vsel vm11, $0x3A00, v13;
	v17 =	vsel vm11, $0x3A80, v17  }
0x1a: {  	v18 =	vsel vm11, $0x3B00, v18;
	v19 =	vsel vm11, $0x1200, v19;
	v9 =	vsel vm10, $0xB80, v9  }
0x1b: {  	v10 =	vsel vm10, $0x1000, v10;
	v11 =	vsel vm10, $0x1080, v11;
	v12 =	vsel vm10, $0x280, v12  }
0x1c: {  	v13 =	vsel vm10, $0x3B80, v13;
	v17 =	vsel vm10, $0x4000, v17;
	v18 =	vsel vm10, $0x4080, v18  }
0x1d: {  	v19 =	vsel vm10, $0x1280, v19;
	v9 =	vsel vm9, $0x1100, v9;
	v10 =	vsel vm9, $0x1180, v10  }
0x1e: {  	v11 =	vsel vm9, $0x1200, v11;
	v12 =	vsel vm9, $0x300, v12;
	v13 =	vsel vm9, $0x4100, v13  }
0x1f: {  	v17 =	vsel vm9, $0x4180, v17;
	v18 =	vsel vm9, $0x4200, v18;
	v19 =	vsel vm9, $0x1300, v19  }
0x20: {  	v9 =	vsel vm8, $0x1280, v9;
	v10 =	vsel vm8, $0x1300, v10;
	v11 =	vsel vm8, $0x1380, v11  }
0x21: {  	v12 =	vsel vm8, $0x380, v12;
	v13 =	vsel vm8, $0x4280, v13;
	v17 =	vsel vm8, $0x4300, v17  }
0x22: {  	v18 =	vsel vm8, $0x4380, v18;
	v19 =	vsel vm8, $0x1380, v19;
	v9 =	vsel vm7, $0x1800, v9  }
0x23: {  	v10 =	vsel vm7, $0x1880, v10;
	v11 =	vsel vm7, $0x1900, v11;
	v12 =	vsel vm7, $0x800, v12  }
0x24: {  	v13 =	vsel vm7, $0x4800, v13;
	v17 =	vsel vm7, $0x4880, v17;
	v18 =	vsel vm7, $0x4900, v18  }
0x25: {  	s0 =	rddreg [dreg:$0x0];
	v19 =	vsel vm7, $0x1800, v19;
	v9 =	vsel vm6, $0x1980, v9;
	v10 =	vsel vm6, $0x1A00, v10  }
0x26: {  	s1 =	srdreg.scid;
	s3 =	stileid.u32;
	v11 =	vsel vm6, $0x1A80, v11;
	v12 =	vsel vm6, $0x880, v12;
	v13 =	vsel vm6, $0x4980, v13  }
0x27: {  	s2 =	simm.s32 $0x0;
	s8 =	simm.s32 $0x3;
	s9 =	simm.s32 $0x800;
	v17 =	vsel vm6, $0x4A00, v17;
	v18 =	vsel vm6, $0x4A80, v18;
	v19 =	vsel vm6, $0x1880, v19  }
0x28: {  	s10 =	simm.s32 $0x1000;
	s11 =	simm.s32 $0x1600;
	s20 =	simm.s32 $0x5E00;
	v9 =	vsel vm5, $0x1B00, v9;
	v10 =	vsel vm5, $0x1B80, v10;
	v11 =	vsel vm5, $0x2000, v11  }
0x29: {  	s21 =	simm.s32 $0x6600;
	s22 =	simm.s32 $0x6E00;
	s23 =	simm.s32 $0x7600;
	v12 =	vsel vm5, $0x900, v12;
	v13 =	vsel vm5, $0x4B00, v13;
	v17 =	vsel vm5, $0x4B80, v17  }
0x2a: {  	s28 =	simm.s32 $0x9600;
	s29 =	simm.s32 $0x9E00;
	s30 =	simm.s32 $0xA600;
	v18 =	vsel vm5, $0x5000, v18;
	v19 =	vsel vm5, $0x1900, v19;
	v9 =	vsel vm4, $0x2080, v9  }
0x2b: {  	s31 =	simm.s32 $0xAE00;
	s7 =	simm.s32 $0x1;
	s12 =	simm.s32 $0xD600;
	v10 =	vsel vm4, $0x2100, v10;
	v11 =	vsel vm4, $0x2180, v11;
	v12 =	vsel vm4, $0x980, v12  }
0x2c: {  	s13 =	simm.s32 $0x2;
	s14 =	simm.s32 $0xF600;
	s16 =	simm.s32 $0x0;
	v13 =	vsel vm4, $0x5080, v13;
	v17 =	vsel vm4, $0x5100, v17;
	v18 =	vsel vm4, $0x5180, v18  }
0x2d: {  	s1 =	sand.u32 $0x1, s1;
	s3 =	sshll.u32 s3, $0x1;
	[smem:$0x7FF] =	sst s2;
	v19 =	vsel vm4, $0x1980, v19;
	v9 =	vsel vm3, $0x2200, v9;
	v10 =	vsel vm3, $0x2280, v10  }
0x2e: {  	s4 =	sor.u32 s1, s3;
	_ =	strace $0x80000047;
	s3 =	sadd.s32 $0x42E00, s0;
	v11 =	vsel vm3, $0x2300, v11;
	v12 =	vsel vm3, $0xA00, v12;
	v14 =	vsel vm3, $0x5200, v13  }
0x2f: {  	s1 =	ssub.s32 $0x2, s1;
	s5 =	sshll.u32 s4, $0x8;
	s4 =	sshll.u32 s4, $0xE;
	v13 =	vor.u32 $0x40, v0;
	v17 =	vsel vm3, $0x5280, v17;
	v18 =	vsel vm3, $0x5300, v18  }
0x30: {  	s24 =	sshrl.u32 s1, $0x1;
	s5 =	sadd.s32 s5, s0;
	s0 =	sadd.s32 s4, s0;
	v19 =	vsel vm3, $0x1A00, v19;
	v9 =	vsel vm2, $0x2380, v9;
	v10 =	vsel vm2, $0x2800, v10  }
0x31: {  	s1 =	ssub.s32 s1, s24;
	s24 =	simm.s32 $0x7E00;
	s6 =	sadd.s32 $0x62E00, s5;
	v11 =	vsel vm2, $0x2880, v11;
	v12 =	vsel vm2, $0xA80, v12;
	v16 =	vsel vm2, $0x5380, v14  }
0x32: {  	s4 =	simm.s32 $0xC600;
	s25 =	sadd.s32 $0x64E00, s5;
	[dreg:$0x2] =	wrdreg s6;
	v14 =	vor.u32 $0x41, v0;
	v17 =	vsel vm2, $0x5800, v17;
	v18 =	vsel vm2, $0x5880, v18  }
0x33: {  	s26 =	smax.u32 s1, $0x1;
	s1 =	simm.s32 $0xBE00;
	[dreg:$0x3] =	wrdreg s25;
	v19 =	vsel vm2, $0x1A80, v19;
	v9 =	vsel vm1, $0x2900, v9;
	v10 =	vsel vm1, $0x2980, v10  }
0x34: {  	s5 =	simm.s32 $0xCE00;
	s6 =	sadd.s32 $0x182E00, s0;
	[dreg:$0x4] =	wrdreg s26;
	v11 =	vsel vm1, $0x2A00, v11;
	v12 =	vsel vm1, $0xB00, v12;
	v16 =	vsel vm1, $0x5900, v16  }
0x35: {  	s25 =	simm.s32 $0x8600;
	s26 =	simm.s32 $0x8E00;
	s0 =	simm.s32 $0xB600;
	v17 =	vsel vm1, $0x5980, v17;
	v18 =	vsel vm1, $0x5A00, v18;
	v19 =	vsel vm1, $0x1B00, v19  }
.LBB2_1:
0x36: {  	[dreg:$0x5] =	wrdreg s16  }
0x37: {  	s15 =	rddreg [dreg:$0x2]  }
0x38: {  	[tilespmem:s2], [sflag:$0x3] =	stream.linear.gather [hbm4b:s15+s2], $0x800, $0x38;
	[tilespmem:$0x11600] =	vst v63  }
0x39: {  	_ =	swait.ge [sflag:s8], $0x800  }
0x3a: {  	[sflag:s8] =	ssyncset.done $0x0  }
0x3b: {  	v20 =	vor.u32 s2, v0;
	s19 =	rddreg [dreg:$0x3];
	[sflag:s8] =	ssyncadd.s32 $0xFFFFF800  }
0x3c: {  	[tilespmem:s9], [sflag:$0x3] =	stream.linear.gather [hbm4b:s19+s2], $0x800, $0x38;
	[tilespmem:$0x11600] =	vst v63  }
0x3d: {  	_ =	swait.ge [sflag:s8], $0x800  }
0x3e: {  	[sflag:s8] =	ssyncset.done $0x0  }
0x3f: {  	[sflag:s8] =	ssyncadd.s32 $0xFFFFF800  }
0x40: {  	v21 =	vadd.s32 s2, v1;
	v20 =	vld.idx.msk [tilespmem:v20+s2+$0x0], $0xffff  }
0x41: {  	v22 =	vor.u32 s2, v2;
	_ =	sdelay $0x3  }
0x42: {  	[tilespmem:v21+s10+$0x0] =	vst.idx.msk $0xffff, v20  }
0x43: {  	v21 =	vadd.s32 s2, v3;
	v20 =	vld.idx.msk [tilespmem:v22+s2+$0x0], $0xffff  }
0x44: {  	v22 =	vor.u32 s2, v4;
	_ =	sdelay $0x3  }
0x45: {  	[tilespmem:v21+s10+$0x0] =	vst.idx.msk $0xffff, v20  }
0x46: {  	s15 =	simm.s32 $0x40;
	v20 =	vld.idx.msk [tilespmem:v22+s2+$0x0], $0xffff;
	v22 =	vadd.s32 s2, v5  }
0x47: {  	s17 =	simm.s32 $0x80;
	s16 =	simm.s32 $0x0;
	v21 =	vor.u32 s15, v0  }
.LBB2_2:
0x48: {  	p0 =	sne.s32 s17, $0x7C0;
	_ =	sdelay $0x2  }
0x49: {  	[tilespmem:v22+s10+$0x0] =	vst.idx.msk $0xffff, v20  }
0x4a: {  	s16 =	sadd.s32 $0x30, s16;
	v20 =	vld.idx.msk [tilespmem:v21+s2+$0x0], $0xffff  }
0x4b: {  	v21 =	vadd.s32 s16, v1  }
0x4c: {  	v22 =	vor.u32 s15, v2;
	_ =	sdelay $0x3  }
0x4d: {  	[tilespmem:v21+s10+$0x0] =	vst.idx.msk $0xffff, v20  }
0x4e: {  	v20 =	vld.idx.msk [tilespmem:v22+s2+$0x0], $0xffff  }
0x4f: {  	v21 =	vadd.s32 s16, v3  }
0x50: {  	v22 =	vor.u32 s15, v4;
	s15 =	smov.u32 s17;
	_ =	sdelay $0x2  }
.Ltmp0:
0x51: {  	(pc) =	sbr.rel @p0 .LBB2_2-.Ltmp0, $4  }
0x52: {  	[tilespmem:v21+s10+$0x0] =	vst.idx.msk $0xffff, v20  }
0x53: {  	v20 =	vld.idx.msk [tilespmem:v22+s2+$0x0], $0xffff  }
0x54: {  	v22 =	vadd.s32 s16, v5  }
0x55: {  	s17 =	sadd.s32 $0x40, s17;
	v21 =	vor.u32 s15, v0  }
0x56: {  	_ =	sdelay $0x3  }
0x57: {  	s16 =	sadd.s32 $0x30, s16;
	[tilespmem:v22+s10+$0x0] =	vst.idx.msk $0xffff, v20  }
0x58: {  	v53 =	vadd.s32 s16, v1;
	v20 =	vld.idx.msk [tilespmem:v21+s2+$0x0], $0xffff  }
0x59: {  	v54 =	vor.u32 s15, v2;
	_ =	sdelay $0x3  }
0x5a: {  	[tilespmem:v53+s10+$0x0] =	vst.idx.msk $0xffff, v20  }
0x5b: {  	v55 =	vadd.s32 s16, v3;
	v20 =	vld.idx.msk [tilespmem:v54+s2+$0x0], $0xffff  }
0x5c: {  	v56 =	vor.u32 s15, v4;
	_ =	sdelay $0x3  }
0x5d: {  	[tilespmem:v55+s10+$0x0] =	vst.idx.msk $0xffff, v20  }
0x5e: {  	v57 =	vadd.s32 s16, v5;
	v20 =	vld.idx.msk [tilespmem:v56+s2+$0x0], $0xffff;
	_ =	sdelay $0x4  }
0x5f: {  	[tilespmem:v57+s10+$0x0] =	vst.idx.msk $0xffff, v20  }
0x60: {  	v20 =	vld [tilespmem:$0x1000];
	_ =	sdelay $0x4  }
0x61: {  	v58 =	vshll.u32 v20, $0x1  }
0x62: {  	v20 =	vand.u32 $0x7, v20;
	v21 =	vand.u32 $0xFFFFFFF0, v58  }
0x63: {  	v20 =	vor.u32 v20, v21  }
0x64: {  	v21 =	vperm.xlane v20, v6;
	_ =	sdelay $0x1  }
0x65: {  	v20 =	vperm.xlane v20, v8;
	v21 =	vadd.s32 v7, v21;
	_ =	sdelay $0x1  }
0x66: {  	v20 =	vadd.s32 v7, v20;
	_ =	sdelay $0x1  }
0x67: {  	s15 =	simm.s32 $0x0  }
0x68: {  	[tilespmem:s11], [sflag:$0x1] =	stream.indirect_vreg.gather [hbm4b:s3+s15], $0x80, v21, vm0, $0xb8;
	[tilespmem:$0x11600] =	vst v63  }
0x69: {  	s18 =	simm.s32 $0x1E00  }
0x6a: {  	[tilespmem:s18], [sflag:$0x1] =	stream.indirect_vreg.gather [hbm4b:s3+s15], $0x80, v20, vm0, $0xb8;
	[tilespmem:$0x11600] =	vst v63  }
0x6b: {  	v20 =	vld [tilespmem:$0x1010];
	_ =	sdelay $0x4  }
0x6c: {  	v59 =	vshll.u32 v20, $0x1  }
0x6d: {  	v20 =	vand.u32 $0x7, v20;
	v21 =	vand.u32 $0xFFFFFFF0, v59  }
0x6e: {  	v20 =	vor.u32 v20, v21  }
0x6f: {  	v21 =	vperm.xlane v20, v6;
	_ =	sdelay $0x1  }
0x70: {  	v20 =	vperm.xlane v20, v8;
	v21 =	vadd.s32 v7, v21;
	_ =	sdelay $0x1  }
0x71: {  	v20 =	vadd.s32 v7, v20;
	_ =	sdelay $0x1  }
0x72: {  	s19 =	simm.s32 $0x2600  }
0x73: {  	[tilespmem:s19], [sflag:$0x1] =	stream.indirect_vreg.gather [hbm4b:s3+s15], $0x80, v21, vm0, $0xb8;
	[tilespmem:$0x11600] =	vst v63  }
0x74: {  	s17 =	simm.s32 $0x2E00  }
0x75: {  	[tilespmem:s17], [sflag:$0x1] =	stream.indirect_vreg.gather [hbm4b:s3+s15], $0x80, v20, vm0, $0xb8;
	[tilespmem:$0x11600] =	vst v63  }
0x76: {  	v20 =	vld [tilespmem:$0x1020];
	_ =	sdelay $0x4  }
0x77: {  	v60 =	vshll.u32 v20, $0x1  }
0x78: {  	v20 =	vand.u32 $0x7, v20;
	v21 =	vand.u32 $0xFFFFFFF0, v60  }
0x79: {  	v20 =	vor.u32 v20, v21  }
0x7a: {  	v21 =	vperm.xlane v20, v6;
	_ =	sdelay $0x1  }
0x7b: {  	v20 =	vperm.xlane v20, v8;
	v21 =	vadd.s32 v7, v21;
	_ =	sdelay $0x1  }
0x7c: {  	v20 =	vadd.s32 v7, v20;
	_ =	sdelay $0x1  }
0x7d: {  	s18 =	simm.s32 $0x3600  }
0x7e: {  	[tilespmem:s18], [sflag:$0x1] =	stream.indirect_vreg.gather [hbm4b:s3+s15], $0x80, v21, vm0, $0xb8;
	[tilespmem:$0x11600] =	vst v63  }
0x7f: {  	s19 =	simm.s32 $0x3E00  }
0x80: {  	[tilespmem:s19], [sflag:$0x1] =	stream.indirect_vreg.gather [hbm4b:s3+s15], $0x80, v20, vm0, $0xb8;
	[tilespmem:$0x11600] =	vst v63  }
0x81: {  	v20 =	vld [tilespmem:$0x1030];
	_ =	sdelay $0x4  }
0x82: {  	v61 =	vshll.u32 v20, $0x1  }
0x83: {  	v20 =	vand.u32 $0x7, v20;
	v21 =	vand.u32 $0xFFFFFFF0, v61  }
0x84: {  	v20 =	vor.u32 v20, v21  }
0x85: {  	v21 =	vperm.xlane v20, v6;
	_ =	sdelay $0x1  }
0x86: {  	v20 =	vperm.xlane v20, v8;
	v21 =	vadd.s32 v7, v21;
	_ =	sdelay $0x1  }
0x87: {  	v20 =	vadd.s32 v7, v20;
	_ =	sdelay $0x1  }
0x88: {  	s17 =	simm.s32 $0x4600  }
0x89: {  	[tilespmem:s17], [sflag:$0x1] =	stream.indirect_vreg.gather [hbm4b:s3+s15], $0x80, v21, vm0, $0xb8;
	[tilespmem:$0x11600] =	vst v63  }
0x8a: {  	s18 =	simm.s32 $0x4E00  }
0x8b: {  	[tilespmem:s18], [sflag:$0x1] =	stream.indirect_vreg.gather [hbm4b:s3+s15], $0x80, v20, vm0, $0xb8;
	[tilespmem:$0x11600] =	vst v63  }
0x8c: {  	v20 =	vld [tilespmem:$0x1040];
	_ =	sdelay $0x4  }
0x8d: {  	v62 =	vshll.u32 v20, $0x1  }
0x8e: {  	v20 =	vand.u32 $0x7, v20;
	v21 =	vand.u32 $0xFFFFFFF0, v62  }
0x8f: {  	v20 =	vor.u32 v20, v21  }
0x90: {  	v21 =	vperm.xlane v20, v6;
	_ =	sdelay $0x1  }
0x91: {  	v20 =	vperm.xlane v20, v8;
	v21 =	vadd.s32 v7, v21;
	_ =	sdelay $0x1  }
0x92: {  	v20 =	vadd.s32 v7, v20;
	_ =	sdelay $0x1  }
0x93: {  	s19 =	simm.s32 $0x5600  }
0x94: {  	[tilespmem:s19], [sflag:$0x1] =	stream.indirect_vreg.gather [hbm4b:s3+s15], $0x80, v21, vm0, $0xb8;
	[tilespmem:$0x11600] =	vst v63  }
0x95: {  	_ = 	snop  }
0x96: {  	[tilespmem:s20], [sflag:$0x1] =	stream.indirect_vreg.gather [hbm4b:s3+s15], $0x80, v20, vm0, $0xb8;
	[tilespmem:$0x11600] =	vst v63  }
0x97: {  	v20 =	vld [tilespmem:$0x1050];
	_ =	sdelay $0x4  }
0x98: {  	v63 =	vshll.u32 v20, $0x1  }
0x99: {  	v20 =	vand.u32 $0x7, v20;
	v21 =	vand.u32 $0xFFFFFFF0, v63  }
0x9a: {  	v20 =	vor.u32 v20, v21  }
0x9b: {  	v21 =	vperm.xlane v20, v6;
	_ =	sdelay $0x1  }
0x9c: {  	v20 =	vperm.xlane v20, v8;
	v21 =	vadd.s32 v7, v21;
	_ =	sdelay $0x1  }
0x9d: {  	v20 =	vadd.s32 v7, v20;
	_ =	sdelay $0x2  }
0x9e: {  	[tilespmem:s21], [sflag:$0x1] =	stream.indirect_vreg.gather [hbm4b:s3+s15], $0x80, v21, vm0, $0xb8;
	[tilespmem:$0x11600] =	vst v63  }
0x9f: {  	s16 =	simm.s32 $0x0  }
0xa0: {  	[tilespmem:s22], [sflag:$0x1] =	stream.indirect_vreg.gather [hbm4b:s3+s15], $0x80, v20, vm0, $0xb8;
	[tilespmem:$0x11600] =	vst v63  }
.LBB2_4:
0xa1: {  	s17 =	sshllo.u32 s16, $0x1  }
0xa2: {  	s18 =	smul.u32 $0x180, s17;
	_ =	sdelay $0x1  }
0xa3: {  	s18 =	sshra.s32 s18, $0x2  }
0xa4: {  	v20 =	vld [tilespmem:s18+$0x1000];
	_ =	sdelay $0x4  }
0xa5: {  	v21 =	vshll.u32 v20, $0x1  }
0xa6: {  	v20 =	vand.u32 $0x7, v20;
	v21 =	vand.u32 $0xFFFFFFF0, v21  }
0xa7: {  	v20 =	vor.u32 v20, v21  }
0xa8: {  	v21 =	vperm.xlane v20, v6;
	_ =	sdelay $0x1  }
0xa9: {  	v20 =	vperm.xlane v20, v8;
	v21 =	vadd.s32 v7, v21;
	_ =	sdelay $0x1  }
0xaa: {  	v20 =	vadd.s32 v7, v20;
	_ =	sdelay $0x2  }
0xab: {  	[tilespmem:s23], [sflag:$0x2] =	stream.indirect_vreg.gather [hbm4b:s3+s15], $0x80, v21, vm0, $0xb8;
	[tilespmem:$0x11600] =	vst v63  }
0xac: {  	_ = 	snop  }
0xad: {  	[tilespmem:s24], [sflag:$0x2] =	stream.indirect_vreg.gather [hbm4b:s3+s15], $0x80, v20, vm0, $0xb8;
	[tilespmem:$0x11600] =	vst v63  }
0xae: {  	v20 =	vld [tilespmem:s18+$0x1010];
	_ =	sdelay $0x4  }
0xaf: {  	v21 =	vshll.u32 v20, $0x1  }
0xb0: {  	v20 =	vand.u32 $0x7, v20;
	v21 =	vand.u32 $0xFFFFFFF0, v21  }
0xb1: {  	v20 =	vor.u32 v20, v21  }
0xb2: {  	v21 =	vperm.xlane v20, v6;
	_ =	sdelay $0x1  }
0xb3: {  	v20 =	vperm.xlane v20, v8;
	v21 =	vadd.s32 v7, v21;
	_ =	sdelay $0x1  }
0xb4: {  	v20 =	vadd.s32 v7, v20;
	_ =	sdelay $0x2  }
0xb5: {  	[tilespmem:s25], [sflag:$0x2] =	stream.indirect_vreg.gather [hbm4b:s3+s15], $0x80, v21, vm0, $0xb8;
	[tilespmem:$0x11600] =	vst v63  }
0xb6: {  	_ = 	snop  }
0xb7: {  	[tilespmem:s26], [sflag:$0x2] =	stream.indirect_vreg.gather [hbm4b:s3+s15], $0x80, v20, vm0, $0xb8;
	[tilespmem:$0x11600] =	vst v63  }
0xb8: {  	v20 =	vld [tilespmem:s18+$0x1020];
	_ =	sdelay $0x4  }
0xb9: {  	v21 =	vshll.u32 v20, $0x1  }
0xba: {  	v20 =	vand.u32 $0x7, v20;
	v21 =	vand.u32 $0xFFFFFFF0, v21  }
0xbb: {  	v20 =	vor.u32 v20, v21  }
0xbc: {  	v21 =	vperm.xlane v20, v6;
	_ =	sdelay $0x1  }
0xbd: {  	v20 =	vperm.xlane v20, v8;
	v21 =	vadd.s32 v7, v21;
	_ =	sdelay $0x1  }
0xbe: {  	v20 =	vadd.s32 v7, v20;
	_ =	sdelay $0x2  }
0xbf: {  	[tilespmem:s28], [sflag:$0x2] =	stream.indirect_vreg.gather [hbm4b:s3+s15], $0x80, v21, vm0, $0xb8;
	[tilespmem:$0x11600] =	vst v63  }
0xc0: {  	_ = 	snop  }
0xc1: {  	[tilespmem:s29], [sflag:$0x2] =	stream.indirect_vreg.gather [hbm4b:s3+s15], $0x80, v20, vm0, $0xb8;
	[tilespmem:$0x11600] =	vst v63  }
0xc2: {  	v20 =	vld [tilespmem:s18+$0x1030];
	_ =	sdelay $0x4  }
0xc3: {  	v21 =	vshll.u32 v20, $0x1  }
0xc4: {  	v20 =	vand.u32 $0x7, v20;
	v21 =	vand.u32 $0xFFFFFFF0, v21  }
0xc5: {  	v20 =	vor.u32 v20, v21  }
0xc6: {  	v21 =	vperm.xlane v20, v6;
	_ =	sdelay $0x1  }
0xc7: {  	v20 =	vperm.xlane v20, v8;
	v21 =	vadd.s32 v7, v21;
	_ =	sdelay $0x1  }
0xc8: {  	v20 =	vadd.s32 v7, v20;
	_ =	sdelay $0x2  }
0xc9: {  	[tilespmem:s30], [sflag:$0x2] =	stream.indirect_vreg.gather [hbm4b:s3+s15], $0x80, v21, vm0, $0xb8;
	[tilespmem:$0x11600] =	vst v63  }
0xca: {  	_ = 	snop  }
0xcb: {  	[tilespmem:s31], [sflag:$0x2] =	stream.indirect_vreg.gather [hbm4b:s3+s15], $0x80, v20, vm0, $0xb8;
	[tilespmem:$0x11600] =	vst v63  }
0xcc: {  	v20 =	vld [tilespmem:s18+$0x1040];
	_ =	sdelay $0x4  }
0xcd: {  	v21 =	vshll.u32 v20, $0x1  }
0xce: {  	v20 =	vand.u32 $0x7, v20;
	v21 =	vand.u32 $0xFFFFFFF0, v21  }
0xcf: {  	v20 =	vor.u32 v20, v21  }
0xd0: {  	v21 =	vperm.xlane v20, v6;
	_ =	sdelay $0x1  }
0xd1: {  	v20 =	vperm.xlane v20, v8;
	v21 =	vadd.s32 v7, v21;
	_ =	sdelay $0x1  }
0xd2: {  	v20 =	vadd.s32 v7, v20;
	_ =	sdelay $0x2  }
0xd3: {  	[tilespmem:s0], [sflag:$0x2] =	stream.indirect_vreg.gather [hbm4b:s3+s15], $0x80, v21, vm0, $0xb8;
	[tilespmem:$0x11600] =	vst v63  }
0xd4: {  	_ = 	snop  }
0xd5: {  	[tilespmem:s1], [sflag:$0x2] =	stream.indirect_vreg.gather [hbm4b:s3+s15], $0x80, v20, vm0, $0xb8;
	[tilespmem:$0x11600] =	vst v63  }
0xd6: {  	v20 =	vld [tilespmem:s18+$0x1050];
	_ =	sdelay $0x4  }
0xd7: {  	v21 =	vshll.u32 v20, $0x1  }
0xd8: {  	v20 =	vand.u32 $0x7, v20;
	v21 =	vand.u32 $0xFFFFFFF0, v21  }
0xd9: {  	v20 =	vor.u32 v20, v21  }
0xda: {  	v21 =	vperm.xlane v20, v6;
	_ =	sdelay $0x1  }
0xdb: {  	v21 =	vadd.s32 v7, v21  }
0xdc: {  	v20 =	vperm.xlane v20, v8;
	_ =	sdelay $0x1  }
0xdd: {  	v20 =	vadd.s32 v7, v20;
	_ =	sdelay $0x1  }
0xde: {  	[tilespmem:s4], [sflag:$0x2] =	stream.indirect_vreg.gather [hbm4b:s3+s15], $0x80, v21, vm0, $0xb8;
	v21 =	vmov s15;
	[tilespmem:$0x11600] =	vst v63  }
0xdf: {  	s19 =	sshll.u32 s16, $0x8;
	v22 =	vshll.u32 v21, $0x3  }
0xe0: {  	v23 =	vor.u32 s19, v0;
	v24 =	vand.u32 $0x400, v22  }
0xe1: {  	v25 =	vand.u32 $0x78, v21;
	[tilespmem:s5], [sflag:$0x2] =	stream.indirect_vreg.gather [hbm4b:s3+s15], $0x80, v20, vm0, $0xb8;
	v22 =	vor.u32 s19, v2;
	v26 =	vor.u32 v9, v24;
	[tilespmem:$0x11600] =	vst v63  }
0xe2: {  	_ =	swait.ge [sflag:s7], $0x6000;
	v27 =	vor.u32 v10, v24;
	v28 =	vor.u32 v25, v26  }
0xe3: {  	[sflag:s7] =	ssyncset.done $0x0;
	v29 =	vor.u32 v25, v27  }
0xe4: {  	v30 =	vor.u32 s19, v4;
	v31 =	vor.u32 v11, v24;
	[sflag:s7] =	ssyncadd.s32 $0xFFFFA000  }
0xe5: {  	v20 =	vld.idx.msk [tilespmem:v23+s9+$0x0], $0xffff;
	v23 =	vor.u32 v25, v31  }
0xe6: {  	v21 =	vld.idx.msk [tilespmem:v22+s9+$0x0], $0xffff  }
0xe7: {  	v28 =	vld.idx.msk [tilespmem:v28+s11+$0x0], $0xffff  }
0xe8: {  	v29 =	vld.idx.msk [tilespmem:v29+s11+$0x0], $0xffff  }
0xe9: {  	v22 =	vld.idx.msk [tilespmem:v30+s9+$0x0], $0xffff  }
0xea: {  	v23 =	vld.idx.msk [tilespmem:v23+s11+$0x0], $0xffff;
	_ =	sdelay $0x2  }
0xeb: {  	v24 =	vor.u32 v12, v24;
	v28 =	vmul.f32 v28, v20;
	v29 =	vmul.f32 v29, v21  }
0xec: {  	v32 =	vor.u32 $0x1, v25;
	v50 =	vor.u32 v25, v24  }
0xed: {  	v33 =	vor.u32 v32, v26;
	v28 =	vadd.f32 v29, v28;
	v23 =	vmul.f32 v23, v22  }
0xee: {  	v29 =	vor.u32 v32, v27  }
0xef: {  	v23 =	vadd.f32 v23, v28  }
0xf0: {  	v28 =	vor.u32 v32, v31  }
0xf1: {  	[tilespmem:v50+s12+$0x0] =	vst.idx.msk $0xffff, v23  }
0xf2: {  	v23 =	vld.idx.msk [tilespmem:v33+s11+$0x0], $0xffff  }
0xf3: {  	v29 =	vld.idx.msk [tilespmem:v29+s11+$0x0], $0xffff;
	_ =	sdelay $0x1  }
0xf4: {  	v28 =	vld.idx.msk [tilespmem:v28+s11+$0x0], $0xffff;
	_ =	sdelay $0x2  }
0xf5: {  	v23 =	vmul.f32 v23, v20;
	v29 =	vmul.f32 v29, v21  }
0xf6: {  	v52 =	vor.u32 $0x2, v25;
	v51 =	vor.u32 v32, v24  }
0xf7: {  	v53 =	vor.u32 v52, v26;
	v23 =	vadd.f32 v29, v23;
	v28 =	vmul.f32 v28, v22  }
0xf8: {  	v29 =	vor.u32 v52, v27  }
0xf9: {  	v23 =	vadd.f32 v28, v23  }
0xfa: {  	v28 =	vor.u32 v52, v31  }
0xfb: {  	[tilespmem:v51+s12+$0x0] =	vst.idx.msk $0xffff, v23  }
0xfc: {  	v23 =	vld.idx.msk [tilespmem:v53+s11+$0x0], $0xffff  }
0xfd: {  	v29 =	vld.idx.msk [tilespmem:v29+s11+$0x0], $0xffff;
	_ =	sdelay $0x1  }
0xfe: {  	v28 =	vld.idx.msk [tilespmem:v28+s11+$0x0], $0xffff;
	_ =	sdelay $0x2  }
0xff: {  	v23 =	vmul.f32 v23, v20;
	v29 =	vmul.f32 v29, v21  }
0x100: {  	v55 =	vor.u32 $0x3, v25;
	v54 =	vor.u32 v52, v24  }
0x101: {  	v56 =	vor.u32 v55, v26;
	v23 =	vadd.f32 v29, v23;
	v28 =	vmul.f32 v28, v22  }
0x102: {  	v29 =	vor.u32 v55, v27  }
0x103: {  	v23 =	vadd.f32 v28, v23  }
0x104: {  	v28 =	vor.u32 v55, v31  }
0x105: {  	[tilespmem:v54+s12+$0x0] =	vst.idx.msk $0xffff, v23  }
0x106: {  	v23 =	vld.idx.msk [tilespmem:v56+s11+$0x0], $0xffff  }
0x107: {  	v29 =	vld.idx.msk [tilespmem:v29+s11+$0x0], $0xffff;
	_ =	sdelay $0x1  }
0x108: {  	v28 =	vld.idx.msk [tilespmem:v28+s11+$0x0], $0xffff;
	_ =	sdelay $0x2  }
0x109: {  	v23 =	vmul.f32 v23, v20;
	v29 =	vmul.f32 v29, v21  }
0x10a: {  	v57 =	vor.u32 $0x4, v25;
	v32 =	vor.u32 v55, v24  }
0x10b: {  	v58 =	vor.u32 v57, v26;
	v23 =	vadd.f32 v29, v23;
	v28 =	vmul.f32 v28, v22  }
0x10c: {  	v29 =	vor.u32 v57, v27  }
0x10d: {  	v23 =	vadd.f32 v28, v23  }
0x10e: {  	v28 =	vor.u32 v57, v31  }
0x10f: {  	[tilespmem:v32+s12+$0x0] =	vst.idx.msk $0xffff, v23  }
0x110: {  	v23 =	vld.idx.msk [tilespmem:v58+s11+$0x0], $0xffff  }
0x111: {  	v29 =	vld.idx.msk [tilespmem:v29+s11+$0x0], $0xffff;
	_ =	sdelay $0x1  }
0x112: {  	v28 =	vld.idx.msk [tilespmem:v28+s11+$0x0], $0xffff;
	_ =	sdelay $0x2  }
0x113: {  	v23 =	vmul.f32 v23, v20;
	v29 =	vmul.f32 v29, v21  }
0x114: {  	v59 =	vor.u32 $0x5, v25;
	v30 =	vor.u32 v57, v24  }
0x115: {  	v60 =	vor.u32 v59, v26;
	v23 =	vadd.f32 v29, v23;
	v28 =	vmul.f32 v28, v22  }
0x116: {  	v29 =	vor.u32 v59, v27  }
0x117: {  	v23 =	vadd.f32 v28, v23  }
0x118: {  	v28 =	vor.u32 v59, v31  }
0x119: {  	[tilespmem:v30+s12+$0x0] =	vst.idx.msk $0xffff, v23  }
0x11a: {  	v23 =	vld.idx.msk [tilespmem:v60+s11+$0x0], $0xffff  }
0x11b: {  	v29 =	vld.idx.msk [tilespmem:v29+s11+$0x0], $0xffff;
	_ =	sdelay $0x1  }
0x11c: {  	v28 =	vld.idx.msk [tilespmem:v28+s11+$0x0], $0xffff;
	_ =	sdelay $0x2  }
0x11d: {  	v23 =	vmul.f32 v23, v20;
	v29 =	vmul.f32 v29, v21  }
0x11e: {  	v61 =	vor.u32 $0x6, v25;
	v32 =	vor.u32 v59, v24  }
0x11f: {  	v62 =	vor.u32 v61, v26;
	v23 =	vadd.f32 v29, v23;
	v28 =	vmul.f32 v28, v22  }
0x120: {  	v29 =	vor.u32 v61, v27  }
0x121: {  	v23 =	vadd.f32 v28, v23  }
0x122: {  	v28 =	vor.u32 v61, v31  }
0x123: {  	[tilespmem:v32+s12+$0x0] =	vst.idx.msk $0xffff, v23  }
0x124: {  	v23 =	vld.idx.msk [tilespmem:v62+s11+$0x0], $0xffff  }
0x125: {  	v29 =	vld.idx.msk [tilespmem:v29+s11+$0x0], $0xffff;
	_ =	sdelay $0x1  }
0x126: {  	v28 =	vld.idx.msk [tilespmem:v28+s11+$0x0], $0xffff;
	_ =	sdelay $0x2  }
0x127: {  	v23 =	vmul.f32 v23, v20;
	v29 =	vmul.f32 v29, v21  }
0x128: {  	v63 =	vor.u32 $0x7, v25;
	v25 =	vor.u32 v61, v24  }
0x129: {  	v23 =	vadd.f32 v29, v23;
	v28 =	vmul.f32 v28, v22;
	_ =	sdelay $0x1  }
0x12a: {  	v26 =	vor.u32 v63, v26;
	v23 =	vadd.f32 v28, v23  }
0x12b: {  	v27 =	vor.u32 v63, v27  }
0x12c: {  	[tilespmem:v25+s12+$0x0] =	vst.idx.msk $0xffff, v23;
	v25 =	vor.u32 v63, v31;
	_ =	sdelay $0x2  }
0x12d: {  	v26 =	vld.idx.msk [tilespmem:v26+s11+$0x0], $0xffff  }
0x12e: {  	s18 =	simm.s32 $0x8;
	v24 =	vor.u32 v63, v24;
	v23 =	vmov s19;
	s19 =	simm.s32 $0x10;
	v27 =	vld.idx.msk [tilespmem:v27+s11+$0x0], $0xffff  }
.LBB2_5:
0x12f: {  	p0 =	sne.s32 s19, $0xF8;
	v28 =	vmov s18;
	v25 =	vld.idx.msk [tilespmem:v25+s11+$0x0], $0xffff;
	s18 =	smov.u32 s19;
	s19 =	sadd.s32 $0x8, s19  }
0x130: {  	v29 =	vshll.u32 v28, $0x3  }
0x131: {  	v28 =	vand.u32 $0x78, v28;
	v29 =	vand.u32 $0x400, v29  }
0x132: {  	v33 =	vor.u32 v9, v29;
	v34 =	vor.u32 v10, v29;
	v35 =	vor.u32 v11, v29  }
0x133: {  	v26 =	vmul.f32 v26, v20;
	v30 =	vor.u32 v28, v33;
	v31 =	vor.u32 v28, v34  }
0x134: {  	v36 =	vor.u32 v12, v29;
	v32 =	vor.u32 v28, v35;
	v27 =	vmul.f32 v27, v21  }
0x135: {  	v29 =	vor.u32 $0x1, v28;
	v37 =	vor.u32 v28, v36;
	v25 =	vmul.f32 v25, v22  }
0x136: {  	v38 =	vor.u32 v29, v33;
	v39 =	vor.u32 v29, v34;
	v26 =	vadd.f32 v27, v26  }
0x137: {  	v40 =	vor.u32 v29, v35;
	v41 =	vor.u32 v29, v36;
	v27 =	vor.u32 $0x2, v28  }
0x138: {  	v42 =	vor.u32 v27, v33;
	v43 =	vor.u32 v27, v34;
	v25 =	vadd.f32 v25, v26  }
0x139: {  	v44 =	vor.u32 v27, v35;
	v45 =	vor.u32 v27, v36;
	v26 =	vor.u32 $0x3, v28  }
0x13a: {  	v27 =	vor.u32 $0x4, v28;
	v46 =	vor.u32 v26, v33;
	v47 =	vor.u32 v26, v34;
	[tilespmem:v24+s12+$0x0] =	vst.idx.msk $0xffff, v25  }
0x13b: {  	v50 =	vor.u32 v27, v33;
	v48 =	vor.u32 v26, v35;
	v49 =	vor.u32 v26, v36;
	v24 =	vld.idx.msk [tilespmem:v30+s11+$0x0], $0xffff  }
0x13c: {  	v52 =	vor.u32 v27, v34;
	v53 =	vor.u32 v27, v35;
	v54 =	vor.u32 v27, v36;
	v51 =	vld.idx.msk [tilespmem:v31+s11+$0x0], $0xffff  }
0x13d: {  	v55 =	vor.u32 $0x7, v28;
	v26 =	vor.u32 $0x6, v28;
	v25 =	vor.u32 $0x5, v28  }
0x13e: {  	v57 =	vor.u32 v25, v33;
	v58 =	vor.u32 v25, v34;
	v59 =	vor.u32 v25, v35;
	v56 =	vld.idx.msk [tilespmem:v32+s11+$0x0], $0xffff  }
0x13f: {  	v29 =	vor.u32 v26, v34;
	v31 =	vor.u32 v26, v33;
	v32 =	vor.u32 v25, v36  }
0x140: {  	v27 =	vor.u32 v26, v36;
	v30 =	vor.u32 v26, v35;
	v26 =	vor.u32 v55, v33  }
0x141: {  	v28 =	vor.u32 v55, v34;
	v25 =	vor.u32 v55, v35;
	v33 =	vmul.f32 v24, v20  }
0x142: {  	v24 =	vor.u32 v55, v36;
	v34 =	vmul.f32 v51, v21;
	_ =	sdelay $0x1  }
0x143: {  	v33 =	vadd.f32 v34, v33;
	v34 =	vmul.f32 v56, v22;
	_ =	sdelay $0x1  }
0x144: {  	v33 =	vadd.f32 v34, v33;
	_ =	sdelay $0x1  }
0x145: {  	[tilespmem:v37+s12+$0x0] =	vst.idx.msk $0xffff, v33  }
0x146: {  	v33 =	vld.idx.msk [tilespmem:v38+s11+$0x0], $0xffff  }
0x147: {  	v34 =	vld.idx.msk [tilespmem:v39+s11+$0x0], $0xffff;
	_ =	sdelay $0x1  }
0x148: {  	v35 =	vld.idx.msk [tilespmem:v40+s11+$0x0], $0xffff;
	_ =	sdelay $0x3  }
0x149: {  	v33 =	vmul.f32 v33, v20;
	v34 =	vmul.f32 v34, v21;
	_ =	sdelay $0x1  }
0x14a: {  	v33 =	vadd.f32 v34, v33;
	v34 =	vmul.f32 v35, v22;
	_ =	sdelay $0x1  }
0x14b: {  	v33 =	vadd.f32 v34, v33;
	_ =	sdelay $0x1  }
0x14c: {  	[tilespmem:v41+s12+$0x0] =	vst.idx.msk $0xffff, v33  }
0x14d: {  	v33 =	vld.idx.msk [tilespmem:v42+s11+$0x0], $0xffff  }
0x14e: {  	v34 =	vld.idx.msk [tilespmem:v43+s11+$0x0], $0xffff;
	_ =	sdelay $0x1  }
0x14f: {  	v35 =	vld.idx.msk [tilespmem:v44+s11+$0x0], $0xffff;
	_ =	sdelay $0x2  }
0x150: {  	v33 =	vmul.f32 v33, v20  }
0x151: {  	v34 =	vmul.f32 v34, v21;
	_ =	sdelay $0x1  }
0x152: {  	v33 =	vadd.f32 v34, v33;
	v34 =	vmul.f32 v35, v22;
	_ =	sdelay $0x1  }
0x153: {  	v33 =	vadd.f32 v34, v33;
	_ =	sdelay $0x1  }
0x154: {  	[tilespmem:v45+s12+$0x0] =	vst.idx.msk $0xffff, v33  }
0x155: {  	v33 =	vld.idx.msk [tilespmem:v46+s11+$0x0], $0xffff  }
0x156: {  	v34 =	vld.idx.msk [tilespmem:v47+s11+$0x0], $0xffff  }
0x157: {  	v35 =	vld.idx.msk [tilespmem:v48+s11+$0x0], $0xffff;
	_ =	sdelay $0x3  }
0x158: {  	v33 =	vmul.f32 v33, v20  }
0x159: {  	v34 =	vmul.f32 v34, v21;
	_ =	sdelay $0x1  }
0x15a: {  	v33 =	vadd.f32 v34, v33;
	v34 =	vmul.f32 v35, v22;
	_ =	sdelay $0x1  }
0x15b: {  	v33 =	vadd.f32 v34, v33;
	_ =	sdelay $0x1  }
0x15c: {  	[tilespmem:v49+s12+$0x0] =	vst.idx.msk $0xffff, v33  }
0x15d: {  	v33 =	vld.idx.msk [tilespmem:v50+s11+$0x0], $0xffff  }
0x15e: {  	v34 =	vld.idx.msk [tilespmem:v52+s11+$0x0], $0xffff;
	_ =	sdelay $0x1  }
0x15f: {  	v35 =	vld.idx.msk [tilespmem:v53+s11+$0x0], $0xffff;
	_ =	sdelay $0x2  }
0x160: {  	v33 =	vmul.f32 v33, v20  }
0x161: {  	v34 =	vmul.f32 v34, v21;
	_ =	sdelay $0x1  }
0x162: {  	v33 =	vadd.f32 v34, v33;
	v34 =	vmul.f32 v35, v22;
	_ =	sdelay $0x1  }
0x163: {  	v33 =	vadd.f32 v34, v33;
	_ =	sdelay $0x1  }
0x164: {  	[tilespmem:v54+s12+$0x0] =	vst.idx.msk $0xffff, v33  }
0x165: {  	v33 =	vld.idx.msk [tilespmem:v57+s11+$0x0], $0xffff  }
0x166: {  	v34 =	vld.idx.msk [tilespmem:v58+s11+$0x0], $0xffff  }
0x167: {  	v35 =	vld.idx.msk [tilespmem:v59+s11+$0x0], $0xffff;
	_ =	sdelay $0x4  }
0x168: {  	v33 =	vmul.f32 v33, v20;
	v34 =	vmul.f32 v34, v21;
	_ =	sdelay $0x1  }
0x169: {  	v33 =	vadd.f32 v34, v33;
	v34 =	vmul.f32 v35, v22;
	_ =	sdelay $0x1  }
0x16a: {  	v33 =	vadd.f32 v34, v33;
	_ =	sdelay $0x1  }
0x16b: {  	[tilespmem:v32+s12+$0x0] =	vst.idx.msk $0xffff, v33  }
0x16c: {  	v31 =	vld.idx.msk [tilespmem:v31+s11+$0x0], $0xffff  }
0x16d: {  	v29 =	vld.idx.msk [tilespmem:v29+s11+$0x0], $0xffff  }
0x16e: {  	v30 =	vld.idx.msk [tilespmem:v30+s11+$0x0], $0xffff;
	_ =	sdelay $0x3  }
0x16f: {  	v31 =	vmul.f32 v31, v20  }
0x170: {  	v29 =	vmul.f32 v29, v21;
	_ =	sdelay $0x1  }
0x171: {  	v30 =	vmul.f32 v30, v22;
	v29 =	vadd.f32 v29, v31;
	_ =	sdelay $0x1  }
.Ltmp1:
0x172: {  	v29 =	vadd.f32 v30, v29;
	(pc) =	sbr.rel @p0 .LBB2_5-.Ltmp1, $4  }
0x173: {  	_ = 	snop  }
0x174: {  	[tilespmem:v27+s12+$0x0] =	vst.idx.msk $0xffff, v29  }
0x175: {  	v26 =	vld.idx.msk [tilespmem:v26+s11+$0x0], $0xffff  }
0x176: {  	v27 =	vld.idx.msk [tilespmem:v28+s11+$0x0], $0xffff  }
0x177: {  	_ =	sdelay $0x3  }
0x178: {  	v25 =	vld.idx.msk [tilespmem:v25+s11+$0x0], $0xffff  }
0x179: {  	v28 =	vmov s18  }
0x17a: {  	v29 =	vshll.u32 v28, $0x3  }
0x17b: {  	v29 =	vand.u32 $0x400, v29;
	v26 =	vmul.f32 v26, v20;
	v27 =	vmul.f32 v27, v21  }
0x17c: {  	v28 =	vand.u32 $0x78, v28;
	v30 =	vor.u32 v9, v29;
	v31 =	vor.u32 v10, v29  }
0x17d: {  	v32 =	vor.u32 v28, v30;
	v25 =	vmul.f32 v25, v22;
	v26 =	vadd.f32 v27, v26  }
0x17e: {  	v27 =	vor.u32 v28, v31  }
0x17f: {  	v33 =	vor.u32 v11, v29;
	v25 =	vadd.f32 v25, v26  }
0x180: {  	v26 =	vor.u32 v28, v33  }
0x181: {  	[tilespmem:v24+s12+$0x0] =	vst.idx.msk $0xffff, v25  }
0x182: {  	v24 =	vld.idx.msk [tilespmem:v32+s11+$0x0], $0xffff  }
0x183: {  	v25 =	vld.idx.msk [tilespmem:v27+s11+$0x0], $0xffff;
	_ =	sdelay $0x1  }
0x184: {  	v26 =	vld.idx.msk [tilespmem:v26+s11+$0x0], $0xffff;
	_ =	sdelay $0x2  }
0x185: {  	v27 =	vor.u32 v12, v29;
	v24 =	vmul.f32 v24, v20;
	v25 =	vmul.f32 v25, v21  }
0x186: {  	v58 =	vor.u32 $0x1, v28;
	v29 =	vor.u32 v28, v27  }
0x187: {  	v34 =	vor.u32 v58, v30;
	v24 =	vadd.f32 v25, v24;
	v25 =	vmul.f32 v26, v22  }
0x188: {  	v26 =	vor.u32 v58, v31  }
0x189: {  	v24 =	vadd.f32 v25, v24  }
0x18a: {  	v25 =	vor.u32 v58, v33  }
0x18b: {  	[tilespmem:v29+s12+$0x0] =	vst.idx.msk $0xffff, v24  }
0x18c: {  	v24 =	vld.idx.msk [tilespmem:v34+s11+$0x0], $0xffff  }
0x18d: {  	v26 =	vld.idx.msk [tilespmem:v26+s11+$0x0], $0xffff;
	_ =	sdelay $0x1  }
0x18e: {  	v25 =	vld.idx.msk [tilespmem:v25+s11+$0x0], $0xffff;
	_ =	sdelay $0x2  }
0x18f: {  	v24 =	vmul.f32 v24, v20;
	v26 =	vmul.f32 v26, v21  }
0x190: {  	v60 =	vor.u32 $0x2, v28;
	v59 =	vor.u32 v58, v27  }
0x191: {  	v61 =	vor.u32 v60, v30;
	v24 =	vadd.f32 v26, v24;
	v25 =	vmul.f32 v25, v22  }
0x192: {  	v26 =	vor.u32 v60, v31  }
0x193: {  	v24 =	vadd.f32 v25, v24  }
0x194: {  	v25 =	vor.u32 v60, v33  }
0x195: {  	[tilespmem:v59+s12+$0x0] =	vst.idx.msk $0xffff, v24  }
0x196: {  	v24 =	vld.idx.msk [tilespmem:v61+s11+$0x0], $0xffff  }
0x197: {  	v26 =	vld.idx.msk [tilespmem:v26+s11+$0x0], $0xffff;
	_ =	sdelay $0x1  }
0x198: {  	v25 =	vld.idx.msk [tilespmem:v25+s11+$0x0], $0xffff;
	_ =	sdelay $0x2  }
0x199: {  	v24 =	vmul.f32 v24, v20;
	v26 =	vmul.f32 v26, v21  }
0x19a: {  	v63 =	vor.u32 $0x3, v28;
	v62 =	vor.u32 v60, v27  }
0x19b: {  	v36 =	vor.u32 v63, v30;
	v24 =	vadd.f32 v26, v24;
	v25 =	vmul.f32 v25, v22  }
0x19c: {  	v26 =	vor.u32 v63, v31  }
0x19d: {  	v24 =	vadd.f32 v25, v24  }
0x19e: {  	v25 =	vor.u32 v63, v33  }
0x19f: {  	[tilespmem:v62+s12+$0x0] =	vst.idx.msk $0xffff, v24  }
0x1a0: {  	v24 =	vld.idx.msk [tilespmem:v36+s11+$0x0], $0xffff  }
0x1a1: {  	v26 =	vld.idx.msk [tilespmem:v26+s11+$0x0], $0xffff;
	_ =	sdelay $0x1  }
0x1a2: {  	v25 =	vld.idx.msk [tilespmem:v25+s11+$0x0], $0xffff;
	_ =	sdelay $0x2  }
0x1a3: {  	v24 =	vmul.f32 v24, v20;
	v26 =	vmul.f32 v26, v21  }
0x1a4: {  	v37 =	vor.u32 $0x4, v28;
	v32 =	vor.u32 v63, v27  }
0x1a5: {  	v38 =	vor.u32 v37, v30;
	v24 =	vadd.f32 v26, v24;
	v25 =	vmul.f32 v25, v22  }
0x1a6: {  	v26 =	vor.u32 v37, v31  }
0x1a7: {  	v24 =	vadd.f32 v25, v24  }
0x1a8: {  	v25 =	vor.u32 v37, v33  }
0x1a9: {  	[tilespmem:v32+s12+$0x0] =	vst.idx.msk $0xffff, v24  }
0x1aa: {  	v24 =	vld.idx.msk [tilespmem:v38+s11+$0x0], $0xffff  }
0x1ab: {  	v26 =	vld.idx.msk [tilespmem:v26+s11+$0x0], $0xffff;
	_ =	sdelay $0x1  }
0x1ac: {  	v25 =	vld.idx.msk [tilespmem:v25+s11+$0x0], $0xffff;
	_ =	sdelay $0x2  }
0x1ad: {  	v24 =	vmul.f32 v24, v20;
	v26 =	vmul.f32 v26, v21  }
0x1ae: {  	v39 =	vor.u32 $0x5, v28;
	v29 =	vor.u32 v37, v27  }
0x1af: {  	v40 =	vor.u32 v39, v30;
	v24 =	vadd.f32 v26, v24;
	v25 =	vmul.f32 v25, v22  }
0x1b0: {  	v26 =	vor.u32 v39, v31  }
0x1b1: {  	v24 =	vadd.f32 v25, v24  }
0x1b2: {  	v25 =	vor.u32 v39, v33  }
0x1b3: {  	[tilespmem:v29+s12+$0x0] =	vst.idx.msk $0xffff, v24  }
0x1b4: {  	v24 =	vld.idx.msk [tilespmem:v40+s11+$0x0], $0xffff  }
0x1b5: {  	v26 =	vld.idx.msk [tilespmem:v26+s11+$0x0], $0xffff;
	_ =	sdelay $0x1  }
0x1b6: {  	v25 =	vld.idx.msk [tilespmem:v25+s11+$0x0], $0xffff;
	_ =	sdelay $0x2  }
0x1b7: {  	v24 =	vmul.f32 v24, v20;
	v26 =	vmul.f32 v26, v21  }
0x1b8: {  	v41 =	vor.u32 $0x6, v28;
	v32 =	vor.u32 v39, v27  }
0x1b9: {  	v42 =	vor.u32 v41, v30;
	v24 =	vadd.f32 v26, v24;
	v25 =	vmul.f32 v25, v22  }
0x1ba: {  	v26 =	vor.u32 v41, v31  }
0x1bb: {  	v24 =	vadd.f32 v25, v24  }
0x1bc: {  	v25 =	vor.u32 v41, v33  }
0x1bd: {  	[tilespmem:v32+s12+$0x0] =	vst.idx.msk $0xffff, v24  }
0x1be: {  	v24 =	vld.idx.msk [tilespmem:v42+s11+$0x0], $0xffff  }
0x1bf: {  	v26 =	vld.idx.msk [tilespmem:v26+s11+$0x0], $0xffff;
	_ =	sdelay $0x1  }
0x1c0: {  	v25 =	vld.idx.msk [tilespmem:v25+s11+$0x0], $0xffff;
	_ =	sdelay $0x2  }
0x1c1: {  	v24 =	vmul.f32 v24, v20;
	v26 =	vmul.f32 v26, v21  }
0x1c2: {  	v28 =	vor.u32 $0x7, v28;
	v29 =	vor.u32 v41, v27  }
0x1c3: {  	v30 =	vor.u32 v28, v30;
	v24 =	vadd.f32 v26, v24;
	v25 =	vmul.f32 v25, v22  }
0x1c4: {  	v26 =	vor.u32 v28, v31  }
0x1c5: {  	v43 =	vor.u32 v28, v33;
	v24 =	vadd.f32 v25, v24;
	_ =	sdelay $0x1  }
0x1c6: {  	[tilespmem:v29+s12+$0x0] =	vst.idx.msk $0xffff, v24  }
0x1c7: {  	v24 =	vld.idx.msk [tilespmem:v30+s11+$0x0], $0xffff  }
0x1c8: {  	v25 =	vld.idx.msk [tilespmem:v26+s11+$0x0], $0xffff  }
0x1c9: {  	v26 =	vld.idx.msk [tilespmem:v43+s11+$0x0], $0xffff;
	_ =	sdelay $0x2  }
0x1ca: {  	s19 =	simm.s32 $0x0  }
0x1cb: {  	v20 =	vmul.f32 v24, v20;
	v21 =	vmul.f32 v25, v21;
	v24 =	vmov s19  }
0x1cc: {  	v25 =	vor.u32 v28, v27;
	v22 =	vmul.f32 v26, v22;
	v26 =	vshll.u32 v24, $0x3  }
0x1cd: {  	v20 =	vadd.f32 v21, v20;
	v21 =	vor.u32 v13, v23;
	v26 =	vand.u32 $0x400, v26  }
0x1ce: {  	v27 =	vor.u32 v14, v23;
	v24 =	vand.u32 $0x78, v24;
	v44 =	vor.u32 v16, v26  }
0x1cf: {  	v45 =	vor.u32 v17, v26;
	v20 =	vadd.f32 v22, v20;
	v22 =	vor.u32 v24, v44  }
0x1d0: {  	v46 =	vor.u32 v24, v45  }
0x1d1: {  	v23 =	vor.u32 v15, v23;
	v47 =	vor.u32 v18, v26;
	[tilespmem:v25+s12+$0x0] =	vst.idx.msk $0xffff, v20  }
0x1d2: {  	v25 =	vor.u32 v24, v47;
	v20 =	vld.idx.msk [tilespmem:v21+s9+$0x0], $0xffff  }
0x1d3: {  	v21 =	vld.idx.msk [tilespmem:v27+s9+$0x0], $0xffff  }
0x1d4: {  	v27 =	vld.idx.msk [tilespmem:v22+s11+$0x0], $0xffff  }
0x1d5: {  	v30 =	vld.idx.msk [tilespmem:v46+s11+$0x0], $0xffff  }
0x1d6: {  	v22 =	vld.idx.msk [tilespmem:v23+s9+$0x0], $0xffff  }
0x1d7: {  	v23 =	vld.idx.msk [tilespmem:v25+s11+$0x0], $0xffff;
	_ =	sdelay $0x2  }
0x1d8: {  	v26 =	vor.u32 v19, v26;
	v25 =	vmul.f32 v27, v20;
	v27 =	vmul.f32 v30, v21  }
0x1d9: {  	v49 =	vor.u32 $0x1, v24;
	v48 =	vor.u32 v24, v26  }
0x1da: {  	v50 =	vor.u32 v49, v44;
	v25 =	vadd.f32 v27, v25;
	v23 =	vmul.f32 v23, v22  }
0x1db: {  	v27 =	vor.u32 v49, v45  }
0x1dc: {  	v23 =	vadd.f32 v23, v25  }
0x1dd: {  	v25 =	vor.u32 v49, v47  }
0x1de: {  	[tilespmem:v48+s12+$0x0] =	vst.idx.msk $0xffff, v23  }
0x1df: {  	v23 =	vld.idx.msk [tilespmem:v50+s11+$0x0], $0xffff  }
0x1e0: {  	v27 =	vld.idx.msk [tilespmem:v27+s11+$0x0], $0xffff;
	_ =	sdelay $0x1  }
0x1e1: {  	v25 =	vld.idx.msk [tilespmem:v25+s11+$0x0], $0xffff;
	_ =	sdelay $0x2  }
0x1e2: {  	v23 =	vmul.f32 v23, v20;
	v27 =	vmul.f32 v27, v21  }
0x1e3: {  	v52 =	vor.u32 $0x2, v24;
	v51 =	vor.u32 v49, v26  }
0x1e4: {  	v53 =	vor.u32 v52, v44;
	v23 =	vadd.f32 v27, v23;
	v25 =	vmul.f32 v25, v22  }
0x1e5: {  	v27 =	vor.u32 v52, v45  }
0x1e6: {  	v23 =	vadd.f32 v25, v23  }
0x1e7: {  	v25 =	vor.u32 v52, v47  }
0x1e8: {  	[tilespmem:v51+s12+$0x0] =	vst.idx.msk $0xffff, v23  }
0x1e9: {  	v23 =	vld.idx.msk [tilespmem:v53+s11+$0x0], $0xffff  }
0x1ea: {  	v27 =	vld.idx.msk [tilespmem:v27+s11+$0x0], $0xffff;
	_ =	sdelay $0x1  }
0x1eb: {  	v25 =	vld.idx.msk [tilespmem:v25+s11+$0x0], $0xffff;
	_ =	sdelay $0x2  }
0x1ec: {  	v23 =	vmul.f32 v23, v20;
	v27 =	vmul.f32 v27, v21  }
0x1ed: {  	v55 =	vor.u32 $0x3, v24;
	v54 =	vor.u32 v52, v26  }
0x1ee: {  	v56 =	vor.u32 v55, v44;
	v23 =	vadd.f32 v27, v23;
	v25 =	vmul.f32 v25, v22  }
0x1ef: {  	v27 =	vor.u32 v55, v45  }
0x1f0: {  	v23 =	vadd.f32 v25, v23  }
0x1f1: {  	v25 =	vor.u32 v55, v47  }
0x1f2: {  	[tilespmem:v54+s12+$0x0] =	vst.idx.msk $0xffff, v23  }
0x1f3: {  	v23 =	vld.idx.msk [tilespmem:v56+s11+$0x0], $0xffff  }
0x1f4: {  	v27 =	vld.idx.msk [tilespmem:v27+s11+$0x0], $0xffff;
	_ =	sdelay $0x1  }
0x1f5: {  	v25 =	vld.idx.msk [tilespmem:v25+s11+$0x0], $0xffff;
	_ =	sdelay $0x2  }
0x1f6: {  	v23 =	vmul.f32 v23, v20;
	v27 =	vmul.f32 v27, v21  }
0x1f7: {  	v57 =	vor.u32 $0x4, v24;
	v32 =	vor.u32 v55, v26  }
0x1f8: {  	v58 =	vor.u32 v57, v44;
	v23 =	vadd.f32 v27, v23;
	v25 =	vmul.f32 v25, v22  }
0x1f9: {  	v27 =	vor.u32 v57, v45  }
0x1fa: {  	v23 =	vadd.f32 v25, v23  }
0x1fb: {  	v25 =	vor.u32 v57, v47  }
0x1fc: {  	[tilespmem:v32+s12+$0x0] =	vst.idx.msk $0xffff, v23  }
0x1fd: {  	v23 =	vld.idx.msk [tilespmem:v58+s11+$0x0], $0xffff  }
0x1fe: {  	v27 =	vld.idx.msk [tilespmem:v27+s11+$0x0], $0xffff;
	_ =	sdelay $0x1  }
0x1ff: {  	v25 =	vld.idx.msk [tilespmem:v25+s11+$0x0], $0xffff;
	_ =	sdelay $0x2  }
0x200: {  	v23 =	vmul.f32 v23, v20;
	v27 =	vmul.f32 v27, v21  }
0x201: {  	v59 =	vor.u32 $0x5, v24;
	v30 =	vor.u32 v57, v26  }
0x202: {  	v60 =	vor.u32 v59, v44;
	v23 =	vadd.f32 v27, v23;
	v25 =	vmul.f32 v25, v22  }
0x203: {  	v27 =	vor.u32 v59, v45  }
0x204: {  	v23 =	vadd.f32 v25, v23  }
0x205: {  	v25 =	vor.u32 v59, v47  }
0x206: {  	[tilespmem:v30+s12+$0x0] =	vst.idx.msk $0xffff, v23  }
0x207: {  	v23 =	vld.idx.msk [tilespmem:v60+s11+$0x0], $0xffff  }
0x208: {  	v27 =	vld.idx.msk [tilespmem:v27+s11+$0x0], $0xffff;
	_ =	sdelay $0x1  }
0x209: {  	v25 =	vld.idx.msk [tilespmem:v25+s11+$0x0], $0xffff;
	_ =	sdelay $0x2  }
0x20a: {  	v23 =	vmul.f32 v23, v20;
	v27 =	vmul.f32 v27, v21  }
0x20b: {  	v61 =	vor.u32 $0x6, v24;
	v32 =	vor.u32 v59, v26  }
0x20c: {  	v62 =	vor.u32 v61, v44;
	v23 =	vadd.f32 v27, v23;
	v25 =	vmul.f32 v25, v22  }
0x20d: {  	v27 =	vor.u32 v61, v45  }
0x20e: {  	v23 =	vadd.f32 v25, v23  }
0x20f: {  	v25 =	vor.u32 v61, v47  }
0x210: {  	[tilespmem:v32+s12+$0x0] =	vst.idx.msk $0xffff, v23  }
0x211: {  	v23 =	vld.idx.msk [tilespmem:v62+s11+$0x0], $0xffff  }
0x212: {  	v27 =	vld.idx.msk [tilespmem:v27+s11+$0x0], $0xffff;
	_ =	sdelay $0x1  }
0x213: {  	v25 =	vld.idx.msk [tilespmem:v25+s11+$0x0], $0xffff;
	_ =	sdelay $0x2  }
0x214: {  	v23 =	vmul.f32 v23, v20;
	v27 =	vmul.f32 v27, v21  }
0x215: {  	v63 =	vor.u32 $0x7, v24;
	v24 =	vor.u32 v61, v26  }
0x216: {  	v23 =	vadd.f32 v27, v23;
	v25 =	vmul.f32 v25, v22;
	_ =	sdelay $0x1  }
0x217: {  	v28 =	vor.u32 v63, v44;
	v23 =	vadd.f32 v25, v23  }
0x218: {  	v27 =	vor.u32 v63, v45  }
0x219: {  	[tilespmem:v24+s12+$0x0] =	vst.idx.msk $0xffff, v23;
	v24 =	vor.u32 v63, v47;
	_ =	sdelay $0x2  }
0x21a: {  	v25 =	vld.idx.msk [tilespmem:v28+s11+$0x0], $0xffff  }
0x21b: {  	s18 =	simm.s32 $0x8;
	s19 =	simm.s32 $0x10;
	v23 =	vor.u32 v63, v26;
	v26 =	vld.idx.msk [tilespmem:v27+s11+$0x0], $0xffff  }
.LBB2_7:
0x21c: {  	p0 =	sne.s32 s19, $0xF8;
	v27 =	vmov s18;
	v24 =	vld.idx.msk [tilespmem:v24+s11+$0x0], $0xffff;
	s18 =	smov.u32 s19;
	s19 =	sadd.s32 $0x8, s19  }
0x21d: {  	v28 =	vshll.u32 v27, $0x3  }
0x21e: {  	v27 =	vand.u32 $0x78, v27;
	v28 =	vand.u32 $0x400, v28  }
0x21f: {  	v32 =	vor.u32 v16, v28;
	v33 =	vor.u32 v17, v28;
	v34 =	vor.u32 v18, v28  }
0x220: {  	v25 =	vmul.f32 v25, v20;
	v29 =	vor.u32 v27, v32;
	v30 =	vor.u32 v27, v33  }
0x221: {  	v35 =	vor.u32 v19, v28;
	v31 =	vor.u32 v27, v34;
	v26 =	vmul.f32 v26, v21  }
0x222: {  	v28 =	vor.u32 $0x1, v27;
	v36 =	vor.u32 v27, v35;
	v24 =	vmul.f32 v24, v22  }
0x223: {  	v37 =	vor.u32 v28, v32;
	v38 =	vor.u32 v28, v33;
	v25 =	vadd.f32 v26, v25  }
0x224: {  	v39 =	vor.u32 v28, v34;
	v40 =	vor.u32 v28, v35;
	v26 =	vor.u32 $0x2, v27  }
0x225: {  	v41 =	vor.u32 v26, v32;
	v42 =	vor.u32 v26, v33;
	v24 =	vadd.f32 v24, v25  }
0x226: {  	v43 =	vor.u32 v26, v34;
	v44 =	vor.u32 v26, v35;
	v25 =	vor.u32 $0x3, v27  }
0x227: {  	v26 =	vor.u32 $0x4, v27;
	v45 =	vor.u32 v25, v32;
	v46 =	vor.u32 v25, v33;
	[tilespmem:v23+s12+$0x0] =	vst.idx.msk $0xffff, v24  }
0x228: {  	v49 =	vor.u32 v26, v32;
	v47 =	vor.u32 v25, v34;
	v48 =	vor.u32 v25, v35;
	v23 =	vld.idx.msk [tilespmem:v29+s11+$0x0], $0xffff  }
0x229: {  	v51 =	vor.u32 v26, v33;
	v52 =	vor.u32 v26, v34;
	v53 =	vor.u32 v26, v35;
	v50 =	vld.idx.msk [tilespmem:v30+s11+$0x0], $0xffff  }
0x22a: {  	v54 =	vor.u32 $0x7, v27;
	v25 =	vor.u32 $0x6, v27;
	v24 =	vor.u32 $0x5, v27  }
0x22b: {  	v56 =	vor.u32 v24, v32;
	v57 =	vor.u32 v24, v33;
	v58 =	vor.u32 v24, v34;
	v55 =	vld.idx.msk [tilespmem:v31+s11+$0x0], $0xffff  }
0x22c: {  	v28 =	vor.u32 v25, v33;
	v30 =	vor.u32 v25, v32;
	v31 =	vor.u32 v24, v35  }
0x22d: {  	v26 =	vor.u32 v25, v35;
	v29 =	vor.u32 v25, v34;
	v25 =	vor.u32 v54, v32  }
0x22e: {  	v27 =	vor.u32 v54, v33;
	v24 =	vor.u32 v54, v34;
	v32 =	vmul.f32 v23, v20  }
0x22f: {  	v23 =	vor.u32 v54, v35;
	v33 =	vmul.f32 v50, v21;
	_ =	sdelay $0x1  }
0x230: {  	v32 =	vadd.f32 v33, v32;
	v33 =	vmul.f32 v55, v22;
	_ =	sdelay $0x1  }
0x231: {  	v32 =	vadd.f32 v33, v32;
	_ =	sdelay $0x1  }
0x232: {  	[tilespmem:v36+s12+$0x0] =	vst.idx.msk $0xffff, v32  }
0x233: {  	v32 =	vld.idx.msk [tilespmem:v37+s11+$0x0], $0xffff  }
0x234: {  	v33 =	vld.idx.msk [tilespmem:v38+s11+$0x0], $0xffff;
	_ =	sdelay $0x1  }
0x235: {  	v34 =	vld.idx.msk [tilespmem:v39+s11+$0x0], $0xffff;
	_ =	sdelay $0x3  }
0x236: {  	v32 =	vmul.f32 v32, v20;
	v33 =	vmul.f32 v33, v21;
	_ =	sdelay $0x1  }
0x237: {  	v32 =	vadd.f32 v33, v32;
	v33 =	vmul.f32 v34, v22;
	_ =	sdelay $0x1  }
0x238: {  	v32 =	vadd.f32 v33, v32;
	_ =	sdelay $0x1  }
0x239: {  	[tilespmem:v40+s12+$0x0] =	vst.idx.msk $0xffff, v32  }
0x23a: {  	v32 =	vld.idx.msk [tilespmem:v41+s11+$0x0], $0xffff  }
0x23b: {  	v33 =	vld.idx.msk [tilespmem:v42+s11+$0x0], $0xffff;
	_ =	sdelay $0x1  }
0x23c: {  	v34 =	vld.idx.msk [tilespmem:v43+s11+$0x0], $0xffff;
	_ =	sdelay $0x2  }
0x23d: {  	v32 =	vmul.f32 v32, v20  }
0x23e: {  	v33 =	vmul.f32 v33, v21;
	_ =	sdelay $0x1  }
0x23f: {  	v32 =	vadd.f32 v33, v32;
	v33 =	vmul.f32 v34, v22;
	_ =	sdelay $0x1  }
0x240: {  	v32 =	vadd.f32 v33, v32;
	_ =	sdelay $0x1  }
0x241: {  	[tilespmem:v44+s12+$0x0] =	vst.idx.msk $0xffff, v32  }
0x242: {  	v32 =	vld.idx.msk [tilespmem:v45+s11+$0x0], $0xffff  }
0x243: {  	v33 =	vld.idx.msk [tilespmem:v46+s11+$0x0], $0xffff  }
0x244: {  	v34 =	vld.idx.msk [tilespmem:v47+s11+$0x0], $0xffff;
	_ =	sdelay $0x3  }
0x245: {  	v32 =	vmul.f32 v32, v20  }
0x246: {  	v33 =	vmul.f32 v33, v21;
	_ =	sdelay $0x1  }
0x247: {  	v32 =	vadd.f32 v33, v32;
	v33 =	vmul.f32 v34, v22;
	_ =	sdelay $0x1  }
0x248: {  	v32 =	vadd.f32 v33, v32;
	_ =	sdelay $0x1  }
0x249: {  	[tilespmem:v48+s12+$0x0] =	vst.idx.msk $0xffff, v32  }
0x24a: {  	v32 =	vld.idx.msk [tilespmem:v49+s11+$0x0], $0xffff  }
0x24b: {  	v33 =	vld.idx.msk [tilespmem:v51+s11+$0x0], $0xffff;
	_ =	sdelay $0x1  }
0x24c: {  	v34 =	vld.idx.msk [tilespmem:v52+s11+$0x0], $0xffff;
	_ =	sdelay $0x2  }
0x24d: {  	v32 =	vmul.f32 v32, v20  }
0x24e: {  	v33 =	vmul.f32 v33, v21;
	_ =	sdelay $0x1  }
0x24f: {  	v32 =	vadd.f32 v33, v32;
	v33 =	vmul.f32 v34, v22;
	_ =	sdelay $0x1  }
0x250: {  	v32 =	vadd.f32 v33, v32;
	_ =	sdelay $0x1  }
0x251: {  	[tilespmem:v53+s12+$0x0] =	vst.idx.msk $0xffff, v32  }
0x252: {  	v32 =	vld.idx.msk [tilespmem:v56+s11+$0x0], $0xffff  }
0x253: {  	v33 =	vld.idx.msk [tilespmem:v57+s11+$0x0], $0xffff  }
0x254: {  	v34 =	vld.idx.msk [tilespmem:v58+s11+$0x0], $0xffff;
	_ =	sdelay $0x4  }
0x255: {  	v32 =	vmul.f32 v32, v20;
	v33 =	vmul.f32 v33, v21;
	_ =	sdelay $0x1  }
0x256: {  	v32 =	vadd.f32 v33, v32;
	v33 =	vmul.f32 v34, v22;
	_ =	sdelay $0x1  }
0x257: {  	v32 =	vadd.f32 v33, v32;
	_ =	sdelay $0x1  }
0x258: {  	[tilespmem:v31+s12+$0x0] =	vst.idx.msk $0xffff, v32  }
0x259: {  	v30 =	vld.idx.msk [tilespmem:v30+s11+$0x0], $0xffff  }
0x25a: {  	v28 =	vld.idx.msk [tilespmem:v28+s11+$0x0], $0xffff  }
0x25b: {  	v29 =	vld.idx.msk [tilespmem:v29+s11+$0x0], $0xffff;
	_ =	sdelay $0x3  }
0x25c: {  	v30 =	vmul.f32 v30, v20  }
0x25d: {  	v28 =	vmul.f32 v28, v21;
	_ =	sdelay $0x1  }
0x25e: {  	v29 =	vmul.f32 v29, v22;
	v28 =	vadd.f32 v28, v30;
	_ =	sdelay $0x1  }
.Ltmp2:
0x25f: {  	v28 =	vadd.f32 v29, v28;
	(pc) =	sbr.rel @p0 .LBB2_7-.Ltmp2, $4  }
0x260: {  	_ = 	snop  }
0x261: {  	[tilespmem:v26+s12+$0x0] =	vst.idx.msk $0xffff, v28  }
0x262: {  	v25 =	vld.idx.msk [tilespmem:v25+s11+$0x0], $0xffff  }
0x263: {  	v26 =	vld.idx.msk [tilespmem:v27+s11+$0x0], $0xffff  }
0x264: {  	_ =	sdelay $0x3  }
0x265: {  	v24 =	vld.idx.msk [tilespmem:v24+s11+$0x0], $0xffff  }
0x266: {  	v27 =	vmov s18  }
0x267: {  	v28 =	vshll.u32 v27, $0x3  }
0x268: {  	v28 =	vand.u32 $0x400, v28;
	v25 =	vmul.f32 v25, v20;
	v26 =	vmul.f32 v26, v21  }
0x269: {  	v27 =	vand.u32 $0x78, v27;
	v29 =	vor.u32 v16, v28;
	v30 =	vor.u32 v17, v28  }
0x26a: {  	v31 =	vor.u32 v27, v29;
	v24 =	vmul.f32 v24, v22;
	v25 =	vadd.f32 v26, v25  }
0x26b: {  	v60 =	vor.u32 v27, v30  }
0x26c: {  	v32 =	vor.u32 v18, v28;
	v24 =	vadd.f32 v24, v25  }
0x26d: {  	v61 =	vor.u32 v27, v32  }
0x26e: {  	[tilespmem:v23+s12+$0x0] =	vst.idx.msk $0xffff, v24  }
0x26f: {  	v23 =	vld.idx.msk [tilespmem:v31+s11+$0x0], $0xffff  }
0x270: {  	v24 =	vld.idx.msk [tilespmem:v60+s11+$0x0], $0xffff;
	_ =	sdelay $0x1  }
0x271: {  	v25 =	vld.idx.msk [tilespmem:v61+s11+$0x0], $0xffff;
	_ =	sdelay $0x2  }
0x272: {  	v62 =	vor.u32 v19, v28;
	v23 =	vmul.f32 v23, v20;
	v24 =	vmul.f32 v24, v21  }
0x273: {  	v63 =	vor.u32 $0x1, v27;
	v28 =	vor.u32 v27, v62  }
0x274: {  	v33 =	vor.u32 v63, v29;
	v34 =	vmul.f32 v25, v22;
	v23 =	vadd.f32 v24, v23  }
0x275: {  	v35 =	vor.u32 v63, v30  }
0x276: {  	v23 =	vadd.f32 v34, v23  }
0x277: {  	v36 =	vor.u32 v63, v32  }
0x278: {  	[tilespmem:v28+s12+$0x0] =	vst.idx.msk $0xffff, v23  }
0x279: {  	v23 =	vld.idx.msk [tilespmem:v33+s11+$0x0], $0xffff  }
0x27a: {  	v25 =	vld.idx.msk [tilespmem:v35+s11+$0x0], $0xffff;
	_ =	sdelay $0x1  }
0x27b: {  	v24 =	vld.idx.msk [tilespmem:v36+s11+$0x0], $0xffff;
	_ =	sdelay $0x2  }
0x27c: {  	v23 =	vmul.f32 v23, v20;
	v25 =	vmul.f32 v25, v21  }
0x27d: {  	v38 =	vor.u32 $0x2, v27;
	v37 =	vor.u32 v63, v62  }
0x27e: {  	v39 =	vor.u32 v38, v29;
	v24 =	vmul.f32 v24, v22;
	v23 =	vadd.f32 v25, v23  }
0x27f: {  	v40 =	vor.u32 v38, v30  }
0x280: {  	v23 =	vadd.f32 v24, v23  }
0x281: {  	v41 =	vor.u32 v38, v32  }
0x282: {  	[tilespmem:v37+s12+$0x0] =	vst.idx.msk $0xffff, v23  }
0x283: {  	v23 =	vld.idx.msk [tilespmem:v39+s11+$0x0], $0xffff  }
0x284: {  	v25 =	vld.idx.msk [tilespmem:v40+s11+$0x0], $0xffff;
	_ =	sdelay $0x1  }
0x285: {  	v24 =	vld.idx.msk [tilespmem:v41+s11+$0x0], $0xffff;
	_ =	sdelay $0x2  }
0x286: {  	v23 =	vmul.f32 v23, v20;
	v25 =	vmul.f32 v25, v21  }
0x287: {  	v43 =	vor.u32 $0x3, v27;
	v42 =	vor.u32 v38, v62  }
0x288: {  	v44 =	vor.u32 v43, v29;
	v24 =	vmul.f32 v24, v22;
	v23 =	vadd.f32 v25, v23  }
0x289: {  	v45 =	vor.u32 v43, v30  }
0x28a: {  	v23 =	vadd.f32 v24, v23  }
0x28b: {  	v46 =	vor.u32 v43, v32  }
0x28c: {  	[tilespmem:v42+s12+$0x0] =	vst.idx.msk $0xffff, v23  }
0x28d: {  	v23 =	vld.idx.msk [tilespmem:v44+s11+$0x0], $0xffff  }
0x28e: {  	v25 =	vld.idx.msk [tilespmem:v45+s11+$0x0], $0xffff;
	_ =	sdelay $0x1  }
0x28f: {  	v24 =	vld.idx.msk [tilespmem:v46+s11+$0x0], $0xffff;
	_ =	sdelay $0x2  }
0x290: {  	v23 =	vmul.f32 v23, v20;
	v25 =	vmul.f32 v25, v21  }
0x291: {  	v47 =	vor.u32 $0x4, v27;
	v31 =	vor.u32 v43, v62  }
0x292: {  	v48 =	vor.u32 v47, v29;
	v24 =	vmul.f32 v24, v22;
	v23 =	vadd.f32 v25, v23  }
0x293: {  	v49 =	vor.u32 v47, v30  }
0x294: {  	v23 =	vadd.f32 v24, v23  }
0x295: {  	v50 =	vor.u32 v47, v32  }
0x296: {  	[tilespmem:v31+s12+$0x0] =	vst.idx.msk $0xffff, v23  }
0x297: {  	v23 =	vld.idx.msk [tilespmem:v48+s11+$0x0], $0xffff  }
0x298: {  	v25 =	vld.idx.msk [tilespmem:v49+s11+$0x0], $0xffff;
	_ =	sdelay $0x1  }
0x299: {  	v24 =	vld.idx.msk [tilespmem:v50+s11+$0x0], $0xffff;
	_ =	sdelay $0x2  }
0x29a: {  	v23 =	vmul.f32 v23, v20;
	v25 =	vmul.f32 v25, v21  }
0x29b: {  	v51 =	vor.u32 $0x5, v27;
	v28 =	vor.u32 v47, v62  }
0x29c: {  	v52 =	vor.u32 v51, v29;
	v24 =	vmul.f32 v24, v22;
	v23 =	vadd.f32 v25, v23  }
0x29d: {  	v53 =	vor.u32 v51, v30  }
0x29e: {  	v23 =	vadd.f32 v24, v23  }
0x29f: {  	v54 =	vor.u32 v51, v32  }
0x2a0: {  	[tilespmem:v28+s12+$0x0] =	vst.idx.msk $0xffff, v23  }
0x2a1: {  	v23 =	vld.idx.msk [tilespmem:v52+s11+$0x0], $0xffff  }
0x2a2: {  	v25 =	vld.idx.msk [tilespmem:v53+s11+$0x0], $0xffff;
	_ =	sdelay $0x1  }
0x2a3: {  	v24 =	vld.idx.msk [tilespmem:v54+s11+$0x0], $0xffff;
	_ =	sdelay $0x2  }
0x2a4: {  	v23 =	vmul.f32 v23, v20;
	v25 =	vmul.f32 v25, v21  }
0x2a5: {  	v55 =	vor.u32 $0x6, v27;
	v31 =	vor.u32 v51, v62  }
0x2a6: {  	v56 =	vor.u32 v55, v29;
	v24 =	vmul.f32 v24, v22;
	v23 =	vadd.f32 v25, v23  }
0x2a7: {  	v57 =	vor.u32 v55, v30  }
0x2a8: {  	v23 =	vadd.f32 v24, v23  }
0x2a9: {  	v58 =	vor.u32 v55, v32  }
0x2aa: {  	[tilespmem:v31+s12+$0x0] =	vst.idx.msk $0xffff, v23  }
0x2ab: {  	v23 =	vld.idx.msk [tilespmem:v56+s11+$0x0], $0xffff  }
0x2ac: {  	v25 =	vld.idx.msk [tilespmem:v57+s11+$0x0], $0xffff;
	_ =	sdelay $0x1  }
0x2ad: {  	v24 =	vld.idx.msk [tilespmem:v58+s11+$0x0], $0xffff;
	_ =	sdelay $0x2  }
0x2ae: {  	v23 =	vmul.f32 v23, v20;
	v25 =	vmul.f32 v25, v21  }
0x2af: {  	v27 =	vor.u32 $0x7, v27;
	v28 =	vor.u32 v55, v62  }
0x2b0: {  	v29 =	vor.u32 v27, v29;
	v24 =	vmul.f32 v24, v22;
	v23 =	vadd.f32 v25, v23  }
0x2b1: {  	v59 =	vor.u32 v27, v30  }
0x2b2: {  	v23 =	vadd.f32 v24, v23  }
0x2b3: {  	v60 =	vor.u32 v27, v32  }
0x2b4: {  	[tilespmem:v28+s12+$0x0] =	vst.idx.msk $0xffff, v23  }
0x2b5: {  	v23 =	vld.idx.msk [tilespmem:v29+s11+$0x0], $0xffff  }
0x2b6: {  	v25 =	vld.idx.msk [tilespmem:v59+s11+$0x0], $0xffff;
	_ =	sdelay $0x1  }
0x2b7: {  	v24 =	vld.idx.msk [tilespmem:v60+s11+$0x0], $0xffff;
	_ =	sdelay $0x2  }
0x2b8: {  	v20 =	vmul.f32 v23, v20;
	v61 =	vmul.f32 v25, v21  }
0x2b9: {  	v62 =	vor.u32 v27, v62  }
0x2ba: {  	v63 =	vmul.f32 v24, v22;
	v20 =	vadd.f32 v61, v20;
	_ =	sdelay $0x1  }
0x2bb: {  	v20 =	vadd.f32 v63, v20  }
0x2bc: {  	s19 =	sshll.u32 s16, $0xB;
	p0 =	seq.s32 s16, $0x7  }
.Ltmp3:
0x2bd: {  	s18 =	sadd.s32 s19, s6;
	[tilespmem:v62+s12+$0x0] =	vst.idx.msk $0xffff, v20;
	(pc) =	sbr.rel @p0 .LBB2_10-.Ltmp3, $4  }
0x2be: {  	[hbm4b:s18+s2] =	stream.linear.scatter [tilespmem:s12], [sflag:$0x3], $0x2000, $0x38;
	[tilespmem:$0x11600] =	vst v63  }
0x2bf: {  	_ =	swait.ge [sflag:s8], $0x2000  }
0x2c0: {  	[sflag:s8] =	ssyncset.done $0x0  }
0x2c1: {  	[sflag:s8] =	ssyncadd.s32 $0xFFFFE000  }
0x2c2: {  	s18 =	smul.u32 $0x300, s16;
	_ =	sdelay $0x1  }
0x2c3: {  	s18 =	sshra.s32 s18, $0x2  }
0x2c4: {  	v20 =	vld [tilespmem:s18+$0x10C0];
	_ =	sdelay $0x4  }
0x2c5: {  	v21 =	vshll.u32 v20, $0x1  }
0x2c6: {  	v20 =	vand.u32 $0x7, v20;
	v21 =	vand.u32 $0xFFFFFFF0, v21  }
0x2c7: {  	v20 =	vor.u32 v20, v21  }
0x2c8: {  	v21 =	vperm.xlane v20, v6;
	_ =	sdelay $0x1  }
0x2c9: {  	v20 =	vperm.xlane v20, v8;
	v21 =	vadd.s32 v7, v21;
	_ =	sdelay $0x1  }
0x2ca: {  	v20 =	vadd.s32 v7, v20;
	_ =	sdelay $0x2  }
0x2cb: {  	[tilespmem:s11], [sflag:$0x1] =	stream.indirect_vreg.gather [hbm4b:s3+s2], $0x80, v21, vm0, $0xb8;
	[tilespmem:$0x11600] =	vst v63  }
0x2cc: {  	s19 =	simm.s32 $0x1E00  }
0x2cd: {  	[tilespmem:s19], [sflag:$0x1] =	stream.indirect_vreg.gather [hbm4b:s3+s2], $0x80, v20, vm0, $0xb8;
	[tilespmem:$0x11600] =	vst v63  }
0x2ce: {  	v20 =	vld [tilespmem:s18+$0x10D0];
	_ =	sdelay $0x4  }
0x2cf: {  	v59 =	vshll.u32 v20, $0x1  }
0x2d0: {  	v20 =	vand.u32 $0x7, v20;
	v21 =	vand.u32 $0xFFFFFFF0, v59  }
0x2d1: {  	v20 =	vor.u32 v20, v21  }
0x2d2: {  	v21 =	vperm.xlane v20, v6;
	_ =	sdelay $0x1  }
0x2d3: {  	v20 =	vperm.xlane v20, v8;
	v21 =	vadd.s32 v7, v21;
	_ =	sdelay $0x1  }
0x2d4: {  	v20 =	vadd.s32 v7, v20;
	_ =	sdelay $0x1  }
0x2d5: {  	s19 =	simm.s32 $0x2600  }
0x2d6: {  	[tilespmem:s19], [sflag:$0x1] =	stream.indirect_vreg.gather [hbm4b:s3+s2], $0x80, v21, vm0, $0xb8;
	[tilespmem:$0x11600] =	vst v63  }
0x2d7: {  	s19 =	simm.s32 $0x2E00  }
0x2d8: {  	[tilespmem:s19], [sflag:$0x1] =	stream.indirect_vreg.gather [hbm4b:s3+s2], $0x80, v20, vm0, $0xb8;
	[tilespmem:$0x11600] =	vst v63  }
0x2d9: {  	v20 =	vld [tilespmem:s18+$0x10E0];
	_ =	sdelay $0x4  }
0x2da: {  	v60 =	vshll.u32 v20, $0x1  }
0x2db: {  	v20 =	vand.u32 $0x7, v20;
	v21 =	vand.u32 $0xFFFFFFF0, v60  }
0x2dc: {  	v20 =	vor.u32 v20, v21  }
0x2dd: {  	v21 =	vperm.xlane v20, v6;
	_ =	sdelay $0x1  }
0x2de: {  	v20 =	vperm.xlane v20, v8;
	v21 =	vadd.s32 v7, v21;
	_ =	sdelay $0x1  }
0x2df: {  	v20 =	vadd.s32 v7, v20;
	_ =	sdelay $0x1  }
0x2e0: {  	s19 =	simm.s32 $0x3600  }
0x2e1: {  	[tilespmem:s19], [sflag:$0x1] =	stream.indirect_vreg.gather [hbm4b:s3+s2], $0x80, v21, vm0, $0xb8;
	[tilespmem:$0x11600] =	vst v63  }
0x2e2: {  	s19 =	simm.s32 $0x3E00  }
0x2e3: {  	[tilespmem:s19], [sflag:$0x1] =	stream.indirect_vreg.gather [hbm4b:s3+s2], $0x80, v20, vm0, $0xb8;
	[tilespmem:$0x11600] =	vst v63  }
0x2e4: {  	v20 =	vld [tilespmem:s18+$0x10F0];
	_ =	sdelay $0x4  }
0x2e5: {  	v61 =	vshll.u32 v20, $0x1  }
0x2e6: {  	v20 =	vand.u32 $0x7, v20;
	v21 =	vand.u32 $0xFFFFFFF0, v61  }
0x2e7: {  	v20 =	vor.u32 v20, v21  }
0x2e8: {  	v21 =	vperm.xlane v20, v6;
	_ =	sdelay $0x1  }
0x2e9: {  	v20 =	vperm.xlane v20, v8;
	v21 =	vadd.s32 v7, v21;
	_ =	sdelay $0x1  }
0x2ea: {  	v20 =	vadd.s32 v7, v20;
	_ =	sdelay $0x1  }
0x2eb: {  	s19 =	simm.s32 $0x4600  }
0x2ec: {  	[tilespmem:s19], [sflag:$0x1] =	stream.indirect_vreg.gather [hbm4b:s3+s2], $0x80, v21, vm0, $0xb8;
	[tilespmem:$0x11600] =	vst v63  }
0x2ed: {  	s19 =	simm.s32 $0x4E00  }
0x2ee: {  	[tilespmem:s19], [sflag:$0x1] =	stream.indirect_vreg.gather [hbm4b:s3+s2], $0x80, v20, vm0, $0xb8;
	[tilespmem:$0x11600] =	vst v63  }
0x2ef: {  	v20 =	vld [tilespmem:s18+$0x1100];
	_ =	sdelay $0x4  }
0x2f0: {  	v62 =	vshll.u32 v20, $0x1  }
0x2f1: {  	v20 =	vand.u32 $0x7, v20;
	v21 =	vand.u32 $0xFFFFFFF0, v62  }
0x2f2: {  	v20 =	vor.u32 v20, v21  }
0x2f3: {  	v21 =	vperm.xlane v20, v6;
	_ =	sdelay $0x1  }
0x2f4: {  	v20 =	vperm.xlane v20, v8;
	v21 =	vadd.s32 v7, v21;
	_ =	sdelay $0x1  }
0x2f5: {  	v20 =	vadd.s32 v7, v20;
	_ =	sdelay $0x1  }
0x2f6: {  	s19 =	simm.s32 $0x5600  }
0x2f7: {  	[tilespmem:s19], [sflag:$0x1] =	stream.indirect_vreg.gather [hbm4b:s3+s2], $0x80, v21, vm0, $0xb8;
	[tilespmem:$0x11600] =	vst v63  }
0x2f8: {  	_ = 	snop  }
0x2f9: {  	[tilespmem:s20], [sflag:$0x1] =	stream.indirect_vreg.gather [hbm4b:s3+s2], $0x80, v20, vm0, $0xb8;
	[tilespmem:$0x11600] =	vst v63  }
0x2fa: {  	v20 =	vld [tilespmem:s18+$0x1110];
	_ =	sdelay $0x4  }
0x2fb: {  	v63 =	vshll.u32 v20, $0x1  }
0x2fc: {  	v20 =	vand.u32 $0x7, v20;
	v21 =	vand.u32 $0xFFFFFFF0, v63  }
0x2fd: {  	v20 =	vor.u32 v20, v21  }
0x2fe: {  	v21 =	vperm.xlane v20, v6;
	_ =	sdelay $0x1  }
0x2ff: {  	v20 =	vperm.xlane v20, v8;
	v21 =	vadd.s32 v7, v21;
	_ =	sdelay $0x1  }
0x300: {  	v20 =	vadd.s32 v7, v20;
	_ =	sdelay $0x2  }
0x301: {  	[tilespmem:s21], [sflag:$0x1] =	stream.indirect_vreg.gather [hbm4b:s3+s2], $0x80, v21, vm0, $0xb8;
	[tilespmem:$0x11600] =	vst v63  }
0x302: {  	_ = 	snop  }
0x303: {  	[tilespmem:s22], [sflag:$0x1] =	stream.indirect_vreg.gather [hbm4b:s3+s2], $0x80, v20, vm0, $0xb8;
	[tilespmem:$0x11600] =	vst v63  }
.LBB2_10:
0x304: {  	s18 =	simm.s32 $0x0  }
0x305: {  	v20 =	vmov s18  }
0x306: {  	s19 =	sshll.u32 s17, $0x7;
	v21 =	vshll.u32 v20, $0x3  }
0x307: {  	v22 =	vor.u32 s19, v0;
	v23 =	vand.u32 $0x400, v21  }
0x308: {  	v24 =	vand.u32 $0x78, v20;
	v21 =	vor.u32 s19, v2;
	v25 =	vor.u32 v9, v23  }
0x309: {  	_ =	swait.ge [sflag:s13], $0x6000;
	v26 =	vor.u32 v10, v23;
	v27 =	vor.u32 v24, v25  }
0x30a: {  	[sflag:s13] =	ssyncset.done $0x0;
	v28 =	vor.u32 v24, v26  }
0x30b: {  	v29 =	vor.u32 s19, v4;
	[sflag:s13] =	ssyncadd.s32 $0xFFFFA000;
	v30 =	vor.u32 v11, v23  }
0x30c: {  	v31 =	vor.u32 v24, v30;
	v20 =	vld.idx.msk [tilespmem:v22+s9+$0x0], $0xffff  }
0x30d: {  	v21 =	vld.idx.msk [tilespmem:v21+s9+$0x0], $0xffff  }
0x30e: {  	v27 =	vld.idx.msk [tilespmem:v27+s23+$0x0], $0xffff  }
0x30f: {  	v28 =	vld.idx.msk [tilespmem:v28+s23+$0x0], $0xffff  }
0x310: {  	v22 =	vld.idx.msk [tilespmem:v29+s9+$0x0], $0xffff  }
0x311: {  	v29 =	vld.idx.msk [tilespmem:v31+s23+$0x0], $0xffff;
	_ =	sdelay $0x2  }
0x312: {  	v55 =	vor.u32 v12, v23;
	v23 =	vmul.f32 v27, v20;
	v27 =	vmul.f32 v28, v21  }
0x313: {  	v32 =	vor.u32 $0x1, v24;
	v28 =	vor.u32 v24, v55  }
0x314: {  	v33 =	vor.u32 v32, v25;
	v23 =	vadd.f32 v27, v23;
	v27 =	vmul.f32 v29, v22  }
0x315: {  	v29 =	vor.u32 v32, v26  }
0x316: {  	v23 =	vadd.f32 v27, v23  }
0x317: {  	v27 =	vor.u32 v32, v30  }
0x318: {  	[tilespmem:v28+s14+$0x0] =	vst.idx.msk $0xffff, v23  }
0x319: {  	v23 =	vld.idx.msk [tilespmem:v33+s23+$0x0], $0xffff  }
0x31a: {  	v28 =	vld.idx.msk [tilespmem:v29+s23+$0x0], $0xffff;
	_ =	sdelay $0x1  }
0x31b: {  	v27 =	vld.idx.msk [tilespmem:v27+s23+$0x0], $0xffff;
	_ =	sdelay $0x2  }
0x31c: {  	v23 =	vmul.f32 v23, v20;
	v28 =	vmul.f32 v28, v21  }
0x31d: {  	v56 =	vor.u32 $0x2, v24;
	v29 =	vor.u32 v32, v55  }
0x31e: {  	v57 =	vor.u32 v56, v25;
	v23 =	vadd.f32 v28, v23;
	v27 =	vmul.f32 v27, v22  }
0x31f: {  	v28 =	vor.u32 v56, v26  }
0x320: {  	v23 =	vadd.f32 v27, v23  }
0x321: {  	v27 =	vor.u32 v56, v30  }
0x322: {  	[tilespmem:v29+s14+$0x0] =	vst.idx.msk $0xffff, v23  }
0x323: {  	v23 =	vld.idx.msk [tilespmem:v57+s23+$0x0], $0xffff  }
0x324: {  	v28 =	vld.idx.msk [tilespmem:v28+s23+$0x0], $0xffff;
	_ =	sdelay $0x1  }
0x325: {  	v27 =	vld.idx.msk [tilespmem:v27+s23+$0x0], $0xffff;
	_ =	sdelay $0x2  }
0x326: {  	v23 =	vmul.f32 v23, v20;
	v28 =	vmul.f32 v28, v21  }
0x327: {  	v58 =	vor.u32 $0x3, v24;
	v29 =	vor.u32 v56, v55  }
0x328: {  	v59 =	vor.u32 v58, v25;
	v23 =	vadd.f32 v28, v23;
	v27 =	vmul.f32 v27, v22  }
0x329: {  	v28 =	vor.u32 v58, v26  }
0x32a: {  	v23 =	vadd.f32 v27, v23  }
0x32b: {  	v27 =	vor.u32 v58, v30  }
0x32c: {  	[tilespmem:v29+s14+$0x0] =	vst.idx.msk $0xffff, v23  }
0x32d: {  	v23 =	vld.idx.msk [tilespmem:v59+s23+$0x0], $0xffff  }
0x32e: {  	v28 =	vld.idx.msk [tilespmem:v28+s23+$0x0], $0xffff;
	_ =	sdelay $0x1  }
0x32f: {  	v27 =	vld.idx.msk [tilespmem:v27+s23+$0x0], $0xffff;
	_ =	sdelay $0x2  }
0x330: {  	v23 =	vmul.f32 v23, v20;
	v28 =	vmul.f32 v28, v21  }
0x331: {  	v32 =	vor.u32 v58, v55;
	v29 =	vor.u32 $0x4, v24  }
0x332: {  	v60 =	vor.u32 v29, v25;
	v23 =	vadd.f32 v28, v23;
	v27 =	vmul.f32 v27, v22  }
0x333: {  	v28 =	vor.u32 v29, v26  }
0x334: {  	v23 =	vadd.f32 v27, v23  }
0x335: {  	v27 =	vor.u32 v29, v30  }
0x336: {  	[tilespmem:v32+s14+$0x0] =	vst.idx.msk $0xffff, v23  }
0x337: {  	v23 =	vld.idx.msk [tilespmem:v60+s23+$0x0], $0xffff  }
0x338: {  	v28 =	vld.idx.msk [tilespmem:v28+s23+$0x0], $0xffff;
	_ =	sdelay $0x1  }
0x339: {  	v27 =	vld.idx.msk [tilespmem:v27+s23+$0x0], $0xffff;
	_ =	sdelay $0x2  }
0x33a: {  	v23 =	vmul.f32 v23, v20;
	v28 =	vmul.f32 v28, v21  }
0x33b: {  	v61 =	vor.u32 $0x5, v24;
	v29 =	vor.u32 v29, v55  }
0x33c: {  	v62 =	vor.u32 v61, v25;
	v23 =	vadd.f32 v28, v23;
	v27 =	vmul.f32 v27, v22  }
0x33d: {  	v28 =	vor.u32 v61, v26  }
0x33e: {  	v23 =	vadd.f32 v27, v23  }
0x33f: {  	v27 =	vor.u32 v61, v30  }
0x340: {  	[tilespmem:v29+s14+$0x0] =	vst.idx.msk $0xffff, v23  }
0x341: {  	v23 =	vld.idx.msk [tilespmem:v62+s23+$0x0], $0xffff  }
0x342: {  	v28 =	vld.idx.msk [tilespmem:v28+s23+$0x0], $0xffff;
	_ =	sdelay $0x1  }
0x343: {  	v27 =	vld.idx.msk [tilespmem:v27+s23+$0x0], $0xffff;
	_ =	sdelay $0x2  }
0x344: {  	v23 =	vmul.f32 v23, v20;
	v28 =	vmul.f32 v28, v21  }
0x345: {  	v32 =	vor.u32 v61, v55;
	v29 =	vor.u32 $0x6, v24  }
0x346: {  	v63 =	vor.u32 v29, v25;
	v23 =	vadd.f32 v28, v23;
	v27 =	vmul.f32 v27, v22  }
0x347: {  	v28 =	vor.u32 v29, v26  }
0x348: {  	v23 =	vadd.f32 v27, v23  }
0x349: {  	v27 =	vor.u32 v29, v30  }
0x34a: {  	[tilespmem:v32+s14+$0x0] =	vst.idx.msk $0xffff, v23  }
0x34b: {  	v23 =	vld.idx.msk [tilespmem:v63+s23+$0x0], $0xffff  }
0x34c: {  	v28 =	vld.idx.msk [tilespmem:v28+s23+$0x0], $0xffff;
	_ =	sdelay $0x1  }
0x34d: {  	v27 =	vld.idx.msk [tilespmem:v27+s23+$0x0], $0xffff;
	_ =	sdelay $0x2  }
0x34e: {  	v23 =	vmul.f32 v23, v20;
	v28 =	vmul.f32 v28, v21  }
0x34f: {  	v24 =	vor.u32 $0x7, v24;
	v29 =	vor.u32 v29, v55  }
0x350: {  	v25 =	vor.u32 v24, v25;
	v23 =	vadd.f32 v28, v23;
	v27 =	vmul.f32 v27, v22;
	_ =	sdelay $0x1  }
0x351: {  	v23 =	vadd.f32 v27, v23;
	_ =	sdelay $0x1  }
0x352: {  	v28 =	vor.u32 v24, v26;
	[tilespmem:v29+s14+$0x0] =	vst.idx.msk $0xffff, v23  }
0x353: {  	v26 =	vld.idx.msk [tilespmem:v25+s23+$0x0], $0xffff;
	v25 =	vor.u32 v24, v30;
	_ =	sdelay $0x3  }
0x354: {  	s18 =	simm.s32 $0x8;
	v23 =	vmov s19;
	s19 =	simm.s32 $0x10;
	v24 =	vor.u32 v24, v55;
	v27 =	vld.idx.msk [tilespmem:v28+s23+$0x0], $0xffff  }
.LBB2_11:
0x355: {  	p0 =	sne.s32 s19, $0xF8;
	v28 =	vmov s18;
	v25 =	vld.idx.msk [tilespmem:v25+s23+$0x0], $0xffff;
	s18 =	smov.u32 s19;
	s19 =	sadd.s32 $0x8, s19  }
0x356: {  	v29 =	vshll.u32 v28, $0x3  }
0x357: {  	v28 =	vand.u32 $0x78, v28;
	v29 =	vand.u32 $0x400, v29  }
0x358: {  	v33 =	vor.u32 v9, v29;
	v34 =	vor.u32 v10, v29;
	v35 =	vor.u32 v11, v29  }
0x359: {  	v26 =	vmul.f32 v26, v20;
	v30 =	vor.u32 v28, v33;
	v31 =	vor.u32 v28, v34  }
0x35a: {  	v36 =	vor.u32 v12, v29;
	v32 =	vor.u32 v28, v35;
	v27 =	vmul.f32 v27, v21  }
0x35b: {  	v29 =	vor.u32 $0x1, v28;
	v37 =	vor.u32 v28, v36;
	v25 =	vmul.f32 v25, v22  }
0x35c: {  	v38 =	vor.u32 v29, v33;
	v39 =	vor.u32 v29, v34;
	v26 =	vadd.f32 v27, v26  }
0x35d: {  	v40 =	vor.u32 v29, v35;
	v41 =	vor.u32 v29, v36;
	v27 =	vor.u32 $0x2, v28  }
0x35e: {  	v42 =	vor.u32 v27, v33;
	v43 =	vor.u32 v27, v34;
	v25 =	vadd.f32 v25, v26  }
0x35f: {  	v44 =	vor.u32 v27, v35;
	v45 =	vor.u32 v27, v36;
	v26 =	vor.u32 $0x3, v28  }
0x360: {  	v27 =	vor.u32 $0x4, v28;
	v46 =	vor.u32 v26, v33;
	v47 =	vor.u32 v26, v34;
	[tilespmem:v24+s14+$0x0] =	vst.idx.msk $0xffff, v25  }
0x361: {  	v50 =	vor.u32 v27, v33;
	v48 =	vor.u32 v26, v35;
	v49 =	vor.u32 v26, v36;
	v24 =	vld.idx.msk [tilespmem:v30+s23+$0x0], $0xffff  }
0x362: {  	v52 =	vor.u32 v27, v34;
	v53 =	vor.u32 v27, v35;
	v54 =	vor.u32 v27, v36;
	v51 =	vld.idx.msk [tilespmem:v31+s23+$0x0], $0xffff  }
0x363: {  	v55 =	vor.u32 $0x7, v28;
	v26 =	vor.u32 $0x6, v28;
	v25 =	vor.u32 $0x5, v28  }
0x364: {  	v57 =	vor.u32 v25, v33;
	v58 =	vor.u32 v25, v34;
	v59 =	vor.u32 v25, v35;
	v56 =	vld.idx.msk [tilespmem:v32+s23+$0x0], $0xffff  }
0x365: {  	v29 =	vor.u32 v26, v34;
	v31 =	vor.u32 v26, v33;
	v32 =	vor.u32 v25, v36  }
0x366: {  	v27 =	vor.u32 v26, v36;
	v30 =	vor.u32 v26, v35;
	v26 =	vor.u32 v55, v33  }
0x367: {  	v28 =	vor.u32 v55, v34;
	v25 =	vor.u32 v55, v35;
	v33 =	vmul.f32 v24, v20  }
0x368: {  	v24 =	vor.u32 v55, v36;
	v34 =	vmul.f32 v51, v21;
	_ =	sdelay $0x1  }
0x369: {  	v33 =	vadd.f32 v34, v33;
	v34 =	vmul.f32 v56, v22;
	_ =	sdelay $0x1  }
0x36a: {  	v33 =	vadd.f32 v34, v33;
	_ =	sdelay $0x1  }
0x36b: {  	[tilespmem:v37+s14+$0x0] =	vst.idx.msk $0xffff, v33  }
0x36c: {  	v33 =	vld.idx.msk [tilespmem:v38+s23+$0x0], $0xffff  }
0x36d: {  	v34 =	vld.idx.msk [tilespmem:v39+s23+$0x0], $0xffff;
	_ =	sdelay $0x1  }
0x36e: {  	v35 =	vld.idx.msk [tilespmem:v40+s23+$0x0], $0xffff;
	_ =	sdelay $0x3  }
0x36f: {  	v33 =	vmul.f32 v33, v20;
	v34 =	vmul.f32 v34, v21;
	_ =	sdelay $0x1  }
0x370: {  	v33 =	vadd.f32 v34, v33;
	v34 =	vmul.f32 v35, v22;
	_ =	sdelay $0x1  }
0x371: {  	v33 =	vadd.f32 v34, v33;
	_ =	sdelay $0x1  }
0x372: {  	[tilespmem:v41+s14+$0x0] =	vst.idx.msk $0xffff, v33  }
0x373: {  	v33 =	vld.idx.msk [tilespmem:v42+s23+$0x0], $0xffff  }
0x374: {  	v34 =	vld.idx.msk [tilespmem:v43+s23+$0x0], $0xffff;
	_ =	sdelay $0x1  }
0x375: {  	v35 =	vld.idx.msk [tilespmem:v44+s23+$0x0], $0xffff;
	_ =	sdelay $0x2  }
0x376: {  	v33 =	vmul.f32 v33, v20  }
0x377: {  	v34 =	vmul.f32 v34, v21;
	_ =	sdelay $0x1  }
0x378: {  	v33 =	vadd.f32 v34, v33;
	v34 =	vmul.f32 v35, v22;
	_ =	sdelay $0x1  }
0x379: {  	v33 =	vadd.f32 v34, v33;
	_ =	sdelay $0x1  }
0x37a: {  	[tilespmem:v45+s14+$0x0] =	vst.idx.msk $0xffff, v33  }
0x37b: {  	v33 =	vld.idx.msk [tilespmem:v46+s23+$0x0], $0xffff  }
0x37c: {  	v34 =	vld.idx.msk [tilespmem:v47+s23+$0x0], $0xffff  }
0x37d: {  	v35 =	vld.idx.msk [tilespmem:v48+s23+$0x0], $0xffff;
	_ =	sdelay $0x3  }
0x37e: {  	v33 =	vmul.f32 v33, v20  }
0x37f: {  	v34 =	vmul.f32 v34, v21;
	_ =	sdelay $0x1  }
0x380: {  	v33 =	vadd.f32 v34, v33;
	v34 =	vmul.f32 v35, v22;
	_ =	sdelay $0x1  }
0x381: {  	v33 =	vadd.f32 v34, v33;
	_ =	sdelay $0x1  }
0x382: {  	[tilespmem:v49+s14+$0x0] =	vst.idx.msk $0xffff, v33  }
0x383: {  	v33 =	vld.idx.msk [tilespmem:v50+s23+$0x0], $0xffff  }
0x384: {  	v34 =	vld.idx.msk [tilespmem:v52+s23+$0x0], $0xffff;
	_ =	sdelay $0x1  }
0x385: {  	v35 =	vld.idx.msk [tilespmem:v53+s23+$0x0], $0xffff;
	_ =	sdelay $0x2  }
0x386: {  	v33 =	vmul.f32 v33, v20  }
0x387: {  	v34 =	vmul.f32 v34, v21;
	_ =	sdelay $0x1  }
0x388: {  	v33 =	vadd.f32 v34, v33;
	v34 =	vmul.f32 v35, v22;
	_ =	sdelay $0x1  }
0x389: {  	v33 =	vadd.f32 v34, v33;
	_ =	sdelay $0x1  }
0x38a: {  	[tilespmem:v54+s14+$0x0] =	vst.idx.msk $0xffff, v33  }
0x38b: {  	v33 =	vld.idx.msk [tilespmem:v57+s23+$0x0], $0xffff  }
0x38c: {  	v34 =	vld.idx.msk [tilespmem:v58+s23+$0x0], $0xffff  }
0x38d: {  	v35 =	vld.idx.msk [tilespmem:v59+s23+$0x0], $0xffff;
	_ =	sdelay $0x4  }
0x38e: {  	v33 =	vmul.f32 v33, v20;
	v34 =	vmul.f32 v34, v21;
	_ =	sdelay $0x1  }
0x38f: {  	v33 =	vadd.f32 v34, v33;
	v34 =	vmul.f32 v35, v22;
	_ =	sdelay $0x1  }
0x390: {  	v33 =	vadd.f32 v34, v33;
	_ =	sdelay $0x1  }
0x391: {  	[tilespmem:v32+s14+$0x0] =	vst.idx.msk $0xffff, v33  }
0x392: {  	v31 =	vld.idx.msk [tilespmem:v31+s23+$0x0], $0xffff  }
0x393: {  	v29 =	vld.idx.msk [tilespmem:v29+s23+$0x0], $0xffff  }
0x394: {  	v30 =	vld.idx.msk [tilespmem:v30+s23+$0x0], $0xffff;
	_ =	sdelay $0x3  }
0x395: {  	v31 =	vmul.f32 v31, v20  }
0x396: {  	v29 =	vmul.f32 v29, v21;
	_ =	sdelay $0x1  }
0x397: {  	v30 =	vmul.f32 v30, v22;
	v29 =	vadd.f32 v29, v31;
	_ =	sdelay $0x1  }
.Ltmp4:
0x398: {  	v29 =	vadd.f32 v30, v29;
	(pc) =	sbr.rel @p0 .LBB2_11-.Ltmp4, $4  }
0x399: {  	_ = 	snop  }
0x39a: {  	[tilespmem:v27+s14+$0x0] =	vst.idx.msk $0xffff, v29  }
0x39b: {  	v26 =	vld.idx.msk [tilespmem:v26+s23+$0x0], $0xffff  }
0x39c: {  	v27 =	vld.idx.msk [tilespmem:v28+s23+$0x0], $0xffff  }
0x39d: {  	_ =	sdelay $0x3  }
0x39e: {  	v25 =	vld.idx.msk [tilespmem:v25+s23+$0x0], $0xffff  }
0x39f: {  	v28 =	vmov s18  }
0x3a0: {  	v29 =	vshll.u32 v28, $0x3  }
0x3a1: {  	v29 =	vand.u32 $0x400, v29;
	v26 =	vmul.f32 v26, v20;
	v27 =	vmul.f32 v27, v21  }
0x3a2: {  	v28 =	vand.u32 $0x78, v28;
	v30 =	vor.u32 v9, v29;
	v31 =	vor.u32 v10, v29  }
0x3a3: {  	v32 =	vor.u32 v28, v30;
	v25 =	vmul.f32 v25, v22;
	v26 =	vadd.f32 v27, v26  }
0x3a4: {  	v27 =	vor.u32 v28, v31  }
0x3a5: {  	v33 =	vor.u32 v11, v29;
	v25 =	vadd.f32 v25, v26  }
0x3a6: {  	v26 =	vor.u32 v28, v33  }
0x3a7: {  	[tilespmem:v24+s14+$0x0] =	vst.idx.msk $0xffff, v25  }
0x3a8: {  	v24 =	vld.idx.msk [tilespmem:v32+s23+$0x0], $0xffff  }
0x3a9: {  	v25 =	vld.idx.msk [tilespmem:v27+s23+$0x0], $0xffff;
	_ =	sdelay $0x1  }
0x3aa: {  	v26 =	vld.idx.msk [tilespmem:v26+s23+$0x0], $0xffff;
	_ =	sdelay $0x2  }
0x3ab: {  	v27 =	vor.u32 v12, v29;
	v24 =	vmul.f32 v24, v20;
	v25 =	vmul.f32 v25, v21  }
0x3ac: {  	v58 =	vor.u32 $0x1, v28;
	v29 =	vor.u32 v28, v27  }
0x3ad: {  	v34 =	vor.u32 v58, v30;
	v24 =	vadd.f32 v25, v24;
	v25 =	vmul.f32 v26, v22  }
0x3ae: {  	v26 =	vor.u32 v58, v31  }
0x3af: {  	v24 =	vadd.f32 v25, v24  }
0x3b0: {  	v25 =	vor.u32 v58, v33  }
0x3b1: {  	[tilespmem:v29+s14+$0x0] =	vst.idx.msk $0xffff, v24  }
0x3b2: {  	v24 =	vld.idx.msk [tilespmem:v34+s23+$0x0], $0xffff  }
0x3b3: {  	v26 =	vld.idx.msk [tilespmem:v26+s23+$0x0], $0xffff;
	_ =	sdelay $0x1  }
0x3b4: {  	v25 =	vld.idx.msk [tilespmem:v25+s23+$0x0], $0xffff;
	_ =	sdelay $0x2  }
0x3b5: {  	v24 =	vmul.f32 v24, v20;
	v26 =	vmul.f32 v26, v21  }
0x3b6: {  	v60 =	vor.u32 $0x2, v28;
	v59 =	vor.u32 v58, v27  }
0x3b7: {  	v61 =	vor.u32 v60, v30;
	v24 =	vadd.f32 v26, v24;
	v25 =	vmul.f32 v25, v22  }
0x3b8: {  	v26 =	vor.u32 v60, v31  }
0x3b9: {  	v24 =	vadd.f32 v25, v24  }
0x3ba: {  	v25 =	vor.u32 v60, v33  }
0x3bb: {  	[tilespmem:v59+s14+$0x0] =	vst.idx.msk $0xffff, v24  }
0x3bc: {  	v24 =	vld.idx.msk [tilespmem:v61+s23+$0x0], $0xffff  }
0x3bd: {  	v26 =	vld.idx.msk [tilespmem:v26+s23+$0x0], $0xffff;
	_ =	sdelay $0x1  }
0x3be: {  	v25 =	vld.idx.msk [tilespmem:v25+s23+$0x0], $0xffff;
	_ =	sdelay $0x2  }
0x3bf: {  	v24 =	vmul.f32 v24, v20;
	v26 =	vmul.f32 v26, v21  }
0x3c0: {  	v63 =	vor.u32 $0x3, v28;
	v62 =	vor.u32 v60, v27  }
0x3c1: {  	v36 =	vor.u32 v63, v30;
	v24 =	vadd.f32 v26, v24;
	v25 =	vmul.f32 v25, v22  }
0x3c2: {  	v26 =	vor.u32 v63, v31  }
0x3c3: {  	v24 =	vadd.f32 v25, v24  }
0x3c4: {  	v25 =	vor.u32 v63, v33  }
0x3c5: {  	[tilespmem:v62+s14+$0x0] =	vst.idx.msk $0xffff, v24  }
0x3c6: {  	v24 =	vld.idx.msk [tilespmem:v36+s23+$0x0], $0xffff  }
0x3c7: {  	v26 =	vld.idx.msk [tilespmem:v26+s23+$0x0], $0xffff;
	_ =	sdelay $0x1  }
0x3c8: {  	v25 =	vld.idx.msk [tilespmem:v25+s23+$0x0], $0xffff;
	_ =	sdelay $0x2  }
0x3c9: {  	v24 =	vmul.f32 v24, v20;
	v26 =	vmul.f32 v26, v21  }
0x3ca: {  	v37 =	vor.u32 $0x4, v28;
	v32 =	vor.u32 v63, v27  }
0x3cb: {  	v38 =	vor.u32 v37, v30;
	v24 =	vadd.f32 v26, v24;
	v25 =	vmul.f32 v25, v22  }
0x3cc: {  	v26 =	vor.u32 v37, v31  }
0x3cd: {  	v24 =	vadd.f32 v25, v24  }
0x3ce: {  	v25 =	vor.u32 v37, v33  }
0x3cf: {  	[tilespmem:v32+s14+$0x0] =	vst.idx.msk $0xffff, v24  }
0x3d0: {  	v24 =	vld.idx.msk [tilespmem:v38+s23+$0x0], $0xffff  }
0x3d1: {  	v26 =	vld.idx.msk [tilespmem:v26+s23+$0x0], $0xffff;
	_ =	sdelay $0x1  }
0x3d2: {  	v25 =	vld.idx.msk [tilespmem:v25+s23+$0x0], $0xffff;
	_ =	sdelay $0x2  }
0x3d3: {  	v24 =	vmul.f32 v24, v20;
	v26 =	vmul.f32 v26, v21  }
0x3d4: {  	v39 =	vor.u32 $0x5, v28;
	v29 =	vor.u32 v37, v27  }
0x3d5: {  	v40 =	vor.u32 v39, v30;
	v24 =	vadd.f32 v26, v24;
	v25 =	vmul.f32 v25, v22  }
0x3d6: {  	v26 =	vor.u32 v39, v31  }
0x3d7: {  	v24 =	vadd.f32 v25, v24  }
0x3d8: {  	v25 =	vor.u32 v39, v33  }
0x3d9: {  	[tilespmem:v29+s14+$0x0] =	vst.idx.msk $0xffff, v24  }
0x3da: {  	v24 =	vld.idx.msk [tilespmem:v40+s23+$0x0], $0xffff  }
0x3db: {  	v26 =	vld.idx.msk [tilespmem:v26+s23+$0x0], $0xffff;
	_ =	sdelay $0x1  }
0x3dc: {  	v25 =	vld.idx.msk [tilespmem:v25+s23+$0x0], $0xffff;
	_ =	sdelay $0x2  }
0x3dd: {  	v24 =	vmul.f32 v24, v20;
	v26 =	vmul.f32 v26, v21  }
0x3de: {  	v41 =	vor.u32 $0x6, v28;
	v32 =	vor.u32 v39, v27  }
0x3df: {  	v42 =	vor.u32 v41, v30;
	v24 =	vadd.f32 v26, v24;
	v25 =	vmul.f32 v25, v22  }
0x3e0: {  	v26 =	vor.u32 v41, v31  }
0x3e1: {  	v24 =	vadd.f32 v25, v24  }
0x3e2: {  	v25 =	vor.u32 v41, v33  }
0x3e3: {  	[tilespmem:v32+s14+$0x0] =	vst.idx.msk $0xffff, v24  }
0x3e4: {  	v24 =	vld.idx.msk [tilespmem:v42+s23+$0x0], $0xffff  }
0x3e5: {  	v26 =	vld.idx.msk [tilespmem:v26+s23+$0x0], $0xffff;
	_ =	sdelay $0x1  }
0x3e6: {  	v25 =	vld.idx.msk [tilespmem:v25+s23+$0x0], $0xffff;
	_ =	sdelay $0x2  }
0x3e7: {  	v24 =	vmul.f32 v24, v20;
	v26 =	vmul.f32 v26, v21  }
0x3e8: {  	v28 =	vor.u32 $0x7, v28;
	v29 =	vor.u32 v41, v27  }
0x3e9: {  	v30 =	vor.u32 v28, v30;
	v24 =	vadd.f32 v26, v24;
	v25 =	vmul.f32 v25, v22  }
0x3ea: {  	v26 =	vor.u32 v28, v31  }
0x3eb: {  	v43 =	vor.u32 v28, v33;
	v24 =	vadd.f32 v25, v24;
	_ =	sdelay $0x1  }
0x3ec: {  	[tilespmem:v29+s14+$0x0] =	vst.idx.msk $0xffff, v24  }
0x3ed: {  	v24 =	vld.idx.msk [tilespmem:v30+s23+$0x0], $0xffff  }
0x3ee: {  	v25 =	vld.idx.msk [tilespmem:v26+s23+$0x0], $0xffff  }
0x3ef: {  	v26 =	vld.idx.msk [tilespmem:v43+s23+$0x0], $0xffff;
	_ =	sdelay $0x2  }
0x3f0: {  	s19 =	simm.s32 $0x0  }
0x3f1: {  	v20 =	vmul.f32 v24, v20;
	v21 =	vmul.f32 v25, v21;
	v24 =	vmov s19  }
0x3f2: {  	v25 =	vor.u32 v28, v27;
	v22 =	vmul.f32 v26, v22;
	v26 =	vshll.u32 v24, $0x3  }
0x3f3: {  	v20 =	vadd.f32 v21, v20;
	v21 =	vor.u32 v13, v23;
	v26 =	vand.u32 $0x400, v26  }
0x3f4: {  	v27 =	vor.u32 v14, v23;
	v24 =	vand.u32 $0x78, v24;
	v44 =	vor.u32 v16, v26  }
0x3f5: {  	v45 =	vor.u32 v17, v26;
	v20 =	vadd.f32 v22, v20;
	v22 =	vor.u32 v24, v44  }
0x3f6: {  	v46 =	vor.u32 v24, v45  }
0x3f7: {  	v23 =	vor.u32 v15, v23;
	v47 =	vor.u32 v18, v26;
	[tilespmem:v25+s14+$0x0] =	vst.idx.msk $0xffff, v20  }
0x3f8: {  	v25 =	vor.u32 v24, v47;
	v20 =	vld.idx.msk [tilespmem:v21+s9+$0x0], $0xffff  }
0x3f9: {  	v21 =	vld.idx.msk [tilespmem:v27+s9+$0x0], $0xffff  }
0x3fa: {  	v27 =	vld.idx.msk [tilespmem:v22+s23+$0x0], $0xffff  }
0x3fb: {  	v30 =	vld.idx.msk [tilespmem:v46+s23+$0x0], $0xffff  }
0x3fc: {  	v22 =	vld.idx.msk [tilespmem:v23+s9+$0x0], $0xffff  }
0x3fd: {  	v23 =	vld.idx.msk [tilespmem:v25+s23+$0x0], $0xffff;
	_ =	sdelay $0x2  }
0x3fe: {  	v26 =	vor.u32 v19, v26;
	v25 =	vmul.f32 v27, v20;
	v27 =	vmul.f32 v30, v21  }
0x3ff: {  	v49 =	vor.u32 $0x1, v24;
	v48 =	vor.u32 v24, v26  }
0x400: {  	v50 =	vor.u32 v49, v44;
	v25 =	vadd.f32 v27, v25;
	v23 =	vmul.f32 v23, v22  }
0x401: {  	v27 =	vor.u32 v49, v45  }
0x402: {  	v23 =	vadd.f32 v23, v25  }
0x403: {  	v25 =	vor.u32 v49, v47  }
0x404: {  	[tilespmem:v48+s14+$0x0] =	vst.idx.msk $0xffff, v23  }
0x405: {  	v23 =	vld.idx.msk [tilespmem:v50+s23+$0x0], $0xffff  }
0x406: {  	v27 =	vld.idx.msk [tilespmem:v27+s23+$0x0], $0xffff;
	_ =	sdelay $0x1  }
0x407: {  	v25 =	vld.idx.msk [tilespmem:v25+s23+$0x0], $0xffff;
	_ =	sdelay $0x2  }
0x408: {  	v23 =	vmul.f32 v23, v20;
	v27 =	vmul.f32 v27, v21  }
0x409: {  	v52 =	vor.u32 $0x2, v24;
	v51 =	vor.u32 v49, v26  }
0x40a: {  	v53 =	vor.u32 v52, v44;
	v23 =	vadd.f32 v27, v23;
	v25 =	vmul.f32 v25, v22  }
0x40b: {  	v27 =	vor.u32 v52, v45  }
0x40c: {  	v23 =	vadd.f32 v25, v23  }
0x40d: {  	v25 =	vor.u32 v52, v47  }
0x40e: {  	[tilespmem:v51+s14+$0x0] =	vst.idx.msk $0xffff, v23  }
0x40f: {  	v23 =	vld.idx.msk [tilespmem:v53+s23+$0x0], $0xffff  }
0x410: {  	v27 =	vld.idx.msk [tilespmem:v27+s23+$0x0], $0xffff;
	_ =	sdelay $0x1  }
0x411: {  	v25 =	vld.idx.msk [tilespmem:v25+s23+$0x0], $0xffff;
	_ =	sdelay $0x2  }
0x412: {  	v23 =	vmul.f32 v23, v20;
	v27 =	vmul.f32 v27, v21  }
0x413: {  	v55 =	vor.u32 $0x3, v24;
	v54 =	vor.u32 v52, v26  }
0x414: {  	v56 =	vor.u32 v55, v44;
	v23 =	vadd.f32 v27, v23;
	v25 =	vmul.f32 v25, v22  }
0x415: {  	v27 =	vor.u32 v55, v45  }
0x416: {  	v23 =	vadd.f32 v25, v23  }
0x417: {  	v25 =	vor.u32 v55, v47  }
0x418: {  	[tilespmem:v54+s14+$0x0] =	vst.idx.msk $0xffff, v23  }
0x419: {  	v23 =	vld.idx.msk [tilespmem:v56+s23+$0x0], $0xffff  }
0x41a: {  	v27 =	vld.idx.msk [tilespmem:v27+s23+$0x0], $0xffff;
	_ =	sdelay $0x1  }
0x41b: {  	v25 =	vld.idx.msk [tilespmem:v25+s23+$0x0], $0xffff;
	_ =	sdelay $0x2  }
0x41c: {  	v23 =	vmul.f32 v23, v20;
	v27 =	vmul.f32 v27, v21  }
0x41d: {  	v57 =	vor.u32 $0x4, v24;
	v32 =	vor.u32 v55, v26  }
0x41e: {  	v58 =	vor.u32 v57, v44;
	v23 =	vadd.f32 v27, v23;
	v25 =	vmul.f32 v25, v22  }
0x41f: {  	v27 =	vor.u32 v57, v45  }
0x420: {  	v23 =	vadd.f32 v25, v23  }
0x421: {  	v25 =	vor.u32 v57, v47  }
0x422: {  	[tilespmem:v32+s14+$0x0] =	vst.idx.msk $0xffff, v23  }
0x423: {  	v23 =	vld.idx.msk [tilespmem:v58+s23+$0x0], $0xffff  }
0x424: {  	v27 =	vld.idx.msk [tilespmem:v27+s23+$0x0], $0xffff;
	_ =	sdelay $0x1  }
0x425: {  	v25 =	vld.idx.msk [tilespmem:v25+s23+$0x0], $0xffff;
	_ =	sdelay $0x2  }
0x426: {  	v23 =	vmul.f32 v23, v20;
	v27 =	vmul.f32 v27, v21  }
0x427: {  	v59 =	vor.u32 $0x5, v24;
	v30 =	vor.u32 v57, v26  }
0x428: {  	v60 =	vor.u32 v59, v44;
	v23 =	vadd.f32 v27, v23;
	v25 =	vmul.f32 v25, v22  }
0x429: {  	v27 =	vor.u32 v59, v45  }
0x42a: {  	v23 =	vadd.f32 v25, v23  }
0x42b: {  	v25 =	vor.u32 v59, v47  }
0x42c: {  	[tilespmem:v30+s14+$0x0] =	vst.idx.msk $0xffff, v23  }
0x42d: {  	v23 =	vld.idx.msk [tilespmem:v60+s23+$0x0], $0xffff  }
0x42e: {  	v27 =	vld.idx.msk [tilespmem:v27+s23+$0x0], $0xffff;
	_ =	sdelay $0x1  }
0x42f: {  	v25 =	vld.idx.msk [tilespmem:v25+s23+$0x0], $0xffff;
	_ =	sdelay $0x2  }
0x430: {  	v23 =	vmul.f32 v23, v20;
	v27 =	vmul.f32 v27, v21  }
0x431: {  	v61 =	vor.u32 $0x6, v24;
	v32 =	vor.u32 v59, v26  }
0x432: {  	v62 =	vor.u32 v61, v44;
	v23 =	vadd.f32 v27, v23;
	v25 =	vmul.f32 v25, v22  }
0x433: {  	v27 =	vor.u32 v61, v45  }
0x434: {  	v23 =	vadd.f32 v25, v23  }
0x435: {  	v25 =	vor.u32 v61, v47  }
0x436: {  	[tilespmem:v32+s14+$0x0] =	vst.idx.msk $0xffff, v23  }
0x437: {  	v23 =	vld.idx.msk [tilespmem:v62+s23+$0x0], $0xffff  }
0x438: {  	v27 =	vld.idx.msk [tilespmem:v27+s23+$0x0], $0xffff;
	_ =	sdelay $0x1  }
0x439: {  	v25 =	vld.idx.msk [tilespmem:v25+s23+$0x0], $0xffff;
	_ =	sdelay $0x2  }
0x43a: {  	v23 =	vmul.f32 v23, v20;
	v27 =	vmul.f32 v27, v21  }
0x43b: {  	v63 =	vor.u32 $0x7, v24;
	v24 =	vor.u32 v61, v26  }
0x43c: {  	v23 =	vadd.f32 v27, v23;
	v25 =	vmul.f32 v25, v22;
	_ =	sdelay $0x1  }
0x43d: {  	v28 =	vor.u32 v63, v44;
	v23 =	vadd.f32 v25, v23  }
0x43e: {  	v27 =	vor.u32 v63, v45  }
0x43f: {  	[tilespmem:v24+s14+$0x0] =	vst.idx.msk $0xffff, v23;
	v24 =	vor.u32 v63, v47;
	_ =	sdelay $0x2  }
0x440: {  	v25 =	vld.idx.msk [tilespmem:v28+s23+$0x0], $0xffff  }
0x441: {  	s18 =	simm.s32 $0x8;
	s19 =	simm.s32 $0x10;
	v23 =	vor.u32 v63, v26;
	v26 =	vld.idx.msk [tilespmem:v27+s23+$0x0], $0xffff  }
.LBB2_13:
0x442: {  	p0 =	sne.s32 s19, $0xF8;
	v27 =	vmov s18;
	v24 =	vld.idx.msk [tilespmem:v24+s23+$0x0], $0xffff;
	s18 =	smov.u32 s19;
	s19 =	sadd.s32 $0x8, s19  }
0x443: {  	v28 =	vshll.u32 v27, $0x3  }
0x444: {  	v27 =	vand.u32 $0x78, v27;
	v28 =	vand.u32 $0x400, v28  }
0x445: {  	v32 =	vor.u32 v16, v28;
	v33 =	vor.u32 v17, v28;
	v34 =	vor.u32 v18, v28  }
0x446: {  	v25 =	vmul.f32 v25, v20;
	v29 =	vor.u32 v27, v32;
	v30 =	vor.u32 v27, v33  }
0x447: {  	v35 =	vor.u32 v19, v28;
	v31 =	vor.u32 v27, v34;
	v26 =	vmul.f32 v26, v21  }
0x448: {  	v28 =	vor.u32 $0x1, v27;
	v36 =	vor.u32 v27, v35;
	v24 =	vmul.f32 v24, v22  }
0x449: {  	v37 =	vor.u32 v28, v32;
	v38 =	vor.u32 v28, v33;
	v25 =	vadd.f32 v26, v25  }
0x44a: {  	v39 =	vor.u32 v28, v34;
	v40 =	vor.u32 v28, v35;
	v26 =	vor.u32 $0x2, v27  }
0x44b: {  	v41 =	vor.u32 v26, v32;
	v42 =	vor.u32 v26, v33;
	v24 =	vadd.f32 v24, v25  }
0x44c: {  	v43 =	vor.u32 v26, v34;
	v44 =	vor.u32 v26, v35;
	v25 =	vor.u32 $0x3, v27  }
0x44d: {  	v26 =	vor.u32 $0x4, v27;
	v45 =	vor.u32 v25, v32;
	v46 =	vor.u32 v25, v33;
	[tilespmem:v23+s14+$0x0] =	vst.idx.msk $0xffff, v24  }
0x44e: {  	v49 =	vor.u32 v26, v32;
	v47 =	vor.u32 v25, v34;
	v48 =	vor.u32 v25, v35;
	v23 =	vld.idx.msk [tilespmem:v29+s23+$0x0], $0xffff  }
0x44f: {  	v51 =	vor.u32 v26, v33;
	v52 =	vor.u32 v26, v34;
	v53 =	vor.u32 v26, v35;
	v50 =	vld.idx.msk [tilespmem:v30+s23+$0x0], $0xffff  }
0x450: {  	v54 =	vor.u32 $0x7, v27;
	v25 =	vor.u32 $0x6, v27;
	v24 =	vor.u32 $0x5, v27  }
0x451: {  	v56 =	vor.u32 v24, v32;
	v57 =	vor.u32 v24, v33;
	v58 =	vor.u32 v24, v34;
	v55 =	vld.idx.msk [tilespmem:v31+s23+$0x0], $0xffff  }
0x452: {  	v28 =	vor.u32 v25, v33;
	v30 =	vor.u32 v25, v32;
	v31 =	vor.u32 v24, v35  }
0x453: {  	v26 =	vor.u32 v25, v35;
	v29 =	vor.u32 v25, v34;
	v25 =	vor.u32 v54, v32  }
0x454: {  	v27 =	vor.u32 v54, v33;
	v24 =	vor.u32 v54, v34;
	v32 =	vmul.f32 v23, v20  }
0x455: {  	v23 =	vor.u32 v54, v35;
	v33 =	vmul.f32 v50, v21;
	_ =	sdelay $0x1  }
0x456: {  	v32 =	vadd.f32 v33, v32;
	v33 =	vmul.f32 v55, v22;
	_ =	sdelay $0x1  }
0x457: {  	v32 =	vadd.f32 v33, v32;
	_ =	sdelay $0x1  }
0x458: {  	[tilespmem:v36+s14+$0x0] =	vst.idx.msk $0xffff, v32  }
0x459: {  	v32 =	vld.idx.msk [tilespmem:v37+s23+$0x0], $0xffff  }
0x45a: {  	v33 =	vld.idx.msk [tilespmem:v38+s23+$0x0], $0xffff;
	_ =	sdelay $0x1  }
0x45b: {  	v34 =	vld.idx.msk [tilespmem:v39+s23+$0x0], $0xffff;
	_ =	sdelay $0x3  }
0x45c: {  	v32 =	vmul.f32 v32, v20;
	v33 =	vmul.f32 v33, v21;
	_ =	sdelay $0x1  }
0x45d: {  	v32 =	vadd.f32 v33, v32;
	v33 =	vmul.f32 v34, v22;
	_ =	sdelay $0x1  }
0x45e: {  	v32 =	vadd.f32 v33, v32;
	_ =	sdelay $0x1  }
0x45f: {  	[tilespmem:v40+s14+$0x0] =	vst.idx.msk $0xffff, v32  }
0x460: {  	v32 =	vld.idx.msk [tilespmem:v41+s23+$0x0], $0xffff  }
0x461: {  	v33 =	vld.idx.msk [tilespmem:v42+s23+$0x0], $0xffff;
	_ =	sdelay $0x1  }
0x462: {  	v34 =	vld.idx.msk [tilespmem:v43+s23+$0x0], $0xffff;
	_ =	sdelay $0x2  }
0x463: {  	v32 =	vmul.f32 v32, v20  }
0x464: {  	v33 =	vmul.f32 v33, v21;
	_ =	sdelay $0x1  }
0x465: {  	v32 =	vadd.f32 v33, v32;
	v33 =	vmul.f32 v34, v22;
	_ =	sdelay $0x1  }
0x466: {  	v32 =	vadd.f32 v33, v32;
	_ =	sdelay $0x1  }
0x467: {  	[tilespmem:v44+s14+$0x0] =	vst.idx.msk $0xffff, v32  }
0x468: {  	v32 =	vld.idx.msk [tilespmem:v45+s23+$0x0], $0xffff  }
0x469: {  	v33 =	vld.idx.msk [tilespmem:v46+s23+$0x0], $0xffff  }
0x46a: {  	v34 =	vld.idx.msk [tilespmem:v47+s23+$0x0], $0xffff;
	_ =	sdelay $0x3  }
0x46b: {  	v32 =	vmul.f32 v32, v20  }
0x46c: {  	v33 =	vmul.f32 v33, v21;
	_ =	sdelay $0x1  }
0x46d: {  	v32 =	vadd.f32 v33, v32;
	v33 =	vmul.f32 v34, v22;
	_ =	sdelay $0x1  }
0x46e: {  	v32 =	vadd.f32 v33, v32;
	_ =	sdelay $0x1  }
0x46f: {  	[tilespmem:v48+s14+$0x0] =	vst.idx.msk $0xffff, v32  }
0x470: {  	v32 =	vld.idx.msk [tilespmem:v49+s23+$0x0], $0xffff  }
0x471: {  	v33 =	vld.idx.msk [tilespmem:v51+s23+$0x0], $0xffff;
	_ =	sdelay $0x1  }
0x472: {  	v34 =	vld.idx.msk [tilespmem:v52+s23+$0x0], $0xffff;
	_ =	sdelay $0x2  }
0x473: {  	v32 =	vmul.f32 v32, v20  }
0x474: {  	v33 =	vmul.f32 v33, v21;
	_ =	sdelay $0x1  }
0x475: {  	v32 =	vadd.f32 v33, v32;
	v33 =	vmul.f32 v34, v22;
	_ =	sdelay $0x1  }
0x476: {  	v32 =	vadd.f32 v33, v32;
	_ =	sdelay $0x1  }
0x477: {  	[tilespmem:v53+s14+$0x0] =	vst.idx.msk $0xffff, v32  }
0x478: {  	v32 =	vld.idx.msk [tilespmem:v56+s23+$0x0], $0xffff  }
0x479: {  	v33 =	vld.idx.msk [tilespmem:v57+s23+$0x0], $0xffff  }
0x47a: {  	v34 =	vld.idx.msk [tilespmem:v58+s23+$0x0], $0xffff;
	_ =	sdelay $0x4  }
0x47b: {  	v32 =	vmul.f32 v32, v20;
	v33 =	vmul.f32 v33, v21;
	_ =	sdelay $0x1  }
0x47c: {  	v32 =	vadd.f32 v33, v32;
	v33 =	vmul.f32 v34, v22;
	_ =	sdelay $0x1  }
0x47d: {  	v32 =	vadd.f32 v33, v32;
	_ =	sdelay $0x1  }
0x47e: {  	[tilespmem:v31+s14+$0x0] =	vst.idx.msk $0xffff, v32  }
0x47f: {  	v30 =	vld.idx.msk [tilespmem:v30+s23+$0x0], $0xffff  }
0x480: {  	v28 =	vld.idx.msk [tilespmem:v28+s23+$0x0], $0xffff  }
0x481: {  	v29 =	vld.idx.msk [tilespmem:v29+s23+$0x0], $0xffff;
	_ =	sdelay $0x3  }
0x482: {  	v30 =	vmul.f32 v30, v20  }
0x483: {  	v28 =	vmul.f32 v28, v21;
	_ =	sdelay $0x1  }
0x484: {  	v29 =	vmul.f32 v29, v22;
	v28 =	vadd.f32 v28, v30;
	_ =	sdelay $0x1  }
.Ltmp5:
0x485: {  	v28 =	vadd.f32 v29, v28;
	(pc) =	sbr.rel @p0 .LBB2_13-.Ltmp5, $4  }
0x486: {  	_ = 	snop  }
0x487: {  	[tilespmem:v26+s14+$0x0] =	vst.idx.msk $0xffff, v28  }
0x488: {  	v25 =	vld.idx.msk [tilespmem:v25+s23+$0x0], $0xffff  }
0x489: {  	v26 =	vld.idx.msk [tilespmem:v27+s23+$0x0], $0xffff  }
0x48a: {  	_ =	sdelay $0x3  }
0x48b: {  	v24 =	vld.idx.msk [tilespmem:v24+s23+$0x0], $0xffff  }
0x48c: {  	v27 =	vmov s18  }
0x48d: {  	v28 =	vshll.u32 v27, $0x3  }
0x48e: {  	v28 =	vand.u32 $0x400, v28;
	v25 =	vmul.f32 v25, v20;
	v26 =	vmul.f32 v26, v21  }
0x48f: {  	v27 =	vand.u32 $0x78, v27;
	v29 =	vor.u32 v16, v28;
	v30 =	vor.u32 v17, v28  }
0x490: {  	v31 =	vor.u32 v27, v29;
	v24 =	vmul.f32 v24, v22;
	v25 =	vadd.f32 v26, v25  }
0x491: {  	v60 =	vor.u32 v27, v30  }
0x492: {  	v32 =	vor.u32 v18, v28;
	v24 =	vadd.f32 v24, v25  }
0x493: {  	v61 =	vor.u32 v27, v32  }
0x494: {  	[tilespmem:v23+s14+$0x0] =	vst.idx.msk $0xffff, v24  }
0x495: {  	v23 =	vld.idx.msk [tilespmem:v31+s23+$0x0], $0xffff  }
0x496: {  	v24 =	vld.idx.msk [tilespmem:v60+s23+$0x0], $0xffff;
	_ =	sdelay $0x1  }
0x497: {  	v25 =	vld.idx.msk [tilespmem:v61+s23+$0x0], $0xffff;
	_ =	sdelay $0x2  }
0x498: {  	v62 =	vor.u32 v19, v28;
	v23 =	vmul.f32 v23, v20;
	v24 =	vmul.f32 v24, v21  }
0x499: {  	v63 =	vor.u32 $0x1, v27;
	v28 =	vor.u32 v27, v62  }
0x49a: {  	v33 =	vor.u32 v63, v29;
	v34 =	vmul.f32 v25, v22;
	v23 =	vadd.f32 v24, v23  }
0x49b: {  	v35 =	vor.u32 v63, v30  }
0x49c: {  	v23 =	vadd.f32 v34, v23  }
0x49d: {  	v36 =	vor.u32 v63, v32  }
0x49e: {  	[tilespmem:v28+s14+$0x0] =	vst.idx.msk $0xffff, v23  }
0x49f: {  	v23 =	vld.idx.msk [tilespmem:v33+s23+$0x0], $0xffff  }
0x4a0: {  	v25 =	vld.idx.msk [tilespmem:v35+s23+$0x0], $0xffff;
	_ =	sdelay $0x1  }
0x4a1: {  	v24 =	vld.idx.msk [tilespmem:v36+s23+$0x0], $0xffff;
	_ =	sdelay $0x2  }
0x4a2: {  	v23 =	vmul.f32 v23, v20;
	v25 =	vmul.f32 v25, v21  }
0x4a3: {  	v38 =	vor.u32 $0x2, v27;
	v37 =	vor.u32 v63, v62  }
0x4a4: {  	v39 =	vor.u32 v38, v29;
	v24 =	vmul.f32 v24, v22;
	v23 =	vadd.f32 v25, v23  }
0x4a5: {  	v40 =	vor.u32 v38, v30  }
0x4a6: {  	v23 =	vadd.f32 v24, v23  }
0x4a7: {  	v41 =	vor.u32 v38, v32  }
0x4a8: {  	[tilespmem:v37+s14+$0x0] =	vst.idx.msk $0xffff, v23  }
0x4a9: {  	v23 =	vld.idx.msk [tilespmem:v39+s23+$0x0], $0xffff  }
0x4aa: {  	v25 =	vld.idx.msk [tilespmem:v40+s23+$0x0], $0xffff;
	_ =	sdelay $0x1  }
0x4ab: {  	v24 =	vld.idx.msk [tilespmem:v41+s23+$0x0], $0xffff;
	_ =	sdelay $0x2  }
0x4ac: {  	v23 =	vmul.f32 v23, v20;
	v25 =	vmul.f32 v25, v21  }
0x4ad: {  	v43 =	vor.u32 $0x3, v27;
	v42 =	vor.u32 v38, v62  }
0x4ae: {  	v44 =	vor.u32 v43, v29;
	v24 =	vmul.f32 v24, v22;
	v23 =	vadd.f32 v25, v23  }
0x4af: {  	v45 =	vor.u32 v43, v30  }
0x4b0: {  	v23 =	vadd.f32 v24, v23  }
0x4b1: {  	v46 =	vor.u32 v43, v32  }
0x4b2: {  	[tilespmem:v42+s14+$0x0] =	vst.idx.msk $0xffff, v23  }
0x4b3: {  	v23 =	vld.idx.msk [tilespmem:v44+s23+$0x0], $0xffff  }
0x4b4: {  	v25 =	vld.idx.msk [tilespmem:v45+s23+$0x0], $0xffff;
	_ =	sdelay $0x1  }
0x4b5: {  	v24 =	vld.idx.msk [tilespmem:v46+s23+$0x0], $0xffff;
	_ =	sdelay $0x2  }
0x4b6: {  	v23 =	vmul.f32 v23, v20;
	v25 =	vmul.f32 v25, v21  }
0x4b7: {  	v47 =	vor.u32 $0x4, v27;
	v31 =	vor.u32 v43, v62  }
0x4b8: {  	v48 =	vor.u32 v47, v29;
	v24 =	vmul.f32 v24, v22;
	v23 =	vadd.f32 v25, v23  }
0x4b9: {  	v49 =	vor.u32 v47, v30  }
0x4ba: {  	v23 =	vadd.f32 v24, v23  }
0x4bb: {  	v50 =	vor.u32 v47, v32  }
0x4bc: {  	[tilespmem:v31+s14+$0x0] =	vst.idx.msk $0xffff, v23  }
0x4bd: {  	v23 =	vld.idx.msk [tilespmem:v48+s23+$0x0], $0xffff  }
0x4be: {  	v25 =	vld.idx.msk [tilespmem:v49+s23+$0x0], $0xffff;
	_ =	sdelay $0x1  }
0x4bf: {  	v24 =	vld.idx.msk [tilespmem:v50+s23+$0x0], $0xffff;
	_ =	sdelay $0x2  }
0x4c0: {  	v23 =	vmul.f32 v23, v20;
	v25 =	vmul.f32 v25, v21  }
0x4c1: {  	v51 =	vor.u32 $0x5, v27;
	v28 =	vor.u32 v47, v62  }
0x4c2: {  	v52 =	vor.u32 v51, v29;
	v24 =	vmul.f32 v24, v22;
	v23 =	vadd.f32 v25, v23  }
0x4c3: {  	v53 =	vor.u32 v51, v30  }
0x4c4: {  	v23 =	vadd.f32 v24, v23  }
0x4c5: {  	v54 =	vor.u32 v51, v32  }
0x4c6: {  	[tilespmem:v28+s14+$0x0] =	vst.idx.msk $0xffff, v23  }
0x4c7: {  	v23 =	vld.idx.msk [tilespmem:v52+s23+$0x0], $0xffff  }
0x4c8: {  	v25 =	vld.idx.msk [tilespmem:v53+s23+$0x0], $0xffff;
	_ =	sdelay $0x1  }
0x4c9: {  	v24 =	vld.idx.msk [tilespmem:v54+s23+$0x0], $0xffff;
	_ =	sdelay $0x2  }
0x4ca: {  	v23 =	vmul.f32 v23, v20;
	v25 =	vmul.f32 v25, v21  }
0x4cb: {  	v55 =	vor.u32 $0x6, v27;
	v31 =	vor.u32 v51, v62  }
0x4cc: {  	v56 =	vor.u32 v55, v29;
	v24 =	vmul.f32 v24, v22;
	v23 =	vadd.f32 v25, v23  }
0x4cd: {  	v57 =	vor.u32 v55, v30  }
0x4ce: {  	v23 =	vadd.f32 v24, v23  }
0x4cf: {  	v58 =	vor.u32 v55, v32  }
0x4d0: {  	[tilespmem:v31+s14+$0x0] =	vst.idx.msk $0xffff, v23  }
0x4d1: {  	v23 =	vld.idx.msk [tilespmem:v56+s23+$0x0], $0xffff  }
0x4d2: {  	v25 =	vld.idx.msk [tilespmem:v57+s23+$0x0], $0xffff;
	_ =	sdelay $0x1  }
0x4d3: {  	v24 =	vld.idx.msk [tilespmem:v58+s23+$0x0], $0xffff;
	_ =	sdelay $0x2  }
0x4d4: {  	v23 =	vmul.f32 v23, v20;
	v25 =	vmul.f32 v25, v21  }
0x4d5: {  	v27 =	vor.u32 $0x7, v27;
	v28 =	vor.u32 v55, v62  }
0x4d6: {  	v29 =	vor.u32 v27, v29;
	v24 =	vmul.f32 v24, v22;
	v23 =	vadd.f32 v25, v23  }
0x4d7: {  	v59 =	vor.u32 v27, v30  }
0x4d8: {  	v23 =	vadd.f32 v24, v23  }
0x4d9: {  	v60 =	vor.u32 v27, v32  }
0x4da: {  	[tilespmem:v28+s14+$0x0] =	vst.idx.msk $0xffff, v23  }
0x4db: {  	v23 =	vld.idx.msk [tilespmem:v29+s23+$0x0], $0xffff  }
0x4dc: {  	v25 =	vld.idx.msk [tilespmem:v59+s23+$0x0], $0xffff;
	_ =	sdelay $0x1  }
0x4dd: {  	v24 =	vld.idx.msk [tilespmem:v60+s23+$0x0], $0xffff;
	_ =	sdelay $0x2  }
0x4de: {  	v20 =	vmul.f32 v23, v20;
	v61 =	vmul.f32 v25, v21  }
0x4df: {  	v62 =	vor.u32 v27, v62  }
0x4e0: {  	v63 =	vmul.f32 v24, v22;
	v20 =	vadd.f32 v61, v20;
	_ =	sdelay $0x1  }
0x4e1: {  	s16 =	sadd.s32 $0x1, s16;
	v20 =	vadd.f32 v63, v20  }
0x4e2: {  	s17 =	sshll.u32 s17, $0xA;
	p0 =	sne.s32 s16, $0x8  }
.Ltmp6:
0x4e3: {  	s17 =	sadd.s32 s17, s6;
	[tilespmem:v62+s14+$0x0] =	vst.idx.msk $0xffff, v20;
	(pc) =	sbr.rel @p0 .LBB2_4-.Ltmp6, $4  }
0x4e4: {  	[hbm4b:s17+s2] =	stream.linear.scatter [tilespmem:s14], [sflag:$0x3], $0x2000, $0x38;
	[tilespmem:$0x11600] =	vst v63  }
0x4e5: {  	_ =	swait.ge [sflag:s8], $0x2000  }
0x4e6: {  	[sflag:s8] =	ssyncset.done $0x0  }
0x4e7: {  	[sflag:s8] =	ssyncadd.s32 $0xFFFFE000  }
0x4e8: {  	s16 =	rddreg [dreg:$0x5]  }
0x4e9: {  	s15 =	rddreg [dreg:$0x4];
	s16 =	sadd.s32 $0x1, s16  }
0x4ea: {  	p0 =	sne.s32 s16, s15  }
.Ltmp7:
0x4eb: {  	_ = 	snop;
	(pc) =	sbr.rel @p0 .LBB2_1-.Ltmp7, $1  }
0x4ec: {  	_ =	sdelay $0x3  }
0x4ed: {  	_ =	sfence.sel $0x180000  }
0x4ee: {  	[bflag:$0x0] =	sbarrier.arrive $0xFFFF  }
0x4ef: {  	_ =	strace $0x90000047  }
0x4f0: {  	s0 =	stileid.u32;
	[bflag:$0x2] =	sbarrier.arrive $0xFFFF  }
0x4f1: {  	p0 =	sne.s32 s0, $0x0;
	s0 =	rddreg [dreg:$0x1]  }
0x4f2: {  	s0 =	sadd.s32 @!p0 $0x100000, s0  }
0x4f3: {  	[sflag:s0] =	ssyncadd.tile.s32 @!p0 $0x1;
	_ =	shalt  }
.Lfunc_end2:
_tile_overlayer_lowered:
.L_overlay_start_2:
0x4f4: {  	(tag) =	ssettag $0x2  }
0x4f5: {  	s0 =	rddreg [dreg:$0x0];
	s2 =	stileid.u32  }
0x4f6: {  	s1 =	rddreg [dreg:$0x1];
	p0 =	sne.s32 s2, $0x0  }
0x4f7: {  	s3 =	rddreg [dreg:$0x2];
	[bflag:$0x3] =	sbarrier.arrive $0xFFFF;
	s2 =	simm.s32 @!p0 $0x1C03  }
0x4f8: {  	[timem:s3], [sflag:s2] =	dma.local @!p0 [hbm:s0], s1  }
0x4f9: {  	s0 =	simm.s32 @!p0 $0x3  }
0x4fa: {  	_ =	swait.ge @!p0 [sflag:s0], s1  }
0x4fb: {  	s1 =	ssub.s32 @!p0 $0x0, s1;
	[sflag:s0] =	ssyncset.done @!p0 $0x0  }
0x4fc: {  	[sflag:s0] =	ssyncadd.s32 @!p0 s1  }
0x4fd: {  	[bflag:$0x3] =	sbarrier.arrive $0xFFFF  }
0x4fe: {  	_ =	shalt  }

// kernel: kernel.13.cloned.1.call-start
scs
__scs_entry_jumppad:
0x0: {  	(pc) =	sbr.rel $0x88, $3  }
0x1: {  	(tag) =	ssettag $0x0;
	lr =	simm.s32 $0x1  }
0x2: {  	[smem:$0x3F9A] =	sst lr;
	_ =	strace $0xD0000000  }
0x3: {  	_ = 	snop  }
0x4: {  	_ = 	snop  }
0x5: {  	_ = 	snop  }
0x6: {  	_ = 	snop  }
0x7: {  	_ = 	snop  }
__scs_overlays_trampoline_lowered:
0x8: {  	[smem:$0x3FA9] =	sst s0  }
0x9: {  	[smem:$0x3FAA] =	sst s1  }
0xa: {  	[smem:$0x3FAB] =	sst s2  }
0xb: {  	[smem:$0x3FAC] =	sst s3  }
0xc: {  	[smem:$0x3FAD] =	sst s4  }
0xd: {  	[smem:$0x3FAE] =	sst s5  }
0xe: {  	[smem:$0x3FAF] =	sst s6  }
0xf: {  	[smem:$0x3FB0] =	sst s7  }
0x10: {  	[smem:$0x3FB1] =	sst s8  }
0x11: {  	[smem:$0x3FB2] =	sst s9;
	s0 =	simm.s32 @!p0 $0x0  }
0x12: {  	s1 =	sld [smem:$0x3F98];
	s0 =	simm.s32 @p0 $0x1  }
0x13: {  	[smem:$0x3FB3] =	sst s0;
	s0 =	simm.s32 @!p1 $0x0  }
0x14: {  	s2 =	sld [smem:$0x3F97];
	s0 =	simm.s32 @p1 $0x1  }
0x15: {  	[smem:$0x3FB4] =	sst s0;
	s0 =	simm.s32 @!p2 $0x0  }
0x16: {  	s3 =	sld [smem:$0x3FDB];
	s0 =	simm.s32 @p2 $0x1  }
0x17: {  	s4 =	simm.s32 $0x1BF5;
	[smem:$0x3FB6] =	sst s0  }
0x18: {  	s0 =	sld [smem:$0x3F99];
	_ =	swait.ge [sflag:s4], $0x0  }
0x19: {  	s7 =	sld [smem:$0x3F9A]  }
0x1a: {  	s8 =	sadd.s32 $0xFFFFE003, lr  }
0x1b: {  	s9 =	sadd.s32 $0xFFFFFEF7, lr;
	s5 =	simm.s32 $0xFFFFFFFF;
	p2 =	slt.u32 s8, $0xFFFFF086  }
0x1c: {  	p1 =	slt.u32 s9, $0xF7A;
	s5 =	simm.s32 @!p2 $0x0  }
0x1d: {  	s5 =	simm.s32 @p1 $0x1;
	p0 =	seq.s32 s7, s2  }
0x1e: {  	s7 =	smul.u32 @!p0 $0xF7A, s2;
	p2 =	seq.s32 @!p0 s5, $0x0  }
0x1f: {  	s9 =	smul.u32 $0xF7A, s1;
	s8 =	simm.s32 @!p0 $0x1BF5;
	p2 =	por !p2, p0  }
0x20: {  	[sflag:s8] =	ssyncset.s32 @!p0 $0xFFFFF086;
	s6 =	sadd.s32 @!p0 s3, s7;
	s7 =	simm.s32 @!p0 $0x108  }
0x21: {  	s3 =	sadd.s32 s3, s9;
	s6 =	sadd.s32 @!p0 $0x88, s6;
	s7 =	simm.s32 @p2 $0x1082  }
0x22: {  	[simem:s7], [sflag:s8] =	dma.local @!p0 [hbm:s6], $0xF7A  }
0x23: {  	s9 =	sor.u32 $0xD0000000, s2;
	s6 =	simm.s32 $0x108;
	_ =	swait.ge @!p0 [sflag:s8], $0x0  }
0x24: {  	s3 =	sadd.s32 $0x88, s3;
	s6 =	simm.s32 @!p1 $0x1082;
	[sflag:s4] =	ssyncset.s32 $0xFFFFF086  }
0x25: {  	[simem:s6], [sflag:s4] =	dma.local [hbm:s3], $0xF7A  }
0x26: {  	[smem:$0x3F9A] =	sst s1;
	(tag) =	ssettag s2;
	_ =	strace s9  }
0x27: {  	s1 =	sld [smem:$0x3FAA]  }
0x28: {  	s2 =	sld [smem:$0x3FAB]  }
0x29: {  	s4 =	sld [smem:$0x3FAD]  }
0x2a: {  	p0 =	seq.s32 s5, $0x0;
	s5 =	sld [smem:$0x3FAE]  }
0x2b: {  	s6 =	sld [smem:$0x3FAF]  }
0x2c: {  	s7 =	sld [smem:$0x3FB0]  }
0x2d: {  	s3 =	simm.s32 $0x108;
	s8 =	sld [smem:$0x3FB1]  }
0x2e: {  	s3 =	simm.s32 @!p0 $0x1082;
	s9 =	sld [smem:$0x3FB2]  }
0x2f: {  	lr =	sadd.s32 s0, s3;
	s0 =	sld [smem:$0x3FA9]  }
0x30: {  	s3 =	sld [smem:$0x3FAC]  }
0x31: {  	[smem:$0x3FB5] =	sst s10  }
0x32: {  	s10 =	sld [smem:$0x3FB3];
	_ =	sdelay $0x3  }
0x33: {  	p0 =	seq.s32 s10, $0x1;
	s10 =	sld [smem:$0x3FB5];
	_ =	sdelay $0x3  }
0x34: {  	[smem:$0x3FB5] =	sst s10  }
0x35: {  	s10 =	sld [smem:$0x3FB4];
	_ =	sdelay $0x3  }
0x36: {  	p1 =	seq.s32 s10, $0x1;
	s10 =	sld [smem:$0x3FB5];
	_ =	sdelay $0x3  }
0x37: {  	[smem:$0x3FB5] =	sst s10  }
0x38: {  	s10 =	sld [smem:$0x3FB6]  }
0x39: {  	_ = 	snop;
	(pc) =	sbr.ind lr, $3  }
0x3a: {  	_ = 	snop  }
0x3b: {  	_ = 	snop  }
0x3c: {  	p2 =	seq.s32 s10, $0x1;
	s10 =	sld [smem:$0x3FB5]  }
0x3d: {  	_ =	shalt  }
0x3e: {  	_ =	shalt  }
0x3f: {  	_ =	shalt  }
0x40: {  	_ =	shalt  }
0x41: {  	_ =	shalt  }
0x42: {  	_ =	shalt  }
0x43: {  	_ =	shalt  }
0x44: {  	_ =	shalt  }
0x45: {  	_ =	shalt  }
0x46: {  	_ =	shalt  }
0x47: {  	_ =	shalt  }
0x48: {  	_ =	shalt  }
0x49: {  	_ =	shalt  }
0x4a: {  	_ =	shalt  }
0x4b: {  	_ =	shalt  }
0x4c: {  	_ =	shalt  }
0x4d: {  	_ =	shalt  }
0x4e: {  	_ =	shalt  }
0x4f: {  	_ =	shalt  }
0x50: {  	_ =	shalt  }
0x51: {  	_ =	shalt  }
0x52: {  	_ =	shalt  }
0x53: {  	_ =	shalt  }
0x54: {  	_ =	shalt  }
0x55: {  	_ =	shalt  }
0x56: {  	_ =	shalt  }
0x57: {  	_ =	shalt  }
0x58: {  	_ =	shalt  }
0x59: {  	_ =	shalt  }
0x5a: {  	_ =	shalt  }
0x5b: {  	_ =	shalt  }
0x5c: {  	_ =	shalt  }
0x5d: {  	_ =	shalt  }
0x5e: {  	_ =	shalt  }
0x5f: {  	_ =	shalt  }
0x60: {  	_ =	shalt  }
0x61: {  	_ =	shalt  }
0x62: {  	_ =	shalt  }
0x63: {  	_ =	shalt  }
0x64: {  	_ =	shalt  }
0x65: {  	_ =	shalt  }
0x66: {  	_ =	shalt  }
0x67: {  	_ =	shalt  }
0x68: {  	_ =	shalt  }
0x69: {  	_ =	shalt  }
0x6a: {  	_ =	shalt  }
0x6b: {  	_ =	shalt  }
0x6c: {  	_ =	shalt  }
0x6d: {  	_ =	shalt  }
0x6e: {  	_ =	shalt  }
0x6f: {  	_ =	shalt  }
0x70: {  	_ =	shalt  }
0x71: {  	_ =	shalt  }
0x72: {  	_ =	shalt  }
0x73: {  	_ =	shalt  }
0x74: {  	_ =	shalt  }
0x75: {  	_ =	shalt  }
0x76: {  	_ =	shalt  }
0x77: {  	_ =	shalt  }
0x78: {  	_ =	shalt  }
0x79: {  	_ =	shalt  }
0x7a: {  	_ =	shalt  }
0x7b: {  	_ =	shalt  }
0x7c: {  	_ =	shalt  }
0x7d: {  	_ =	shalt  }
0x7e: {  	_ =	shalt  }
0x7f: {  	_ =	shalt  }
0x80: {  	_ =	shalt  }
0x81: {  	_ =	shalt  }
0x82: {  	_ =	shalt  }
0x83: {  	_ =	shalt  }
0x84: {  	_ =	shalt  }
0x85: {  	_ =	shalt  }
0x86: {  	_ =	shalt  }
0x87: {  	_ =	shalt  }
.Lfunc_end0:
.L_simem_size_0:
called_computation.1_lowered:
.L_overlay_start_0:
0x88: {  	s2 =	sld [smem:$0x3FD9]  }
0x89: {  	s3 =	sld [smem:$0x3FFE];
	_ =	sdelay $0x1  }
0x8a: {  	s1 =	srdreg.scid  }
0x8b: {  	s0 =	sand.u32 $0x1, s1  }
0x8c: {  	s17 =	sshll.u32 s0, $0xA;
	s2 =	sadd.s32 s3, s2  }
0x8d: {  	s2 =	sadd.s32 s2, s17  }
0x8e: {  	[smem:$0x3FC1] =	sst s2  }
0x8f: {  	_ = 	snop  }
0x90: {  	(tm) =	ssettm $0x1  }
0x91: {  	s18 =	sld [smem:$0x3FFB];
	_ =	sdelay $0x3  }
0x92: {  	_ =	strace s18  }
0x93: {  	s2 =	sld [smem:$0x3FFC];
	_ =	sdelay $0x3  }
0x94: {  	_ =	strace s2  }
0x95: {  	s2 =	sld [smem:$0x3FFD];
	_ =	sdelay $0x3  }
0x96: {  	_ =	strace s2  }
0x97: {  	_ =	strace $0x8FFFFFFF  }
0x98: {  	s19 =	sld [smem:$0x3FDB];
	_ =	sdelay $0x1  }
0x99: {  	s20 =	simm.s32 $_scs_section_size  }
0x9a: {  	s4 =	simm.s32 $_size__tile_overlayer_lowered;
	s5 =	simm.s32 $_tile_overlayer_lowered  }
0x9b: {  	s6 =	simm.s32 $0x1BFF;
	s21 =	sshll.u32 s5, $0x1;
	s3 =	sadd.s32 s20, s19  }
0x9c: {  	s22 =	simm.s32 $0x0;
	s4 =	sshll.u32 s4, $0x1;
	s5 =	sadd.s32 s21, s3  }
0x9d: {  	[timem:s22], [sflag:s6] =	dma.local [hbm:s5], s4  }
0x9e: {  	_ =	swait.ge [sflag:s6], s4  }
0x9f: {  	s4 =	ssub.s32 $0x0, s4;
	[sflag:s6] =	ssyncset.done $0x0  }
0xa0: {  	[sflag:s6] =	ssyncadd.s32 s4;
	_ =	sdelay $0x1  }
0xa1: {  	s23 =	simm.s32 $0x1B8B  }
0xa2: {  	_ =	swait.ge [sflag:s23], $0x1  }
0xa3: {  	[sflag:s23] =	ssyncset.done $0x0  }
0xa4: {  	[sflag:s23] =	ssyncadd.s32 $0xFFFFFFFF  }
0xa5: {  	s4 =	sld [smem:$0x0]  }
0xa6: {  	s5 =	sand.u32 $0xFFFFFFFE, s1  }
0xa7: {  	p0 =	sne.s32 s1, s5  }
0xa8: {  	s5 =	sshll.u32 @p0 s5, $0xE  }
0xa9: {  	s5 =	sadd.s32 @p0 $0x11B8D, s5;
	s6 =	sshll.u32 @p0 s4, $0x11  }
0xaa: {  	s5 =	sor.u32 @p0 s6, s5  }
0xab: {  	[sflag:s5] =	ssyncadd.remote.s32 @p0 $0x1;
	_ =	sdelay $0x1  }
0xac: {  	s5 =	simm.s32 @p0 $0x1B8D  }
0xad: {  	_ =	swait.eq @p0 [sflag:s5], $0x1  }
0xae: {  	[sflag:s5] =	ssyncadd.s32 @p0 $0xFFFFFFFF  }
0xaf: {  	s6 =	sshll.u32 @!p0 s1, $0xE  }
0xb0: {  	s6 =	sor.u32 @!p0 $0x4000, s6;
	s5 =	simm.s32 @!p0 $0x1B8D  }
0xb1: {  	s4 =	sshll.u32 @!p0 s4, $0x11;
	s6 =	sadd.s32 @!p0 $0x11B8D, s6;
	_ =	swait.eq @!p0 [sflag:s5], $0x1  }
0xb2: {  	s4 =	sor.u32 @!p0 s4, s6;
	[sflag:s5] =	ssyncadd.s32 @!p0 $0xFFFFFFFF  }
0xb3: {  	s25 =	simm.s32 $0x1B8E;
	s24 =	sld [smem:$0x3FFE];
	[sflag:s4] =	ssyncadd.remote.s32 @!p0 $0x1  }
0xb4: {  	s26 =	simm.s32 $execute0_lowered;
	[smem:$0x3FD2] =	sst s25  }
0xb5: {  	s5 =	sshll.u32 s26, $0x1;
	_ =	strace $0x80000049;
	[dreg:$0x1] =	wrdreg $0xFFFFFFFF  }
0xb6: {  	s28 =	simm.s32 $_size_execute0_lowered;
	s3 =	sadd.s32 s3, s5;
	[dreg:$0x0] =	wrdreg $0x0  }
0xb7: {  	s5 =	sshll.u32 s28, $0x1;
	[dreg:$0x2] =	wrdreg s3  }
0xb8: {  	[dreg:$0x3] =	wrdreg s5  }
0xb9: {  	[dreg:$0x4] =	wrdreg $0xC0  }
0xba: {  	_ =	task [dreg:s22], $0x5FFFF  }
0xbb: {  	[dreg:$0x1] =	wrdreg $0xFFFFFFFF  }
0xbc: {  	[dreg:$0x0] =	wrdreg $0x60  }
0xbd: {  	[dreg:$0x2] =	wrdreg s24  }
0xbe: {  	[dreg:$0x3] =	wrdreg $0xA  }
0xbf: {  	_ =	task.clear_ibuf [dreg:s22], $0x4FFFF;
	_ =	strace $0x90000049  }
0xc0: {  	s29 =	simm.s32 $0xA;
	_ =	strace $0x8000004B  }
0xc1: {  	_ =	swait.ge [sflag:s29], $0x1  }
0xc2: {  	[sflag:s29] =	ssyncadd.s32 $0xFFFFFFFF  }
0xc3: {  	_ =	strace $0x9000004B  }
0xc4: {  	_ =	sfence  }
0xc5: {  	s30 =	sld [smem:$0x0];
	_ =	sdelay $0x2  }
0xc6: {  	s31 =	sshll.u32 s1, $0xD;
	s1 =	sshrl.u32 s1, $0x2  }
0xc7: {  	s4 =	sand.u32 $0x4000, s31;
	s1 =	sadd.s32 s1, s30  }
0xc8: {  	s0 =	sor.u32 s4, s0;
	s1 =	sshll.u32 s1, $0x11  }
0xc9: {  	s0 =	sor.u32 s1, s0  }
0xca: {  	s0 =	sadd.s32 $0x8F2B, s0  }
0xcb: {  	[sflag:s0] =	ssyncadd.remote.s32 $0x1  }
0xcc: {  	_ =	sfence.sel $0xFFFF  }
0xcd: {  	[dreg:$0x0] =	wrdreg $0xFFFFFFFF;
	(pc) =	sbr.abs _section_cstart, $3  }
0xce: {  	[dreg:$0x1] =	wrdreg $0xFFFFFFFF  }
0xcf: {  	_ =	task.clear_ibuf [dreg:s22], $0x2FFFF;
	_ =	strace $0x9FFFFFFF  }
0xd0: {  	(tm) =	ssettm $0x7FFFFFFF  }
0xd1: {  	_ =	shalt  }
tec
execute0_lowered:
.L_overlay_start_1:
0x0: {  	(tag) =	ssettag $0x1  }
0x1: {  	v8 =	vlaneseq.u32;
	vm0 =	vmmov $0xffff  }
0x2: {  	v9 =	vimm.s32 $0x2A80;
	vm15 =	vcmask $0x300;
	vm14 =	vcmask $0x704  }
0x3: {  	v10 =	vimm.s32 $0x2B00;
	vm13 =	vcmask $0xB08;
	vm12 =	vcmask $0xF0C  }
0x4: {  	vm11 =	vcmask $0x1310;
	vm10 =	vcmask $0x1714;
	vm9 =	vcmask $0x1B18  }
0x5: {  	vm8 =	vcmask $0x1F1C;
	vm7 =	vcmask $0x2320;
	vm6 =	vcmask $0x2724  }
0x6: {  	vm5 =	vcmask $0x2B28;
	vm4 =	vcmask $0x2F2C;
	vm3 =	vcmask $0x3330  }
0x7: {  	vm2 =	vcmask $0x3734;
	vm1 =	vcmask $0x3B38;
	v11 =	vimm.s32 $0x2B80  }
0x8: {  	v12 =	vimm.s32 $0xB80;
	v13 =	vimm.s32 $0x5A80;
	v17 =	vimm.s32 $0x5B00  }
0x9: {  	v18 =	vimm.s32 $0x5B80;
	v19 =	vimm.s32 $0x1B80;
	v0 =	vmul.u32 $0x4, v8  }
0xa: {  	v1 =	vmul.u32 $0x3, v8;
	v7 =	vshrl.u32 v8, $0x3;
	v6 =	vand.u32 $0x7, v8  }
0xb: {  	v8 =	vor.u32 $0x8, v8;
	v9 =	vsel vm15, $0x0, v9;
	v10 =	vsel vm15, $0x80, v10  }
0xc: {  	v11 =	vsel vm15, $0x100, v11;
	v12 =	vsel vm15, $0x0, v12;
	v13 =	vsel vm15, $0x3000, v13  }
0xd: {  	v17 =	vsel vm15, $0x3080, v17;
	v18 =	vsel vm15, $0x3100, v18;
	v19 =	vsel vm15, $0x1000, v19  }
0xe: {  	v7 =	vmul.u32 $0x8, v7;
	v9 =	vsel vm14, $0x180, v9;
	v10 =	vsel vm14, $0x200, v10  }
0xf: {  	v11 =	vsel vm14, $0x280, v11;
	v12 =	vsel vm14, $0x80, v12;
	v13 =	vsel vm14, $0x3180, v13  }
0x10: {  	v17 =	vsel vm14, $0x3200, v17;
	v18 =	vsel vm14, $0x3280, v18;
	v19 =	vsel vm14, $0x1080, v19  }
0x11: {  	v2 =	vor.u32 $0x1, v0;
	v3 =	vadd.s32 $0x1, v1;
	v4 =	vor.u32 $0x2, v0  }
0x12: {  	v5 =	vadd.s32 $0x2, v1;
	v9 =	vsel vm13, $0x300, v9;
	v10 =	vsel vm13, $0x380, v10  }
0x13: {  	v11 =	vsel vm13, $0x800, v11;
	v12 =	vsel vm13, $0x100, v12;
	v13 =	vsel vm13, $0x3300, v13  }
0x14: {  	v15 =	vor.u32 $0x42, v0;
	v17 =	vsel vm13, $0x3380, v17;
	v18 =	vsel vm13, $0x3800, v18  }
0x15: {  	v19 =	vsel vm13, $0x1100, v19;
	v9 =	vsel vm12, $0x880, v9;
	v10 =	vsel vm12, $0x900, v10  }
0x16: {  	v11 =	vsel vm12, $0x980, v11;
	v12 =	vsel vm12, $0x180, v12;
	v13 =	vsel vm12, $0x3880, v13  }
0x17: {  	v17 =	vsel vm12, $0x3900, v17;
	v18 =	vsel vm12, $0x3980, v18;
	v19 =	vsel vm12, $0x1180, v19  }
0x18: {  	v9 =	vsel vm11, $0xA00, v9;
	v10 =	vsel vm11, $0xA80, v10;
	v11 =	vsel vm11, $0xB00, v11  }
0x19: {  	v12 =	vsel vm11, $0x200, v12;
	v13 =	vsel vm11, $0x3A00, v13;
	v17 =	vsel vm11, $0x3A80, v17  }
0x1a: {  	v18 =	vsel vm11, $0x3B00, v18;
	v19 =	vsel vm11, $0x1200, v19;
	v9 =	vsel vm10, $0xB80, v9  }
0x1b: {  	v10 =	vsel vm10, $0x1000, v10;
	v11 =	vsel vm10, $0x1080, v11;
	v12 =	vsel vm10, $0x280, v12  }
0x1c: {  	v13 =	vsel vm10, $0x3B80, v13;
	v17 =	vsel vm10, $0x4000, v17;
	v18 =	vsel vm10, $0x4080, v18  }
0x1d: {  	v19 =	vsel vm10, $0x1280, v19;
	v9 =	vsel vm9, $0x1100, v9;
	v10 =	vsel vm9, $0x1180, v10  }
0x1e: {  	v11 =	vsel vm9, $0x1200, v11;
	v12 =	vsel vm9, $0x300, v12;
	v13 =	vsel vm9, $0x4100, v13  }
0x1f: {  	v17 =	vsel vm9, $0x4180, v17;
	v18 =	vsel vm9, $0x4200, v18;
	v19 =	vsel vm9, $0x1300, v19  }
0x20: {  	v9 =	vsel vm8, $0x1280, v9;
	v10 =	vsel vm8, $0x1300, v10;
	v11 =	vsel vm8, $0x1380, v11  }
0x21: {  	v12 =	vsel vm8, $0x380, v12;
	v13 =	vsel vm8, $0x4280, v13;
	v17 =	vsel vm8, $0x4300, v17  }
0x22: {  	v18 =	vsel vm8, $0x4380, v18;
	v19 =	vsel vm8, $0x1380, v19;
	v9 =	vsel vm7, $0x1800, v9  }
0x23: {  	v10 =	vsel vm7, $0x1880, v10;
	v11 =	vsel vm7, $0x1900, v11;
	v12 =	vsel vm7, $0x800, v12  }
0x24: {  	v13 =	vsel vm7, $0x4800, v13;
	v17 =	vsel vm7, $0x4880, v17;
	v18 =	vsel vm7, $0x4900, v18  }
0x25: {  	v19 =	vsel vm7, $0x1800, v19;
	v9 =	vsel vm6, $0x1980, v9;
	v10 =	vsel vm6, $0x1A00, v10  }
0x26: {  	s0 =	rddreg [dreg:$0x0];
	s1 =	simm.s32 $0x0;
	s2 =	srdreg.scid;
	v11 =	vsel vm6, $0x1A80, v11;
	v12 =	vsel vm6, $0x880, v12;
	v13 =	vsel vm6, $0x4980, v13  }
0x27: {  	s3 =	stileid.u32;
	s8 =	simm.s32 $0x3;
	s9 =	simm.s32 $0x800;
	v17 =	vsel vm6, $0x4A00, v17;
	v18 =	vsel vm6, $0x4A80, v18;
	v19 =	vsel vm6, $0x1880, v19  }
0x28: {  	s10 =	simm.s32 $0x1000;
	s11 =	simm.s32 $0x1600;
	s20 =	simm.s32 $0x5E00;
	v9 =	vsel vm5, $0x1B00, v9;
	v10 =	vsel vm5, $0x1B80, v10;
	v11 =	vsel vm5, $0x2000, v11  }
0x29: {  	s21 =	simm.s32 $0x6600;
	s22 =	simm.s32 $0x6E00;
	s23 =	simm.s32 $0x7600;
	v12 =	vsel vm5, $0x900, v12;
	v13 =	vsel vm5, $0x4B00, v13;
	v17 =	vsel vm5, $0x4B80, v17  }
0x2a: {  	s28 =	simm.s32 $0x9600;
	s29 =	simm.s32 $0x9E00;
	s30 =	simm.s32 $0xA600;
	v18 =	vsel vm5, $0x5000, v18;
	v19 =	vsel vm5, $0x1900, v19;
	v9 =	vsel vm4, $0x2080, v9  }
0x2b: {  	s31 =	simm.s32 $0xAE00;
	s7 =	simm.s32 $0x1;
	s12 =	simm.s32 $0xD600;
	v10 =	vsel vm4, $0x2100, v10;
	v11 =	vsel vm4, $0x2180, v11;
	v12 =	vsel vm4, $0x980, v12  }
0x2c: {  	s13 =	simm.s32 $0x2;
	s14 =	simm.s32 $0xF600;
	s16 =	simm.s32 $0x0;
	v13 =	vsel vm4, $0x5080, v13;
	v17 =	vsel vm4, $0x5100, v17;
	v18 =	vsel vm4, $0x5180, v18  }
0x2d: {  	[smem:$0x7FF] =	sst s1;
	s2 =	sand.u32 $0x1, s2;
	s4 =	sshll.u32 s3, $0x1;
	v19 =	vsel vm4, $0x1980, v19;
	v9 =	vsel vm3, $0x2200, v9;
	v10 =	vsel vm3, $0x2280, v10  }
0x2e: {  	s3 =	sadd.s32 $0x2E00, s0;
	_ =	strace $0x8000004A;
	s4 =	sor.u32 s2, s4;
	v11 =	vsel vm3, $0x2300, v11;
	v12 =	vsel vm3, $0xA00, v12;
	v14 =	vsel vm3, $0x5200, v13  }
0x2f: {  	s2 =	ssub.s32 $0x2, s2;
	s5 =	sshll.u32 s4, $0x8;
	s4 =	sshll.u32 s4, $0xE;
	v13 =	vor.u32 $0x40, v0;
	v17 =	vsel vm3, $0x5280, v17;
	v18 =	vsel vm3, $0x5300, v18  }
0x30: {  	s6 =	sshrl.u32 s2, $0x1;
	s5 =	sadd.s32 s5, s0;
	s0 =	sadd.s32 s4, s0;
	v19 =	vsel vm3, $0x1A00, v19;
	v9 =	vsel vm2, $0x2380, v9;
	v10 =	vsel vm2, $0x2800, v10  }
0x31: {  	s2 =	ssub.s32 s2, s6;
	s4 =	simm.s32 $0xC600;
	s24 =	sadd.s32 $0x22E00, s5;
	v11 =	vsel vm2, $0x2880, v11;
	v12 =	vsel vm2, $0xA80, v12;
	v16 =	vsel vm2, $0x5380, v14  }
0x32: {  	s25 =	sadd.s32 $0x24E00, s5;
	s6 =	sadd.s32 $0x66E00, s0;
	[dreg:$0x2] =	wrdreg s24;
	v14 =	vor.u32 $0x41, v0;
	v17 =	vsel vm2, $0x5800, v17;
	v18 =	vsel vm2, $0x5880, v18  }
0x33: {  	s26 =	smax.u32 s2, $0x1;
	s0 =	simm.s32 $0xB600;
	[dreg:$0x3] =	wrdreg s25;
	v19 =	vsel vm2, $0x1A80, v19;
	v9 =	vsel vm1, $0x2900, v9;
	v10 =	vsel vm1, $0x2980, v10  }
0x34: {  	s2 =	simm.s32 $0xBE00;
	s5 =	simm.s32 $0xCE00;
	[dreg:$0x4] =	wrdreg s26;
	v11 =	vsel vm1, $0x2A00, v11;
	v12 =	vsel vm1, $0xB00, v12;
	v16 =	vsel vm1, $0x5900, v16  }
0x35: {  	s24 =	simm.s32 $0x7E00;
	s25 =	simm.s32 $0x8600;
	s26 =	simm.s32 $0x8E00;
	v17 =	vsel vm1, $0x5980, v17;
	v18 =	vsel vm1, $0x5A00, v18;
	v19 =	vsel vm1, $0x1B00, v19  }
.LBB2_1:
0x36: {  	[dreg:$0x5] =	wrdreg s16  }
0x37: {  	s15 =	rddreg [dreg:$0x2]  }
0x38: {  	[tilespmem:s1], [sflag:$0x3] =	stream.linear.gather [hbm4b:s15+s1], $0x800, $0x38;
	[tilespmem:$0x11600] =	vst v63  }
0x39: {  	_ =	swait.ge [sflag:s8], $0x800  }
0x3a: {  	[sflag:s8] =	ssyncset.done $0x0  }
0x3b: {  	v20 =	vor.u32 s1, v0;
	s19 =	rddreg [dreg:$0x3];
	[sflag:s8] =	ssyncadd.s32 $0xFFFFF800  }
0x3c: {  	[tilespmem:s9], [sflag:$0x3] =	stream.linear.gather [hbm4b:s19+s1], $0x800, $0x38;
	[tilespmem:$0x11600] =	vst v63  }
0x3d: {  	_ =	swait.ge [sflag:s8], $0x800  }
0x3e: {  	[sflag:s8] =	ssyncset.done $0x0  }
0x3f: {  	[sflag:s8] =	ssyncadd.s32 $0xFFFFF800  }
0x40: {  	v21 =	vadd.s32 s1, v1;
	v20 =	vld.idx.msk [tilespmem:v20+s1+$0x0], $0xffff  }
0x41: {  	v22 =	vor.u32 s1, v2;
	_ =	sdelay $0x3  }
0x42: {  	[tilespmem:v21+s10+$0x0] =	vst.idx.msk $0xffff, v20  }
0x43: {  	v21 =	vadd.s32 s1, v3;
	v20 =	vld.idx.msk [tilespmem:v22+s1+$0x0], $0xffff  }
0x44: {  	v22 =	vor.u32 s1, v4;
	_ =	sdelay $0x3  }
0x45: {  	[tilespmem:v21+s10+$0x0] =	vst.idx.msk $0xffff, v20  }
0x46: {  	s15 =	simm.s32 $0x40;
	v20 =	vld.idx.msk [tilespmem:v22+s1+$0x0], $0xffff;
	v22 =	vadd.s32 s1, v5  }
0x47: {  	s17 =	simm.s32 $0x80;
	s16 =	simm.s32 $0x0;
	v21 =	vor.u32 s15, v0  }
.LBB2_2:
0x48: {  	p0 =	sne.s32 s17, $0x7C0;
	_ =	sdelay $0x2  }
0x49: {  	[tilespmem:v22+s10+$0x0] =	vst.idx.msk $0xffff, v20  }
0x4a: {  	s16 =	sadd.s32 $0x30, s16;
	v20 =	vld.idx.msk [tilespmem:v21+s1+$0x0], $0xffff  }
0x4b: {  	v21 =	vadd.s32 s16, v1  }
0x4c: {  	v22 =	vor.u32 s15, v2;
	_ =	sdelay $0x3  }
0x4d: {  	[tilespmem:v21+s10+$0x0] =	vst.idx.msk $0xffff, v20  }
0x4e: {  	v20 =	vld.idx.msk [tilespmem:v22+s1+$0x0], $0xffff  }
0x4f: {  	v21 =	vadd.s32 s16, v3  }
0x50: {  	v22 =	vor.u32 s15, v4;
	s15 =	smov.u32 s17;
	_ =	sdelay $0x2  }
.Ltmp0:
0x51: {  	(pc) =	sbr.rel @p0 .LBB2_2-.Ltmp0, $4  }
0x52: {  	[tilespmem:v21+s10+$0x0] =	vst.idx.msk $0xffff, v20  }
0x53: {  	v20 =	vld.idx.msk [tilespmem:v22+s1+$0x0], $0xffff  }
0x54: {  	v22 =	vadd.s32 s16, v5  }
0x55: {  	s17 =	sadd.s32 $0x40, s17;
	v21 =	vor.u32 s15, v0  }
0x56: {  	_ =	sdelay $0x3  }
0x57: {  	s16 =	sadd.s32 $0x30, s16;
	[tilespmem:v22+s10+$0x0] =	vst.idx.msk $0xffff, v20  }
0x58: {  	v53 =	vadd.s32 s16, v1;
	v20 =	vld.idx.msk [tilespmem:v21+s1+$0x0], $0xffff  }
0x59: {  	v54 =	vor.u32 s15, v2;
	_ =	sdelay $0x3  }
0x5a: {  	[tilespmem:v53+s10+$0x0] =	vst.idx.msk $0xffff, v20  }
0x5b: {  	v55 =	vadd.s32 s16, v3;
	v20 =	vld.idx.msk [tilespmem:v54+s1+$0x0], $0xffff  }
0x5c: {  	v56 =	vor.u32 s15, v4;
	_ =	sdelay $0x3  }
0x5d: {  	[tilespmem:v55+s10+$0x0] =	vst.idx.msk $0xffff, v20  }
0x5e: {  	v57 =	vadd.s32 s16, v5;
	v20 =	vld.idx.msk [tilespmem:v56+s1+$0x0], $0xffff;
	_ =	sdelay $0x4  }
0x5f: {  	[tilespmem:v57+s10+$0x0] =	vst.idx.msk $0xffff, v20  }
0x60: {  	v20 =	vld [tilespmem:$0x1000];
	_ =	sdelay $0x4  }
0x61: {  	v58 =	vshll.u32 v20, $0x1  }
0x62: {  	v20 =	vand.u32 $0x7, v20;
	v21 =	vand.u32 $0xFFFFFFF0, v58  }
0x63: {  	v20 =	vor.u32 v20, v21  }
0x64: {  	v21 =	vperm.xlane v20, v6;
	_ =	sdelay $0x1  }
0x65: {  	v20 =	vperm.xlane v20, v8;
	v21 =	vadd.s32 v7, v21;
	_ =	sdelay $0x1  }
0x66: {  	v20 =	vadd.s32 v7, v20;
	_ =	sdelay $0x1  }
0x67: {  	s15 =	simm.s32 $0x0  }
0x68: {  	[tilespmem:s11], [sflag:$0x1] =	stream.indirect_vreg.gather [hbm4b:s3+s15], $0x80, v21, vm0, $0xb8;
	[tilespmem:$0x11600] =	vst v63  }
0x69: {  	s18 =	simm.s32 $0x1E00  }
0x6a: {  	[tilespmem:s18], [sflag:$0x1] =	stream.indirect_vreg.gather [hbm4b:s3+s15], $0x80, v20, vm0, $0xb8;
	[tilespmem:$0x11600] =	vst v63  }
0x6b: {  	v20 =	vld [tilespmem:$0x1010];
	_ =	sdelay $0x4  }
0x6c: {  	v59 =	vshll.u32 v20, $0x1  }
0x6d: {  	v20 =	vand.u32 $0x7, v20;
	v21 =	vand.u32 $0xFFFFFFF0, v59  }
0x6e: {  	v20 =	vor.u32 v20, v21  }
0x6f: {  	v21 =	vperm.xlane v20, v6;
	_ =	sdelay $0x1  }
0x70: {  	v20 =	vperm.xlane v20, v8;
	v21 =	vadd.s32 v7, v21;
	_ =	sdelay $0x1  }
0x71: {  	v20 =	vadd.s32 v7, v20;
	_ =	sdelay $0x1  }
0x72: {  	s19 =	simm.s32 $0x2600  }
0x73: {  	[tilespmem:s19], [sflag:$0x1] =	stream.indirect_vreg.gather [hbm4b:s3+s15], $0x80, v21, vm0, $0xb8;
	[tilespmem:$0x11600] =	vst v63  }
0x74: {  	s17 =	simm.s32 $0x2E00  }
0x75: {  	[tilespmem:s17], [sflag:$0x1] =	stream.indirect_vreg.gather [hbm4b:s3+s15], $0x80, v20, vm0, $0xb8;
	[tilespmem:$0x11600] =	vst v63  }
0x76: {  	v20 =	vld [tilespmem:$0x1020];
	_ =	sdelay $0x4  }
0x77: {  	v60 =	vshll.u32 v20, $0x1  }
0x78: {  	v20 =	vand.u32 $0x7, v20;
	v21 =	vand.u32 $0xFFFFFFF0, v60  }
0x79: {  	v20 =	vor.u32 v20, v21  }
0x7a: {  	v21 =	vperm.xlane v20, v6;
	_ =	sdelay $0x1  }
0x7b: {  	v20 =	vperm.xlane v20, v8;
	v21 =	vadd.s32 v7, v21;
	_ =	sdelay $0x1  }
0x7c: {  	v20 =	vadd.s32 v7, v20;
	_ =	sdelay $0x1  }
0x7d: {  	s18 =	simm.s32 $0x3600  }
0x7e: {  	[tilespmem:s18], [sflag:$0x1] =	stream.indirect_vreg.gather [hbm4b:s3+s15], $0x80, v21, vm0, $0xb8;
	[tilespmem:$0x11600] =	vst v63  }
0x7f: {  	s19 =	simm.s32 $0x3E00  }
0x80: {  	[tilespmem:s19], [sflag:$0x1] =	stream.indirect_vreg.gather [hbm4b:s3+s15], $0x80, v20, vm0, $0xb8;
	[tilespmem:$0x11600] =	vst v63  }
0x81: {  	v20 =	vld [tilespmem:$0x1030];
	_ =	sdelay $0x4  }
0x82: {  	v61 =	vshll.u32 v20, $0x1  }
0x83: {  	v20 =	vand.u32 $0x7, v20;
	v21 =	vand.u32 $0xFFFFFFF0, v61  }
0x84: {  	v20 =	vor.u32 v20, v21  }
0x85: {  	v21 =	vperm.xlane v20, v6;
	_ =	sdelay $0x1  }
0x86: {  	v20 =	vperm.xlane v20, v8;
	v21 =	vadd.s32 v7, v21;
	_ =	sdelay $0x1  }
0x87: {  	v20 =	vadd.s32 v7, v20;
	_ =	sdelay $0x1  }
0x88: {  	s17 =	simm.s32 $0x4600  }
0x89: {  	[tilespmem:s17], [sflag:$0x1] =	stream.indirect_vreg.gather [hbm4b:s3+s15], $0x80, v21, vm0, $0xb8;
	[tilespmem:$0x11600] =	vst v63  }
0x8a: {  	s18 =	simm.s32 $0x4E00  }
0x8b: {  	[tilespmem:s18], [sflag:$0x1] =	stream.indirect_vreg.gather [hbm4b:s3+s15], $0x80, v20, vm0, $0xb8;
	[tilespmem:$0x11600] =	vst v63  }
0x8c: {  	v20 =	vld [tilespmem:$0x1040];
	_ =	sdelay $0x4  }
0x8d: {  	v62 =	vshll.u32 v20, $0x1  }
0x8e: {  	v20 =	vand.u32 $0x7, v20;
	v21 =	vand.u32 $0xFFFFFFF0, v62  }
0x8f: {  	v20 =	vor.u32 v20, v21  }
0x90: {  	v21 =	vperm.xlane v20, v6;
	_ =	sdelay $0x1  }
0x91: {  	v20 =	vperm.xlane v20, v8;
	v21 =	vadd.s32 v7, v21;
	_ =	sdelay $0x1  }
0x92: {  	v20 =	vadd.s32 v7, v20;
	_ =	sdelay $0x1  }
0x93: {  	s19 =	simm.s32 $0x5600  }
0x94: {  	[tilespmem:s19], [sflag:$0x1] =	stream.indirect_vreg.gather [hbm4b:s3+s15], $0x80, v21, vm0, $0xb8;
	[tilespmem:$0x11600] =	vst v63  }
0x95: {  	_ = 	snop  }
0x96: {  	[tilespmem:s20], [sflag:$0x1] =	stream.indirect_vreg.gather [hbm4b:s3+s15], $0x80, v20, vm0, $0xb8;
	[tilespmem:$0x11600] =	vst v63  }
0x97: {  	v20 =	vld [tilespmem:$0x1050];
	_ =	sdelay $0x4  }
0x98: {  	v63 =	vshll.u32 v20, $0x1  }
0x99: {  	v20 =	vand.u32 $0x7, v20;
	v21 =	vand.u32 $0xFFFFFFF0, v63  }
0x9a: {  	v20 =	vor.u32 v20, v21  }
0x9b: {  	v21 =	vperm.xlane v20, v6;
	_ =	sdelay $0x1  }
0x9c: {  	v20 =	vperm.xlane v20, v8;
	v21 =	vadd.s32 v7, v21;
	_ =	sdelay $0x1  }
0x9d: {  	v20 =	vadd.s32 v7, v20;
	_ =	sdelay $0x2  }
0x9e: {  	[tilespmem:s21], [sflag:$0x1] =	stream.indirect_vreg.gather [hbm4b:s3+s15], $0x80, v21, vm0, $0xb8;
	[tilespmem:$0x11600] =	vst v63  }
0x9f: {  	s16 =	simm.s32 $0x0  }
0xa0: {  	[tilespmem:s22], [sflag:$0x1] =	stream.indirect_vreg.gather [hbm4b:s3+s15], $0x80, v20, vm0, $0xb8;
	[tilespmem:$0x11600] =	vst v63  }
.LBB2_4:
0xa1: {  	s17 =	sshllo.u32 s16, $0x1  }
0xa2: {  	s18 =	smul.u32 $0x180, s17;
	_ =	sdelay $0x1  }
0xa3: {  	s18 =	sshra.s32 s18, $0x2  }
0xa4: {  	v20 =	vld [tilespmem:s18+$0x1000];
	_ =	sdelay $0x4  }
0xa5: {  	v21 =	vshll.u32 v20, $0x1  }
0xa6: {  	v20 =	vand.u32 $0x7, v20;
	v21 =	vand.u32 $0xFFFFFFF0, v21  }
0xa7: {  	v20 =	vor.u32 v20, v21  }
0xa8: {  	v21 =	vperm.xlane v20, v6;
	_ =	sdelay $0x1  }
0xa9: {  	v20 =	vperm.xlane v20, v8;
	v21 =	vadd.s32 v7, v21;
	_ =	sdelay $0x1  }
0xaa: {  	v20 =	vadd.s32 v7, v20;
	_ =	sdelay $0x2  }
0xab: {  	[tilespmem:s23], [sflag:$0x2] =	stream.indirect_vreg.gather [hbm4b:s3+s15], $0x80, v21, vm0, $0xb8;
	[tilespmem:$0x11600] =	vst v63  }
0xac: {  	_ = 	snop  }
0xad: {  	[tilespmem:s24], [sflag:$0x2] =	stream.indirect_vreg.gather [hbm4b:s3+s15], $0x80, v20, vm0, $0xb8;
	[tilespmem:$0x11600] =	vst v63  }
0xae: {  	v20 =	vld [tilespmem:s18+$0x1010];
	_ =	sdelay $0x4  }
0xaf: {  	v21 =	vshll.u32 v20, $0x1  }
0xb0: {  	v20 =	vand.u32 $0x7, v20;
	v21 =	vand.u32 $0xFFFFFFF0, v21  }
0xb1: {  	v20 =	vor.u32 v20, v21  }
0xb2: {  	v21 =	vperm.xlane v20, v6;
	_ =	sdelay $0x1  }
0xb3: {  	v20 =	vperm.xlane v20, v8;
	v21 =	vadd.s32 v7, v21;
	_ =	sdelay $0x1  }
0xb4: {  	v20 =	vadd.s32 v7, v20;
	_ =	sdelay $0x2  }
0xb5: {  	[tilespmem:s25], [sflag:$0x2] =	stream.indirect_vreg.gather [hbm4b:s3+s15], $0x80, v21, vm0, $0xb8;
	[tilespmem:$0x11600] =	vst v63  }
0xb6: {  	_ = 	snop  }
0xb7: {  	[tilespmem:s26], [sflag:$0x2] =	stream.indirect_vreg.gather [hbm4b:s3+s15], $0x80, v20, vm0, $0xb8;
	[tilespmem:$0x11600] =	vst v63  }
0xb8: {  	v20 =	vld [tilespmem:s18+$0x1020];
	_ =	sdelay $0x4  }
0xb9: {  	v21 =	vshll.u32 v20, $0x1  }
0xba: {  	v20 =	vand.u32 $0x7, v20;
	v21 =	vand.u32 $0xFFFFFFF0, v21  }
0xbb: {  	v20 =	vor.u32 v20, v21  }
0xbc: {  	v21 =	vperm.xlane v20, v6;
	_ =	sdelay $0x1  }
0xbd: {  	v20 =	vperm.xlane v20, v8;
	v21 =	vadd.s32 v7, v21;
	_ =	sdelay $0x1  }
0xbe: {  	v20 =	vadd.s32 v7, v20;
	_ =	sdelay $0x2  }
0xbf: {  	[tilespmem:s28], [sflag:$0x2] =	stream.indirect_vreg.gather [hbm4b:s3+s15], $0x80, v21, vm0, $0xb8;
	[tilespmem:$0x11600] =	vst v63  }
0xc0: {  	_ = 	snop  }
0xc1: {  	[tilespmem:s29], [sflag:$0x2] =	stream.indirect_vreg.gather [hbm4b:s3+s15], $0x80, v20, vm0, $0xb8;
	[tilespmem:$0x11600] =	vst v63  }
0xc2: {  	v20 =	vld [tilespmem:s18+$0x1030];
	_ =	sdelay $0x4  }
0xc3: {  	v21 =	vshll.u32 v20, $0x1  }
0xc4: {  	v20 =	vand.u32 $0x7, v20;
	v21 =	vand.u32 $0xFFFFFFF0, v21  }
0xc5: {  	v20 =	vor.u32 v20, v21  }
0xc6: {  	v21 =	vperm.xlane v20, v6;
	_ =	sdelay $0x1  }
0xc7: {  	v20 =	vperm.xlane v20, v8;
	v21 =	vadd.s32 v7, v21;
	_ =	sdelay $0x1  }
0xc8: {  	v20 =	vadd.s32 v7, v20;
	_ =	sdelay $0x2  }
0xc9: {  	[tilespmem:s30], [sflag:$0x2] =	stream.indirect_vreg.gather [hbm4b:s3+s15], $0x80, v21, vm0, $0xb8;
	[tilespmem:$0x11600] =	vst v63  }
0xca: {  	_ = 	snop  }
0xcb: {  	[tilespmem:s31], [sflag:$0x2] =	stream.indirect_vreg.gather [hbm4b:s3+s15], $0x80, v20, vm0, $0xb8;
	[tilespmem:$0x11600] =	vst v63  }
0xcc: {  	v20 =	vld [tilespmem:s18+$0x1040];
	_ =	sdelay $0x4  }
0xcd: {  	v21 =	vshll.u32 v20, $0x1  }
0xce: {  	v20 =	vand.u32 $0x7, v20;
	v21 =	vand.u32 $0xFFFFFFF0, v21  }
0xcf: {  	v20 =	vor.u32 v20, v21  }
0xd0: {  	v21 =	vperm.xlane v20, v6;
	_ =	sdelay $0x1  }
0xd1: {  	v20 =	vperm.xlane v20, v8;
	v21 =	vadd.s32 v7, v21;
	_ =	sdelay $0x1  }
0xd2: {  	v20 =	vadd.s32 v7, v20;
	_ =	sdelay $0x2  }
0xd3: {  	[tilespmem:s0], [sflag:$0x2] =	stream.indirect_vreg.gather [hbm4b:s3+s15], $0x80, v21, vm0, $0xb8;
	[tilespmem:$0x11600] =	vst v63  }
0xd4: {  	_ = 	snop  }
0xd5: {  	[tilespmem:s2], [sflag:$0x2] =	stream.indirect_vreg.gather [hbm4b:s3+s15], $0x80, v20, vm0, $0xb8;
	[tilespmem:$0x11600] =	vst v63  }
0xd6: {  	v20 =	vld [tilespmem:s18+$0x1050];
	_ =	sdelay $0x4  }
0xd7: {  	v21 =	vshll.u32 v20, $0x1  }
0xd8: {  	v20 =	vand.u32 $0x7, v20;
	v21 =	vand.u32 $0xFFFFFFF0, v21  }
0xd9: {  	v20 =	vor.u32 v20, v21  }
0xda: {  	v21 =	vperm.xlane v20, v6;
	_ =	sdelay $0x1  }
0xdb: {  	v21 =	vadd.s32 v7, v21  }
0xdc: {  	v20 =	vperm.xlane v20, v8;
	_ =	sdelay $0x1  }
0xdd: {  	v20 =	vadd.s32 v7, v20;
	_ =	sdelay $0x1  }
0xde: {  	[tilespmem:s4], [sflag:$0x2] =	stream.indirect_vreg.gather [hbm4b:s3+s15], $0x80, v21, vm0, $0xb8;
	v21 =	vmov s15;
	[tilespmem:$0x11600] =	vst v63  }
0xdf: {  	s19 =	sshll.u32 s16, $0x8;
	v22 =	vshll.u32 v21, $0x3  }
0xe0: {  	v23 =	vor.u32 s19, v0;
	v24 =	vand.u32 $0x400, v22  }
0xe1: {  	v25 =	vand.u32 $0x78, v21;
	[tilespmem:s5], [sflag:$0x2] =	stream.indirect_vreg.gather [hbm4b:s3+s15], $0x80, v20, vm0, $0xb8;
	v22 =	vor.u32 s19, v2;
	v26 =	vor.u32 v9, v24;
	[tilespmem:$0x11600] =	vst v63  }
0xe2: {  	_ =	swait.ge [sflag:s7], $0x6000;
	v27 =	vor.u32 v10, v24;
	v28 =	vor.u32 v25, v26  }
0xe3: {  	[sflag:s7] =	ssyncset.done $0x0;
	v29 =	vor.u32 v25, v27  }
0xe4: {  	v30 =	vor.u32 s19, v4;
	v31 =	vor.u32 v11, v24;
	[sflag:s7] =	ssyncadd.s32 $0xFFFFA000  }
0xe5: {  	v20 =	vld.idx.msk [tilespmem:v23+s9+$0x0], $0xffff;
	v23 =	vor.u32 v25, v31  }
0xe6: {  	v21 =	vld.idx.msk [tilespmem:v22+s9+$0x0], $0xffff  }
0xe7: {  	v28 =	vld.idx.msk [tilespmem:v28+s11+$0x0], $0xffff  }
0xe8: {  	v29 =	vld.idx.msk [tilespmem:v29+s11+$0x0], $0xffff  }
0xe9: {  	v22 =	vld.idx.msk [tilespmem:v30+s9+$0x0], $0xffff  }
0xea: {  	v23 =	vld.idx.msk [tilespmem:v23+s11+$0x0], $0xffff;
	_ =	sdelay $0x2  }
0xeb: {  	v24 =	vor.u32 v12, v24;
	v28 =	vmul.f32 v28, v20;
	v29 =	vmul.f32 v29, v21  }
0xec: {  	v32 =	vor.u32 $0x1, v25;
	v50 =	vor.u32 v25, v24  }
0xed: {  	v33 =	vor.u32 v32, v26;
	v28 =	vadd.f32 v29, v28;
	v23 =	vmul.f32 v23, v22  }
0xee: {  	v29 =	vor.u32 v32, v27  }
0xef: {  	v23 =	vadd.f32 v23, v28  }
0xf0: {  	v28 =	vor.u32 v32, v31  }
0xf1: {  	[tilespmem:v50+s12+$0x0] =	vst.idx.msk $0xffff, v23  }
0xf2: {  	v23 =	vld.idx.msk [tilespmem:v33+s11+$0x0], $0xffff  }
0xf3: {  	v29 =	vld.idx.msk [tilespmem:v29+s11+$0x0], $0xffff;
	_ =	sdelay $0x1  }
0xf4: {  	v28 =	vld.idx.msk [tilespmem:v28+s11+$0x0], $0xffff;
	_ =	sdelay $0x2  }
0xf5: {  	v23 =	vmul.f32 v23, v20;
	v29 =	vmul.f32 v29, v21  }
0xf6: {  	v52 =	vor.u32 $0x2, v25;
	v51 =	vor.u32 v32, v24  }
0xf7: {  	v53 =	vor.u32 v52, v26;
	v23 =	vadd.f32 v29, v23;
	v28 =	vmul.f32 v28, v22  }
0xf8: {  	v29 =	vor.u32 v52, v27  }
0xf9: {  	v23 =	vadd.f32 v28, v23  }
0xfa: {  	v28 =	vor.u32 v52, v31  }
0xfb: {  	[tilespmem:v51+s12+$0x0] =	vst.idx.msk $0xffff, v23  }
0xfc: {  	v23 =	vld.idx.msk [tilespmem:v53+s11+$0x0], $0xffff  }
0xfd: {  	v29 =	vld.idx.msk [tilespmem:v29+s11+$0x0], $0xffff;
	_ =	sdelay $0x1  }
0xfe: {  	v28 =	vld.idx.msk [tilespmem:v28+s11+$0x0], $0xffff;
	_ =	sdelay $0x2  }
0xff: {  	v23 =	vmul.f32 v23, v20;
	v29 =	vmul.f32 v29, v21  }
0x100: {  	v55 =	vor.u32 $0x3, v25;
	v54 =	vor.u32 v52, v24  }
0x101: {  	v56 =	vor.u32 v55, v26;
	v23 =	vadd.f32 v29, v23;
	v28 =	vmul.f32 v28, v22  }
0x102: {  	v29 =	vor.u32 v55, v27  }
0x103: {  	v23 =	vadd.f32 v28, v23  }
0x104: {  	v28 =	vor.u32 v55, v31  }
0x105: {  	[tilespmem:v54+s12+$0x0] =	vst.idx.msk $0xffff, v23  }
0x106: {  	v23 =	vld.idx.msk [tilespmem:v56+s11+$0x0], $0xffff  }
0x107: {  	v29 =	vld.idx.msk [tilespmem:v29+s11+$0x0], $0xffff;
	_ =	sdelay $0x1  }
0x108: {  	v28 =	vld.idx.msk [tilespmem:v28+s11+$0x0], $0xffff;
	_ =	sdelay $0x2  }
0x109: {  	v23 =	vmul.f32 v23, v20;
	v29 =	vmul.f32 v29, v21  }
0x10a: {  	v57 =	vor.u32 $0x4, v25;
	v32 =	vor.u32 v55, v24  }
0x10b: {  	v58 =	vor.u32 v57, v26;
	v23 =	vadd.f32 v29, v23;
	v28 =	vmul.f32 v28, v22  }
0x10c: {  	v29 =	vor.u32 v57, v27  }
0x10d: {  	v23 =	vadd.f32 v28, v23  }
0x10e: {  	v28 =	vor.u32 v57, v31  }
0x10f: {  	[tilespmem:v32+s12+$0x0] =	vst.idx.msk $0xffff, v23  }
0x110: {  	v23 =	vld.idx.msk [tilespmem:v58+s11+$0x0], $0xffff  }
0x111: {  	v29 =	vld.idx.msk [tilespmem:v29+s11+$0x0], $0xffff;
	_ =	sdelay $0x1  }
0x112: {  	v28 =	vld.idx.msk [tilespmem:v28+s11+$0x0], $0xffff;
	_ =	sdelay $0x2  }
0x113: {  	v23 =	vmul.f32 v23, v20;
	v29 =	vmul.f32 v29, v21  }
0x114: {  	v59 =	vor.u32 $0x5, v25;
	v30 =	vor.u32 v57, v24  }
0x115: {  	v60 =	vor.u32 v59, v26;
	v23 =	vadd.f32 v29, v23;
	v28 =	vmul.f32 v28, v22  }
0x116: {  	v29 =	vor.u32 v59, v27  }
0x117: {  	v23 =	vadd.f32 v28, v23  }
0x118: {  	v28 =	vor.u32 v59, v31  }
0x119: {  	[tilespmem:v30+s12+$0x0] =	vst.idx.msk $0xffff, v23  }
0x11a: {  	v23 =	vld.idx.msk [tilespmem:v60+s11+$0x0], $0xffff  }
0x11b: {  	v29 =	vld.idx.msk [tilespmem:v29+s11+$0x0], $0xffff;
	_ =	sdelay $0x1  }
0x11c: {  	v28 =	vld.idx.msk [tilespmem:v28+s11+$0x0], $0xffff;
	_ =	sdelay $0x2  }
0x11d: {  	v23 =	vmul.f32 v23, v20;
	v29 =	vmul.f32 v29, v21  }
0x11e: {  	v61 =	vor.u32 $0x6, v25;
	v32 =	vor.u32 v59, v24  }
0x11f: {  	v62 =	vor.u32 v61, v26;
	v23 =	vadd.f32 v29, v23;
	v28 =	vmul.f32 v28, v22  }
0x120: {  	v29 =	vor.u32 v61, v27  }
0x121: {  	v23 =	vadd.f32 v28, v23  }
0x122: {  	v28 =	vor.u32 v61, v31  }
0x123: {  	[tilespmem:v32+s12+$0x0] =	vst.idx.msk $0xffff, v23  }
0x124: {  	v23 =	vld.idx.msk [tilespmem:v62+s11+$0x0], $0xffff  }
0x125: {  	v29 =	vld.idx.msk [tilespmem:v29+s11+$0x0], $0xffff;
	_ =	sdelay $0x1  }
0x126: {  	v28 =	vld.idx.msk [tilespmem:v28+s11+$0x0], $0xffff;
	_ =	sdelay $0x2  }
0x127: {  	v23 =	vmul.f32 v23, v20;
	v29 =	vmul.f32 v29, v21  }
0x128: {  	v63 =	vor.u32 $0x7, v25;
	v25 =	vor.u32 v61, v24  }
0x129: {  	v23 =	vadd.f32 v29, v23;
	v28 =	vmul.f32 v28, v22;
	_ =	sdelay $0x1  }
0x12a: {  	v26 =	vor.u32 v63, v26;
	v23 =	vadd.f32 v28, v23  }
0x12b: {  	v27 =	vor.u32 v63, v27  }
0x12c: {  	[tilespmem:v25+s12+$0x0] =	vst.idx.msk $0xffff, v23;
	v25 =	vor.u32 v63, v31;
	_ =	sdelay $0x2  }
0x12d: {  	v26 =	vld.idx.msk [tilespmem:v26+s11+$0x0], $0xffff  }
0x12e: {  	s18 =	simm.s32 $0x8;
	v24 =	vor.u32 v63, v24;
	v23 =	vmov s19;
	s19 =	simm.s32 $0x10;
	v27 =	vld.idx.msk [tilespmem:v27+s11+$0x0], $0xffff  }
.LBB2_5:
0x12f: {  	p0 =	sne.s32 s19, $0xF8;
	v28 =	vmov s18;
	v25 =	vld.idx.msk [tilespmem:v25+s11+$0x0], $0xffff;
	s18 =	smov.u32 s19;
	s19 =	sadd.s32 $0x8, s19  }
0x130: {  	v29 =	vshll.u32 v28, $0x3  }
0x131: {  	v28 =	vand.u32 $0x78, v28;
	v29 =	vand.u32 $0x400, v29  }
0x132: {  	v33 =	vor.u32 v9, v29;
	v34 =	vor.u32 v10, v29;
	v35 =	vor.u32 v11, v29  }
0x133: {  	v26 =	vmul.f32 v26, v20;
	v30 =	vor.u32 v28, v33;
	v31 =	vor.u32 v28, v34  }
0x134: {  	v36 =	vor.u32 v12, v29;
	v32 =	vor.u32 v28, v35;
	v27 =	vmul.f32 v27, v21  }
0x135: {  	v29 =	vor.u32 $0x1, v28;
	v37 =	vor.u32 v28, v36;
	v25 =	vmul.f32 v25, v22  }
0x136: {  	v38 =	vor.u32 v29, v33;
	v39 =	vor.u32 v29, v34;
	v26 =	vadd.f32 v27, v26  }
0x137: {  	v40 =	vor.u32 v29, v35;
	v41 =	vor.u32 v29, v36;
	v27 =	vor.u32 $0x2, v28  }
0x138: {  	v42 =	vor.u32 v27, v33;
	v43 =	vor.u32 v27, v34;
	v25 =	vadd.f32 v25, v26  }
0x139: {  	v44 =	vor.u32 v27, v35;
	v45 =	vor.u32 v27, v36;
	v26 =	vor.u32 $0x3, v28  }
0x13a: {  	v27 =	vor.u32 $0x4, v28;
	v46 =	vor.u32 v26, v33;
	v47 =	vor.u32 v26, v34;
	[tilespmem:v24+s12+$0x0] =	vst.idx.msk $0xffff, v25  }
0x13b: {  	v50 =	vor.u32 v27, v33;
	v48 =	vor.u32 v26, v35;
	v49 =	vor.u32 v26, v36;
	v24 =	vld.idx.msk [tilespmem:v30+s11+$0x0], $0xffff  }
0x13c: {  	v52 =	vor.u32 v27, v34;
	v53 =	vor.u32 v27, v35;
	v54 =	vor.u32 v27, v36;
	v51 =	vld.idx.msk [tilespmem:v31+s11+$0x0], $0xffff  }
0x13d: {  	v55 =	vor.u32 $0x7, v28;
	v26 =	vor.u32 $0x6, v28;
	v25 =	vor.u32 $0x5, v28  }
0x13e: {  	v57 =	vor.u32 v25, v33;
	v58 =	vor.u32 v25, v34;
	v59 =	vor.u32 v25, v35;
	v56 =	vld.idx.msk [tilespmem:v32+s11+$0x0], $0xffff  }
0x13f: {  	v29 =	vor.u32 v26, v34;
	v31 =	vor.u32 v26, v33;
	v32 =	vor.u32 v25, v36  }
0x140: {  	v27 =	vor.u32 v26, v36;
	v30 =	vor.u32 v26, v35;
	v26 =	vor.u32 v55, v33  }
0x141: {  	v28 =	vor.u32 v55, v34;
	v25 =	vor.u32 v55, v35;
	v33 =	vmul.f32 v24, v20  }
0x142: {  	v24 =	vor.u32 v55, v36;
	v34 =	vmul.f32 v51, v21;
	_ =	sdelay $0x1  }
0x143: {  	v33 =	vadd.f32 v34, v33;
	v34 =	vmul.f32 v56, v22;
	_ =	sdelay $0x1  }
0x144: {  	v33 =	vadd.f32 v34, v33;
	_ =	sdelay $0x1  }
0x145: {  	[tilespmem:v37+s12+$0x0] =	vst.idx.msk $0xffff, v33  }
0x146: {  	v33 =	vld.idx.msk [tilespmem:v38+s11+$0x0], $0xffff  }
0x147: {  	v34 =	vld.idx.msk [tilespmem:v39+s11+$0x0], $0xffff;
	_ =	sdelay $0x1  }
0x148: {  	v35 =	vld.idx.msk [tilespmem:v40+s11+$0x0], $0xffff;
	_ =	sdelay $0x3  }
0x149: {  	v33 =	vmul.f32 v33, v20;
	v34 =	vmul.f32 v34, v21;
	_ =	sdelay $0x1  }
0x14a: {  	v33 =	vadd.f32 v34, v33;
	v34 =	vmul.f32 v35, v22;
	_ =	sdelay $0x1  }
0x14b: {  	v33 =	vadd.f32 v34, v33;
	_ =	sdelay $0x1  }
0x14c: {  	[tilespmem:v41+s12+$0x0] =	vst.idx.msk $0xffff, v33  }
0x14d: {  	v33 =	vld.idx.msk [tilespmem:v42+s11+$0x0], $0xffff  }
0x14e: {  	v34 =	vld.idx.msk [tilespmem:v43+s11+$0x0], $0xffff;
	_ =	sdelay $0x1  }
0x14f: {  	v35 =	vld.idx.msk [tilespmem:v44+s11+$0x0], $0xffff;
	_ =	sdelay $0x2  }
0x150: {  	v33 =	vmul.f32 v33, v20  }
0x151: {  	v34 =	vmul.f32 v34, v21;
	_ =	sdelay $0x1  }
0x152: {  	v33 =	vadd.f32 v34, v33;
	v34 =	vmul.f32 v35, v22;
	_ =	sdelay $0x1  }
0x153: {  	v33 =	vadd.f32 v34, v33;
	_ =	sdelay $0x1  }
0x154: {  	[tilespmem:v45+s12+$0x0] =	vst.idx.msk $0xffff, v33  }
0x155: {  	v33 =	vld.idx.msk [tilespmem:v46+s11+$0x0], $0xffff  }
0x156: {  	v34 =	vld.idx.msk [tilespmem:v47+s11+$0x0], $0xffff  }
0x157: {  	v35 =	vld.idx.msk [tilespmem:v48+s11+$0x0], $0xffff;
	_ =	sdelay $0x3  }
0x158: {  	v33 =	vmul.f32 v33, v20  }
0x159: {  	v34 =	vmul.f32 v34, v21;
	_ =	sdelay $0x1  }
0x15a: {  	v33 =	vadd.f32 v34, v33;
	v34 =	vmul.f32 v35, v22;
	_ =	sdelay $0x1  }
0x15b: {  	v33 =	vadd.f32 v34, v33;
	_ =	sdelay $0x1  }
0x15c: {  	[tilespmem:v49+s12+$0x0] =	vst.idx.msk $0xffff, v33  }
0x15d: {  	v33 =	vld.idx.msk [tilespmem:v50+s11+$0x0], $0xffff  }
0x15e: {  	v34 =	vld.idx.msk [tilespmem:v52+s11+$0x0], $0xffff;
	_ =	sdelay $0x1  }
0x15f: {  	v35 =	vld.idx.msk [tilespmem:v53+s11+$0x0], $0xffff;
	_ =	sdelay $0x2  }
0x160: {  	v33 =	vmul.f32 v33, v20  }
0x161: {  	v34 =	vmul.f32 v34, v21;
	_ =	sdelay $0x1  }
0x162: {  	v33 =	vadd.f32 v34, v33;
	v34 =	vmul.f32 v35, v22;
	_ =	sdelay $0x1  }
0x163: {  	v33 =	vadd.f32 v34, v33;
	_ =	sdelay $0x1  }
0x164: {  	[tilespmem:v54+s12+$0x0] =	vst.idx.msk $0xffff, v33  }
0x165: {  	v33 =	vld.idx.msk [tilespmem:v57+s11+$0x0], $0xffff  }
0x166: {  	v34 =	vld.idx.msk [tilespmem:v58+s11+$0x0], $0xffff  }
0x167: {  	v35 =	vld.idx.msk [tilespmem:v59+s11+$0x0], $0xffff;
	_ =	sdelay $0x4  }
0x168: {  	v33 =	vmul.f32 v33, v20;
	v34 =	vmul.f32 v34, v21;
	_ =	sdelay $0x1  }
0x169: {  	v33 =	vadd.f32 v34, v33;
	v34 =	vmul.f32 v35, v22;
	_ =	sdelay $0x1  }
0x16a: {  	v33 =	vadd.f32 v34, v33;
	_ =	sdelay $0x1  }
0x16b: {  	[tilespmem:v32+s12+$0x0] =	vst.idx.msk $0xffff, v33  }
0x16c: {  	v31 =	vld.idx.msk [tilespmem:v31+s11+$0x0], $0xffff  }
0x16d: {  	v29 =	vld.idx.msk [tilespmem:v29+s11+$0x0], $0xffff  }
0x16e: {  	v30 =	vld.idx.msk [tilespmem:v30+s11+$0x0], $0xffff;
	_ =	sdelay $0x3  }
0x16f: {  	v31 =	vmul.f32 v31, v20  }
0x170: {  	v29 =	vmul.f32 v29, v21;
	_ =	sdelay $0x1  }
0x171: {  	v30 =	vmul.f32 v30, v22;
	v29 =	vadd.f32 v29, v31;
	_ =	sdelay $0x1  }
.Ltmp1:
0x172: {  	v29 =	vadd.f32 v30, v29;
	(pc) =	sbr.rel @p0 .LBB2_5-.Ltmp1, $4  }
0x173: {  	_ = 	snop  }
0x174: {  	[tilespmem:v27+s12+$0x0] =	vst.idx.msk $0xffff, v29  }
0x175: {  	v26 =	vld.idx.msk [tilespmem:v26+s11+$0x0], $0xffff  }
0x176: {  	v27 =	vld.idx.msk [tilespmem:v28+s11+$0x0], $0xffff  }
0x177: {  	_ =	sdelay $0x3  }
0x178: {  	v25 =	vld.idx.msk [tilespmem:v25+s11+$0x0], $0xffff  }
0x179: {  	v28 =	vmov s18  }
0x17a: {  	v29 =	vshll.u32 v28, $0x3  }
0x17b: {  	v29 =	vand.u32 $0x400, v29;
	v26 =	vmul.f32 v26, v20;
	v27 =	vmul.f32 v27, v21  }
0x17c: {  	v28 =	vand.u32 $0x78, v28;
	v30 =	vor.u32 v9, v29;
	v31 =	vor.u32 v10, v29  }
0x17d: {  	v32 =	vor.u32 v28, v30;
	v25 =	vmul.f32 v25, v22;
	v26 =	vadd.f32 v27, v26  }
0x17e: {  	v27 =	vor.u32 v28, v31  }
0x17f: {  	v33 =	vor.u32 v11, v29;
	v25 =	vadd.f32 v25, v26  }
0x180: {  	v26 =	vor.u32 v28, v33  }
0x181: {  	[tilespmem:v24+s12+$0x0] =	vst.idx.msk $0xffff, v25  }
0x182: {  	v24 =	vld.idx.msk [tilespmem:v32+s11+$0x0], $0xffff  }
0x183: {  	v25 =	vld.idx.msk [tilespmem:v27+s11+$0x0], $0xffff;
	_ =	sdelay $0x1  }
0x184: {  	v26 =	vld.idx.msk [tilespmem:v26+s11+$0x0], $0xffff;
	_ =	sdelay $0x2  }
0x185: {  	v27 =	vor.u32 v12, v29;
	v24 =	vmul.f32 v24, v20;
	v25 =	vmul.f32 v25, v21  }
0x186: {  	v58 =	vor.u32 $0x1, v28;
	v29 =	vor.u32 v28, v27  }
0x187: {  	v34 =	vor.u32 v58, v30;
	v24 =	vadd.f32 v25, v24;
	v25 =	vmul.f32 v26, v22  }
0x188: {  	v26 =	vor.u32 v58, v31  }
0x189: {  	v24 =	vadd.f32 v25, v24  }
0x18a: {  	v25 =	vor.u32 v58, v33  }
0x18b: {  	[tilespmem:v29+s12+$0x0] =	vst.idx.msk $0xffff, v24  }
0x18c: {  	v24 =	vld.idx.msk [tilespmem:v34+s11+$0x0], $0xffff  }
0x18d: {  	v26 =	vld.idx.msk [tilespmem:v26+s11+$0x0], $0xffff;
	_ =	sdelay $0x1  }
0x18e: {  	v25 =	vld.idx.msk [tilespmem:v25+s11+$0x0], $0xffff;
	_ =	sdelay $0x2  }
0x18f: {  	v24 =	vmul.f32 v24, v20;
	v26 =	vmul.f32 v26, v21  }
0x190: {  	v60 =	vor.u32 $0x2, v28;
	v59 =	vor.u32 v58, v27  }
0x191: {  	v61 =	vor.u32 v60, v30;
	v24 =	vadd.f32 v26, v24;
	v25 =	vmul.f32 v25, v22  }
0x192: {  	v26 =	vor.u32 v60, v31  }
0x193: {  	v24 =	vadd.f32 v25, v24  }
0x194: {  	v25 =	vor.u32 v60, v33  }
0x195: {  	[tilespmem:v59+s12+$0x0] =	vst.idx.msk $0xffff, v24  }
0x196: {  	v24 =	vld.idx.msk [tilespmem:v61+s11+$0x0], $0xffff  }
0x197: {  	v26 =	vld.idx.msk [tilespmem:v26+s11+$0x0], $0xffff;
	_ =	sdelay $0x1  }
0x198: {  	v25 =	vld.idx.msk [tilespmem:v25+s11+$0x0], $0xffff;
	_ =	sdelay $0x2  }
0x199: {  	v24 =	vmul.f32 v24, v20;
	v26 =	vmul.f32 v26, v21  }
0x19a: {  	v63 =	vor.u32 $0x3, v28;
	v62 =	vor.u32 v60, v27  }
0x19b: {  	v36 =	vor.u32 v63, v30;
	v24 =	vadd.f32 v26, v24;
	v25 =	vmul.f32 v25, v22  }
0x19c: {  	v26 =	vor.u32 v63, v31  }
0x19d: {  	v24 =	vadd.f32 v25, v24  }
0x19e: {  	v25 =	vor.u32 v63, v33  }
0x19f: {  	[tilespmem:v62+s12+$0x0] =	vst.idx.msk $0xffff, v24  }
0x1a0: {  	v24 =	vld.idx.msk [tilespmem:v36+s11+$0x0], $0xffff  }
0x1a1: {  	v26 =	vld.idx.msk [tilespmem:v26+s11+$0x0], $0xffff;
	_ =	sdelay $0x1  }
0x1a2: {  	v25 =	vld.idx.msk [tilespmem:v25+s11+$0x0], $0xffff;
	_ =	sdelay $0x2  }
0x1a3: {  	v24 =	vmul.f32 v24, v20;
	v26 =	vmul.f32 v26, v21  }
0x1a4: {  	v37 =	vor.u32 $0x4, v28;
	v32 =	vor.u32 v63, v27  }
0x1a5: {  	v38 =	vor.u32 v37, v30;
	v24 =	vadd.f32 v26, v24;
	v25 =	vmul.f32 v25, v22  }
0x1a6: {  	v26 =	vor.u32 v37, v31  }
0x1a7: {  	v24 =	vadd.f32 v25, v24  }
0x1a8: {  	v25 =	vor.u32 v37, v33  }
0x1a9: {  	[tilespmem:v32+s12+$0x0] =	vst.idx.msk $0xffff, v24  }
0x1aa: {  	v24 =	vld.idx.msk [tilespmem:v38+s11+$0x0], $0xffff  }
0x1ab: {  	v26 =	vld.idx.msk [tilespmem:v26+s11+$0x0], $0xffff;
	_ =	sdelay $0x1  }
0x1ac: {  	v25 =	vld.idx.msk [tilespmem:v25+s11+$0x0], $0xffff;
	_ =	sdelay $0x2  }
0x1ad: {  	v24 =	vmul.f32 v24, v20;
	v26 =	vmul.f32 v26, v21  }
0x1ae: {  	v39 =	vor.u32 $0x5, v28;
	v29 =	vor.u32 v37, v27  }
0x1af: {  	v40 =	vor.u32 v39, v30;
	v24 =	vadd.f32 v26, v24;
	v25 =	vmul.f32 v25, v22  }
0x1b0: {  	v26 =	vor.u32 v39, v31  }
0x1b1: {  	v24 =	vadd.f32 v25, v24  }
0x1b2: {  	v25 =	vor.u32 v39, v33  }
0x1b3: {  	[tilespmem:v29+s12+$0x0] =	vst.idx.msk $0xffff, v24  }
0x1b4: {  	v24 =	vld.idx.msk [tilespmem:v40+s11+$0x0], $0xffff  }
0x1b5: {  	v26 =	vld.idx.msk [tilespmem:v26+s11+$0x0], $0xffff;
	_ =	sdelay $0x1  }
0x1b6: {  	v25 =	vld.idx.msk [tilespmem:v25+s11+$0x0], $0xffff;
	_ =	sdelay $0x2  }
0x1b7: {  	v24 =	vmul.f32 v24, v20;
	v26 =	vmul.f32 v26, v21  }
0x1b8: {  	v41 =	vor.u32 $0x6, v28;
	v32 =	vor.u32 v39, v27  }
0x1b9: {  	v42 =	vor.u32 v41, v30;
	v24 =	vadd.f32 v26, v24;
	v25 =	vmul.f32 v25, v22  }
0x1ba: {  	v26 =	vor.u32 v41, v31  }
0x1bb: {  	v24 =	vadd.f32 v25, v24  }
0x1bc: {  	v25 =	vor.u32 v41, v33  }
0x1bd: {  	[tilespmem:v32+s12+$0x0] =	vst.idx.msk $0xffff, v24  }
0x1be: {  	v24 =	vld.idx.msk [tilespmem:v42+s11+$0x0], $0xffff  }
0x1bf: {  	v26 =	vld.idx.msk [tilespmem:v26+s11+$0x0], $0xffff;
	_ =	sdelay $0x1  }
0x1c0: {  	v25 =	vld.idx.msk [tilespmem:v25+s11+$0x0], $0xffff;
	_ =	sdelay $0x2  }
0x1c1: {  	v24 =	vmul.f32 v24, v20;
	v26 =	vmul.f32 v26, v21  }
0x1c2: {  	v28 =	vor.u32 $0x7, v28;
	v29 =	vor.u32 v41, v27  }
0x1c3: {  	v30 =	vor.u32 v28, v30;
	v24 =	vadd.f32 v26, v24;
	v25 =	vmul.f32 v25, v22  }
0x1c4: {  	v26 =	vor.u32 v28, v31  }
0x1c5: {  	v43 =	vor.u32 v28, v33;
	v24 =	vadd.f32 v25, v24;
	_ =	sdelay $0x1  }
0x1c6: {  	[tilespmem:v29+s12+$0x0] =	vst.idx.msk $0xffff, v24  }
0x1c7: {  	v24 =	vld.idx.msk [tilespmem:v30+s11+$0x0], $0xffff  }
0x1c8: {  	v25 =	vld.idx.msk [tilespmem:v26+s11+$0x0], $0xffff  }
0x1c9: {  	v26 =	vld.idx.msk [tilespmem:v43+s11+$0x0], $0xffff;
	_ =	sdelay $0x2  }
0x1ca: {  	s19 =	simm.s32 $0x0  }
0x1cb: {  	v20 =	vmul.f32 v24, v20;
	v21 =	vmul.f32 v25, v21;
	v24 =	vmov s19  }
0x1cc: {  	v25 =	vor.u32 v28, v27;
	v22 =	vmul.f32 v26, v22;
	v26 =	vshll.u32 v24, $0x3  }
0x1cd: {  	v20 =	vadd.f32 v21, v20;
	v21 =	vor.u32 v13, v23;
	v26 =	vand.u32 $0x400, v26  }
0x1ce: {  	v27 =	vor.u32 v14, v23;
	v24 =	vand.u32 $0x78, v24;
	v44 =	vor.u32 v16, v26  }
0x1cf: {  	v45 =	vor.u32 v17, v26;
	v20 =	vadd.f32 v22, v20;
	v22 =	vor.u32 v24, v44  }
0x1d0: {  	v46 =	vor.u32 v24, v45  }
0x1d1: {  	v23 =	vor.u32 v15, v23;
	v47 =	vor.u32 v18, v26;
	[tilespmem:v25+s12+$0x0] =	vst.idx.msk $0xffff, v20  }
0x1d2: {  	v25 =	vor.u32 v24, v47;
	v20 =	vld.idx.msk [tilespmem:v21+s9+$0x0], $0xffff  }
0x1d3: {  	v21 =	vld.idx.msk [tilespmem:v27+s9+$0x0], $0xffff  }
0x1d4: {  	v27 =	vld.idx.msk [tilespmem:v22+s11+$0x0], $0xffff  }
0x1d5: {  	v30 =	vld.idx.msk [tilespmem:v46+s11+$0x0], $0xffff  }
0x1d6: {  	v22 =	vld.idx.msk [tilespmem:v23+s9+$0x0], $0xffff  }
0x1d7: {  	v23 =	vld.idx.msk [tilespmem:v25+s11+$0x0], $0xffff;
	_ =	sdelay $0x2  }
0x1d8: {  	v26 =	vor.u32 v19, v26;
	v25 =	vmul.f32 v27, v20;
	v27 =	vmul.f32 v30, v21  }
0x1d9: {  	v49 =	vor.u32 $0x1, v24;
	v48 =	vor.u32 v24, v26  }
0x1da: {  	v50 =	vor.u32 v49, v44;
	v25 =	vadd.f32 v27, v25;
	v23 =	vmul.f32 v23, v22  }
0x1db: {  	v27 =	vor.u32 v49, v45  }
0x1dc: {  	v23 =	vadd.f32 v23, v25  }
0x1dd: {  	v25 =	vor.u32 v49, v47  }
0x1de: {  	[tilespmem:v48+s12+$0x0] =	vst.idx.msk $0xffff, v23  }
0x1df: {  	v23 =	vld.idx.msk [tilespmem:v50+s11+$0x0], $0xffff  }
0x1e0: {  	v27 =	vld.idx.msk [tilespmem:v27+s11+$0x0], $0xffff;
	_ =	sdelay $0x1  }
0x1e1: {  	v25 =	vld.idx.msk [tilespmem:v25+s11+$0x0], $0xffff;
	_ =	sdelay $0x2  }
0x1e2: {  	v23 =	vmul.f32 v23, v20;
	v27 =	vmul.f32 v27, v21  }
0x1e3: {  	v52 =	vor.u32 $0x2, v24;
	v51 =	vor.u32 v49, v26  }
0x1e4: {  	v53 =	vor.u32 v52, v44;
	v23 =	vadd.f32 v27, v23;
	v25 =	vmul.f32 v25, v22  }
0x1e5: {  	v27 =	vor.u32 v52, v45  }
0x1e6: {  	v23 =	vadd.f32 v25, v23  }
0x1e7: {  	v25 =	vor.u32 v52, v47  }
0x1e8: {  	[tilespmem:v51+s12+$0x0] =	vst.idx.msk $0xffff, v23  }
0x1e9: {  	v23 =	vld.idx.msk [tilespmem:v53+s11+$0x0], $0xffff  }
0x1ea: {  	v27 =	vld.idx.msk [tilespmem:v27+s11+$0x0], $0xffff;
	_ =	sdelay $0x1  }
0x1eb: {  	v25 =	vld.idx.msk [tilespmem:v25+s11+$0x0], $0xffff;
	_ =	sdelay $0x2  }
0x1ec: {  	v23 =	vmul.f32 v23, v20;
	v27 =	vmul.f32 v27, v21  }
0x1ed: {  	v55 =	vor.u32 $0x3, v24;
	v54 =	vor.u32 v52, v26  }
0x1ee: {  	v56 =	vor.u32 v55, v44;
	v23 =	vadd.f32 v27, v23;
	v25 =	vmul.f32 v25, v22  }
0x1ef: {  	v27 =	vor.u32 v55, v45  }
0x1f0: {  	v23 =	vadd.f32 v25, v23  }
0x1f1: {  	v25 =	vor.u32 v55, v47  }
0x1f2: {  	[tilespmem:v54+s12+$0x0] =	vst.idx.msk $0xffff, v23  }
0x1f3: {  	v23 =	vld.idx.msk [tilespmem:v56+s11+$0x0], $0xffff  }
0x1f4: {  	v27 =	vld.idx.msk [tilespmem:v27+s11+$0x0], $0xffff;
	_ =	sdelay $0x1  }
0x1f5: {  	v25 =	vld.idx.msk [tilespmem:v25+s11+$0x0], $0xffff;
	_ =	sdelay $0x2  }
0x1f6: {  	v23 =	vmul.f32 v23, v20;
	v27 =	vmul.f32 v27, v21  }
0x1f7: {  	v57 =	vor.u32 $0x4, v24;
	v32 =	vor.u32 v55, v26  }
0x1f8: {  	v58 =	vor.u32 v57, v44;
	v23 =	vadd.f32 v27, v23;
	v25 =	vmul.f32 v25, v22  }
0x1f9: {  	v27 =	vor.u32 v57, v45  }
0x1fa: {  	v23 =	vadd.f32 v25, v23  }
0x1fb: {  	v25 =	vor.u32 v57, v47  }
0x1fc: {  	[tilespmem:v32+s12+$0x0] =	vst.idx.msk $0xffff, v23  }
0x1fd: {  	v23 =	vld.idx.msk [tilespmem:v58+s11+$0x0], $0xffff  }
0x1fe: {  	v27 =	vld.idx.msk [tilespmem:v27+s11+$0x0], $0xffff;
	_ =	sdelay $0x1  }
0x1ff: {  	v25 =	vld.idx.msk [tilespmem:v25+s11+$0x0], $0xffff;
	_ =	sdelay $0x2  }
0x200: {  	v23 =	vmul.f32 v23, v20;
	v27 =	vmul.f32 v27, v21  }
0x201: {  	v59 =	vor.u32 $0x5, v24;
	v30 =	vor.u32 v57, v26  }
0x202: {  	v60 =	vor.u32 v59, v44;
	v23 =	vadd.f32 v27, v23;
	v25 =	vmul.f32 v25, v22  }
0x203: {  	v27 =	vor.u32 v59, v45  }
0x204: {  	v23 =	vadd.f32 v25, v23  }
0x205: {  	v25 =	vor.u32 v59, v47  }
0x206: {  	[tilespmem:v30+s12+$0x0] =	vst.idx.msk $0xffff, v23  }
0x207: {  	v23 =	vld.idx.msk [tilespmem:v60+s11+$0x0], $0xffff  }
0x208: {  	v27 =	vld.idx.msk [tilespmem:v27+s11+$0x0], $0xffff;
	_ =	sdelay $0x1  }
0x209: {  	v25 =	vld.idx.msk [tilespmem:v25+s11+$0x0], $0xffff;
	_ =	sdelay $0x2  }
0x20a: {  	v23 =	vmul.f32 v23, v20;
	v27 =	vmul.f32 v27, v21  }
0x20b: {  	v61 =	vor.u32 $0x6, v24;
	v32 =	vor.u32 v59, v26  }
0x20c: {  	v62 =	vor.u32 v61, v44;
	v23 =	vadd.f32 v27, v23;
	v25 =	vmul.f32 v25, v22  }
0x20d: {  	v27 =	vor.u32 v61, v45  }
0x20e: {  	v23 =	vadd.f32 v25, v23  }
0x20f: {  	v25 =	vor.u32 v61, v47  }
0x210: {  	[tilespmem:v32+s12+$0x0] =	vst.idx.msk $0xffff, v23  }
0x211: {  	v23 =	vld.idx.msk [tilespmem:v62+s11+$0x0], $0xffff  }
0x212: {  	v27 =	vld.idx.msk [tilespmem:v27+s11+$0x0], $0xffff;
	_ =	sdelay $0x1  }
0x213: {  	v25 =	vld.idx.msk [tilespmem:v25+s11+$0x0], $0xffff;
	_ =	sdelay $0x2  }
0x214: {  	v23 =	vmul.f32 v23, v20;
	v27 =	vmul.f32 v27, v21  }
0x215: {  	v63 =	vor.u32 $0x7, v24;
	v24 =	vor.u32 v61, v26  }
0x216: {  	v23 =	vadd.f32 v27, v23;
	v25 =	vmul.f32 v25, v22;
	_ =	sdelay $0x1  }
0x217: {  	v28 =	vor.u32 v63, v44;
	v23 =	vadd.f32 v25, v23  }
0x218: {  	v27 =	vor.u32 v63, v45  }
0x219: {  	[tilespmem:v24+s12+$0x0] =	vst.idx.msk $0xffff, v23;
	v24 =	vor.u32 v63, v47;
	_ =	sdelay $0x2  }
0x21a: {  	v25 =	vld.idx.msk [tilespmem:v28+s11+$0x0], $0xffff  }
0x21b: {  	s18 =	simm.s32 $0x8;
	s19 =	simm.s32 $0x10;
	v23 =	vor.u32 v63, v26;
	v26 =	vld.idx.msk [tilespmem:v27+s11+$0x0], $0xffff  }
.LBB2_7:
0x21c: {  	p0 =	sne.s32 s19, $0xF8;
	v27 =	vmov s18;
	v24 =	vld.idx.msk [tilespmem:v24+s11+$0x0], $0xffff;
	s18 =	smov.u32 s19;
	s19 =	sadd.s32 $0x8, s19  }
0x21d: {  	v28 =	vshll.u32 v27, $0x3  }
0x21e: {  	v27 =	vand.u32 $0x78, v27;
	v28 =	vand.u32 $0x400, v28  }
0x21f: {  	v32 =	vor.u32 v16, v28;
	v33 =	vor.u32 v17, v28;
	v34 =	vor.u32 v18, v28  }
0x220: {  	v25 =	vmul.f32 v25, v20;
	v29 =	vor.u32 v27, v32;
	v30 =	vor.u32 v27, v33  }
0x221: {  	v35 =	vor.u32 v19, v28;
	v31 =	vor.u32 v27, v34;
	v26 =	vmul.f32 v26, v21  }
0x222: {  	v28 =	vor.u32 $0x1, v27;
	v36 =	vor.u32 v27, v35;
	v24 =	vmul.f32 v24, v22  }
0x223: {  	v37 =	vor.u32 v28, v32;
	v38 =	vor.u32 v28, v33;
	v25 =	vadd.f32 v26, v25  }
0x224: {  	v39 =	vor.u32 v28, v34;
	v40 =	vor.u32 v28, v35;
	v26 =	vor.u32 $0x2, v27  }
0x225: {  	v41 =	vor.u32 v26, v32;
	v42 =	vor.u32 v26, v33;
	v24 =	vadd.f32 v24, v25  }
0x226: {  	v43 =	vor.u32 v26, v34;
	v44 =	vor.u32 v26, v35;
	v25 =	vor.u32 $0x3, v27  }
0x227: {  	v26 =	vor.u32 $0x4, v27;
	v45 =	vor.u32 v25, v32;
	v46 =	vor.u32 v25, v33;
	[tilespmem:v23+s12+$0x0] =	vst.idx.msk $0xffff, v24  }
0x228: {  	v49 =	vor.u32 v26, v32;
	v47 =	vor.u32 v25, v34;
	v48 =	vor.u32 v25, v35;
	v23 =	vld.idx.msk [tilespmem:v29+s11+$0x0], $0xffff  }
0x229: {  	v51 =	vor.u32 v26, v33;
	v52 =	vor.u32 v26, v34;
	v53 =	vor.u32 v26, v35;
	v50 =	vld.idx.msk [tilespmem:v30+s11+$0x0], $0xffff  }
0x22a: {  	v54 =	vor.u32 $0x7, v27;
	v25 =	vor.u32 $0x6, v27;
	v24 =	vor.u32 $0x5, v27  }
0x22b: {  	v56 =	vor.u32 v24, v32;
	v57 =	vor.u32 v24, v33;
	v58 =	vor.u32 v24, v34;
	v55 =	vld.idx.msk [tilespmem:v31+s11+$0x0], $0xffff  }
0x22c: {  	v28 =	vor.u32 v25, v33;
	v30 =	vor.u32 v25, v32;
	v31 =	vor.u32 v24, v35  }
0x22d: {  	v26 =	vor.u32 v25, v35;
	v29 =	vor.u32 v25, v34;
	v25 =	vor.u32 v54, v32  }
0x22e: {  	v27 =	vor.u32 v54, v33;
	v24 =	vor.u32 v54, v34;
	v32 =	vmul.f32 v23, v20  }
0x22f: {  	v23 =	vor.u32 v54, v35;
	v33 =	vmul.f32 v50, v21;
	_ =	sdelay $0x1  }
0x230: {  	v32 =	vadd.f32 v33, v32;
	v33 =	vmul.f32 v55, v22;
	_ =	sdelay $0x1  }
0x231: {  	v32 =	vadd.f32 v33, v32;
	_ =	sdelay $0x1  }
0x232: {  	[tilespmem:v36+s12+$0x0] =	vst.idx.msk $0xffff, v32  }
0x233: {  	v32 =	vld.idx.msk [tilespmem:v37+s11+$0x0], $0xffff  }
0x234: {  	v33 =	vld.idx.msk [tilespmem:v38+s11+$0x0], $0xffff;
	_ =	sdelay $0x1  }
0x235: {  	v34 =	vld.idx.msk [tilespmem:v39+s11+$0x0], $0xffff;
	_ =	sdelay $0x3  }
0x236: {  	v32 =	vmul.f32 v32, v20;
	v33 =	vmul.f32 v33, v21;
	_ =	sdelay $0x1  }
0x237: {  	v32 =	vadd.f32 v33, v32;
	v33 =	vmul.f32 v34, v22;
	_ =	sdelay $0x1  }
0x238: {  	v32 =	vadd.f32 v33, v32;
	_ =	sdelay $0x1  }
0x239: {  	[tilespmem:v40+s12+$0x0] =	vst.idx.msk $0xffff, v32  }
0x23a: {  	v32 =	vld.idx.msk [tilespmem:v41+s11+$0x0], $0xffff  }
0x23b: {  	v33 =	vld.idx.msk [tilespmem:v42+s11+$0x0], $0xffff;
	_ =	sdelay $0x1  }
0x23c: {  	v34 =	vld.idx.msk [tilespmem:v43+s11+$0x0], $0xffff;
	_ =	sdelay $0x2  }
0x23d: {  	v32 =	vmul.f32 v32, v20  }
0x23e: {  	v33 =	vmul.f32 v33, v21;
	_ =	sdelay $0x1  }
0x23f: {  	v32 =	vadd.f32 v33, v32;
	v33 =	vmul.f32 v34, v22;
	_ =	sdelay $0x1  }
0x240: {  	v32 =	vadd.f32 v33, v32;
	_ =	sdelay $0x1  }
0x241: {  	[tilespmem:v44+s12+$0x0] =	vst.idx.msk $0xffff, v32  }
0x242: {  	v32 =	vld.idx.msk [tilespmem:v45+s11+$0x0], $0xffff  }
0x243: {  	v33 =	vld.idx.msk [tilespmem:v46+s11+$0x0], $0xffff  }
0x244: {  	v34 =	vld.idx.msk [tilespmem:v47+s11+$0x0], $0xffff;
	_ =	sdelay $0x3  }
0x245: {  	v32 =	vmul.f32 v32, v20  }
0x246: {  	v33 =	vmul.f32 v33, v21;
	_ =	sdelay $0x1  }
0x247: {  	v32 =	vadd.f32 v33, v32;
	v33 =	vmul.f32 v34, v22;
	_ =	sdelay $0x1  }
0x248: {  	v32 =	vadd.f32 v33, v32;
	_ =	sdelay $0x1  }
0x249: {  	[tilespmem:v48+s12+$0x0] =	vst.idx.msk $0xffff, v32  }
0x24a: {  	v32 =	vld.idx.msk [tilespmem:v49+s11+$0x0], $0xffff  }
0x24b: {  	v33 =	vld.idx.msk [tilespmem:v51+s11+$0x0], $0xffff;
	_ =	sdelay $0x1  }
0x24c: {  	v34 =	vld.idx.msk [tilespmem:v52+s11+$0x0], $0xffff;
	_ =	sdelay $0x2  }
0x24d: {  	v32 =	vmul.f32 v32, v20  }
0x24e: {  	v33 =	vmul.f32 v33, v21;
	_ =	sdelay $0x1  }
0x24f: {  	v32 =	vadd.f32 v33, v32;
	v33 =	vmul.f32 v34, v22;
	_ =	sdelay $0x1  }
0x250: {  	v32 =	vadd.f32 v33, v32;
	_ =	sdelay $0x1  }
0x251: {  	[tilespmem:v53+s12+$0x0] =	vst.idx.msk $0xffff, v32  }
0x252: {  	v32 =	vld.idx.msk [tilespmem:v56+s11+$0x0], $0xffff  }
0x253: {  	v33 =	vld.idx.msk [tilespmem:v57+s11+$0x0], $0xffff  }
0x254: {  	v34 =	vld.idx.msk [tilespmem:v58+s11+$0x0], $0xffff;
	_ =	sdelay $0x4  }
0x255: {  	v32 =	vmul.f32 v32, v20;
	v33 =	vmul.f32 v33, v21;
	_ =	sdelay $0x1  }
0x256: {  	v32 =	vadd.f32 v33, v32;
	v33 =	vmul.f32 v34, v22;
	_ =	sdelay $0x1  }
0x257: {  	v32 =	vadd.f32 v33, v32;
	_ =	sdelay $0x1  }
0x258: {  	[tilespmem:v31+s12+$0x0] =	vst.idx.msk $0xffff, v32  }
0x259: {  	v30 =	vld.idx.msk [tilespmem:v30+s11+$0x0], $0xffff  }
0x25a: {  	v28 =	vld.idx.msk [tilespmem:v28+s11+$0x0], $0xffff  }
0x25b: {  	v29 =	vld.idx.msk [tilespmem:v29+s11+$0x0], $0xffff;
	_ =	sdelay $0x3  }
0x25c: {  	v30 =	vmul.f32 v30, v20  }
0x25d: {  	v28 =	vmul.f32 v28, v21;
	_ =	sdelay $0x1  }
0x25e: {  	v29 =	vmul.f32 v29, v22;
	v28 =	vadd.f32 v28, v30;
	_ =	sdelay $0x1  }
.Ltmp2:
0x25f: {  	v28 =	vadd.f32 v29, v28;
	(pc) =	sbr.rel @p0 .LBB2_7-.Ltmp2, $4  }
0x260: {  	_ = 	snop  }
0x261: {  	[tilespmem:v26+s12+$0x0] =	vst.idx.msk $0xffff, v28  }
0x262: {  	v25 =	vld.idx.msk [tilespmem:v25+s11+$0x0], $0xffff  }
0x263: {  	v26 =	vld.idx.msk [tilespmem:v27+s11+$0x0], $0xffff  }
0x264: {  	_ =	sdelay $0x3  }
0x265: {  	v24 =	vld.idx.msk [tilespmem:v24+s11+$0x0], $0xffff  }
0x266: {  	v27 =	vmov s18  }
0x267: {  	v28 =	vshll.u32 v27, $0x3  }
0x268: {  	v28 =	vand.u32 $0x400, v28;
	v25 =	vmul.f32 v25, v20;
	v26 =	vmul.f32 v26, v21  }
0x269: {  	v27 =	vand.u32 $0x78, v27;
	v29 =	vor.u32 v16, v28;
	v30 =	vor.u32 v17, v28  }
0x26a: {  	v31 =	vor.u32 v27, v29;
	v24 =	vmul.f32 v24, v22;
	v25 =	vadd.f32 v26, v25  }
0x26b: {  	v60 =	vor.u32 v27, v30  }
0x26c: {  	v32 =	vor.u32 v18, v28;
	v24 =	vadd.f32 v24, v25  }
0x26d: {  	v61 =	vor.u32 v27, v32  }
0x26e: {  	[tilespmem:v23+s12+$0x0] =	vst.idx.msk $0xffff, v24  }
0x26f: {  	v23 =	vld.idx.msk [tilespmem:v31+s11+$0x0], $0xffff  }
0x270: {  	v24 =	vld.idx.msk [tilespmem:v60+s11+$0x0], $0xffff;
	_ =	sdelay $0x1  }
0x271: {  	v25 =	vld.idx.msk [tilespmem:v61+s11+$0x0], $0xffff;
	_ =	sdelay $0x2  }
0x272: {  	v62 =	vor.u32 v19, v28;
	v23 =	vmul.f32 v23, v20;
	v24 =	vmul.f32 v24, v21  }
0x273: {  	v63 =	vor.u32 $0x1, v27;
	v28 =	vor.u32 v27, v62  }
0x274: {  	v33 =	vor.u32 v63, v29;
	v34 =	vmul.f32 v25, v22;
	v23 =	vadd.f32 v24, v23  }
0x275: {  	v35 =	vor.u32 v63, v30  }
0x276: {  	v23 =	vadd.f32 v34, v23  }
0x277: {  	v36 =	vor.u32 v63, v32  }
0x278: {  	[tilespmem:v28+s12+$0x0] =	vst.idx.msk $0xffff, v23  }
0x279: {  	v23 =	vld.idx.msk [tilespmem:v33+s11+$0x0], $0xffff  }
0x27a: {  	v25 =	vld.idx.msk [tilespmem:v35+s11+$0x0], $0xffff;
	_ =	sdelay $0x1  }
0x27b: {  	v24 =	vld.idx.msk [tilespmem:v36+s11+$0x0], $0xffff;
	_ =	sdelay $0x2  }
0x27c: {  	v23 =	vmul.f32 v23, v20;
	v25 =	vmul.f32 v25, v21  }
0x27d: {  	v38 =	vor.u32 $0x2, v27;
	v37 =	vor.u32 v63, v62  }
0x27e: {  	v39 =	vor.u32 v38, v29;
	v24 =	vmul.f32 v24, v22;
	v23 =	vadd.f32 v25, v23  }
0x27f: {  	v40 =	vor.u32 v38, v30  }
0x280: {  	v23 =	vadd.f32 v24, v23  }
0x281: {  	v41 =	vor.u32 v38, v32  }
0x282: {  	[tilespmem:v37+s12+$0x0] =	vst.idx.msk $0xffff, v23  }
0x283: {  	v23 =	vld.idx.msk [tilespmem:v39+s11+$0x0], $0xffff  }
0x284: {  	v25 =	vld.idx.msk [tilespmem:v40+s11+$0x0], $0xffff;
	_ =	sdelay $0x1  }
0x285: {  	v24 =	vld.idx.msk [tilespmem:v41+s11+$0x0], $0xffff;
	_ =	sdelay $0x2  }
0x286: {  	v23 =	vmul.f32 v23, v20;
	v25 =	vmul.f32 v25, v21  }
0x287: {  	v43 =	vor.u32 $0x3, v27;
	v42 =	vor.u32 v38, v62  }
0x288: {  	v44 =	vor.u32 v43, v29;
	v24 =	vmul.f32 v24, v22;
	v23 =	vadd.f32 v25, v23  }
0x289: {  	v45 =	vor.u32 v43, v30  }
0x28a: {  	v23 =	vadd.f32 v24, v23  }
0x28b: {  	v46 =	vor.u32 v43, v32  }
0x28c: {  	[tilespmem:v42+s12+$0x0] =	vst.idx.msk $0xffff, v23  }
0x28d: {  	v23 =	vld.idx.msk [tilespmem:v44+s11+$0x0], $0xffff  }
0x28e: {  	v25 =	vld.idx.msk [tilespmem:v45+s11+$0x0], $0xffff;
	_ =	sdelay $0x1  }
0x28f: {  	v24 =	vld.idx.msk [tilespmem:v46+s11+$0x0], $0xffff;
	_ =	sdelay $0x2  }
0x290: {  	v23 =	vmul.f32 v23, v20;
	v25 =	vmul.f32 v25, v21  }
0x291: {  	v47 =	vor.u32 $0x4, v27;
	v31 =	vor.u32 v43, v62  }
0x292: {  	v48 =	vor.u32 v47, v29;
	v24 =	vmul.f32 v24, v22;
	v23 =	vadd.f32 v25, v23  }
0x293: {  	v49 =	vor.u32 v47, v30  }
0x294: {  	v23 =	vadd.f32 v24, v23  }
0x295: {  	v50 =	vor.u32 v47, v32  }
0x296: {  	[tilespmem:v31+s12+$0x0] =	vst.idx.msk $0xffff, v23  }
0x297: {  	v23 =	vld.idx.msk [tilespmem:v48+s11+$0x0], $0xffff  }
0x298: {  	v25 =	vld.idx.msk [tilespmem:v49+s11+$0x0], $0xffff;
	_ =	sdelay $0x1  }
0x299: {  	v24 =	vld.idx.msk [tilespmem:v50+s11+$0x0], $0xffff;
	_ =	sdelay $0x2  }
0x29a: {  	v23 =	vmul.f32 v23, v20;
	v25 =	vmul.f32 v25, v21  }
0x29b: {  	v51 =	vor.u32 $0x5, v27;
	v28 =	vor.u32 v47, v62  }
0x29c: {  	v52 =	vor.u32 v51, v29;
	v24 =	vmul.f32 v24, v22;
	v23 =	vadd.f32 v25, v23  }
0x29d: {  	v53 =	vor.u32 v51, v30  }
0x29e: {  	v23 =	vadd.f32 v24, v23  }
0x29f: {  	v54 =	vor.u32 v51, v32  }
0x2a0: {  	[tilespmem:v28+s12+$0x0] =	vst.idx.msk $0xffff, v23  }
0x2a1: {  	v23 =	vld.idx.msk [tilespmem:v52+s11+$0x0], $0xffff  }
0x2a2: {  	v25 =	vld.idx.msk [tilespmem:v53+s11+$0x0], $0xffff;
	_ =	sdelay $0x1  }
0x2a3: {  	v24 =	vld.idx.msk [tilespmem:v54+s11+$0x0], $0xffff;
	_ =	sdelay $0x2  }
0x2a4: {  	v23 =	vmul.f32 v23, v20;
	v25 =	vmul.f32 v25, v21  }
0x2a5: {  	v55 =	vor.u32 $0x6, v27;
	v31 =	vor.u32 v51, v62  }
0x2a6: {  	v56 =	vor.u32 v55, v29;
	v24 =	vmul.f32 v24, v22;
	v23 =	vadd.f32 v25, v23  }
0x2a7: {  	v57 =	vor.u32 v55, v30  }
0x2a8: {  	v23 =	vadd.f32 v24, v23  }
0x2a9: {  	v58 =	vor.u32 v55, v32  }
0x2aa: {  	[tilespmem:v31+s12+$0x0] =	vst.idx.msk $0xffff, v23  }
0x2ab: {  	v23 =	vld.idx.msk [tilespmem:v56+s11+$0x0], $0xffff  }
0x2ac: {  	v25 =	vld.idx.msk [tilespmem:v57+s11+$0x0], $0xffff;
	_ =	sdelay $0x1  }
0x2ad: {  	v24 =	vld.idx.msk [tilespmem:v58+s11+$0x0], $0xffff;
	_ =	sdelay $0x2  }
0x2ae: {  	v23 =	vmul.f32 v23, v20;
	v25 =	vmul.f32 v25, v21  }
0x2af: {  	v27 =	vor.u32 $0x7, v27;
	v28 =	vor.u32 v55, v62  }
0x2b0: {  	v29 =	vor.u32 v27, v29;
	v24 =	vmul.f32 v24, v22;
	v23 =	vadd.f32 v25, v23  }
0x2b1: {  	v59 =	vor.u32 v27, v30  }
0x2b2: {  	v23 =	vadd.f32 v24, v23  }
0x2b3: {  	v60 =	vor.u32 v27, v32  }
0x2b4: {  	[tilespmem:v28+s12+$0x0] =	vst.idx.msk $0xffff, v23  }
0x2b5: {  	v23 =	vld.idx.msk [tilespmem:v29+s11+$0x0], $0xffff  }
0x2b6: {  	v25 =	vld.idx.msk [tilespmem:v59+s11+$0x0], $0xffff;
	_ =	sdelay $0x1  }
0x2b7: {  	v24 =	vld.idx.msk [tilespmem:v60+s11+$0x0], $0xffff;
	_ =	sdelay $0x2  }
0x2b8: {  	v20 =	vmul.f32 v23, v20;
	v61 =	vmul.f32 v25, v21  }
0x2b9: {  	v62 =	vor.u32 v27, v62  }
0x2ba: {  	v63 =	vmul.f32 v24, v22;
	v20 =	vadd.f32 v61, v20;
	_ =	sdelay $0x1  }
0x2bb: {  	v20 =	vadd.f32 v63, v20  }
0x2bc: {  	s19 =	sshll.u32 s16, $0xB;
	p0 =	seq.s32 s16, $0x7  }
.Ltmp3:
0x2bd: {  	s18 =	sadd.s32 s19, s6;
	[tilespmem:v62+s12+$0x0] =	vst.idx.msk $0xffff, v20;
	(pc) =	sbr.rel @p0 .LBB2_10-.Ltmp3, $4  }
0x2be: {  	[hbm4b:s18+s1] =	stream.linear.scatter [tilespmem:s12], [sflag:$0x3], $0x2000, $0x38;
	[tilespmem:$0x11600] =	vst v63  }
0x2bf: {  	_ =	swait.ge [sflag:s8], $0x2000  }
0x2c0: {  	[sflag:s8] =	ssyncset.done $0x0  }
0x2c1: {  	[sflag:s8] =	ssyncadd.s32 $0xFFFFE000  }
0x2c2: {  	s18 =	smul.u32 $0x300, s16;
	_ =	sdelay $0x1  }
0x2c3: {  	s18 =	sshra.s32 s18, $0x2  }
0x2c4: {  	v20 =	vld [tilespmem:s18+$0x10C0];
	_ =	sdelay $0x4  }
0x2c5: {  	v21 =	vshll.u32 v20, $0x1  }
0x2c6: {  	v20 =	vand.u32 $0x7, v20;
	v21 =	vand.u32 $0xFFFFFFF0, v21  }
0x2c7: {  	v20 =	vor.u32 v20, v21  }
0x2c8: {  	v21 =	vperm.xlane v20, v6;
	_ =	sdelay $0x1  }
0x2c9: {  	v20 =	vperm.xlane v20, v8;
	v21 =	vadd.s32 v7, v21;
	_ =	sdelay $0x1  }
0x2ca: {  	v20 =	vadd.s32 v7, v20;
	_ =	sdelay $0x2  }
0x2cb: {  	[tilespmem:s11], [sflag:$0x1] =	stream.indirect_vreg.gather [hbm4b:s3+s1], $0x80, v21, vm0, $0xb8;
	[tilespmem:$0x11600] =	vst v63  }
0x2cc: {  	s19 =	simm.s32 $0x1E00  }
0x2cd: {  	[tilespmem:s19], [sflag:$0x1] =	stream.indirect_vreg.gather [hbm4b:s3+s1], $0x80, v20, vm0, $0xb8;
	[tilespmem:$0x11600] =	vst v63  }
0x2ce: {  	v20 =	vld [tilespmem:s18+$0x10D0];
	_ =	sdelay $0x4  }
0x2cf: {  	v59 =	vshll.u32 v20, $0x1  }
0x2d0: {  	v20 =	vand.u32 $0x7, v20;
	v21 =	vand.u32 $0xFFFFFFF0, v59  }
0x2d1: {  	v20 =	vor.u32 v20, v21  }
0x2d2: {  	v21 =	vperm.xlane v20, v6;
	_ =	sdelay $0x1  }
0x2d3: {  	v20 =	vperm.xlane v20, v8;
	v21 =	vadd.s32 v7, v21;
	_ =	sdelay $0x1  }
0x2d4: {  	v20 =	vadd.s32 v7, v20;
	_ =	sdelay $0x1  }
0x2d5: {  	s19 =	simm.s32 $0x2600  }
0x2d6: {  	[tilespmem:s19], [sflag:$0x1] =	stream.indirect_vreg.gather [hbm4b:s3+s1], $0x80, v21, vm0, $0xb8;
	[tilespmem:$0x11600] =	vst v63  }
0x2d7: {  	s19 =	simm.s32 $0x2E00  }
0x2d8: {  	[tilespmem:s19], [sflag:$0x1] =	stream.indirect_vreg.gather [hbm4b:s3+s1], $0x80, v20, vm0, $0xb8;
	[tilespmem:$0x11600] =	vst v63  }
0x2d9: {  	v20 =	vld [tilespmem:s18+$0x10E0];
	_ =	sdelay $0x4  }
0x2da: {  	v60 =	vshll.u32 v20, $0x1  }
0x2db: {  	v20 =	vand.u32 $0x7, v20;
	v21 =	vand.u32 $0xFFFFFFF0, v60  }
0x2dc: {  	v20 =	vor.u32 v20, v21  }
0x2dd: {  	v21 =	vperm.xlane v20, v6;
	_ =	sdelay $0x1  }
0x2de: {  	v20 =	vperm.xlane v20, v8;
	v21 =	vadd.s32 v7, v21;
	_ =	sdelay $0x1  }
0x2df: {  	v20 =	vadd.s32 v7, v20;
	_ =	sdelay $0x1  }
0x2e0: {  	s19 =	simm.s32 $0x3600  }
0x2e1: {  	[tilespmem:s19], [sflag:$0x1] =	stream.indirect_vreg.gather [hbm4b:s3+s1], $0x80, v21, vm0, $0xb8;
	[tilespmem:$0x11600] =	vst v63  }
0x2e2: {  	s19 =	simm.s32 $0x3E00  }
0x2e3: {  	[tilespmem:s19], [sflag:$0x1] =	stream.indirect_vreg.gather [hbm4b:s3+s1], $0x80, v20, vm0, $0xb8;
	[tilespmem:$0x11600] =	vst v63  }
0x2e4: {  	v20 =	vld [tilespmem:s18+$0x10F0];
	_ =	sdelay $0x4  }
0x2e5: {  	v61 =	vshll.u32 v20, $0x1  }
0x2e6: {  	v20 =	vand.u32 $0x7, v20;
	v21 =	vand.u32 $0xFFFFFFF0, v61  }
0x2e7: {  	v20 =	vor.u32 v20, v21  }
0x2e8: {  	v21 =	vperm.xlane v20, v6;
	_ =	sdelay $0x1  }
0x2e9: {  	v20 =	vperm.xlane v20, v8;
	v21 =	vadd.s32 v7, v21;
	_ =	sdelay $0x1  }
0x2ea: {  	v20 =	vadd.s32 v7, v20;
	_ =	sdelay $0x1  }
0x2eb: {  	s19 =	simm.s32 $0x4600  }
0x2ec: {  	[tilespmem:s19], [sflag:$0x1] =	stream.indirect_vreg.gather [hbm4b:s3+s1], $0x80, v21, vm0, $0xb8;
	[tilespmem:$0x11600] =	vst v63  }
0x2ed: {  	s19 =	simm.s32 $0x4E00  }
0x2ee: {  	[tilespmem:s19], [sflag:$0x1] =	stream.indirect_vreg.gather [hbm4b:s3+s1], $0x80, v20, vm0, $0xb8;
	[tilespmem:$0x11600] =	vst v63  }
0x2ef: {  	v20 =	vld [tilespmem:s18+$0x1100];
	_ =	sdelay $0x4  }
0x2f0: {  	v62 =	vshll.u32 v20, $0x1  }
0x2f1: {  	v20 =	vand.u32 $0x7, v20;
	v21 =	vand.u32 $0xFFFFFFF0, v62  }
0x2f2: {  	v20 =	vor.u32 v20, v21  }
0x2f3: {  	v21 =	vperm.xlane v20, v6;
	_ =	sdelay $0x1  }
0x2f4: {  	v20 =	vperm.xlane v20, v8;
	v21 =	vadd.s32 v7, v21;
	_ =	sdelay $0x1  }
0x2f5: {  	v20 =	vadd.s32 v7, v20;
	_ =	sdelay $0x1  }
0x2f6: {  	s19 =	simm.s32 $0x5600  }
0x2f7: {  	[tilespmem:s19], [sflag:$0x1] =	stream.indirect_vreg.gather [hbm4b:s3+s1], $0x80, v21, vm0, $0xb8;
	[tilespmem:$0x11600] =	vst v63  }
0x2f8: {  	_ = 	snop  }
0x2f9: {  	[tilespmem:s20], [sflag:$0x1] =	stream.indirect_vreg.gather [hbm4b:s3+s1], $0x80, v20, vm0, $0xb8;
	[tilespmem:$0x11600] =	vst v63  }
0x2fa: {  	v20 =	vld [tilespmem:s18+$0x1110];
	_ =	sdelay $0x4  }
0x2fb: {  	v63 =	vshll.u32 v20, $0x1  }
0x2fc: {  	v20 =	vand.u32 $0x7, v20;
	v21 =	vand.u32 $0xFFFFFFF0, v63  }
0x2fd: {  	v20 =	vor.u32 v20, v21  }
0x2fe: {  	v21 =	vperm.xlane v20, v6;
	_ =	sdelay $0x1  }
0x2ff: {  	v20 =	vperm.xlane v20, v8;
	v21 =	vadd.s32 v7, v21;
	_ =	sdelay $0x1  }
0x300: {  	v20 =	vadd.s32 v7, v20;
	_ =	sdelay $0x2  }
0x301: {  	[tilespmem:s21], [sflag:$0x1] =	stream.indirect_vreg.gather [hbm4b:s3+s1], $0x80, v21, vm0, $0xb8;
	[tilespmem:$0x11600] =	vst v63  }
0x302: {  	_ = 	snop  }
0x303: {  	[tilespmem:s22], [sflag:$0x1] =	stream.indirect_vreg.gather [hbm4b:s3+s1], $0x80, v20, vm0, $0xb8;
	[tilespmem:$0x11600] =	vst v63  }
.LBB2_10:
0x304: {  	s18 =	simm.s32 $0x0  }
0x305: {  	v20 =	vmov s18  }
0x306: {  	s19 =	sshll.u32 s17, $0x7;
	v21 =	vshll.u32 v20, $0x3  }
0x307: {  	v22 =	vor.u32 s19, v0;
	v23 =	vand.u32 $0x400, v21  }
0x308: {  	v24 =	vand.u32 $0x78, v20;
	v21 =	vor.u32 s19, v2;
	v25 =	vor.u32 v9, v23  }
0x309: {  	_ =	swait.ge [sflag:s13], $0x6000;
	v26 =	vor.u32 v10, v23;
	v27 =	vor.u32 v24, v25  }
0x30a: {  	[sflag:s13] =	ssyncset.done $0x0;
	v28 =	vor.u32 v24, v26  }
0x30b: {  	v29 =	vor.u32 s19, v4;
	[sflag:s13] =	ssyncadd.s32 $0xFFFFA000;
	v30 =	vor.u32 v11, v23  }
0x30c: {  	v31 =	vor.u32 v24, v30;
	v20 =	vld.idx.msk [tilespmem:v22+s9+$0x0], $0xffff  }
0x30d: {  	v21 =	vld.idx.msk [tilespmem:v21+s9+$0x0], $0xffff  }
0x30e: {  	v27 =	vld.idx.msk [tilespmem:v27+s23+$0x0], $0xffff  }
0x30f: {  	v28 =	vld.idx.msk [tilespmem:v28+s23+$0x0], $0xffff  }
0x310: {  	v22 =	vld.idx.msk [tilespmem:v29+s9+$0x0], $0xffff  }
0x311: {  	v29 =	vld.idx.msk [tilespmem:v31+s23+$0x0], $0xffff;
	_ =	sdelay $0x2  }
0x312: {  	v55 =	vor.u32 v12, v23;
	v23 =	vmul.f32 v27, v20;
	v27 =	vmul.f32 v28, v21  }
0x313: {  	v32 =	vor.u32 $0x1, v24;
	v28 =	vor.u32 v24, v55  }
0x314: {  	v33 =	vor.u32 v32, v25;
	v23 =	vadd.f32 v27, v23;
	v27 =	vmul.f32 v29, v22  }
0x315: {  	v29 =	vor.u32 v32, v26  }
0x316: {  	v23 =	vadd.f32 v27, v23  }
0x317: {  	v27 =	vor.u32 v32, v30  }
0x318: {  	[tilespmem:v28+s14+$0x0] =	vst.idx.msk $0xffff, v23  }
0x319: {  	v23 =	vld.idx.msk [tilespmem:v33+s23+$0x0], $0xffff  }
0x31a: {  	v28 =	vld.idx.msk [tilespmem:v29+s23+$0x0], $0xffff;
	_ =	sdelay $0x1  }
0x31b: {  	v27 =	vld.idx.msk [tilespmem:v27+s23+$0x0], $0xffff;
	_ =	sdelay $0x2  }
0x31c: {  	v23 =	vmul.f32 v23, v20;
	v28 =	vmul.f32 v28, v21  }
0x31d: {  	v56 =	vor.u32 $0x2, v24;
	v29 =	vor.u32 v32, v55  }
0x31e: {  	v57 =	vor.u32 v56, v25;
	v23 =	vadd.f32 v28, v23;
	v27 =	vmul.f32 v27, v22  }
0x31f: {  	v28 =	vor.u32 v56, v26  }
0x320: {  	v23 =	vadd.f32 v27, v23  }
0x321: {  	v27 =	vor.u32 v56, v30  }
0x322: {  	[tilespmem:v29+s14+$0x0] =	vst.idx.msk $0xffff, v23  }
0x323: {  	v23 =	vld.idx.msk [tilespmem:v57+s23+$0x0], $0xffff  }
0x324: {  	v28 =	vld.idx.msk [tilespmem:v28+s23+$0x0], $0xffff;
	_ =	sdelay $0x1  }
0x325: {  	v27 =	vld.idx.msk [tilespmem:v27+s23+$0x0], $0xffff;
	_ =	sdelay $0x2  }
0x326: {  	v23 =	vmul.f32 v23, v20;
	v28 =	vmul.f32 v28, v21  }
0x327: {  	v58 =	vor.u32 $0x3, v24;
	v29 =	vor.u32 v56, v55  }
0x328: {  	v59 =	vor.u32 v58, v25;
	v23 =	vadd.f32 v28, v23;
	v27 =	vmul.f32 v27, v22  }
0x329: {  	v28 =	vor.u32 v58, v26  }
0x32a: {  	v23 =	vadd.f32 v27, v23  }
0x32b: {  	v27 =	vor.u32 v58, v30  }
0x32c: {  	[tilespmem:v29+s14+$0x0] =	vst.idx.msk $0xffff, v23  }
0x32d: {  	v23 =	vld.idx.msk [tilespmem:v59+s23+$0x0], $0xffff  }
0x32e: {  	v28 =	vld.idx.msk [tilespmem:v28+s23+$0x0], $0xffff;
	_ =	sdelay $0x1  }
0x32f: {  	v27 =	vld.idx.msk [tilespmem:v27+s23+$0x0], $0xffff;
	_ =	sdelay $0x2  }
0x330: {  	v23 =	vmul.f32 v23, v20;
	v28 =	vmul.f32 v28, v21  }
0x331: {  	v32 =	vor.u32 v58, v55;
	v29 =	vor.u32 $0x4, v24  }
0x332: {  	v60 =	vor.u32 v29, v25;
	v23 =	vadd.f32 v28, v23;
	v27 =	vmul.f32 v27, v22  }
0x333: {  	v28 =	vor.u32 v29, v26  }
0x334: {  	v23 =	vadd.f32 v27, v23  }
0x335: {  	v27 =	vor.u32 v29, v30  }
0x336: {  	[tilespmem:v32+s14+$0x0] =	vst.idx.msk $0xffff, v23  }
0x337: {  	v23 =	vld.idx.msk [tilespmem:v60+s23+$0x0], $0xffff  }
0x338: {  	v28 =	vld.idx.msk [tilespmem:v28+s23+$0x0], $0xffff;
	_ =	sdelay $0x1  }
0x339: {  	v27 =	vld.idx.msk [tilespmem:v27+s23+$0x0], $0xffff;
	_ =	sdelay $0x2  }
0x33a: {  	v23 =	vmul.f32 v23, v20;
	v28 =	vmul.f32 v28, v21  }
0x33b: {  	v61 =	vor.u32 $0x5, v24;
	v29 =	vor.u32 v29, v55  }
0x33c: {  	v62 =	vor.u32 v61, v25;
	v23 =	vadd.f32 v28, v23;
	v27 =	vmul.f32 v27, v22  }
0x33d: {  	v28 =	vor.u32 v61, v26  }
0x33e: {  	v23 =	vadd.f32 v27, v23  }
0x33f: {  	v27 =	vor.u32 v61, v30  }
0x340: {  	[tilespmem:v29+s14+$0x0] =	vst.idx.msk $0xffff, v23  }
0x341: {  	v23 =	vld.idx.msk [tilespmem:v62+s23+$0x0], $0xffff  }
0x342: {  	v28 =	vld.idx.msk [tilespmem:v28+s23+$0x0], $0xffff;
	_ =	sdelay $0x1  }
0x343: {  	v27 =	vld.idx.msk [tilespmem:v27+s23+$0x0], $0xffff;
	_ =	sdelay $0x2  }
0x344: {  	v23 =	vmul.f32 v23, v20;
	v28 =	vmul.f32 v28, v21  }
0x345: {  	v32 =	vor.u32 v61, v55;
	v29 =	vor.u32 $0x6, v24  }
0x346: {  	v63 =	vor.u32 v29, v25;
	v23 =	vadd.f32 v28, v23;
	v27 =	vmul.f32 v27, v22  }
0x347: {  	v28 =	vor.u32 v29, v26  }
0x348: {  	v23 =	vadd.f32 v27, v23  }
0x349: {  	v27 =	vor.u32 v29, v30  }
0x34a: {  	[tilespmem:v32+s14+$0x0] =	vst.idx.msk $0xffff, v23  }
0x34b: {  	v23 =	vld.idx.msk [tilespmem:v63+s23+$0x0], $0xffff  }
0x34c: {  	v28 =	vld.idx.msk [tilespmem:v28+s23+$0x0], $0xffff;
	_ =	sdelay $0x1  }
0x34d: {  	v27 =	vld.idx.msk [tilespmem:v27+s23+$0x0], $0xffff;
	_ =	sdelay $0x2  }
0x34e: {  	v23 =	vmul.f32 v23, v20;
	v28 =	vmul.f32 v28, v21  }
0x34f: {  	v24 =	vor.u32 $0x7, v24;
	v29 =	vor.u32 v29, v55  }
0x350: {  	v25 =	vor.u32 v24, v25;
	v23 =	vadd.f32 v28, v23;
	v27 =	vmul.f32 v27, v22;
	_ =	sdelay $0x1  }
0x351: {  	v23 =	vadd.f32 v27, v23;
	_ =	sdelay $0x1  }
0x352: {  	v28 =	vor.u32 v24, v26;
	[tilespmem:v29+s14+$0x0] =	vst.idx.msk $0xffff, v23  }
0x353: {  	v26 =	vld.idx.msk [tilespmem:v25+s23+$0x0], $0xffff;
	v25 =	vor.u32 v24, v30;
	_ =	sdelay $0x3  }
0x354: {  	s18 =	simm.s32 $0x8;
	v23 =	vmov s19;
	s19 =	simm.s32 $0x10;
	v24 =	vor.u32 v24, v55;
	v27 =	vld.idx.msk [tilespmem:v28+s23+$0x0], $0xffff  }
.LBB2_11:
0x355: {  	p0 =	sne.s32 s19, $0xF8;
	v28 =	vmov s18;
	v25 =	vld.idx.msk [tilespmem:v25+s23+$0x0], $0xffff;
	s18 =	smov.u32 s19;
	s19 =	sadd.s32 $0x8, s19  }
0x356: {  	v29 =	vshll.u32 v28, $0x3  }
0x357: {  	v28 =	vand.u32 $0x78, v28;
	v29 =	vand.u32 $0x400, v29  }
0x358: {  	v33 =	vor.u32 v9, v29;
	v34 =	vor.u32 v10, v29;
	v35 =	vor.u32 v11, v29  }
0x359: {  	v26 =	vmul.f32 v26, v20;
	v30 =	vor.u32 v28, v33;
	v31 =	vor.u32 v28, v34  }
0x35a: {  	v36 =	vor.u32 v12, v29;
	v32 =	vor.u32 v28, v35;
	v27 =	vmul.f32 v27, v21  }
0x35b: {  	v29 =	vor.u32 $0x1, v28;
	v37 =	vor.u32 v28, v36;
	v25 =	vmul.f32 v25, v22  }
0x35c: {  	v38 =	vor.u32 v29, v33;
	v39 =	vor.u32 v29, v34;
	v26 =	vadd.f32 v27, v26  }
0x35d: {  	v40 =	vor.u32 v29, v35;
	v41 =	vor.u32 v29, v36;
	v27 =	vor.u32 $0x2, v28  }
0x35e: {  	v42 =	vor.u32 v27, v33;
	v43 =	vor.u32 v27, v34;
	v25 =	vadd.f32 v25, v26  }
0x35f: {  	v44 =	vor.u32 v27, v35;
	v45 =	vor.u32 v27, v36;
	v26 =	vor.u32 $0x3, v28  }
0x360: {  	v27 =	vor.u32 $0x4, v28;
	v46 =	vor.u32 v26, v33;
	v47 =	vor.u32 v26, v34;
	[tilespmem:v24+s14+$0x0] =	vst.idx.msk $0xffff, v25  }
0x361: {  	v50 =	vor.u32 v27, v33;
	v48 =	vor.u32 v26, v35;
	v49 =	vor.u32 v26, v36;
	v24 =	vld.idx.msk [tilespmem:v30+s23+$0x0], $0xffff  }
0x362: {  	v52 =	vor.u32 v27, v34;
	v53 =	vor.u32 v27, v35;
	v54 =	vor.u32 v27, v36;
	v51 =	vld.idx.msk [tilespmem:v31+s23+$0x0], $0xffff  }
0x363: {  	v55 =	vor.u32 $0x7, v28;
	v26 =	vor.u32 $0x6, v28;
	v25 =	vor.u32 $0x5, v28  }
0x364: {  	v57 =	vor.u32 v25, v33;
	v58 =	vor.u32 v25, v34;
	v59 =	vor.u32 v25, v35;
	v56 =	vld.idx.msk [tilespmem:v32+s23+$0x0], $0xffff  }
0x365: {  	v29 =	vor.u32 v26, v34;
	v31 =	vor.u32 v26, v33;
	v32 =	vor.u32 v25, v36  }
0x366: {  	v27 =	vor.u32 v26, v36;
	v30 =	vor.u32 v26, v35;
	v26 =	vor.u32 v55, v33  }
0x367: {  	v28 =	vor.u32 v55, v34;
	v25 =	vor.u32 v55, v35;
	v33 =	vmul.f32 v24, v20  }
0x368: {  	v24 =	vor.u32 v55, v36;
	v34 =	vmul.f32 v51, v21;
	_ =	sdelay $0x1  }
0x369: {  	v33 =	vadd.f32 v34, v33;
	v34 =	vmul.f32 v56, v22;
	_ =	sdelay $0x1  }
0x36a: {  	v33 =	vadd.f32 v34, v33;
	_ =	sdelay $0x1  }
0x36b: {  	[tilespmem:v37+s14+$0x0] =	vst.idx.msk $0xffff, v33  }
0x36c: {  	v33 =	vld.idx.msk [tilespmem:v38+s23+$0x0], $0xffff  }
0x36d: {  	v34 =	vld.idx.msk [tilespmem:v39+s23+$0x0], $0xffff;
	_ =	sdelay $0x1  }
0x36e: {  	v35 =	vld.idx.msk [tilespmem:v40+s23+$0x0], $0xffff;
	_ =	sdelay $0x3  }
0x36f: {  	v33 =	vmul.f32 v33, v20;
	v34 =	vmul.f32 v34, v21;
	_ =	sdelay $0x1  }
0x370: {  	v33 =	vadd.f32 v34, v33;
	v34 =	vmul.f32 v35, v22;
	_ =	sdelay $0x1  }
0x371: {  	v33 =	vadd.f32 v34, v33;
	_ =	sdelay $0x1  }
0x372: {  	[tilespmem:v41+s14+$0x0] =	vst.idx.msk $0xffff, v33  }
0x373: {  	v33 =	vld.idx.msk [tilespmem:v42+s23+$0x0], $0xffff  }
0x374: {  	v34 =	vld.idx.msk [tilespmem:v43+s23+$0x0], $0xffff;
	_ =	sdelay $0x1  }
0x375: {  	v35 =	vld.idx.msk [tilespmem:v44+s23+$0x0], $0xffff;
	_ =	sdelay $0x2  }
0x376: {  	v33 =	vmul.f32 v33, v20  }
0x377: {  	v34 =	vmul.f32 v34, v21;
	_ =	sdelay $0x1  }
0x378: {  	v33 =	vadd.f32 v34, v33;
	v34 =	vmul.f32 v35, v22;
	_ =	sdelay $0x1  }
0x379: {  	v33 =	vadd.f32 v34, v33;
	_ =	sdelay $0x1  }
0x37a: {  	[tilespmem:v45+s14+$0x0] =	vst.idx.msk $0xffff, v33  }
0x37b: {  	v33 =	vld.idx.msk [tilespmem:v46+s23+$0x0], $0xffff  }
0x37c: {  	v34 =	vld.idx.msk [tilespmem:v47+s23+$0x0], $0xffff  }
0x37d: {  	v35 =	vld.idx.msk [tilespmem:v48+s23+$0x0], $0xffff;
	_ =	sdelay $0x3  }
0x37e: {  	v33 =	vmul.f32 v33, v20  }
0x37f: {  	v34 =	vmul.f32 v34, v21;
	_ =	sdelay $0x1  }
0x380: {  	v33 =	vadd.f32 v34, v33;
	v34 =	vmul.f32 v35, v22;
	_ =	sdelay $0x1  }
0x381: {  	v33 =	vadd.f32 v34, v33;
	_ =	sdelay $0x1  }
0x382: {  	[tilespmem:v49+s14+$0x0] =	vst.idx.msk $0xffff, v33  }
0x383: {  	v33 =	vld.idx.msk [tilespmem:v50+s23+$0x0], $0xffff  }
0x384: {  	v34 =	vld.idx.msk [tilespmem:v52+s23+$0x0], $0xffff;
	_ =	sdelay $0x1  }
0x385: {  	v35 =	vld.idx.msk [tilespmem:v53+s23+$0x0], $0xffff;
	_ =	sdelay $0x2  }
0x386: {  	v33 =	vmul.f32 v33, v20  }
0x387: {  	v34 =	vmul.f32 v34, v21;
	_ =	sdelay $0x1  }
0x388: {  	v33 =	vadd.f32 v34, v33;
	v34 =	vmul.f32 v35, v22;
	_ =	sdelay $0x1  }
0x389: {  	v33 =	vadd.f32 v34, v33;
	_ =	sdelay $0x1  }
0x38a: {  	[tilespmem:v54+s14+$0x0] =	vst.idx.msk $0xffff, v33  }
0x38b: {  	v33 =	vld.idx.msk [tilespmem:v57+s23+$0x0], $0xffff  }
0x38c: {  	v34 =	vld.idx.msk [tilespmem:v58+s23+$0x0], $0xffff  }
0x38d: {  	v35 =	vld.idx.msk [tilespmem:v59+s23+$0x0], $0xffff;
	_ =	sdelay $0x4  }
0x38e: {  	v33 =	vmul.f32 v33, v20;
	v34 =	vmul.f32 v34, v21;
	_ =	sdelay $0x1  }
0x38f: {  	v33 =	vadd.f32 v34, v33;
	v34 =	vmul.f32 v35, v22;
	_ =	sdelay $0x1  }
0x390: {  	v33 =	vadd.f32 v34, v33;
	_ =	sdelay $0x1  }
0x391: {  	[tilespmem:v32+s14+$0x0] =	vst.idx.msk $0xffff, v33  }
0x392: {  	v31 =	vld.idx.msk [tilespmem:v31+s23+$0x0], $0xffff  }
0x393: {  	v29 =	vld.idx.msk [tilespmem:v29+s23+$0x0], $0xffff  }
0x394: {  	v30 =	vld.idx.msk [tilespmem:v30+s23+$0x0], $0xffff;
	_ =	sdelay $0x3  }
0x395: {  	v31 =	vmul.f32 v31, v20  }
0x396: {  	v29 =	vmul.f32 v29, v21;
	_ =	sdelay $0x1  }
0x397: {  	v30 =	vmul.f32 v30, v22;
	v29 =	vadd.f32 v29, v31;
	_ =	sdelay $0x1  }
.Ltmp4:
0x398: {  	v29 =	vadd.f32 v30, v29;
	(pc) =	sbr.rel @p0 .LBB2_11-.Ltmp4, $4  }
0x399: {  	_ = 	snop  }
0x39a: {  	[tilespmem:v27+s14+$0x0] =	vst.idx.msk $0xffff, v29  }
0x39b: {  	v26 =	vld.idx.msk [tilespmem:v26+s23+$0x0], $0xffff  }
0x39c: {  	v27 =	vld.idx.msk [tilespmem:v28+s23+$0x0], $0xffff  }
0x39d: {  	_ =	sdelay $0x3  }
0x39e: {  	v25 =	vld.idx.msk [tilespmem:v25+s23+$0x0], $0xffff  }
0x39f: {  	v28 =	vmov s18  }
0x3a0: {  	v29 =	vshll.u32 v28, $0x3  }
0x3a1: {  	v29 =	vand.u32 $0x400, v29;
	v26 =	vmul.f32 v26, v20;
	v27 =	vmul.f32 v27, v21  }
0x3a2: {  	v28 =	vand.u32 $0x78, v28;
	v30 =	vor.u32 v9, v29;
	v31 =	vor.u32 v10, v29  }
0x3a3: {  	v32 =	vor.u32 v28, v30;
	v25 =	vmul.f32 v25, v22;
	v26 =	vadd.f32 v27, v26  }
0x3a4: {  	v27 =	vor.u32 v28, v31  }
0x3a5: {  	v33 =	vor.u32 v11, v29;
	v25 =	vadd.f32 v25, v26  }
0x3a6: {  	v26 =	vor.u32 v28, v33  }
0x3a7: {  	[tilespmem:v24+s14+$0x0] =	vst.idx.msk $0xffff, v25  }
0x3a8: {  	v24 =	vld.idx.msk [tilespmem:v32+s23+$0x0], $0xffff  }
0x3a9: {  	v25 =	vld.idx.msk [tilespmem:v27+s23+$0x0], $0xffff;
	_ =	sdelay $0x1  }
0x3aa: {  	v26 =	vld.idx.msk [tilespmem:v26+s23+$0x0], $0xffff;
	_ =	sdelay $0x2  }
0x3ab: {  	v27 =	vor.u32 v12, v29;
	v24 =	vmul.f32 v24, v20;
	v25 =	vmul.f32 v25, v21  }
0x3ac: {  	v58 =	vor.u32 $0x1, v28;
	v29 =	vor.u32 v28, v27  }
0x3ad: {  	v34 =	vor.u32 v58, v30;
	v24 =	vadd.f32 v25, v24;
	v25 =	vmul.f32 v26, v22  }
0x3ae: {  	v26 =	vor.u32 v58, v31  }
0x3af: {  	v24 =	vadd.f32 v25, v24  }
0x3b0: {  	v25 =	vor.u32 v58, v33  }
0x3b1: {  	[tilespmem:v29+s14+$0x0] =	vst.idx.msk $0xffff, v24  }
0x3b2: {  	v24 =	vld.idx.msk [tilespmem:v34+s23+$0x0], $0xffff  }
0x3b3: {  	v26 =	vld.idx.msk [tilespmem:v26+s23+$0x0], $0xffff;
	_ =	sdelay $0x1  }
0x3b4: {  	v25 =	vld.idx.msk [tilespmem:v25+s23+$0x0], $0xffff;
	_ =	sdelay $0x2  }
0x3b5: {  	v24 =	vmul.f32 v24, v20;
	v26 =	vmul.f32 v26, v21  }
0x3b6: {  	v60 =	vor.u32 $0x2, v28;
	v59 =	vor.u32 v58, v27  }
0x3b7: {  	v61 =	vor.u32 v60, v30;
	v24 =	vadd.f32 v26, v24;
	v25 =	vmul.f32 v25, v22  }
0x3b8: {  	v26 =	vor.u32 v60, v31  }
0x3b9: {  	v24 =	vadd.f32 v25, v24  }
0x3ba: {  	v25 =	vor.u32 v60, v33  }
0x3bb: {  	[tilespmem:v59+s14+$0x0] =	vst.idx.msk $0xffff, v24  }
0x3bc: {  	v24 =	vld.idx.msk [tilespmem:v61+s23+$0x0], $0xffff  }
0x3bd: {  	v26 =	vld.idx.msk [tilespmem:v26+s23+$0x0], $0xffff;
	_ =	sdelay $0x1  }
0x3be: {  	v25 =	vld.idx.msk [tilespmem:v25+s23+$0x0], $0xffff;
	_ =	sdelay $0x2  }
0x3bf: {  	v24 =	vmul.f32 v24, v20;
	v26 =	vmul.f32 v26, v21  }
0x3c0: {  	v63 =	vor.u32 $0x3, v28;
	v62 =	vor.u32 v60, v27  }
0x3c1: {  	v36 =	vor.u32 v63, v30;
	v24 =	vadd.f32 v26, v24;
	v25 =	vmul.f32 v25, v22  }
0x3c2: {  	v26 =	vor.u32 v63, v31  }
0x3c3: {  	v24 =	vadd.f32 v25, v24  }
0x3c4: {  	v25 =	vor.u32 v63, v33  }
0x3c5: {  	[tilespmem:v62+s14+$0x0] =	vst.idx.msk $0xffff, v24  }
0x3c6: {  	v24 =	vld.idx.msk [tilespmem:v36+s23+$0x0], $0xffff  }
0x3c7: {  	v26 =	vld.idx.msk [tilespmem:v26+s23+$0x0], $0xffff;
	_ =	sdelay $0x1  }
0x3c8: {  	v25 =	vld.idx.msk [tilespmem:v25+s23+$0x0], $0xffff;
	_ =	sdelay $0x2  }
0x3c9: {  	v24 =	vmul.f32 v24, v20;
	v26 =	vmul.f32 v26, v21  }
0x3ca: {  	v37 =	vor.u32 $0x4, v28;
	v32 =	vor.u32 v63, v27  }
0x3cb: {  	v38 =	vor.u32 v37, v30;
	v24 =	vadd.f32 v26, v24;
	v25 =	vmul.f32 v25, v22  }
0x3cc: {  	v26 =	vor.u32 v37, v31  }
0x3cd: {  	v24 =	vadd.f32 v25, v24  }
0x3ce: {  	v25 =	vor.u32 v37, v33  }
0x3cf: {  	[tilespmem:v32+s14+$0x0] =	vst.idx.msk $0xffff, v24  }
0x3d0: {  	v24 =	vld.idx.msk [tilespmem:v38+s23+$0x0], $0xffff  }
0x3d1: {  	v26 =	vld.idx.msk [tilespmem:v26+s23+$0x0], $0xffff;
	_ =	sdelay $0x1  }
0x3d2: {  	v25 =	vld.idx.msk [tilespmem:v25+s23+$0x0], $0xffff;
	_ =	sdelay $0x2  }
0x3d3: {  	v24 =	vmul.f32 v24, v20;
	v26 =	vmul.f32 v26, v21  }
0x3d4: {  	v39 =	vor.u32 $0x5, v28;
	v29 =	vor.u32 v37, v27  }
0x3d5: {  	v40 =	vor.u32 v39, v30;
	v24 =	vadd.f32 v26, v24;
	v25 =	vmul.f32 v25, v22  }
0x3d6: {  	v26 =	vor.u32 v39, v31  }
0x3d7: {  	v24 =	vadd.f32 v25, v24  }
0x3d8: {  	v25 =	vor.u32 v39, v33  }
0x3d9: {  	[tilespmem:v29+s14+$0x0] =	vst.idx.msk $0xffff, v24  }
0x3da: {  	v24 =	vld.idx.msk [tilespmem:v40+s23+$0x0], $0xffff  }
0x3db: {  	v26 =	vld.idx.msk [tilespmem:v26+s23+$0x0], $0xffff;
	_ =	sdelay $0x1  }
0x3dc: {  	v25 =	vld.idx.msk [tilespmem:v25+s23+$0x0], $0xffff;
	_ =	sdelay $0x2  }
0x3dd: {  	v24 =	vmul.f32 v24, v20;
	v26 =	vmul.f32 v26, v21  }
0x3de: {  	v41 =	vor.u32 $0x6, v28;
	v32 =	vor.u32 v39, v27  }
0x3df: {  	v42 =	vor.u32 v41, v30;
	v24 =	vadd.f32 v26, v24;
	v25 =	vmul.f32 v25, v22  }
0x3e0: {  	v26 =	vor.u32 v41, v31  }
0x3e1: {  	v24 =	vadd.f32 v25, v24  }
0x3e2: {  	v25 =	vor.u32 v41, v33  }
0x3e3: {  	[tilespmem:v32+s14+$0x0] =	vst.idx.msk $0xffff, v24  }
0x3e4: {  	v24 =	vld.idx.msk [tilespmem:v42+s23+$0x0], $0xffff  }
0x3e5: {  	v26 =	vld.idx.msk [tilespmem:v26+s23+$0x0], $0xffff;
	_ =	sdelay $0x1  }
0x3e6: {  	v25 =	vld.idx.msk [tilespmem:v25+s23+$0x0], $0xffff;
	_ =	sdelay $0x2  }
0x3e7: {  	v24 =	vmul.f32 v24, v20;
	v26 =	vmul.f32 v26, v21  }
0x3e8: {  	v28 =	vor.u32 $0x7, v28;
	v29 =	vor.u32 v41, v27  }
0x3e9: {  	v30 =	vor.u32 v28, v30;
	v24 =	vadd.f32 v26, v24;
	v25 =	vmul.f32 v25, v22  }
0x3ea: {  	v26 =	vor.u32 v28, v31  }
0x3eb: {  	v43 =	vor.u32 v28, v33;
	v24 =	vadd.f32 v25, v24;
	_ =	sdelay $0x1  }
0x3ec: {  	[tilespmem:v29+s14+$0x0] =	vst.idx.msk $0xffff, v24  }
0x3ed: {  	v24 =	vld.idx.msk [tilespmem:v30+s23+$0x0], $0xffff  }
0x3ee: {  	v25 =	vld.idx.msk [tilespmem:v26+s23+$0x0], $0xffff  }
0x3ef: {  	v26 =	vld.idx.msk [tilespmem:v43+s23+$0x0], $0xffff;
	_ =	sdelay $0x2  }
0x3f0: {  	s19 =	simm.s32 $0x0  }
0x3f1: {  	v20 =	vmul.f32 v24, v20;
	v21 =	vmul.f32 v25, v21;
	v24 =	vmov s19  }
0x3f2: {  	v25 =	vor.u32 v28, v27;
	v22 =	vmul.f32 v26, v22;
	v26 =	vshll.u32 v24, $0x3  }
0x3f3: {  	v20 =	vadd.f32 v21, v20;
	v21 =	vor.u32 v13, v23;
	v26 =	vand.u32 $0x400, v26  }
0x3f4: {  	v27 =	vor.u32 v14, v23;
	v24 =	vand.u32 $0x78, v24;
	v44 =	vor.u32 v16, v26  }
0x3f5: {  	v45 =	vor.u32 v17, v26;
	v20 =	vadd.f32 v22, v20;
	v22 =	vor.u32 v24, v44  }
0x3f6: {  	v46 =	vor.u32 v24, v45  }
0x3f7: {  	v23 =	vor.u32 v15, v23;
	v47 =	vor.u32 v18, v26;
	[tilespmem:v25+s14+$0x0] =	vst.idx.msk $0xffff, v20  }
0x3f8: {  	v25 =	vor.u32 v24, v47;
	v20 =	vld.idx.msk [tilespmem:v21+s9+$0x0], $0xffff  }
0x3f9: {  	v21 =	vld.idx.msk [tilespmem:v27+s9+$0x0], $0xffff  }
0x3fa: {  	v27 =	vld.idx.msk [tilespmem:v22+s23+$0x0], $0xffff  }
0x3fb: {  	v30 =	vld.idx.msk [tilespmem:v46+s23+$0x0], $0xffff  }
0x3fc: {  	v22 =	vld.idx.msk [tilespmem:v23+s9+$0x0], $0xffff  }
0x3fd: {  	v23 =	vld.idx.msk [tilespmem:v25+s23+$0x0], $0xffff;
	_ =	sdelay $0x2  }
0x3fe: {  	v26 =	vor.u32 v19, v26;
	v25 =	vmul.f32 v27, v20;
	v27 =	vmul.f32 v30, v21  }
0x3ff: {  	v49 =	vor.u32 $0x1, v24;
	v48 =	vor.u32 v24, v26  }
0x400: {  	v50 =	vor.u32 v49, v44;
	v25 =	vadd.f32 v27, v25;
	v23 =	vmul.f32 v23, v22  }
0x401: {  	v27 =	vor.u32 v49, v45  }
0x402: {  	v23 =	vadd.f32 v23, v25  }
0x403: {  	v25 =	vor.u32 v49, v47  }
0x404: {  	[tilespmem:v48+s14+$0x0] =	vst.idx.msk $0xffff, v23  }
0x405: {  	v23 =	vld.idx.msk [tilespmem:v50+s23+$0x0], $0xffff  }
0x406: {  	v27 =	vld.idx.msk [tilespmem:v27+s23+$0x0], $0xffff;
	_ =	sdelay $0x1  }
0x407: {  	v25 =	vld.idx.msk [tilespmem:v25+s23+$0x0], $0xffff;
	_ =	sdelay $0x2  }
0x408: {  	v23 =	vmul.f32 v23, v20;
	v27 =	vmul.f32 v27, v21  }
0x409: {  	v52 =	vor.u32 $0x2, v24;
	v51 =	vor.u32 v49, v26  }
0x40a: {  	v53 =	vor.u32 v52, v44;
	v23 =	vadd.f32 v27, v23;
	v25 =	vmul.f32 v25, v22  }
0x40b: {  	v27 =	vor.u32 v52, v45  }
0x40c: {  	v23 =	vadd.f32 v25, v23  }
0x40d: {  	v25 =	vor.u32 v52, v47  }
0x40e: {  	[tilespmem:v51+s14+$0x0] =	vst.idx.msk $0xffff, v23  }
0x40f: {  	v23 =	vld.idx.msk [tilespmem:v53+s23+$0x0], $0xffff  }
0x410: {  	v27 =	vld.idx.msk [tilespmem:v27+s23+$0x0], $0xffff;
	_ =	sdelay $0x1  }
0x411: {  	v25 =	vld.idx.msk [tilespmem:v25+s23+$0x0], $0xffff;
	_ =	sdelay $0x2  }
0x412: {  	v23 =	vmul.f32 v23, v20;
	v27 =	vmul.f32 v27, v21  }
0x413: {  	v55 =	vor.u32 $0x3, v24;
	v54 =	vor.u32 v52, v26  }
0x414: {  	v56 =	vor.u32 v55, v44;
	v23 =	vadd.f32 v27, v23;
	v25 =	vmul.f32 v25, v22  }
0x415: {  	v27 =	vor.u32 v55, v45  }
0x416: {  	v23 =	vadd.f32 v25, v23  }
0x417: {  	v25 =	vor.u32 v55, v47  }
0x418: {  	[tilespmem:v54+s14+$0x0] =	vst.idx.msk $0xffff, v23  }
0x419: {  	v23 =	vld.idx.msk [tilespmem:v56+s23+$0x0], $0xffff  }
0x41a: {  	v27 =	vld.idx.msk [tilespmem:v27+s23+$0x0], $0xffff;
	_ =	sdelay $0x1  }
0x41b: {  	v25 =	vld.idx.msk [tilespmem:v25+s23+$0x0], $0xffff;
	_ =	sdelay $0x2  }
0x41c: {  	v23 =	vmul.f32 v23, v20;
	v27 =	vmul.f32 v27, v21  }
0x41d: {  	v57 =	vor.u32 $0x4, v24;
	v32 =	vor.u32 v55, v26  }
0x41e: {  	v58 =	vor.u32 v57, v44;
	v23 =	vadd.f32 v27, v23;
	v25 =	vmul.f32 v25, v22  }
0x41f: {  	v27 =	vor.u32 v57, v45  }
0x420: {  	v23 =	vadd.f32 v25, v23  }
0x421: {  	v25 =	vor.u32 v57, v47  }
0x422: {  	[tilespmem:v32+s14+$0x0] =	vst.idx.msk $0xffff, v23  }
0x423: {  	v23 =	vld.idx.msk [tilespmem:v58+s23+$0x0], $0xffff  }
0x424: {  	v27 =	vld.idx.msk [tilespmem:v27+s23+$0x0], $0xffff;
	_ =	sdelay $0x1  }
0x425: {  	v25 =	vld.idx.msk [tilespmem:v25+s23+$0x0], $0xffff;
	_ =	sdelay $0x2  }
0x426: {  	v23 =	vmul.f32 v23, v20;
	v27 =	vmul.f32 v27, v21  }
0x427: {  	v59 =	vor.u32 $0x5, v24;
	v30 =	vor.u32 v57, v26  }
0x428: {  	v60 =	vor.u32 v59, v44;
	v23 =	vadd.f32 v27, v23;
	v25 =	vmul.f32 v25, v22  }
0x429: {  	v27 =	vor.u32 v59, v45  }
0x42a: {  	v23 =	vadd.f32 v25, v23  }
0x42b: {  	v25 =	vor.u32 v59, v47  }
0x42c: {  	[tilespmem:v30+s14+$0x0] =	vst.idx.msk $0xffff, v23  }
0x42d: {  	v23 =	vld.idx.msk [tilespmem:v60+s23+$0x0], $0xffff  }
0x42e: {  	v27 =	vld.idx.msk [tilespmem:v27+s23+$0x0], $0xffff;
	_ =	sdelay $0x1  }
0x42f: {  	v25 =	vld.idx.msk [tilespmem:v25+s23+$0x0], $0xffff;
	_ =	sdelay $0x2  }
0x430: {  	v23 =	vmul.f32 v23, v20;
	v27 =	vmul.f32 v27, v21  }
0x431: {  	v61 =	vor.u32 $0x6, v24;
	v32 =	vor.u32 v59, v26  }
0x432: {  	v62 =	vor.u32 v61, v44;
	v23 =	vadd.f32 v27, v23;
	v25 =	vmul.f32 v25, v22  }
0x433: {  	v27 =	vor.u32 v61, v45  }
0x434: {  	v23 =	vadd.f32 v25, v23  }
0x435: {  	v25 =	vor.u32 v61, v47  }
0x436: {  	[tilespmem:v32+s14+$0x0] =	vst.idx.msk $0xffff, v23  }
0x437: {  	v23 =	vld.idx.msk [tilespmem:v62+s23+$0x0], $0xffff  }
0x438: {  	v27 =	vld.idx.msk [tilespmem:v27+s23+$0x0], $0xffff;
	_ =	sdelay $0x1  }
0x439: {  	v25 =	vld.idx.msk [tilespmem:v25+s23+$0x0], $0xffff;
	_ =	sdelay $0x2  }
0x43a: {  	v23 =	vmul.f32 v23, v20;
	v27 =	vmul.f32 v27, v21  }
0x43b: {  	v63 =	vor.u32 $0x7, v24;
	v24 =	vor.u32 v61, v26  }
0x43c: {  	v23 =	vadd.f32 v27, v23;
	v25 =	vmul.f32 v25, v22;
	_ =	sdelay $0x1  }
0x43d: {  	v28 =	vor.u32 v63, v44;
	v23 =	vadd.f32 v25, v23  }
0x43e: {  	v27 =	vor.u32 v63, v45  }
0x43f: {  	[tilespmem:v24+s14+$0x0] =	vst.idx.msk $0xffff, v23;
	v24 =	vor.u32 v63, v47;
	_ =	sdelay $0x2  }
0x440: {  	v25 =	vld.idx.msk [tilespmem:v28+s23+$0x0], $0xffff  }
0x441: {  	s18 =	simm.s32 $0x8;
	s19 =	simm.s32 $0x10;
	v23 =	vor.u32 v63, v26;
	v26 =	vld.idx.msk [tilespmem:v27+s23+$0x0], $0xffff  }
.LBB2_13:
0x442: {  	p0 =	sne.s32 s19, $0xF8;
	v27 =	vmov s18;
	v24 =	vld.idx.msk [tilespmem:v24+s23+$0x0], $0xffff;
	s18 =	smov.u32 s19;
	s19 =	sadd.s32 $0x8, s19  }
0x443: {  	v28 =	vshll.u32 v27, $0x3  }
0x444: {  	v27 =	vand.u32 $0x78, v27;
	v28 =	vand.u32 $0x400, v28  }
0x445: {  	v32 =	vor.u32 v16, v28;
	v33 =	vor.u32 v17, v28;
	v34 =	vor.u32 v18, v28  }
0x446: {  	v25 =	vmul.f32 v25, v20;
	v29 =	vor.u32 v27, v32;
	v30 =	vor.u32 v27, v33  }
0x447: {  	v35 =	vor.u32 v19, v28;
	v31 =	vor.u32 v27, v34;
	v26 =	vmul.f32 v26, v21  }
0x448: {  	v28 =	vor.u32 $0x1, v27;
	v36 =	vor.u32 v27, v35;
	v24 =	vmul.f32 v24, v22  }
0x449: {  	v37 =	vor.u32 v28, v32;
	v38 =	vor.u32 v28, v33;
	v25 =	vadd.f32 v26, v25  }
0x44a: {  	v39 =	vor.u32 v28, v34;
	v40 =	vor.u32 v28, v35;
	v26 =	vor.u32 $0x2, v27  }
0x44b: {  	v41 =	vor.u32 v26, v32;
	v42 =	vor.u32 v26, v33;
	v24 =	vadd.f32 v24, v25  }
0x44c: {  	v43 =	vor.u32 v26, v34;
	v44 =	vor.u32 v26, v35;
	v25 =	vor.u32 $0x3, v27  }
0x44d: {  	v26 =	vor.u32 $0x4, v27;
	v45 =	vor.u32 v25, v32;
	v46 =	vor.u32 v25, v33;
	[tilespmem:v23+s14+$0x0] =	vst.idx.msk $0xffff, v24  }
0x44e: {  	v49 =	vor.u32 v26, v32;
	v47 =	vor.u32 v25, v34;
	v48 =	vor.u32 v25, v35;
	v23 =	vld.idx.msk [tilespmem:v29+s23+$0x0], $0xffff  }
0x44f: {  	v51 =	vor.u32 v26, v33;
	v52 =	vor.u32 v26, v34;
	v53 =	vor.u32 v26, v35;
	v50 =	vld.idx.msk [tilespmem:v30+s23+$0x0], $0xffff  }
0x450: {  	v54 =	vor.u32 $0x7, v27;
	v25 =	vor.u32 $0x6, v27;
	v24 =	vor.u32 $0x5, v27  }
0x451: {  	v56 =	vor.u32 v24, v32;
	v57 =	vor.u32 v24, v33;
	v58 =	vor.u32 v24, v34;
	v55 =	vld.idx.msk [tilespmem:v31+s23+$0x0], $0xffff  }
0x452: {  	v28 =	vor.u32 v25, v33;
	v30 =	vor.u32 v25, v32;
	v31 =	vor.u32 v24, v35  }
0x453: {  	v26 =	vor.u32 v25, v35;
	v29 =	vor.u32 v25, v34;
	v25 =	vor.u32 v54, v32  }
0x454: {  	v27 =	vor.u32 v54, v33;
	v24 =	vor.u32 v54, v34;
	v32 =	vmul.f32 v23, v20  }
0x455: {  	v23 =	vor.u32 v54, v35;
	v33 =	vmul.f32 v50, v21;
	_ =	sdelay $0x1  }
0x456: {  	v32 =	vadd.f32 v33, v32;
	v33 =	vmul.f32 v55, v22;
	_ =	sdelay $0x1  }
0x457: {  	v32 =	vadd.f32 v33, v32;
	_ =	sdelay $0x1  }
0x458: {  	[tilespmem:v36+s14+$0x0] =	vst.idx.msk $0xffff, v32  }
0x459: {  	v32 =	vld.idx.msk [tilespmem:v37+s23+$0x0], $0xffff  }
0x45a: {  	v33 =	vld.idx.msk [tilespmem:v38+s23+$0x0], $0xffff;
	_ =	sdelay $0x1  }
0x45b: {  	v34 =	vld.idx.msk [tilespmem:v39+s23+$0x0], $0xffff;
	_ =	sdelay $0x3  }
0x45c: {  	v32 =	vmul.f32 v32, v20;
	v33 =	vmul.f32 v33, v21;
	_ =	sdelay $0x1  }
0x45d: {  	v32 =	vadd.f32 v33, v32;
	v33 =	vmul.f32 v34, v22;
	_ =	sdelay $0x1  }
0x45e: {  	v32 =	vadd.f32 v33, v32;
	_ =	sdelay $0x1  }
0x45f: {  	[tilespmem:v40+s14+$0x0] =	vst.idx.msk $0xffff, v32  }
0x460: {  	v32 =	vld.idx.msk [tilespmem:v41+s23+$0x0], $0xffff  }
0x461: {  	v33 =	vld.idx.msk [tilespmem:v42+s23+$0x0], $0xffff;
	_ =	sdelay $0x1  }
0x462: {  	v34 =	vld.idx.msk [tilespmem:v43+s23+$0x0], $0xffff;
	_ =	sdelay $0x2  }
0x463: {  	v32 =	vmul.f32 v32, v20  }
0x464: {  	v33 =	vmul.f32 v33, v21;
	_ =	sdelay $0x1  }
0x465: {  	v32 =	vadd.f32 v33, v32;
	v33 =	vmul.f32 v34, v22;
	_ =	sdelay $0x1  }
0x466: {  	v32 =	vadd.f32 v33, v32;
	_ =	sdelay $0x1  }
0x467: {  	[tilespmem:v44+s14+$0x0] =	vst.idx.msk $0xffff, v32  }
0x468: {  	v32 =	vld.idx.msk [tilespmem:v45+s23+$0x0], $0xffff  }
0x469: {  	v33 =	vld.idx.msk [tilespmem:v46+s23+$0x0], $0xffff  }
0x46a: {  	v34 =	vld.idx.msk [tilespmem:v47+s23+$0x0], $0xffff;
	_ =	sdelay $0x3  }
0x46b: {  	v32 =	vmul.f32 v32, v20  }
0x46c: {  	v33 =	vmul.f32 v33, v21;
	_ =	sdelay $0x1  }
0x46d: {  	v32 =	vadd.f32 v33, v32;
	v33 =	vmul.f32 v34, v22;
	_ =	sdelay $0x1  }
0x46e: {  	v32 =	vadd.f32 v33, v32;
	_ =	sdelay $0x1  }
0x46f: {  	[tilespmem:v48+s14+$0x0] =	vst.idx.msk $0xffff, v32  }
0x470: {  	v32 =	vld.idx.msk [tilespmem:v49+s23+$0x0], $0xffff  }
0x471: {  	v33 =	vld.idx.msk [tilespmem:v51+s23+$0x0], $0xffff;
	_ =	sdelay $0x1  }
0x472: {  	v34 =	vld.idx.msk [tilespmem:v52+s23+$0x0], $0xffff;
	_ =	sdelay $0x2  }
0x473: {  	v32 =	vmul.f32 v32, v20  }
0x474: {  	v33 =	vmul.f32 v33, v21;
	_ =	sdelay $0x1  }
0x475: {  	v32 =	vadd.f32 v33, v32;
	v33 =	vmul.f32 v34, v22;
	_ =	sdelay $0x1  }
0x476: {  	v32 =	vadd.f32 v33, v32;
	_ =	sdelay $0x1  }
0x477: {  	[tilespmem:v53+s14+$0x0] =	vst.idx.msk $0xffff, v32  }
0x478: {  	v32 =	vld.idx.msk [tilespmem:v56+s23+$0x0], $0xffff  }
0x479: {  	v33 =	vld.idx.msk [tilespmem:v57+s23+$0x0], $0xffff  }
0x47a: {  	v34 =	vld.idx.msk [tilespmem:v58+s23+$0x0], $0xffff;
	_ =	sdelay $0x4  }
0x47b: {  	v32 =	vmul.f32 v32, v20;
	v33 =	vmul.f32 v33, v21;
	_ =	sdelay $0x1  }
0x47c: {  	v32 =	vadd.f32 v33, v32;
	v33 =	vmul.f32 v34, v22;
	_ =	sdelay $0x1  }
0x47d: {  	v32 =	vadd.f32 v33, v32;
	_ =	sdelay $0x1  }
0x47e: {  	[tilespmem:v31+s14+$0x0] =	vst.idx.msk $0xffff, v32  }
0x47f: {  	v30 =	vld.idx.msk [tilespmem:v30+s23+$0x0], $0xffff  }
0x480: {  	v28 =	vld.idx.msk [tilespmem:v28+s23+$0x0], $0xffff  }
0x481: {  	v29 =	vld.idx.msk [tilespmem:v29+s23+$0x0], $0xffff;
	_ =	sdelay $0x3  }
0x482: {  	v30 =	vmul.f32 v30, v20  }
0x483: {  	v28 =	vmul.f32 v28, v21;
	_ =	sdelay $0x1  }
0x484: {  	v29 =	vmul.f32 v29, v22;
	v28 =	vadd.f32 v28, v30;
	_ =	sdelay $0x1  }
.Ltmp5:
0x485: {  	v28 =	vadd.f32 v29, v28;
	(pc) =	sbr.rel @p0 .LBB2_13-.Ltmp5, $4  }
0x486: {  	_ = 	snop  }
0x487: {  	[tilespmem:v26+s14+$0x0] =	vst.idx.msk $0xffff, v28  }
0x488: {  	v25 =	vld.idx.msk [tilespmem:v25+s23+$0x0], $0xffff  }
0x489: {  	v26 =	vld.idx.msk [tilespmem:v27+s23+$0x0], $0xffff  }
0x48a: {  	_ =	sdelay $0x3  }
0x48b: {  	v24 =	vld.idx.msk [tilespmem:v24+s23+$0x0], $0xffff  }
0x48c: {  	v27 =	vmov s18  }
0x48d: {  	v28 =	vshll.u32 v27, $0x3  }
0x48e: {  	v28 =	vand.u32 $0x400, v28;
	v25 =	vmul.f32 v25, v20;
	v26 =	vmul.f32 v26, v21  }
0x48f: {  	v27 =	vand.u32 $0x78, v27;
	v29 =	vor.u32 v16, v28;
	v30 =	vor.u32 v17, v28  }
0x490: {  	v31 =	vor.u32 v27, v29;
	v24 =	vmul.f32 v24, v22;
	v25 =	vadd.f32 v26, v25  }
0x491: {  	v60 =	vor.u32 v27, v30  }
0x492: {  	v32 =	vor.u32 v18, v28;
	v24 =	vadd.f32 v24, v25  }
0x493: {  	v61 =	vor.u32 v27, v32  }
0x494: {  	[tilespmem:v23+s14+$0x0] =	vst.idx.msk $0xffff, v24  }
0x495: {  	v23 =	vld.idx.msk [tilespmem:v31+s23+$0x0], $0xffff  }
0x496: {  	v24 =	vld.idx.msk [tilespmem:v60+s23+$0x0], $0xffff;
	_ =	sdelay $0x1  }
0x497: {  	v25 =	vld.idx.msk [tilespmem:v61+s23+$0x0], $0xffff;
	_ =	sdelay $0x2  }
0x498: {  	v62 =	vor.u32 v19, v28;
	v23 =	vmul.f32 v23, v20;
	v24 =	vmul.f32 v24, v21  }
0x499: {  	v63 =	vor.u32 $0x1, v27;
	v28 =	vor.u32 v27, v62  }
0x49a: {  	v33 =	vor.u32 v63, v29;
	v34 =	vmul.f32 v25, v22;
	v23 =	vadd.f32 v24, v23  }
0x49b: {  	v35 =	vor.u32 v63, v30  }
0x49c: {  	v23 =	vadd.f32 v34, v23  }
0x49d: {  	v36 =	vor.u32 v63, v32  }
0x49e: {  	[tilespmem:v28+s14+$0x0] =	vst.idx.msk $0xffff, v23  }
0x49f: {  	v23 =	vld.idx.msk [tilespmem:v33+s23+$0x0], $0xffff  }
0x4a0: {  	v25 =	vld.idx.msk [tilespmem:v35+s23+$0x0], $0xffff;
	_ =	sdelay $0x1  }
0x4a1: {  	v24 =	vld.idx.msk [tilespmem:v36+s23+$0x0], $0xffff;
	_ =	sdelay $0x2  }
0x4a2: {  	v23 =	vmul.f32 v23, v20;
	v25 =	vmul.f32 v25, v21  }
0x4a3: {  	v38 =	vor.u32 $0x2, v27;
	v37 =	vor.u32 v63, v62  }
0x4a4: {  	v39 =	vor.u32 v38, v29;
	v24 =	vmul.f32 v24, v22;
	v23 =	vadd.f32 v25, v23  }
0x4a5: {  	v40 =	vor.u32 v38, v30  }
0x4a6: {  	v23 =	vadd.f32 v24, v23  }
0x4a7: {  	v41 =	vor.u32 v38, v32  }
0x4a8: {  	[tilespmem:v37+s14+$0x0] =	vst.idx.msk $0xffff, v23  }
0x4a9: {  	v23 =	vld.idx.msk [tilespmem:v39+s23+$0x0], $0xffff  }
0x4aa: {  	v25 =	vld.idx.msk [tilespmem:v40+s23+$0x0], $0xffff;
	_ =	sdelay $0x1  }
0x4ab: {  	v24 =	vld.idx.msk [tilespmem:v41+s23+$0x0], $0xffff;
	_ =	sdelay $0x2  }
0x4ac: {  	v23 =	vmul.f32 v23, v20;
	v25 =	vmul.f32 v25, v21  }
0x4ad: {  	v43 =	vor.u32 $0x3, v27;
	v42 =	vor.u32 v38, v62  }
0x4ae: {  	v44 =	vor.u32 v43, v29;
	v24 =	vmul.f32 v24, v22;
	v23 =	vadd.f32 v25, v23  }
0x4af: {  	v45 =	vor.u32 v43, v30  }
0x4b0: {  	v23 =	vadd.f32 v24, v23  }
0x4b1: {  	v46 =	vor.u32 v43, v32  }
0x4b2: {  	[tilespmem:v42+s14+$0x0] =	vst.idx.msk $0xffff, v23  }
0x4b3: {  	v23 =	vld.idx.msk [tilespmem:v44+s23+$0x0], $0xffff  }
0x4b4: {  	v25 =	vld.idx.msk [tilespmem:v45+s23+$0x0], $0xffff;
	_ =	sdelay $0x1  }
0x4b5: {  	v24 =	vld.idx.msk [tilespmem:v46+s23+$0x0], $0xffff;
	_ =	sdelay $0x2  }
0x4b6: {  	v23 =	vmul.f32 v23, v20;
	v25 =	vmul.f32 v25, v21  }
0x4b7: {  	v47 =	vor.u32 $0x4, v27;
	v31 =	vor.u32 v43, v62  }
0x4b8: {  	v48 =	vor.u32 v47, v29;
	v24 =	vmul.f32 v24, v22;
	v23 =	vadd.f32 v25, v23  }
0x4b9: {  	v49 =	vor.u32 v47, v30  }
0x4ba: {  	v23 =	vadd.f32 v24, v23  }
0x4bb: {  	v50 =	vor.u32 v47, v32  }
0x4bc: {  	[tilespmem:v31+s14+$0x0] =	vst.idx.msk $0xffff, v23  }
0x4bd: {  	v23 =	vld.idx.msk [tilespmem:v48+s23+$0x0], $0xffff  }
0x4be: {  	v25 =	vld.idx.msk [tilespmem:v49+s23+$0x0], $0xffff;
	_ =	sdelay $0x1  }
0x4bf: {  	v24 =	vld.idx.msk [tilespmem:v50+s23+$0x0], $0xffff;
	_ =	sdelay $0x2  }
0x4c0: {  	v23 =	vmul.f32 v23, v20;
	v25 =	vmul.f32 v25, v21  }
0x4c1: {  	v51 =	vor.u32 $0x5, v27;
	v28 =	vor.u32 v47, v62  }
0x4c2: {  	v52 =	vor.u32 v51, v29;
	v24 =	vmul.f32 v24, v22;
	v23 =	vadd.f32 v25, v23  }
0x4c3: {  	v53 =	vor.u32 v51, v30  }
0x4c4: {  	v23 =	vadd.f32 v24, v23  }
0x4c5: {  	v54 =	vor.u32 v51, v32  }
0x4c6: {  	[tilespmem:v28+s14+$0x0] =	vst.idx.msk $0xffff, v23  }
0x4c7: {  	v23 =	vld.idx.msk [tilespmem:v52+s23+$0x0], $0xffff  }
0x4c8: {  	v25 =	vld.idx.msk [tilespmem:v53+s23+$0x0], $0xffff;
	_ =	sdelay $0x1  }
0x4c9: {  	v24 =	vld.idx.msk [tilespmem:v54+s23+$0x0], $0xffff;
	_ =	sdelay $0x2  }
0x4ca: {  	v23 =	vmul.f32 v23, v20;
	v25 =	vmul.f32 v25, v21  }
0x4cb: {  	v55 =	vor.u32 $0x6, v27;
	v31 =	vor.u32 v51, v62  }
0x4cc: {  	v56 =	vor.u32 v55, v29;
	v24 =	vmul.f32 v24, v22;
	v23 =	vadd.f32 v25, v23  }
0x4cd: {  	v57 =	vor.u32 v55, v30  }
0x4ce: {  	v23 =	vadd.f32 v24, v23  }
0x4cf: {  	v58 =	vor.u32 v55, v32  }
0x4d0: {  	[tilespmem:v31+s14+$0x0] =	vst.idx.msk $0xffff, v23  }
0x4d1: {  	v23 =	vld.idx.msk [tilespmem:v56+s23+$0x0], $0xffff  }
0x4d2: {  	v25 =	vld.idx.msk [tilespmem:v57+s23+$0x0], $0xffff;
	_ =	sdelay $0x1  }
0x4d3: {  	v24 =	vld.idx.msk [tilespmem:v58+s23+$0x0], $0xffff;
	_ =	sdelay $0x2  }
0x4d4: {  	v23 =	vmul.f32 v23, v20;
	v25 =	vmul.f32 v25, v21  }
0x4d5: {  	v27 =	vor.u32 $0x7, v27;
	v28 =	vor.u32 v55, v62  }
0x4d6: {  	v29 =	vor.u32 v27, v29;
	v24 =	vmul.f32 v24, v22;
	v23 =	vadd.f32 v25, v23  }
0x4d7: {  	v59 =	vor.u32 v27, v30  }
0x4d8: {  	v23 =	vadd.f32 v24, v23  }
0x4d9: {  	v60 =	vor.u32 v27, v32  }
0x4da: {  	[tilespmem:v28+s14+$0x0] =	vst.idx.msk $0xffff, v23  }
0x4db: {  	v23 =	vld.idx.msk [tilespmem:v29+s23+$0x0], $0xffff  }
0x4dc: {  	v25 =	vld.idx.msk [tilespmem:v59+s23+$0x0], $0xffff;
	_ =	sdelay $0x1  }
0x4dd: {  	v24 =	vld.idx.msk [tilespmem:v60+s23+$0x0], $0xffff;
	_ =	sdelay $0x2  }
0x4de: {  	v20 =	vmul.f32 v23, v20;
	v61 =	vmul.f32 v25, v21  }
0x4df: {  	v62 =	vor.u32 v27, v62  }
0x4e0: {  	v63 =	vmul.f32 v24, v22;
	v20 =	vadd.f32 v61, v20;
	_ =	sdelay $0x1  }
0x4e1: {  	s16 =	sadd.s32 $0x1, s16;
	v20 =	vadd.f32 v63, v20  }
0x4e2: {  	s17 =	sshll.u32 s17, $0xA;
	p0 =	sne.s32 s16, $0x8  }
.Ltmp6:
0x4e3: {  	s17 =	sadd.s32 s17, s6;
	[tilespmem:v62+s14+$0x0] =	vst.idx.msk $0xffff, v20;
	(pc) =	sbr.rel @p0 .LBB2_4-.Ltmp6, $4  }
0x4e4: {  	[hbm4b:s17+s1] =	stream.linear.scatter [tilespmem:s14], [sflag:$0x3], $0x2000, $0x38;
	[tilespmem:$0x11600] =	vst v63  }
0x4e5: {  	_ =	swait.ge [sflag:s8], $0x2000  }
0x4e6: {  	[sflag:s8] =	ssyncset.done $0x0  }
0x4e7: {  	[sflag:s8] =	ssyncadd.s32 $0xFFFFE000  }
0x4e8: {  	s16 =	rddreg [dreg:$0x5]  }
0x4e9: {  	s15 =	rddreg [dreg:$0x4];
	s16 =	sadd.s32 $0x1, s16  }
0x4ea: {  	p0 =	sne.s32 s16, s15  }
.Ltmp7:
0x4eb: {  	_ = 	snop;
	(pc) =	sbr.rel @p0 .LBB2_1-.Ltmp7, $1  }
0x4ec: {  	_ =	sdelay $0x3  }
0x4ed: {  	_ =	sfence.sel $0x180000  }
0x4ee: {  	[bflag:$0x0] =	sbarrier.arrive $0xFFFF  }
0x4ef: {  	_ =	strace $0x9000004A  }
0x4f0: {  	s0 =	stileid.u32;
	[bflag:$0x2] =	sbarrier.arrive $0xFFFF  }
0x4f1: {  	p0 =	sne.s32 s0, $0x0;
	s0 =	rddreg [dreg:$0x1]  }
0x4f2: {  	s0 =	sadd.s32 @!p0 $0x100000, s0  }
0x4f3: {  	[sflag:s0] =	ssyncadd.tile.s32 @!p0 $0x1;
	_ =	shalt  }
.Lfunc_end2:
_tile_overlayer_lowered:
.L_overlay_start_2:
0x4f4: {  	(tag) =	ssettag $0x2  }
0x4f5: {  	s0 =	rddreg [dreg:$0x0];
	s2 =	stileid.u32  }
0x4f6: {  	s1 =	rddreg [dreg:$0x1];
	p0 =	sne.s32 s2, $0x0  }
0x4f7: {  	s3 =	rddreg [dreg:$0x2];
	[bflag:$0x3] =	sbarrier.arrive $0xFFFF;
	s2 =	simm.s32 @!p0 $0x1C03  }
0x4f8: {  	[timem:s3], [sflag:s2] =	dma.local @!p0 [hbm:s0], s1  }
0x4f9: {  	s0 =	simm.s32 @!p0 $0x3  }
0x4fa: {  	_ =	swait.ge @!p0 [sflag:s0], s1  }
0x4fb: {  	s1 =	ssub.s32 @!p0 $0x0, s1;
	[sflag:s0] =	ssyncset.done @!p0 $0x0  }
0x4fc: {  	[sflag:s0] =	ssyncadd.s32 @!p0 s1  }
0x4fd: {  	[bflag:$0x3] =	sbarrier.arrive $0xFFFF  }
0x4fe: {  	_ =	shalt  }

</sc_bundles>
